<compile_context>
chip_gen: v7x
topology: tpu7x:2x2x1
jax: 0.10.2.dev20260603
libtpu: 0.0.44.dev20260713+nightly
codegen_flags: <defaults>
</compile_context>

<pallas_src>
import functools

import jax
import jax.numpy as jnp
from jax import lax
from jax.experimental import pallas as pl
from jax.experimental.pallas import tpu as pltpu
from jax.experimental.pallas import tpu_sc as plsc

_NEG = -1000000000.0
_BIG = 1 << 24
_K = 20
_KPAD = 32
_CH_PER_STEP = 4
_H = 512
_W = 512
_NC = 2
_NS = 16
_CH_PER_TILE = 4
_L = 16


def _tc_stage1(x_ref, masked_ref, rowmax_ref, rowpack_ref):
    x = x_ref[0]
    ninf = float("-inf")
    ch, h, w = x.shape

    pad_c = jnp.full((ch, h, 1), ninf, jnp.float32)
    hmax = jnp.maximum(
        x,
        jnp.maximum(
            jnp.concatenate([x[:, :, 1:], pad_c], axis=2),
            jnp.concatenate([pad_c, x[:, :, : w - 1]], axis=2),
        ),
    )
    pad_r = jnp.full((ch, 1, w), ninf, jnp.float32)
    pooled = jnp.maximum(
        hmax,
        jnp.maximum(
            jnp.concatenate([hmax[:, 1:, :], pad_r], axis=1),
            jnp.concatenate([pad_r, hmax[:, : h - 1, :]], axis=1),
        ),
    )

    is_peak = (x == pooled) & (x > 0)
    masked = jnp.where(is_peak, x, _NEG)
    masked_ref[0] = masked

    ciota3 = lax.broadcasted_iota(jnp.int32, (ch, h, w), 2)
    rowmax = jnp.max(masked, axis=2)
    rowarg = jnp.min(
        jnp.where(masked == rowmax[:, :, None], ciota3, _BIG), axis=2
    )
    riota = lax.broadcasted_iota(jnp.int32, (ch, h), 1)
    rowmax_ref[0] = rowmax
    rowpack_ref[0] = riota * w + rowarg


def _sc_stage2(
    masked2_hbm,
    rowmax_hbm,
    rowpack_hbm,
    vals_hbm,
    xs_hbm,
    ys_hbm,
    rm0,
    rm1,
    rm2,
    rm3,
    rp0,
    rp1,
    rp2,
    rp3,
    rv0,
    rv1,
    rv2,
    rv3,
    ob,
    sem0,
    sem1,
    sem2,
    sem3,
):
    rms = (rm0, rm1, rm2, rm3)
    rps = (rp0, rp1, rp2, rp3)
    rvs = (rv0, rv1, rv2, rv3)
    sems = (sem0, sem1, sem2, sem3)
    lane_i = lax.broadcasted_iota(jnp.int32, (_L,), 0)

    def _perm(vec, idx):
        return vec.at[idx].get(mode="promise_in_bounds")

    def _max_scalar(vec):
        for s in (1, 2, 4, 8):
            vec = jnp.maximum(vec, _perm(vec, lane_i ^ s))
        return vec[0]

    def _min_scalar_i32(vec):
        for s in (1, 2, 4, 8):
            vec = jnp.minimum(vec, _perm(vec, lane_i ^ s))
        return vec[0]
    h, w, L = _H, _W, _L
    nvec_h = h // L
    nvec_w = w // L
    lane = lax.broadcasted_iota(jnp.int32, (L,), 0)
    ninf_v = jnp.full((L,), float("-inf"), jnp.float32)
    big_v = jnp.full((L,), _BIG, jnp.int32)

    cid = lax.axis_index("c")
    sid = lax.axis_index("s")
    wid = sid * _NC + cid
    ch_per_tile = _CH_PER_TILE

    chans = [wid * ch_per_tile + j for j in range(ch_per_tile)]
    for j in range(ch_per_tile):
        pltpu.sync_copy(rowmax_hbm.at[chans[j]], rms[j])
        pltpu.sync_copy(rowpack_hbm.at[chans[j]], rps[j])

    def iter_body(i, carry):
        carry = list(carry)

        found = []
        for j in range(ch_per_tile):
            rm, rp = rms[j], rps[j]

            def _mx(t, a, rm=rm):
                for k in range(4):
                    a = jnp.maximum(a, rm[pl.ds((t * 4 + k) * L, L)])
                return a

            acc = lax.fori_loop(0, nvec_h // 4, _mx, ninf_v)
            g = _max_scalar(acc)

            def _fx(t, a, rm=rm, rp=rp, g=g):
                for k in range(4):
                    tt = t * 4 + k
                    m = rm[pl.ds(tt * L, L)] == g
                    a = jnp.minimum(a, jnp.where(m, rp[pl.ds(tt * L, L)], _BIG))
                return a

            fac = lax.fori_loop(0, nvec_h // 4, _fx, big_v)
            fidx = _min_scalar_i32(fac)
            rstar = lax.div(fidx, w)
            cstar = lax.rem(fidx, w)
            pltpu.make_async_copy(
                masked2_hbm.at[chans[j] * h + rstar], rvs[j], sems[j]
            ).start()
            found.append((g, rstar, cstar))

        for j in range(ch_per_tile):
            g, rstar, cstar = found[j]
            rm, rp, rowv = rms[j], rps[j], rvs[j]
            pltpu.make_async_copy(
                masked2_hbm.at[chans[j] * h + rstar], rowv, sems[j]
            ).wait()

            def _nm(t, a, rowv=rowv, g=g, cstar=cstar):
                for k in range(4):
                    tt = t * 4 + k
                    v = rowv[pl.ds(tt * L, L)]
                    cio = lane + tt * L
                    elig = (v < g) | ((v == g) & (cio > cstar))
                    a = jnp.maximum(a, jnp.where(elig, v, float("-inf")))
                return a

            nacc = lax.fori_loop(0, nvec_w // 4, _nm, ninf_v)
            newmax = _max_scalar(nacc)

            def _na(t, a, rowv=rowv, g=g, cstar=cstar, newmax=newmax):
                for k in range(4):
                    tt = t * 4 + k
                    v = rowv[pl.ds(tt * L, L)]
                    cio = lane + tt * L
                    elig = (v < g) | ((v == g) & (cio > cstar))
                    m2 = elig & (v == newmax)
                    a = jnp.minimum(a, jnp.where(m2, cio, _BIG))
                return a

            aacc = lax.fori_loop(0, nvec_w // 4, _na, big_v)
            newarg = _min_scalar_i32(aacc)

            base = lax.mul(lax.div(rstar, L), L)
            off = lax.rem(rstar, L)
            sel = lane == off
            rm[pl.ds(base, L)] = jnp.where(sel, newmax, rm[pl.ds(base, L)])
            rp[pl.ds(base, L)] = jnp.where(
                sel, rstar * w + newarg, rp[pl.ds(base, L)]
            )

            gf = g
            cf = cstar.astype(jnp.float32)
            rf = rstar.astype(jnp.float32)
            c0 = 6 * j
            carry[c0 + 0] = jnp.where(lane == i, gf, carry[c0 + 0])
            carry[c0 + 1] = jnp.where(lane == i - L, gf, carry[c0 + 1])
            carry[c0 + 2] = jnp.where(lane == i, cf, carry[c0 + 2])
            carry[c0 + 3] = jnp.where(lane == i - L, cf, carry[c0 + 3])
            carry[c0 + 4] = jnp.where(lane == i, rf, carry[c0 + 4])
            carry[c0 + 5] = jnp.where(lane == i - L, rf, carry[c0 + 5])
        return tuple(carry)

    zf = jnp.zeros((L,), jnp.float32)
    res = lax.fori_loop(
        0, _K, iter_body, tuple(zf for _ in range(6 * ch_per_tile))
    )

    for j in range(ch_per_tile):
        v0, v1, x0, x1, y0, y1 = res[6 * j : 6 * j + 6]
        ob[pl.ds(0, L)] = v0
        ob[pl.ds(L, L)] = v1
        pltpu.sync_copy(ob, vals_hbm.at[chans[j]])
        ob[pl.ds(0, L)] = x0
        ob[pl.ds(L, L)] = x1
        pltpu.sync_copy(ob, xs_hbm.at[chans[j]])
        ob[pl.ds(0, L)] = y0
        ob[pl.ds(L, L)] = y1
        pltpu.sync_copy(ob, ys_hbm.at[chans[j]])


def kernel(confmaps, k):
    b, n, h, w = confmaps.shape
    bc = b * n
    steps = bc // _CH_PER_STEP
    xin = confmaps.reshape(steps, _CH_PER_STEP, h, w)

    masked, rowmax, rowpack = pl.pallas_call(
        _tc_stage1,
        grid=(steps,),
        in_specs=[pl.BlockSpec((1, _CH_PER_STEP, h, w), lambda i: (i, 0, 0, 0))],
        out_specs=[
            pl.BlockSpec((1, _CH_PER_STEP, h, w), lambda i: (i, 0, 0, 0)),
            pl.BlockSpec((1, _CH_PER_STEP, h), lambda i: (i, 0, 0)),
            pl.BlockSpec((1, _CH_PER_STEP, h), lambda i: (i, 0, 0)),
        ],
        out_shape=[
            jax.ShapeDtypeStruct((steps, _CH_PER_STEP, h, w), jnp.float32),
            jax.ShapeDtypeStruct((steps, _CH_PER_STEP, h), jnp.float32),
            jax.ShapeDtypeStruct((steps, _CH_PER_STEP, h), jnp.int32),
        ],
        compiler_params=pltpu.CompilerParams(
            dimension_semantics=("arbitrary",),
        ),
    )(xin)

    masked2 = masked.reshape(bc * h, w)
    rowmax2 = rowmax.reshape(bc, h)
    rowpack2 = rowpack.reshape(bc, h)

    mesh = plsc.VectorSubcoreMesh(core_axis_name="c", subcore_axis_name="s")
    out_t = jax.ShapeDtypeStruct((bc, _KPAD), jnp.float32)
    sc_fn = functools.partial(
        pl.kernel,
        mesh=mesh,
        out_type=[out_t, out_t, out_t],
        scratch_types=(
            [pltpu.VMEM((h,), jnp.float32) for _ in range(_CH_PER_TILE)]
            + [pltpu.VMEM((h,), jnp.int32) for _ in range(_CH_PER_TILE)]
            + [pltpu.VMEM((w,), jnp.float32) for _ in range(_CH_PER_TILE)]
            + [pltpu.VMEM((_KPAD,), jnp.float32)]
            + [pltpu.SemaphoreType.DMA for _ in range(_CH_PER_TILE)]
        ),
    )(_sc_stage2)
    vals, xs, ys = sc_fn(masked2, rowmax2, rowpack2)

    values = vals[:, :_K].reshape(b, n, _K)
    xcoord = xs[:, :_K].reshape(b, n, _K)
    ycoord = ys[:, :_K].reshape(b, n, _K)
    peaks = jnp.stack([xcoord, ycoord], axis=-1)
    valid = (values > 0) & (jnp.arange(_K) < k)
    return (peaks, values, valid)

# --- scband reference (transcript-rebuilt; emitter-appended) ---
"""Pipeline reference for scband-base-export-wrapper-7816840478896 (READ-ONLY COPY).

The authoritative reference and input builder live on the scoring server;
editing this copy changes nothing except your own understanding.
"""

import jax, jax.numpy as jnp
import numpy as np


def setup_inputs(seed: int = 0) -> dict:
    key = jax.random.key(seed)
    confmaps = jax.random.uniform(key, (4, 32, 512, 512), dtype=jnp.float32)
    return {"confmaps": confmaps, "k": 20}


def reference(confmaps, k):
    # Faithful port of BaseExportWrapper._find_topk_peaks_per_node:
    # NMS via 3x3 max pooling (stride 1, SAME padding), then per-channel top-k.
    batch_size, n_nodes, height, width = confmaps.shape
    pooled = jax.lax.reduce_window(
        confmaps,
        -jnp.inf,
        jax.lax.max,
        window_dimensions=(1, 1, 3, 3),
        window_strides=(1, 1, 1, 1),
        padding="SAME",
    )
    is_peak = (confmaps == pooled) & (confmaps > 0)
    confmaps_flat = confmaps.reshape(batch_size, n_nodes, height * width)
    is_peak_flat = is_peak.reshape(batch_size, n_nodes, height * width)
    masked = jnp.where(is_peak_flat, confmaps_flat, jnp.full_like(confmaps_flat, -1000000000.0))
    k_static = 20
    values, indices = jax.lax.top_k(masked, k_static)
    y = indices // width
    x = indices % width
    peaks = jnp.stack([x.astype(jnp.float32), y.astype(jnp.float32)], axis=-1)
    valid = (values > 0) & (jnp.arange(k_static) < k)
    return (peaks, values, valid)

if __name__ == "__main__":
    import jax
    _d = setup_inputs()
    print(jax.jit(kernel)(*tuple(_d.values())))

</pallas_src>

<mosaic_0001>
#map = affine_map<(d0, d1) -> (0, 0)>
module attributes {stable_mosaic.version = 14 : i64} {
  func.func @_sc_stage2(%arg0: i32, %arg1: i32, %arg2: memref<65536x512xf32, #tpu.memory_space<hbm>>, %arg3: memref<128x512xf32, #tpu.memory_space<hbm>>, %arg4: memref<128x512xi32, #tpu.memory_space<hbm>>, %arg5: memref<128x32xf32, #tpu.memory_space<hbm>>, %arg6: memref<128x32xf32, #tpu.memory_space<hbm>>, %arg7: memref<128x32xf32, #tpu.memory_space<hbm>>, %arg8: memref<512xf32, #tpu.memory_space<vmem>>, %arg9: memref<512xf32, #tpu.memory_space<vmem>>, %arg10: memref<512xf32, #tpu.memory_space<vmem>>, %arg11: memref<512xf32, #tpu.memory_space<vmem>>, %arg12: memref<512xi32, #tpu.memory_space<vmem>>, %arg13: memref<512xi32, #tpu.memory_space<vmem>>, %arg14: memref<512xi32, #tpu.memory_space<vmem>>, %arg15: memref<512xi32, #tpu.memory_space<vmem>>, %arg16: memref<512xf32, #tpu.memory_space<vmem>>, %arg17: memref<512xf32, #tpu.memory_space<vmem>>, %arg18: memref<512xf32, #tpu.memory_space<vmem>>, %arg19: memref<512xf32, #tpu.memory_space<vmem>>, %arg20: memref<32xf32, #tpu.memory_space<vmem>>, %arg21: memref<!tpu.dma_semaphore, #tpu.memory_space<semaphore_mem>>, %arg22: memref<!tpu.dma_semaphore, #tpu.memory_space<semaphore_mem>>, %arg23: memref<!tpu.dma_semaphore, #tpu.memory_space<semaphore_mem>>, %arg24: memref<!tpu.dma_semaphore, #tpu.memory_space<semaphore_mem>>) attributes {dimension_semantics = [#tpu.dimension_semantics<core_parallel>, #tpu.dimension_semantics<subcore_parallel>], iteration_bounds = array<i64: 2, 16>, scalar_prefetch = 0 : i64, scratch_operands = 17 : i64, tpu.core_type = #tpu.core_type<sc_vector_subcore>, window_params = [{transform_indices = #map}, {transform_indices = #map}, {transform_indices = #map}, {transform_indices = #map}, {transform_indices = #map}, {transform_indices = #map}]} {
    %iota3A = tpu.iota {dimensions = array<i32: 0>} : vector<16xi32>
    %iota3A_0 = tpu.iota {dimensions = array<i32: 0>} : vector<16xi32>
    %broadcast_in_dim3A = arith.constant 0xFF800000 : f32
    %broadcast_in_dim3A_1 = vector.broadcast %broadcast_in_dim3A : f32 to vector<16xf32>
    %broadcast_in_dim3A_2 = arith.constant 16777216 : i32
    %broadcast_in_dim3A_3 = vector.broadcast %broadcast_in_dim3A_2 : i32 to vector<16xi32>
    %mul3A = arith.constant 2 : i32
    %mul3A_4 = arith.muli %arg1, %mul3A : i32
    %add3A = arith.addi %mul3A_4, %arg0 : i32
    %mul3A_5 = arith.constant 4 : i32
    %mul3A_6 = arith.muli %add3A, %mul3A_5 : i32
    %add3A_7 = arith.constant 0 : i32
    %add3A_8 = arith.addi %mul3A_6, %add3A_7 : i32
    %mul3A_9 = arith.constant 4 : i32
    %mul3A_10 = arith.muli %add3A, %mul3A_9 : i32
    %add3A_11 = arith.constant 1 : i32
    %add3A_12 = arith.addi %mul3A_10, %add3A_11 : i32
    %mul3A_13 = arith.constant 4 : i32
    %mul3A_14 = arith.muli %add3A, %mul3A_13 : i32
    %add3A_15 = arith.constant 2 : i32
    %add3A_16 = arith.addi %mul3A_14, %add3A_15 : i32
    %mul3A_17 = arith.constant 4 : i32
    %mul3A_18 = arith.muli %add3A, %mul3A_17 : i32
    %add3A_19 = arith.constant 3 : i32
    %add3A_20 = arith.addi %mul3A_18, %add3A_19 : i32
    "tpu.region"() ({
      %run_scoped3A = tpu.sem_alloc : memref<!tpu.dma_semaphore, #tpu.memory_space<semaphore_mem>>
      %dma_start3A = arith.constant 0 : i32
      %dma_start3A_123 = tpu.memref_slice %arg3[%add3A_8, %dma_start3A] : memref<128x512xf32, #tpu.memory_space<hbm>> -> memref<1x512xf32, #tpu.memory_space<hbm>>
      %dma_start3A_124 = tpu.memref_squeeze %dma_start3A_123 : memref<1x512xf32, #tpu.memory_space<hbm>> -> memref<512xf32, #tpu.memory_space<hbm>>
      %dma_start3A_125 = arith.constant 0 : i32
      %dma_start3A_126 = tpu.memref_slice %arg3[%add3A_8, %dma_start3A_125] : memref<128x512xf32, #tpu.memory_space<hbm>> -> memref<1x512xf32, #tpu.memory_space<hbm>>
      %dma_start3A_127 = tpu.memref_squeeze %dma_start3A_126 : memref<1x512xf32, #tpu.memory_space<hbm>> -> memref<512xf32, #tpu.memory_space<hbm>>
      tpu.enqueue_dma source(%dma_start3A_127 : memref<512xf32, #tpu.memory_space<hbm>>) target(%arg8 : memref<512xf32, #tpu.memory_space<vmem>>) target_semaphore(%run_scoped3A : memref<!tpu.dma_semaphore, #tpu.memory_space<semaphore_mem>>)
      %dma_wait3A = arith.constant 0 : i32
      %dma_wait3A_128 = tpu.memref_slice %arg3[%add3A_8, %dma_wait3A] : memref<128x512xf32, #tpu.memory_space<hbm>> -> memref<1x512xf32, #tpu.memory_space<hbm>>
      %dma_wait3A_129 = tpu.memref_squeeze %dma_wait3A_128 : memref<1x512xf32, #tpu.memory_space<hbm>> -> memref<512xf32, #tpu.memory_space<hbm>>
      %dma_wait3A_130 = arith.constant 0 : i32
      %dma_wait3A_131 = tpu.memref_slice %arg3[%add3A_8, %dma_wait3A_130] : memref<128x512xf32, #tpu.memory_space<hbm>> -> memref<1x512xf32, #tpu.memory_space<hbm>>
      %dma_wait3A_132 = tpu.memref_squeeze %dma_wait3A_131 : memref<1x512xf32, #tpu.memory_space<hbm>> -> memref<512xf32, #tpu.memory_space<hbm>>
      tpu.wait_dma2 semaphore(%run_scoped3A : memref<!tpu.dma_semaphore, #tpu.memory_space<semaphore_mem>>) src(%dma_wait3A_132 : memref<512xf32, #tpu.memory_space<hbm>>) dst(%arg8 : memref<512xf32, #tpu.memory_space<vmem>>)
      tpu.yield
    }) : () -> ()
    "tpu.region"() ({
      %run_scoped3A = tpu.sem_alloc : memref<!tpu.dma_semaphore, #tpu.memory_space<semaphore_mem>>
      %dma_start3A = arith.constant 0 : i32
      %dma_start3A_123 = tpu.memref_slice %arg4[%add3A_8, %dma_start3A] : memref<128x512xi32, #tpu.memory_space<hbm>> -> memref<1x512xi32, #tpu.memory_space<hbm>>
      %dma_start3A_124 = tpu.memref_squeeze %dma_start3A_123 : memref<1x512xi32, #tpu.memory_space<hbm>> -> memref<512xi32, #tpu.memory_space<hbm>>
      %dma_start3A_125 = arith.constant 0 : i32
      %dma_start3A_126 = tpu.memref_slice %arg4[%add3A_8, %dma_start3A_125] : memref<128x512xi32, #tpu.memory_space<hbm>> -> memref<1x512xi32, #tpu.memory_space<hbm>>
      %dma_start3A_127 = tpu.memref_squeeze %dma_start3A_126 : memref<1x512xi32, #tpu.memory_space<hbm>> -> memref<512xi32, #tpu.memory_space<hbm>>
      tpu.enqueue_dma source(%dma_start3A_127 : memref<512xi32, #tpu.memory_space<hbm>>) target(%arg12 : memref<512xi32, #tpu.memory_space<vmem>>) target_semaphore(%run_scoped3A : memref<!tpu.dma_semaphore, #tpu.memory_space<semaphore_mem>>)
      %dma_wait3A = arith.constant 0 : i32
      %dma_wait3A_128 = tpu.memref_slice %arg4[%add3A_8, %dma_wait3A] : memref<128x512xi32, #tpu.memory_space<hbm>> -> memref<1x512xi32, #tpu.memory_space<hbm>>
      %dma_wait3A_129 = tpu.memref_squeeze %dma_wait3A_128 : memref<1x512xi32, #tpu.memory_space<hbm>> -> memref<512xi32, #tpu.memory_space<hbm>>
      %dma_wait3A_130 = arith.constant 0 : i32
      %dma_wait3A_131 = tpu.memref_slice %arg4[%add3A_8, %dma_wait3A_130] : memref<128x512xi32, #tpu.memory_space<hbm>> -> memref<1x512xi32, #tpu.memory_space<hbm>>
      %dma_wait3A_132 = tpu.memref_squeeze %dma_wait3A_131 : memref<1x512xi32, #tpu.memory_space<hbm>> -> memref<512xi32, #tpu.memory_space<hbm>>
      tpu.wait_dma2 semaphore(%run_scoped3A : memref<!tpu.dma_semaphore, #tpu.memory_space<semaphore_mem>>) src(%dma_wait3A_132 : memref<512xi32, #tpu.memory_space<hbm>>) dst(%arg12 : memref<512xi32, #tpu.memory_space<vmem>>)
      tpu.yield
    }) : () -> ()
    "tpu.region"() ({
      %run_scoped3A = tpu.sem_alloc : memref<!tpu.dma_semaphore, #tpu.memory_space<semaphore_mem>>
      %dma_start3A = arith.constant 0 : i32
      %dma_start3A_123 = tpu.memref_slice %arg3[%add3A_12, %dma_start3A] : memref<128x512xf32, #tpu.memory_space<hbm>> -> memref<1x512xf32, #tpu.memory_space<hbm>>
      %dma_start3A_124 = tpu.memref_squeeze %dma_start3A_123 : memref<1x512xf32, #tpu.memory_space<hbm>> -> memref<512xf32, #tpu.memory_space<hbm>>
      %dma_start3A_125 = arith.constant 0 : i32
      %dma_start3A_126 = tpu.memref_slice %arg3[%add3A_12, %dma_start3A_125] : memref<128x512xf32, #tpu.memory_space<hbm>> -> memref<1x512xf32, #tpu.memory_space<hbm>>
      %dma_start3A_127 = tpu.memref_squeeze %dma_start3A_126 : memref<1x512xf32, #tpu.memory_space<hbm>> -> memref<512xf32, #tpu.memory_space<hbm>>
      tpu.enqueue_dma source(%dma_start3A_127 : memref<512xf32, #tpu.memory_space<hbm>>) target(%arg9 : memref<512xf32, #tpu.memory_space<vmem>>) target_semaphore(%run_scoped3A : memref<!tpu.dma_semaphore, #tpu.memory_space<semaphore_mem>>)
      %dma_wait3A = arith.constant 0 : i32
      %dma_wait3A_128 = tpu.memref_slice %arg3[%add3A_12, %dma_wait3A] : memref<128x512xf32, #tpu.memory_space<hbm>> -> memref<1x512xf32, #tpu.memory_space<hbm>>
      %dma_wait3A_129 = tpu.memref_squeeze %dma_wait3A_128 : memref<1x512xf32, #tpu.memory_space<hbm>> -> memref<512xf32, #tpu.memory_space<hbm>>
      %dma_wait3A_130 = arith.constant 0 : i32
      %dma_wait3A_131 = tpu.memref_slice %arg3[%add3A_12, %dma_wait3A_130] : memref<128x512xf32, #tpu.memory_space<hbm>> -> memref<1x512xf32, #tpu.memory_space<hbm>>
      %dma_wait3A_132 = tpu.memref_squeeze %dma_wait3A_131 : memref<1x512xf32, #tpu.memory_space<hbm>> -> memref<512xf32, #tpu.memory_space<hbm>>
      tpu.wait_dma2 semaphore(%run_scoped3A : memref<!tpu.dma_semaphore, #tpu.memory_space<semaphore_mem>>) src(%dma_wait3A_132 : memref<512xf32, #tpu.memory_space<hbm>>) dst(%arg9 : memref<512xf32, #tpu.memory_space<vmem>>)
      tpu.yield
    }) : () -> ()
    "tpu.region"() ({
      %run_scoped3A = tpu.sem_alloc : memref<!tpu.dma_semaphore, #tpu.memory_space<semaphore_mem>>
      %dma_start3A = arith.constant 0 : i32
      %dma_start3A_123 = tpu.memref_slice %arg4[%add3A_12, %dma_start3A] : memref<128x512xi32, #tpu.memory_space<hbm>> -> memref<1x512xi32, #tpu.memory_space<hbm>>
      %dma_start3A_124 = tpu.memref_squeeze %dma_start3A_123 : memref<1x512xi32, #tpu.memory_space<hbm>> -> memref<512xi32, #tpu.memory_space<hbm>>
      %dma_start3A_125 = arith.constant 0 : i32
      %dma_start3A_126 = tpu.memref_slice %arg4[%add3A_12, %dma_start3A_125] : memref<128x512xi32, #tpu.memory_space<hbm>> -> memref<1x512xi32, #tpu.memory_space<hbm>>
      %dma_start3A_127 = tpu.memref_squeeze %dma_start3A_126 : memref<1x512xi32, #tpu.memory_space<hbm>> -> memref<512xi32, #tpu.memory_space<hbm>>
      tpu.enqueue_dma source(%dma_start3A_127 : memref<512xi32, #tpu.memory_space<hbm>>) target(%arg13 : memref<512xi32, #tpu.memory_space<vmem>>) target_semaphore(%run_scoped3A : memref<!tpu.dma_semaphore, #tpu.memory_space<semaphore_mem>>)
      %dma_wait3A = arith.constant 0 : i32
      %dma_wait3A_128 = tpu.memref_slice %arg4[%add3A_12, %dma_wait3A] : memref<128x512xi32, #tpu.memory_space<hbm>> -> memref<1x512xi32, #tpu.memory_space<hbm>>
      %dma_wait3A_129 = tpu.memref_squeeze %dma_wait3A_128 : memref<1x512xi32, #tpu.memory_space<hbm>> -> memref<512xi32, #tpu.memory_space<hbm>>
      %dma_wait3A_130 = arith.constant 0 : i32
      %dma_wait3A_131 = tpu.memref_slice %arg4[%add3A_12, %dma_wait3A_130] : memref<128x512xi32, #tpu.memory_space<hbm>> -> memref<1x512xi32, #tpu.memory_space<hbm>>
      %dma_wait3A_132 = tpu.memref_squeeze %dma_wait3A_131 : memref<1x512xi32, #tpu.memory_space<hbm>> -> memref<512xi32, #tpu.memory_space<hbm>>
      tpu.wait_dma2 semaphore(%run_scoped3A : memref<!tpu.dma_semaphore, #tpu.memory_space<semaphore_mem>>) src(%dma_wait3A_132 : memref<512xi32, #tpu.memory_space<hbm>>) dst(%arg13 : memref<512xi32, #tpu.memory_space<vmem>>)
      tpu.yield
    }) : () -> ()
    "tpu.region"() ({
      %run_scoped3A = tpu.sem_alloc : memref<!tpu.dma_semaphore, #tpu.memory_space<semaphore_mem>>
      %dma_start3A = arith.constant 0 : i32
      %dma_start3A_123 = tpu.memref_slice %arg3[%add3A_16, %dma_start3A] : memref<128x512xf32, #tpu.memory_space<hbm>> -> memref<1x512xf32, #tpu.memory_space<hbm>>
      %dma_start3A_124 = tpu.memref_squeeze %dma_start3A_123 : memref<1x512xf32, #tpu.memory_space<hbm>> -> memref<512xf32, #tpu.memory_space<hbm>>
      %dma_start3A_125 = arith.constant 0 : i32
      %dma_start3A_126 = tpu.memref_slice %arg3[%add3A_16, %dma_start3A_125] : memref<128x512xf32, #tpu.memory_space<hbm>> -> memref<1x512xf32, #tpu.memory_space<hbm>>
      %dma_start3A_127 = tpu.memref_squeeze %dma_start3A_126 : memref<1x512xf32, #tpu.memory_space<hbm>> -> memref<512xf32, #tpu.memory_space<hbm>>
      tpu.enqueue_dma source(%dma_start3A_127 : memref<512xf32, #tpu.memory_space<hbm>>) target(%arg10 : memref<512xf32, #tpu.memory_space<vmem>>) target_semaphore(%run_scoped3A : memref<!tpu.dma_semaphore, #tpu.memory_space<semaphore_mem>>)
      %dma_wait3A = arith.constant 0 : i32
      %dma_wait3A_128 = tpu.memref_slice %arg3[%add3A_16, %dma_wait3A] : memref<128x512xf32, #tpu.memory_space<hbm>> -> memref<1x512xf32, #tpu.memory_space<hbm>>
      %dma_wait3A_129 = tpu.memref_squeeze %dma_wait3A_128 : memref<1x512xf32, #tpu.memory_space<hbm>> -> memref<512xf32, #tpu.memory_space<hbm>>
      %dma_wait3A_130 = arith.constant 0 : i32
      %dma_wait3A_131 = tpu.memref_slice %arg3[%add3A_16, %dma_wait3A_130] : memref<128x512xf32, #tpu.memory_space<hbm>> -> memref<1x512xf32, #tpu.memory_space<hbm>>
      %dma_wait3A_132 = tpu.memref_squeeze %dma_wait3A_131 : memref<1x512xf32, #tpu.memory_space<hbm>> -> memref<512xf32, #tpu.memory_space<hbm>>
      tpu.wait_dma2 semaphore(%run_scoped3A : memref<!tpu.dma_semaphore, #tpu.memory_space<semaphore_mem>>) src(%dma_wait3A_132 : memref<512xf32, #tpu.memory_space<hbm>>) dst(%arg10 : memref<512xf32, #tpu.memory_space<vmem>>)
      tpu.yield
    }) : () -> ()
    "tpu.region"() ({
      %run_scoped3A = tpu.sem_alloc : memref<!tpu.dma_semaphore, #tpu.memory_space<semaphore_mem>>
      %dma_start3A = arith.constant 0 : i32
      %dma_start3A_123 = tpu.memref_slice %arg4[%add3A_16, %dma_start3A] : memref<128x512xi32, #tpu.memory_space<hbm>> -> memref<1x512xi32, #tpu.memory_space<hbm>>
      %dma_start3A_124 = tpu.memref_squeeze %dma_start3A_123 : memref<1x512xi32, #tpu.memory_space<hbm>> -> memref<512xi32, #tpu.memory_space<hbm>>
      %dma_start3A_125 = arith.constant 0 : i32
      %dma_start3A_126 = tpu.memref_slice %arg4[%add3A_16, %dma_start3A_125] : memref<128x512xi32, #tpu.memory_space<hbm>> -> memref<1x512xi32, #tpu.memory_space<hbm>>
      %dma_start3A_127 = tpu.memref_squeeze %dma_start3A_126 : memref<1x512xi32, #tpu.memory_space<hbm>> -> memref<512xi32, #tpu.memory_space<hbm>>
      tpu.enqueue_dma source(%dma_start3A_127 : memref<512xi32, #tpu.memory_space<hbm>>) target(%arg14 : memref<512xi32, #tpu.memory_space<vmem>>) target_semaphore(%run_scoped3A : memref<!tpu.dma_semaphore, #tpu.memory_space<semaphore_mem>>)
      %dma_wait3A = arith.constant 0 : i32
      %dma_wait3A_128 = tpu.memref_slice %arg4[%add3A_16, %dma_wait3A] : memref<128x512xi32, #tpu.memory_space<hbm>> -> memref<1x512xi32, #tpu.memory_space<hbm>>
      %dma_wait3A_129 = tpu.memref_squeeze %dma_wait3A_128 : memref<1x512xi32, #tpu.memory_space<hbm>> -> memref<512xi32, #tpu.memory_space<hbm>>
      %dma_wait3A_130 = arith.constant 0 : i32
      %dma_wait3A_131 = tpu.memref_slice %arg4[%add3A_16, %dma_wait3A_130] : memref<128x512xi32, #tpu.memory_space<hbm>> -> memref<1x512xi32, #tpu.memory_space<hbm>>
      %dma_wait3A_132 = tpu.memref_squeeze %dma_wait3A_131 : memref<1x512xi32, #tpu.memory_space<hbm>> -> memref<512xi32, #tpu.memory_space<hbm>>
      tpu.wait_dma2 semaphore(%run_scoped3A : memref<!tpu.dma_semaphore, #tpu.memory_space<semaphore_mem>>) src(%dma_wait3A_132 : memref<512xi32, #tpu.memory_space<hbm>>) dst(%arg14 : memref<512xi32, #tpu.memory_space<vmem>>)
      tpu.yield
    }) : () -> ()
    "tpu.region"() ({
      %run_scoped3A = tpu.sem_alloc : memref<!tpu.dma_semaphore, #tpu.memory_space<semaphore_mem>>
      %dma_start3A = arith.constant 0 : i32
      %dma_start3A_123 = tpu.memref_slice %arg3[%add3A_20, %dma_start3A] : memref<128x512xf32, #tpu.memory_space<hbm>> -> memref<1x512xf32, #tpu.memory_space<hbm>>
      %dma_start3A_124 = tpu.memref_squeeze %dma_start3A_123 : memref<1x512xf32, #tpu.memory_space<hbm>> -> memref<512xf32, #tpu.memory_space<hbm>>
      %dma_start3A_125 = arith.constant 0 : i32
      %dma_start3A_126 = tpu.memref_slice %arg3[%add3A_20, %dma_start3A_125] : memref<128x512xf32, #tpu.memory_space<hbm>> -> memref<1x512xf32, #tpu.memory_space<hbm>>
      %dma_start3A_127 = tpu.memref_squeeze %dma_start3A_126 : memref<1x512xf32, #tpu.memory_space<hbm>> -> memref<512xf32, #tpu.memory_space<hbm>>
      tpu.enqueue_dma source(%dma_start3A_127 : memref<512xf32, #tpu.memory_space<hbm>>) target(%arg11 : memref<512xf32, #tpu.memory_space<vmem>>) target_semaphore(%run_scoped3A : memref<!tpu.dma_semaphore, #tpu.memory_space<semaphore_mem>>)
      %dma_wait3A = arith.constant 0 : i32
      %dma_wait3A_128 = tpu.memref_slice %arg3[%add3A_20, %dma_wait3A] : memref<128x512xf32, #tpu.memory_space<hbm>> -> memref<1x512xf32, #tpu.memory_space<hbm>>
      %dma_wait3A_129 = tpu.memref_squeeze %dma_wait3A_128 : memref<1x512xf32, #tpu.memory_space<hbm>> -> memref<512xf32, #tpu.memory_space<hbm>>
      %dma_wait3A_130 = arith.constant 0 : i32
      %dma_wait3A_131 = tpu.memref_slice %arg3[%add3A_20, %dma_wait3A_130] : memref<128x512xf32, #tpu.memory_space<hbm>> -> memref<1x512xf32, #tpu.memory_space<hbm>>
      %dma_wait3A_132 = tpu.memref_squeeze %dma_wait3A_131 : memref<1x512xf32, #tpu.memory_space<hbm>> -> memref<512xf32, #tpu.memory_space<hbm>>
      tpu.wait_dma2 semaphore(%run_scoped3A : memref<!tpu.dma_semaphore, #tpu.memory_space<semaphore_mem>>) src(%dma_wait3A_132 : memref<512xf32, #tpu.memory_space<hbm>>) dst(%arg11 : memref<512xf32, #tpu.memory_space<vmem>>)
      tpu.yield
    }) : () -> ()
    "tpu.region"() ({
      %run_scoped3A = tpu.sem_alloc : memref<!tpu.dma_semaphore, #tpu.memory_space<semaphore_mem>>
      %dma_start3A = arith.constant 0 : i32
      %dma_start3A_123 = tpu.memref_slice %arg4[%add3A_20, %dma_start3A] : memref<128x512xi32, #tpu.memory_space<hbm>> -> memref<1x512xi32, #tpu.memory_space<hbm>>
      %dma_start3A_124 = tpu.memref_squeeze %dma_start3A_123 : memref<1x512xi32, #tpu.memory_space<hbm>> -> memref<512xi32, #tpu.memory_space<hbm>>
      %dma_start3A_125 = arith.constant 0 : i32
      %dma_start3A_126 = tpu.memref_slice %arg4[%add3A_20, %dma_start3A_125] : memref<128x512xi32, #tpu.memory_space<hbm>> -> memref<1x512xi32, #tpu.memory_space<hbm>>
      %dma_start3A_127 = tpu.memref_squeeze %dma_start3A_126 : memref<1x512xi32, #tpu.memory_space<hbm>> -> memref<512xi32, #tpu.memory_space<hbm>>
      tpu.enqueue_dma source(%dma_start3A_127 : memref<512xi32, #tpu.memory_space<hbm>>) target(%arg15 : memref<512xi32, #tpu.memory_space<vmem>>) target_semaphore(%run_scoped3A : memref<!tpu.dma_semaphore, #tpu.memory_space<semaphore_mem>>)
      %dma_wait3A = arith.constant 0 : i32
      %dma_wait3A_128 = tpu.memref_slice %arg4[%add3A_20, %dma_wait3A] : memref<128x512xi32, #tpu.memory_space<hbm>> -> memref<1x512xi32, #tpu.memory_space<hbm>>
      %dma_wait3A_129 = tpu.memref_squeeze %dma_wait3A_128 : memref<1x512xi32, #tpu.memory_space<hbm>> -> memref<512xi32, #tpu.memory_space<hbm>>
      %dma_wait3A_130 = arith.constant 0 : i32
      %dma_wait3A_131 = tpu.memref_slice %arg4[%add3A_20, %dma_wait3A_130] : memref<128x512xi32, #tpu.memory_space<hbm>> -> memref<1x512xi32, #tpu.memory_space<hbm>>
      %dma_wait3A_132 = tpu.memref_squeeze %dma_wait3A_131 : memref<1x512xi32, #tpu.memory_space<hbm>> -> memref<512xi32, #tpu.memory_space<hbm>>
      tpu.wait_dma2 semaphore(%run_scoped3A : memref<!tpu.dma_semaphore, #tpu.memory_space<semaphore_mem>>) src(%dma_wait3A_132 : memref<512xi32, #tpu.memory_space<hbm>>) dst(%arg15 : memref<512xi32, #tpu.memory_space<vmem>>)
      tpu.yield
    }) : () -> ()
    %broadcast_in_dim3A_21 = arith.constant 0.000000e+00 : f32
    %broadcast_in_dim3A_22 = vector.broadcast %broadcast_in_dim3A_21 : f32 to vector<16xf32>
    %scan3A = arith.constant 0 : i32
    %scan3A_23 = arith.constant 20 : i32
    %scan3A_24 = arith.addi %scan3A, %scan3A_23 : i32
    %scan3A_25 = arith.constant 1 : i32
    %scan3A_26:24 = scf.for %scan3A_123 = %scan3A to %scan3A_24 step %scan3A_25 iter_args(%scan3A_124 = %broadcast_in_dim3A_22, %scan3A_125 = %broadcast_in_dim3A_22, %scan3A_126 = %broadcast_in_dim3A_22, %scan3A_127 = %broadcast_in_dim3A_22, %scan3A_128 = %broadcast_in_dim3A_22, %scan3A_129 = %broadcast_in_dim3A_22, %scan3A_130 = %broadcast_in_dim3A_22, %scan3A_131 = %broadcast_in_dim3A_22, %scan3A_132 = %broadcast_in_dim3A_22, %scan3A_133 = %broadcast_in_dim3A_22, %scan3A_134 = %broadcast_in_dim3A_22, %scan3A_135 = %broadcast_in_dim3A_22, %scan3A_136 = %broadcast_in_dim3A_22, %scan3A_137 = %broadcast_in_dim3A_22, %scan3A_138 = %broadcast_in_dim3A_22, %scan3A_139 = %broadcast_in_dim3A_22, %scan3A_140 = %broadcast_in_dim3A_22, %scan3A_141 = %broadcast_in_dim3A_22, %scan3A_142 = %broadcast_in_dim3A_22, %scan3A_143 = %broadcast_in_dim3A_22, %scan3A_144 = %broadcast_in_dim3A_22, %scan3A_145 = %broadcast_in_dim3A_22, %scan3A_146 = %broadcast_in_dim3A_22, %scan3A_147 = %broadcast_in_dim3A_22) -> (vector<16xf32>, vector<16xf32>, vector<16xf32>, vector<16xf32>, vector<16xf32>, vector<16xf32>, vector<16xf32>, vector<16xf32>, vector<16xf32>, vector<16xf32>, vector<16xf32>, vector<16xf32>, vector<16xf32>, vector<16xf32>, vector<16xf32>, vector<16xf32>, vector<16xf32>, vector<16xf32>, vector<16xf32>, vector<16xf32>, vector<16xf32>, vector<16xf32>, vector<16xf32>, vector<16xf32>)  : i32 {
      %scan3A_148 = arith.constant 0 : i32
      %scan3A_149 = arith.constant 8 : i32
      %scan3A_150 = arith.addi %scan3A_148, %scan3A_149 : i32
      %scan3A_151 = arith.constant 1 : i32
      %scan3A_152 = scf.for %scan3A_1488 = %scan3A_148 to %scan3A_150 step %scan3A_151 iter_args(%scan3A_1489 = %broadcast_in_dim3A_1) -> (vector<16xf32>)  : i32 {
        %mul3A_1490 = arith.constant 4 : i32
        %mul3A_1491 = arith.muli %scan3A_1488, %mul3A_1490 : i32
        %add3A_1492 = arith.constant 0 : i32
        %add3A_1493 = arith.addi %mul3A_1491, %add3A_1492 : i32
        %mul3A_1494 = arith.constant 16 : i32
        %mul3A_1495 = arith.muli %add3A_1493, %mul3A_1494 : i32
        %get3A_1496 = arith.index_cast %mul3A_1495 : i32 to index
        %get3A_1497 = tpu.vector_load %arg8[%get3A_1496] {strides = array<i32>} : memref<512xf32, #tpu.memory_space<vmem>>, vector<16xf32>,
        %get3A_1498 = vector.shape_cast %get3A_1497 : vector<16xf32> to vector<16xf32>
        %max3A_1499 = arith.maximumf %scan3A_1489, %get3A_1498 : vector<16xf32>
        %mul3A_1500 = arith.constant 4 : i32
        %mul3A_1501 = arith.muli %scan3A_1488, %mul3A_1500 : i32
        %add3A_1502 = arith.constant 1 : i32
        %add3A_1503 = arith.addi %mul3A_1501, %add3A_1502 : i32
        %mul3A_1504 = arith.constant 16 : i32
        %mul3A_1505 = arith.muli %add3A_1503, %mul3A_1504 : i32
        %get3A_1506 = arith.index_cast %mul3A_1505 : i32 to index
        %get3A_1507 = tpu.vector_load %arg8[%get3A_1506] {strides = array<i32>} : memref<512xf32, #tpu.memory_space<vmem>>, vector<16xf32>,
        %get3A_1508 = vector.shape_cast %get3A_1507 : vector<16xf32> to vector<16xf32>
        %max3A_1509 = arith.maximumf %max3A_1499, %get3A_1508 : vector<16xf32>
        %mul3A_1510 = arith.constant 4 : i32
        %mul3A_1511 = arith.muli %scan3A_1488, %mul3A_1510 : i32
        %add3A_1512 = arith.constant 2 : i32
        %add3A_1513 = arith.addi %mul3A_1511, %add3A_1512 : i32
        %mul3A_1514 = arith.constant 16 : i32
        %mul3A_1515 = arith.muli %add3A_1513, %mul3A_1514 : i32
        %get3A_1516 = arith.index_cast %mul3A_1515 : i32 to index
        %get3A_1517 = tpu.vector_load %arg8[%get3A_1516] {strides = array<i32>} : memref<512xf32, #tpu.memory_space<vmem>>, vector<16xf32>,
        %get3A_1518 = vector.shape_cast %get3A_1517 : vector<16xf32> to vector<16xf32>
        %max3A_1519 = arith.maximumf %max3A_1509, %get3A_1518 : vector<16xf32>
        %mul3A_1520 = arith.constant 4 : i32
        %mul3A_1521 = arith.muli %scan3A_1488, %mul3A_1520 : i32
        %add3A_1522 = arith.constant 3 : i32
        %add3A_1523 = arith.addi %mul3A_1521, %add3A_1522 : i32
        %mul3A_1524 = arith.constant 16 : i32
        %mul3A_1525 = arith.muli %add3A_1523, %mul3A_1524 : i32
        %get3A_1526 = arith.index_cast %mul3A_1525 : i32 to index
        %get3A_1527 = tpu.vector_load %arg8[%get3A_1526] {strides = array<i32>} : memref<512xf32, #tpu.memory_space<vmem>>, vector<16xf32>,
        %get3A_1528 = vector.shape_cast %get3A_1527 : vector<16xf32> to vector<16xf32>
        %max3A_1529 = arith.maximumf %max3A_1519, %get3A_1528 : vector<16xf32>
        scf.yield %max3A_1529 : vector<16xf32>
      }
      %scan3A_153 = arith.constant 8 : i32
      %xor3A = arith.constant 1 : i32
      %xor3A_154 = vector.broadcast %xor3A : i32 to vector<16xi32>
      %xor3A_155 = arith.xori %iota3A, %xor3A_154 : vector<16xi32>
      %lt3A = arith.constant 0 : i32
      %lt3A_156 = vector.broadcast %lt3A : i32 to vector<16xi32>
      %lt3A_157 = arith.cmpi slt, %xor3A_155, %lt3A_156 : vector<16xi32>
      %add3A_158 = arith.constant 16 : i32
      %add3A_159 = vector.broadcast %add3A_158 : i32 to vector<16xi32>
      %add3A_160 = arith.addi %xor3A_155, %add3A_159 : vector<16xi32>
      %select_n3A = arith.select %lt3A_157, %add3A_160, %xor3A_155 : vector<16xi1>, vector<16xi32>
      %broadcast_in_dim3A_161 = vector.shape_cast %select_n3A : vector<16xi32> to vector<16x1xi32>
      %gather3A = vector.shape_cast %broadcast_in_dim3A_161 : vector<16x1xi32> to vector<16xi32>
      %gather3A_162 = tpu.dynamic_gather %scan3A_152[%gather3A] in [0] : vector<16xf32>, vector<16xi32> -> vector<16xf32>
      %max3A = arith.maximumf %scan3A_152, %gather3A_162 : vector<16xf32>
      %xor3A_163 = arith.constant 2 : i32
      %xor3A_164 = vector.broadcast %xor3A_163 : i32 to vector<16xi32>
      %xor3A_165 = arith.xori %iota3A, %xor3A_164 : vector<16xi32>
      %lt3A_166 = arith.constant 0 : i32
      %lt3A_167 = vector.broadcast %lt3A_166 : i32 to vector<16xi32>
      %lt3A_168 = arith.cmpi slt, %xor3A_165, %lt3A_167 : vector<16xi32>
      %add3A_169 = arith.constant 16 : i32
      %add3A_170 = vector.broadcast %add3A_169 : i32 to vector<16xi32>
      %add3A_171 = arith.addi %xor3A_165, %add3A_170 : vector<16xi32>
      %select_n3A_172 = arith.select %lt3A_168, %add3A_171, %xor3A_165 : vector<16xi1>, vector<16xi32>
      %broadcast_in_dim3A_173 = vector.shape_cast %select_n3A_172 : vector<16xi32> to vector<16x1xi32>
      %gather3A_174 = vector.shape_cast %broadcast_in_dim3A_173 : vector<16x1xi32> to vector<16xi32>
      %gather3A_175 = tpu.dynamic_gather %max3A[%gather3A_174] in [0] : vector<16xf32>, vector<16xi32> -> vector<16xf32>
      %max3A_176 = arith.maximumf %max3A, %gather3A_175 : vector<16xf32>
      %xor3A_177 = arith.constant 4 : i32
      %xor3A_178 = vector.broadcast %xor3A_177 : i32 to vector<16xi32>
      %xor3A_179 = arith.xori %iota3A, %xor3A_178 : vector<16xi32>
      %lt3A_180 = arith.constant 0 : i32
      %lt3A_181 = vector.broadcast %lt3A_180 : i32 to vector<16xi32>
      %lt3A_182 = arith.cmpi slt, %xor3A_179, %lt3A_181 : vector<16xi32>
      %add3A_183 = arith.constant 16 : i32
      %add3A_184 = vector.broadcast %add3A_183 : i32 to vector<16xi32>
      %add3A_185 = arith.addi %xor3A_179, %add3A_184 : vector<16xi32>
      %select_n3A_186 = arith.select %lt3A_182, %add3A_185, %xor3A_179 : vector<16xi1>, vector<16xi32>
      %broadcast_in_dim3A_187 = vector.shape_cast %select_n3A_186 : vector<16xi32> to vector<16x1xi32>
      %gather3A_188 = vector.shape_cast %broadcast_in_dim3A_187 : vector<16x1xi32> to vector<16xi32>
      %gather3A_189 = tpu.dynamic_gather %max3A_176[%gather3A_188] in [0] : vector<16xf32>, vector<16xi32> -> vector<16xf32>
      %max3A_190 = arith.maximumf %max3A_176, %gather3A_189 : vector<16xf32>
      %xor3A_191 = arith.constant 8 : i32
      %xor3A_192 = vector.broadcast %xor3A_191 : i32 to vector<16xi32>
      %xor3A_193 = arith.xori %iota3A, %xor3A_192 : vector<16xi32>
      %lt3A_194 = arith.constant 0 : i32
      %lt3A_195 = vector.broadcast %lt3A_194 : i32 to vector<16xi32>
      %lt3A_196 = arith.cmpi slt, %xor3A_193, %lt3A_195 : vector<16xi32>
      %add3A_197 = arith.constant 16 : i32
      %add3A_198 = vector.broadcast %add3A_197 : i32 to vector<16xi32>
      %add3A_199 = arith.addi %xor3A_193, %add3A_198 : vector<16xi32>
      %select_n3A_200 = arith.select %lt3A_196, %add3A_199, %xor3A_193 : vector<16xi1>, vector<16xi32>
      %broadcast_in_dim3A_201 = vector.shape_cast %select_n3A_200 : vector<16xi32> to vector<16x1xi32>
      %gather3A_202 = vector.shape_cast %broadcast_in_dim3A_201 : vector<16x1xi32> to vector<16xi32>
      %gather3A_203 = tpu.dynamic_gather %max3A_190[%gather3A_202] in [0] : vector<16xf32>, vector<16xi32> -> vector<16xf32>
      %max3A_204 = arith.maximumf %max3A_190, %gather3A_203 : vector<16xf32>
      %slice3A = vector.extract_strided_slice %max3A_204 {offsets = [0], sizes = [1], strides = [1]} : vector<16xf32> to vector<1xf32>
      %squeeze3A = vector.extract %slice3A[0] : f32 from vector<1xf32>
      %scan3A_205 = arith.constant 0 : i32
      %scan3A_206 = arith.constant 8 : i32
      %scan3A_207 = arith.addi %scan3A_205, %scan3A_206 : i32
      %scan3A_208 = arith.constant 1 : i32
      %scan3A_209 = scf.for %scan3A_1488 = %scan3A_205 to %scan3A_207 step %scan3A_208 iter_args(%scan3A_1489 = %broadcast_in_dim3A_3) -> (vector<16xi32>)  : i32 {
        %mul3A_1490 = arith.constant 4 : i32
        %mul3A_1491 = arith.muli %scan3A_1488, %mul3A_1490 : i32
        %add3A_1492 = arith.constant 0 : i32
        %add3A_1493 = arith.addi %mul3A_1491, %add3A_1492 : i32
        %mul3A_1494 = arith.constant 16 : i32
        %mul3A_1495 = arith.muli %add3A_1493, %mul3A_1494 : i32
        %get3A_1496 = arith.index_cast %mul3A_1495 : i32 to index
        %get3A_1497 = tpu.vector_load %arg8[%get3A_1496] {strides = array<i32>} : memref<512xf32, #tpu.memory_space<vmem>>, vector<16xf32>,
        %get3A_1498 = vector.shape_cast %get3A_1497 : vector<16xf32> to vector<16xf32>
        %eq3A_1499 = vector.broadcast %squeeze3A : f32 to vector<16xf32>
        %eq3A_1500 = arith.cmpf oeq, %get3A_1498, %eq3A_1499 : vector<16xf32>
        %mul3A_1501 = arith.constant 16 : i32
        %mul3A_1502 = arith.muli %add3A_1493, %mul3A_1501 : i32
        %get3A_1503 = arith.index_cast %mul3A_1502 : i32 to index
        %get3A_1504 = tpu.vector_load %arg12[%get3A_1503] {strides = array<i32>} : memref<512xi32, #tpu.memory_space<vmem>>, vector<16xi32>,
        %get3A_1505 = vector.shape_cast %get3A_1504 : vector<16xi32> to vector<16xi32>
        %jit3A = arith.constant 16777216 : i32
        %broadcast_in_dim3A_1506 = vector.broadcast %jit3A : i32 to vector<16xi32>
        %select_n3A_1507 = arith.select %eq3A_1500, %get3A_1505, %broadcast_in_dim3A_1506 : vector<16xi1>, vector<16xi32>
        %min3A_1508 = arith.minsi %scan3A_1489, %select_n3A_1507 : vector<16xi32>
        %mul3A_1509 = arith.constant 4 : i32
        %mul3A_1510 = arith.muli %scan3A_1488, %mul3A_1509 : i32
        %add3A_1511 = arith.constant 1 : i32
        %add3A_1512 = arith.addi %mul3A_1510, %add3A_1511 : i32
        %mul3A_1513 = arith.constant 16 : i32
        %mul3A_1514 = arith.muli %add3A_1512, %mul3A_1513 : i32
        %get3A_1515 = arith.index_cast %mul3A_1514 : i32 to index
        %get3A_1516 = tpu.vector_load %arg8[%get3A_1515] {strides = array<i32>} : memref<512xf32, #tpu.memory_space<vmem>>, vector<16xf32>,
        %get3A_1517 = vector.shape_cast %get3A_1516 : vector<16xf32> to vector<16xf32>
        %eq3A_1518 = vector.broadcast %squeeze3A : f32 to vector<16xf32>
        %eq3A_1519 = arith.cmpf oeq, %get3A_1517, %eq3A_1518 : vector<16xf32>
        %mul3A_1520 = arith.constant 16 : i32
        %mul3A_1521 = arith.muli %add3A_1512, %mul3A_1520 : i32
        %get3A_1522 = arith.index_cast %mul3A_1521 : i32 to index
        %get3A_1523 = tpu.vector_load %arg12[%get3A_1522] {strides = array<i32>} : memref<512xi32, #tpu.memory_space<vmem>>, vector<16xi32>,
        %get3A_1524 = vector.shape_cast %get3A_1523 : vector<16xi32> to vector<16xi32>
        %jit3A_1525 = arith.constant 16777216 : i32
        %broadcast_in_dim3A_1526 = vector.broadcast %jit3A_1525 : i32 to vector<16xi32>
        %select_n3A_1527 = arith.select %eq3A_1519, %get3A_1524, %broadcast_in_dim3A_1526 : vector<16xi1>, vector<16xi32>
        %min3A_1528 = arith.minsi %min3A_1508, %select_n3A_1527 : vector<16xi32>
        %mul3A_1529 = arith.constant 4 : i32
        %mul3A_1530 = arith.muli %scan3A_1488, %mul3A_1529 : i32
        %add3A_1531 = arith.constant 2 : i32
        %add3A_1532 = arith.addi %mul3A_1530, %add3A_1531 : i32
        %mul3A_1533 = arith.constant 16 : i32
        %mul3A_1534 = arith.muli %add3A_1532, %mul3A_1533 : i32
        %get3A_1535 = arith.index_cast %mul3A_1534 : i32 to index
        %get3A_1536 = tpu.vector_load %arg8[%get3A_1535] {strides = array<i32>} : memref<512xf32, #tpu.memory_space<vmem>>, vector<16xf32>,
        %get3A_1537 = vector.shape_cast %get3A_1536 : vector<16xf32> to vector<16xf32>
        %eq3A_1538 = vector.broadcast %squeeze3A : f32 to vector<16xf32>
        %eq3A_1539 = arith.cmpf oeq, %get3A_1537, %eq3A_1538 : vector<16xf32>
        %mul3A_1540 = arith.constant 16 : i32
        %mul3A_1541 = arith.muli %add3A_1532, %mul3A_1540 : i32
        %get3A_1542 = arith.index_cast %mul3A_1541 : i32 to index
        %get3A_1543 = tpu.vector_load %arg12[%get3A_1542] {strides = array<i32>} : memref<512xi32, #tpu.memory_space<vmem>>, vector<16xi32>,
        %get3A_1544 = vector.shape_cast %get3A_1543 : vector<16xi32> to vector<16xi32>
        %jit3A_1545 = arith.constant 16777216 : i32
        %broadcast_in_dim3A_1546 = vector.broadcast %jit3A_1545 : i32 to vector<16xi32>
        %select_n3A_1547 = arith.select %eq3A_1539, %get3A_1544, %broadcast_in_dim3A_1546 : vector<16xi1>, vector<16xi32>
        %min3A_1548 = arith.minsi %min3A_1528, %select_n3A_1547 : vector<16xi32>
        %mul3A_1549 = arith.constant 4 : i32
        %mul3A_1550 = arith.muli %scan3A_1488, %mul3A_1549 : i32
        %add3A_1551 = arith.constant 3 : i32
        %add3A_1552 = arith.addi %mul3A_1550, %add3A_1551 : i32
        %mul3A_1553 = arith.constant 16 : i32
        %mul3A_1554 = arith.muli %add3A_1552, %mul3A_1553 : i32
        %get3A_1555 = arith.index_cast %mul3A_1554 : i32 to index
        %get3A_1556 = tpu.vector_load %arg8[%get3A_1555] {strides = array<i32>} : memref<512xf32, #tpu.memory_space<vmem>>, vector<16xf32>,
        %get3A_1557 = vector.shape_cast %get3A_1556 : vector<16xf32> to vector<16xf32>
        %eq3A_1558 = vector.broadcast %squeeze3A : f32 to vector<16xf32>
        %eq3A_1559 = arith.cmpf oeq, %get3A_1557, %eq3A_1558 : vector<16xf32>
        %mul3A_1560 = arith.constant 16 : i32
        %mul3A_1561 = arith.muli %add3A_1552, %mul3A_1560 : i32
        %get3A_1562 = arith.index_cast %mul3A_1561 : i32 to index
        %get3A_1563 = tpu.vector_load %arg12[%get3A_1562] {strides = array<i32>} : memref<512xi32, #tpu.memory_space<vmem>>, vector<16xi32>,
        %get3A_1564 = vector.shape_cast %get3A_1563 : vector<16xi32> to vector<16xi32>
        %jit3A_1565 = arith.constant 16777216 : i32
        %broadcast_in_dim3A_1566 = vector.broadcast %jit3A_1565 : i32 to vector<16xi32>
        %select_n3A_1567 = arith.select %eq3A_1559, %get3A_1564, %broadcast_in_dim3A_1566 : vector<16xi1>, vector<16xi32>
        %min3A_1568 = arith.minsi %min3A_1548, %select_n3A_1567 : vector<16xi32>
        scf.yield %min3A_1568 : vector<16xi32>
      }
      %scan3A_210 = arith.constant 8 : i32
      %xor3A_211 = arith.constant 1 : i32
      %xor3A_212 = vector.broadcast %xor3A_211 : i32 to vector<16xi32>
      %xor3A_213 = arith.xori %iota3A, %xor3A_212 : vector<16xi32>
      %lt3A_214 = arith.constant 0 : i32
      %lt3A_215 = vector.broadcast %lt3A_214 : i32 to vector<16xi32>
      %lt3A_216 = arith.cmpi slt, %xor3A_213, %lt3A_215 : vector<16xi32>
      %add3A_217 = arith.constant 16 : i32
      %add3A_218 = vector.broadcast %add3A_217 : i32 to vector<16xi32>
      %add3A_219 = arith.addi %xor3A_213, %add3A_218 : vector<16xi32>
      %select_n3A_220 = arith.select %lt3A_216, %add3A_219, %xor3A_213 : vector<16xi1>, vector<16xi32>
      %broadcast_in_dim3A_221 = vector.shape_cast %select_n3A_220 : vector<16xi32> to vector<16x1xi32>
      %gather3A_222 = vector.shape_cast %broadcast_in_dim3A_221 : vector<16x1xi32> to vector<16xi32>
      %gather3A_223 = tpu.dynamic_gather %scan3A_209[%gather3A_222] in [0] : vector<16xi32>, vector<16xi32> -> vector<16xi32>
      %min3A = arith.minsi %scan3A_209, %gather3A_223 : vector<16xi32>
      %xor3A_224 = arith.constant 2 : i32
      %xor3A_225 = vector.broadcast %xor3A_224 : i32 to vector<16xi32>
      %xor3A_226 = arith.xori %iota3A, %xor3A_225 : vector<16xi32>
      %lt3A_227 = arith.constant 0 : i32
      %lt3A_228 = vector.broadcast %lt3A_227 : i32 to vector<16xi32>
      %lt3A_229 = arith.cmpi slt, %xor3A_226, %lt3A_228 : vector<16xi32>
      %add3A_230 = arith.constant 16 : i32
      %add3A_231 = vector.broadcast %add3A_230 : i32 to vector<16xi32>
      %add3A_232 = arith.addi %xor3A_226, %add3A_231 : vector<16xi32>
      %select_n3A_233 = arith.select %lt3A_229, %add3A_232, %xor3A_226 : vector<16xi1>, vector<16xi32>
      %broadcast_in_dim3A_234 = vector.shape_cast %select_n3A_233 : vector<16xi32> to vector<16x1xi32>
      %gather3A_235 = vector.shape_cast %broadcast_in_dim3A_234 : vector<16x1xi32> to vector<16xi32>
      %gather3A_236 = tpu.dynamic_gather %min3A[%gather3A_235] in [0] : vector<16xi32>, vector<16xi32> -> vector<16xi32>
      %min3A_237 = arith.minsi %min3A, %gather3A_236 : vector<16xi32>
      %xor3A_238 = arith.constant 4 : i32
      %xor3A_239 = vector.broadcast %xor3A_238 : i32 to vector<16xi32>
      %xor3A_240 = arith.xori %iota3A, %xor3A_239 : vector<16xi32>
      %lt3A_241 = arith.constant 0 : i32
      %lt3A_242 = vector.broadcast %lt3A_241 : i32 to vector<16xi32>
      %lt3A_243 = arith.cmpi slt, %xor3A_240, %lt3A_242 : vector<16xi32>
      %add3A_244 = arith.constant 16 : i32
      %add3A_245 = vector.broadcast %add3A_244 : i32 to vector<16xi32>
      %add3A_246 = arith.addi %xor3A_240, %add3A_245 : vector<16xi32>
      %select_n3A_247 = arith.select %lt3A_243, %add3A_246, %xor3A_240 : vector<16xi1>, vector<16xi32>
      %broadcast_in_dim3A_248 = vector.shape_cast %select_n3A_247 : vector<16xi32> to vector<16x1xi32>
      %gather3A_249 = vector.shape_cast %broadcast_in_dim3A_248 : vector<16x1xi32> to vector<16xi32>
      %gather3A_250 = tpu.dynamic_gather %min3A_237[%gather3A_249] in [0] : vector<16xi32>, vector<16xi32> -> vector<16xi32>
      %min3A_251 = arith.minsi %min3A_237, %gather3A_250 : vector<16xi32>
      %xor3A_252 = arith.constant 8 : i32
      %xor3A_253 = vector.broadcast %xor3A_252 : i32 to vector<16xi32>
      %xor3A_254 = arith.xori %iota3A, %xor3A_253 : vector<16xi32>
      %lt3A_255 = arith.constant 0 : i32
      %lt3A_256 = vector.broadcast %lt3A_255 : i32 to vector<16xi32>
      %lt3A_257 = arith.cmpi slt, %xor3A_254, %lt3A_256 : vector<16xi32>
      %add3A_258 = arith.constant 16 : i32
      %add3A_259 = vector.broadcast %add3A_258 : i32 to vector<16xi32>
      %add3A_260 = arith.addi %xor3A_254, %add3A_259 : vector<16xi32>
      %select_n3A_261 = arith.select %lt3A_257, %add3A_260, %xor3A_254 : vector<16xi1>, vector<16xi32>
      %broadcast_in_dim3A_262 = vector.shape_cast %select_n3A_261 : vector<16xi32> to vector<16x1xi32>
      %gather3A_263 = vector.shape_cast %broadcast_in_dim3A_262 : vector<16x1xi32> to vector<16xi32>
      %gather3A_264 = tpu.dynamic_gather %min3A_251[%gather3A_263] in [0] : vector<16xi32>, vector<16xi32> -> vector<16xi32>
      %min3A_265 = arith.minsi %min3A_251, %gather3A_264 : vector<16xi32>
      %slice3A_266 = vector.extract_strided_slice %min3A_265 {offsets = [0], sizes = [1], strides = [1]} : vector<16xi32> to vector<1xi32>
      %squeeze3A_267 = vector.extract %slice3A_266[0] : i32 from vector<1xi32>
      %div3A = arith.constant 512 : i32
      %div3A_268 = arith.divsi %squeeze3A_267, %div3A : i32
      %rem3A = arith.constant 512 : i32
      %rem3A_269 = arith.remsi %squeeze3A_267, %rem3A : i32
      %mul3A_270 = arith.constant 512 : i32
      %mul3A_271 = arith.muli %add3A_8, %mul3A_270 : i32
      %add3A_272 = arith.addi %mul3A_271, %div3A_268 : i32
      %dma_start3A = arith.constant 0 : i32
      %dma_start3A_273 = tpu.memref_slice %arg2[%add3A_272, %dma_start3A] : memref<65536x512xf32, #tpu.memory_space<hbm>> -> memref<1x512xf32, #tpu.memory_space<hbm>>
      %dma_start3A_274 = tpu.memref_squeeze %dma_start3A_273 : memref<1x512xf32, #tpu.memory_space<hbm>> -> memref<512xf32, #tpu.memory_space<hbm>>
      %dma_start3A_275 = arith.constant 0 : i32
      %dma_start3A_276 = tpu.memref_slice %arg2[%add3A_272, %dma_start3A_275] : memref<65536x512xf32, #tpu.memory_space<hbm>> -> memref<1x512xf32, #tpu.memory_space<hbm>>
      %dma_start3A_277 = tpu.memref_squeeze %dma_start3A_276 : memref<1x512xf32, #tpu.memory_space<hbm>> -> memref<512xf32, #tpu.memory_space<hbm>>
      tpu.enqueue_dma source(%dma_start3A_277 : memref<512xf32, #tpu.memory_space<hbm>>) target(%arg16 : memref<512xf32, #tpu.memory_space<vmem>>) target_semaphore(%arg21 : memref<!tpu.dma_semaphore, #tpu.memory_space<semaphore_mem>>)
      %scan3A_278 = arith.constant 0 : i32
      %scan3A_279 = arith.constant 8 : i32
      %scan3A_280 = arith.addi %scan3A_278, %scan3A_279 : i32
      %scan3A_281 = arith.constant 1 : i32
      %scan3A_282 = scf.for %scan3A_1488 = %scan3A_278 to %scan3A_280 step %scan3A_281 iter_args(%scan3A_1489 = %broadcast_in_dim3A_1) -> (vector<16xf32>)  : i32 {
        %mul3A_1490 = arith.constant 4 : i32
        %mul3A_1491 = arith.muli %scan3A_1488, %mul3A_1490 : i32
        %add3A_1492 = arith.constant 0 : i32
        %add3A_1493 = arith.addi %mul3A_1491, %add3A_1492 : i32
        %mul3A_1494 = arith.constant 16 : i32
        %mul3A_1495 = arith.muli %add3A_1493, %mul3A_1494 : i32
        %get3A_1496 = arith.index_cast %mul3A_1495 : i32 to index
        %get3A_1497 = tpu.vector_load %arg9[%get3A_1496] {strides = array<i32>} : memref<512xf32, #tpu.memory_space<vmem>>, vector<16xf32>,
        %get3A_1498 = vector.shape_cast %get3A_1497 : vector<16xf32> to vector<16xf32>
        %max3A_1499 = arith.maximumf %scan3A_1489, %get3A_1498 : vector<16xf32>
        %mul3A_1500 = arith.constant 4 : i32
        %mul3A_1501 = arith.muli %scan3A_1488, %mul3A_1500 : i32
        %add3A_1502 = arith.constant 1 : i32
        %add3A_1503 = arith.addi %mul3A_1501, %add3A_1502 : i32
        %mul3A_1504 = arith.constant 16 : i32
        %mul3A_1505 = arith.muli %add3A_1503, %mul3A_1504 : i32
        %get3A_1506 = arith.index_cast %mul3A_1505 : i32 to index
        %get3A_1507 = tpu.vector_load %arg9[%get3A_1506] {strides = array<i32>} : memref<512xf32, #tpu.memory_space<vmem>>, vector<16xf32>,
        %get3A_1508 = vector.shape_cast %get3A_1507 : vector<16xf32> to vector<16xf32>
        %max3A_1509 = arith.maximumf %max3A_1499, %get3A_1508 : vector<16xf32>
        %mul3A_1510 = arith.constant 4 : i32
        %mul3A_1511 = arith.muli %scan3A_1488, %mul3A_1510 : i32
        %add3A_1512 = arith.constant 2 : i32
        %add3A_1513 = arith.addi %mul3A_1511, %add3A_1512 : i32
        %mul3A_1514 = arith.constant 16 : i32
        %mul3A_1515 = arith.muli %add3A_1513, %mul3A_1514 : i32
        %get3A_1516 = arith.index_cast %mul3A_1515 : i32 to index
        %get3A_1517 = tpu.vector_load %arg9[%get3A_1516] {strides = array<i32>} : memref<512xf32, #tpu.memory_space<vmem>>, vector<16xf32>,
        %get3A_1518 = vector.shape_cast %get3A_1517 : vector<16xf32> to vector<16xf32>
        %max3A_1519 = arith.maximumf %max3A_1509, %get3A_1518 : vector<16xf32>
        %mul3A_1520 = arith.constant 4 : i32
        %mul3A_1521 = arith.muli %scan3A_1488, %mul3A_1520 : i32
        %add3A_1522 = arith.constant 3 : i32
        %add3A_1523 = arith.addi %mul3A_1521, %add3A_1522 : i32
        %mul3A_1524 = arith.constant 16 : i32
        %mul3A_1525 = arith.muli %add3A_1523, %mul3A_1524 : i32
        %get3A_1526 = arith.index_cast %mul3A_1525 : i32 to index
        %get3A_1527 = tpu.vector_load %arg9[%get3A_1526] {strides = array<i32>} : memref<512xf32, #tpu.memory_space<vmem>>, vector<16xf32>,
        %get3A_1528 = vector.shape_cast %get3A_1527 : vector<16xf32> to vector<16xf32>
        %max3A_1529 = arith.maximumf %max3A_1519, %get3A_1528 : vector<16xf32>
        scf.yield %max3A_1529 : vector<16xf32>
      }
      %scan3A_283 = arith.constant 8 : i32
      %xor3A_284 = arith.constant 1 : i32
      %xor3A_285 = vector.broadcast %xor3A_284 : i32 to vector<16xi32>
      %xor3A_286 = arith.xori %iota3A, %xor3A_285 : vector<16xi32>
      %lt3A_287 = arith.constant 0 : i32
      %lt3A_288 = vector.broadcast %lt3A_287 : i32 to vector<16xi32>
      %lt3A_289 = arith.cmpi slt, %xor3A_286, %lt3A_288 : vector<16xi32>
      %add3A_290 = arith.constant 16 : i32
      %add3A_291 = vector.broadcast %add3A_290 : i32 to vector<16xi32>
      %add3A_292 = arith.addi %xor3A_286, %add3A_291 : vector<16xi32>
      %select_n3A_293 = arith.select %lt3A_289, %add3A_292, %xor3A_286 : vector<16xi1>, vector<16xi32>
      %broadcast_in_dim3A_294 = vector.shape_cast %select_n3A_293 : vector<16xi32> to vector<16x1xi32>
      %gather3A_295 = vector.shape_cast %broadcast_in_dim3A_294 : vector<16x1xi32> to vector<16xi32>
      %gather3A_296 = tpu.dynamic_gather %scan3A_282[%gather3A_295] in [0] : vector<16xf32>, vector<16xi32> -> vector<16xf32>
      %max3A_297 = arith.maximumf %scan3A_282, %gather3A_296 : vector<16xf32>
      %xor3A_298 = arith.constant 2 : i32
      %xor3A_299 = vector.broadcast %xor3A_298 : i32 to vector<16xi32>
      %xor3A_300 = arith.xori %iota3A, %xor3A_299 : vector<16xi32>
      %lt3A_301 = arith.constant 0 : i32
      %lt3A_302 = vector.broadcast %lt3A_301 : i32 to vector<16xi32>
      %lt3A_303 = arith.cmpi slt, %xor3A_300, %lt3A_302 : vector<16xi32>
      %add3A_304 = arith.constant 16 : i32
      %add3A_305 = vector.broadcast %add3A_304 : i32 to vector<16xi32>
      %add3A_306 = arith.addi %xor3A_300, %add3A_305 : vector<16xi32>
      %select_n3A_307 = arith.select %lt3A_303, %add3A_306, %xor3A_300 : vector<16xi1>, vector<16xi32>
      %broadcast_in_dim3A_308 = vector.shape_cast %select_n3A_307 : vector<16xi32> to vector<16x1xi32>
      %gather3A_309 = vector.shape_cast %broadcast_in_dim3A_308 : vector<16x1xi32> to vector<16xi32>
      %gather3A_310 = tpu.dynamic_gather %max3A_297[%gather3A_309] in [0] : vector<16xf32>, vector<16xi32> -> vector<16xf32>
      %max3A_311 = arith.maximumf %max3A_297, %gather3A_310 : vector<16xf32>
      %xor3A_312 = arith.constant 4 : i32
      %xor3A_313 = vector.broadcast %xor3A_312 : i32 to vector<16xi32>
      %xor3A_314 = arith.xori %iota3A, %xor3A_313 : vector<16xi32>
      %lt3A_315 = arith.constant 0 : i32
      %lt3A_316 = vector.broadcast %lt3A_315 : i32 to vector<16xi32>
      %lt3A_317 = arith.cmpi slt, %xor3A_314, %lt3A_316 : vector<16xi32>
      %add3A_318 = arith.constant 16 : i32
      %add3A_319 = vector.broadcast %add3A_318 : i32 to vector<16xi32>
      %add3A_320 = arith.addi %xor3A_314, %add3A_319 : vector<16xi32>
      %select_n3A_321 = arith.select %lt3A_317, %add3A_320, %xor3A_314 : vector<16xi1>, vector<16xi32>
      %broadcast_in_dim3A_322 = vector.shape_cast %select_n3A_321 : vector<16xi32> to vector<16x1xi32>
      %gather3A_323 = vector.shape_cast %broadcast_in_dim3A_322 : vector<16x1xi32> to vector<16xi32>
      %gather3A_324 = tpu.dynamic_gather %max3A_311[%gather3A_323] in [0] : vector<16xf32>, vector<16xi32> -> vector<16xf32>
      %max3A_325 = arith.maximumf %max3A_311, %gather3A_324 : vector<16xf32>
      %xor3A_326 = arith.constant 8 : i32
      %xor3A_327 = vector.broadcast %xor3A_326 : i32 to vector<16xi32>
      %xor3A_328 = arith.xori %iota3A, %xor3A_327 : vector<16xi32>
      %lt3A_329 = arith.constant 0 : i32
      %lt3A_330 = vector.broadcast %lt3A_329 : i32 to vector<16xi32>
      %lt3A_331 = arith.cmpi slt, %xor3A_328, %lt3A_330 : vector<16xi32>
      %add3A_332 = arith.constant 16 : i32
      %add3A_333 = vector.broadcast %add3A_332 : i32 to vector<16xi32>
      %add3A_334 = arith.addi %xor3A_328, %add3A_333 : vector<16xi32>
      %select_n3A_335 = arith.select %lt3A_331, %add3A_334, %xor3A_328 : vector<16xi1>, vector<16xi32>
      %broadcast_in_dim3A_336 = vector.shape_cast %select_n3A_335 : vector<16xi32> to vector<16x1xi32>
      %gather3A_337 = vector.shape_cast %broadcast_in_dim3A_336 : vector<16x1xi32> to vector<16xi32>
      %gather3A_338 = tpu.dynamic_gather %max3A_325[%gather3A_337] in [0] : vector<16xf32>, vector<16xi32> -> vector<16xf32>
      %max3A_339 = arith.maximumf %max3A_325, %gather3A_338 : vector<16xf32>
      %slice3A_340 = vector.extract_strided_slice %max3A_339 {offsets = [0], sizes = [1], strides = [1]} : vector<16xf32> to vector<1xf32>
      %squeeze3A_341 = vector.extract %slice3A_340[0] : f32 from vector<1xf32>
      %scan3A_342 = arith.constant 0 : i32
      %scan3A_343 = arith.constant 8 : i32
      %scan3A_344 = arith.addi %scan3A_342, %scan3A_343 : i32
      %scan3A_345 = arith.constant 1 : i32
      %scan3A_346 = scf.for %scan3A_1488 = %scan3A_342 to %scan3A_344 step %scan3A_345 iter_args(%scan3A_1489 = %broadcast_in_dim3A_3) -> (vector<16xi32>)  : i32 {
        %mul3A_1490 = arith.constant 4 : i32
        %mul3A_1491 = arith.muli %scan3A_1488, %mul3A_1490 : i32
        %add3A_1492 = arith.constant 0 : i32
        %add3A_1493 = arith.addi %mul3A_1491, %add3A_1492 : i32
        %mul3A_1494 = arith.constant 16 : i32
        %mul3A_1495 = arith.muli %add3A_1493, %mul3A_1494 : i32
        %get3A_1496 = arith.index_cast %mul3A_1495 : i32 to index
        %get3A_1497 = tpu.vector_load %arg9[%get3A_1496] {strides = array<i32>} : memref<512xf32, #tpu.memory_space<vmem>>, vector<16xf32>,
        %get3A_1498 = vector.shape_cast %get3A_1497 : vector<16xf32> to vector<16xf32>
        %eq3A_1499 = vector.broadcast %squeeze3A_341 : f32 to vector<16xf32>
        %eq3A_1500 = arith.cmpf oeq, %get3A_1498, %eq3A_1499 : vector<16xf32>
        %mul3A_1501 = arith.constant 16 : i32
        %mul3A_1502 = arith.muli %add3A_1493, %mul3A_1501 : i32
        %get3A_1503 = arith.index_cast %mul3A_1502 : i32 to index
        %get3A_1504 = tpu.vector_load %arg13[%get3A_1503] {strides = array<i32>} : memref<512xi32, #tpu.memory_space<vmem>>, vector<16xi32>,
        %get3A_1505 = vector.shape_cast %get3A_1504 : vector<16xi32> to vector<16xi32>
        %jit3A = arith.constant 16777216 : i32
        %broadcast_in_dim3A_1506 = vector.broadcast %jit3A : i32 to vector<16xi32>
        %select_n3A_1507 = arith.select %eq3A_1500, %get3A_1505, %broadcast_in_dim3A_1506 : vector<16xi1>, vector<16xi32>
        %min3A_1508 = arith.minsi %scan3A_1489, %select_n3A_1507 : vector<16xi32>
        %mul3A_1509 = arith.constant 4 : i32
        %mul3A_1510 = arith.muli %scan3A_1488, %mul3A_1509 : i32
        %add3A_1511 = arith.constant 1 : i32
        %add3A_1512 = arith.addi %mul3A_1510, %add3A_1511 : i32
        %mul3A_1513 = arith.constant 16 : i32
        %mul3A_1514 = arith.muli %add3A_1512, %mul3A_1513 : i32
        %get3A_1515 = arith.index_cast %mul3A_1514 : i32 to index
        %get3A_1516 = tpu.vector_load %arg9[%get3A_1515] {strides = array<i32>} : memref<512xf32, #tpu.memory_space<vmem>>, vector<16xf32>,
        %get3A_1517 = vector.shape_cast %get3A_1516 : vector<16xf32> to vector<16xf32>
        %eq3A_1518 = vector.broadcast %squeeze3A_341 : f32 to vector<16xf32>
        %eq3A_1519 = arith.cmpf oeq, %get3A_1517, %eq3A_1518 : vector<16xf32>
        %mul3A_1520 = arith.constant 16 : i32
        %mul3A_1521 = arith.muli %add3A_1512, %mul3A_1520 : i32
        %get3A_1522 = arith.index_cast %mul3A_1521 : i32 to index
        %get3A_1523 = tpu.vector_load %arg13[%get3A_1522] {strides = array<i32>} : memref<512xi32, #tpu.memory_space<vmem>>, vector<16xi32>,
        %get3A_1524 = vector.shape_cast %get3A_1523 : vector<16xi32> to vector<16xi32>
        %jit3A_1525 = arith.constant 16777216 : i32
        %broadcast_in_dim3A_1526 = vector.broadcast %jit3A_1525 : i32 to vector<16xi32>
        %select_n3A_1527 = arith.select %eq3A_1519, %get3A_1524, %broadcast_in_dim3A_1526 : vector<16xi1>, vector<16xi32>
        %min3A_1528 = arith.minsi %min3A_1508, %select_n3A_1527 : vector<16xi32>
        %mul3A_1529 = arith.constant 4 : i32
        %mul3A_1530 = arith.muli %scan3A_1488, %mul3A_1529 : i32
        %add3A_1531 = arith.constant 2 : i32
        %add3A_1532 = arith.addi %mul3A_1530, %add3A_1531 : i32
        %mul3A_1533 = arith.constant 16 : i32
        %mul3A_1534 = arith.muli %add3A_1532, %mul3A_1533 : i32
        %get3A_1535 = arith.index_cast %mul3A_1534 : i32 to index
        %get3A_1536 = tpu.vector_load %arg9[%get3A_1535] {strides = array<i32>} : memref<512xf32, #tpu.memory_space<vmem>>, vector<16xf32>,
        %get3A_1537 = vector.shape_cast %get3A_1536 : vector<16xf32> to vector<16xf32>
        %eq3A_1538 = vector.broadcast %squeeze3A_341 : f32 to vector<16xf32>
        %eq3A_1539 = arith.cmpf oeq, %get3A_1537, %eq3A_1538 : vector<16xf32>
        %mul3A_1540 = arith.constant 16 : i32
        %mul3A_1541 = arith.muli %add3A_1532, %mul3A_1540 : i32
        %get3A_1542 = arith.index_cast %mul3A_1541 : i32 to index
        %get3A_1543 = tpu.vector_load %arg13[%get3A_1542] {strides = array<i32>} : memref<512xi32, #tpu.memory_space<vmem>>, vector<16xi32>,
        %get3A_1544 = vector.shape_cast %get3A_1543 : vector<16xi32> to vector<16xi32>
        %jit3A_1545 = arith.constant 16777216 : i32
        %broadcast_in_dim3A_1546 = vector.broadcast %jit3A_1545 : i32 to vector<16xi32>
        %select_n3A_1547 = arith.select %eq3A_1539, %get3A_1544, %broadcast_in_dim3A_1546 : vector<16xi1>, vector<16xi32>
        %min3A_1548 = arith.minsi %min3A_1528, %select_n3A_1547 : vector<16xi32>
        %mul3A_1549 = arith.constant 4 : i32
        %mul3A_1550 = arith.muli %scan3A_1488, %mul3A_1549 : i32
        %add3A_1551 = arith.constant 3 : i32
        %add3A_1552 = arith.addi %mul3A_1550, %add3A_1551 : i32
        %mul3A_1553 = arith.constant 16 : i32
        %mul3A_1554 = arith.muli %add3A_1552, %mul3A_1553 : i32
        %get3A_1555 = arith.index_cast %mul3A_1554 : i32 to index
        %get3A_1556 = tpu.vector_load %arg9[%get3A_1555] {strides = array<i32>} : memref<512xf32, #tpu.memory_space<vmem>>, vector<16xf32>,
        %get3A_1557 = vector.shape_cast %get3A_1556 : vector<16xf32> to vector<16xf32>
        %eq3A_1558 = vector.broadcast %squeeze3A_341 : f32 to vector<16xf32>
        %eq3A_1559 = arith.cmpf oeq, %get3A_1557, %eq3A_1558 : vector<16xf32>
        %mul3A_1560 = arith.constant 16 : i32
        %mul3A_1561 = arith.muli %add3A_1552, %mul3A_1560 : i32
        %get3A_1562 = arith.index_cast %mul3A_1561 : i32 to index
        %get3A_1563 = tpu.vector_load %arg13[%get3A_1562] {strides = array<i32>} : memref<512xi32, #tpu.memory_space<vmem>>, vector<16xi32>,
        %get3A_1564 = vector.shape_cast %get3A_1563 : vector<16xi32> to vector<16xi32>
        %jit3A_1565 = arith.constant 16777216 : i32
        %broadcast_in_dim3A_1566 = vector.broadcast %jit3A_1565 : i32 to vector<16xi32>
        %select_n3A_1567 = arith.select %eq3A_1559, %get3A_1564, %broadcast_in_dim3A_1566 : vector<16xi1>, vector<16xi32>
        %min3A_1568 = arith.minsi %min3A_1548, %select_n3A_1567 : vector<16xi32>
        scf.yield %min3A_1568 : vector<16xi32>
      }
      %scan3A_347 = arith.constant 8 : i32
      %xor3A_348 = arith.constant 1 : i32
      %xor3A_349 = vector.broadcast %xor3A_348 : i32 to vector<16xi32>
      %xor3A_350 = arith.xori %iota3A, %xor3A_349 : vector<16xi32>
      %lt3A_351 = arith.constant 0 : i32
      %lt3A_352 = vector.broadcast %lt3A_351 : i32 to vector<16xi32>
      %lt3A_353 = arith.cmpi slt, %xor3A_350, %lt3A_352 : vector<16xi32>
      %add3A_354 = arith.constant 16 : i32
      %add3A_355 = vector.broadcast %add3A_354 : i32 to vector<16xi32>
      %add3A_356 = arith.addi %xor3A_350, %add3A_355 : vector<16xi32>
      %select_n3A_357 = arith.select %lt3A_353, %add3A_356, %xor3A_350 : vector<16xi1>, vector<16xi32>
      %broadcast_in_dim3A_358 = vector.shape_cast %select_n3A_357 : vector<16xi32> to vector<16x1xi32>
      %gather3A_359 = vector.shape_cast %broadcast_in_dim3A_358 : vector<16x1xi32> to vector<16xi32>
      %gather3A_360 = tpu.dynamic_gather %scan3A_346[%gather3A_359] in [0] : vector<16xi32>, vector<16xi32> -> vector<16xi32>
      %min3A_361 = arith.minsi %scan3A_346, %gather3A_360 : vector<16xi32>
      %xor3A_362 = arith.constant 2 : i32
      %xor3A_363 = vector.broadcast %xor3A_362 : i32 to vector<16xi32>
      %xor3A_364 = arith.xori %iota3A, %xor3A_363 : vector<16xi32>
      %lt3A_365 = arith.constant 0 : i32
      %lt3A_366 = vector.broadcast %lt3A_365 : i32 to vector<16xi32>
      %lt3A_367 = arith.cmpi slt, %xor3A_364, %lt3A_366 : vector<16xi32>
      %add3A_368 = arith.constant 16 : i32
      %add3A_369 = vector.broadcast %add3A_368 : i32 to vector<16xi32>
      %add3A_370 = arith.addi %xor3A_364, %add3A_369 : vector<16xi32>
      %select_n3A_371 = arith.select %lt3A_367, %add3A_370, %xor3A_364 : vector<16xi1>, vector<16xi32>
      %broadcast_in_dim3A_372 = vector.shape_cast %select_n3A_371 : vector<16xi32> to vector<16x1xi32>
      %gather3A_373 = vector.shape_cast %broadcast_in_dim3A_372 : vector<16x1xi32> to vector<16xi32>
      %gather3A_374 = tpu.dynamic_gather %min3A_361[%gather3A_373] in [0] : vector<16xi32>, vector<16xi32> -> vector<16xi32>
      %min3A_375 = arith.minsi %min3A_361, %gather3A_374 : vector<16xi32>
      %xor3A_376 = arith.constant 4 : i32
      %xor3A_377 = vector.broadcast %xor3A_376 : i32 to vector<16xi32>
      %xor3A_378 = arith.xori %iota3A, %xor3A_377 : vector<16xi32>
      %lt3A_379 = arith.constant 0 : i32
      %lt3A_380 = vector.broadcast %lt3A_379 : i32 to vector<16xi32>
      %lt3A_381 = arith.cmpi slt, %xor3A_378, %lt3A_380 : vector<16xi32>
      %add3A_382 = arith.constant 16 : i32
      %add3A_383 = vector.broadcast %add3A_382 : i32 to vector<16xi32>
      %add3A_384 = arith.addi %xor3A_378, %add3A_383 : vector<16xi32>
      %select_n3A_385 = arith.select %lt3A_381, %add3A_384, %xor3A_378 : vector<16xi1>, vector<16xi32>
      %broadcast_in_dim3A_386 = vector.shape_cast %select_n3A_385 : vector<16xi32> to vector<16x1xi32>
      %gather3A_387 = vector.shape_cast %broadcast_in_dim3A_386 : vector<16x1xi32> to vector<16xi32>
      %gather3A_388 = tpu.dynamic_gather %min3A_375[%gather3A_387] in [0] : vector<16xi32>, vector<16xi32> -> vector<16xi32>
      %min3A_389 = arith.minsi %min3A_375, %gather3A_388 : vector<16xi32>
      %xor3A_390 = arith.constant 8 : i32
      %xor3A_391 = vector.broadcast %xor3A_390 : i32 to vector<16xi32>
      %xor3A_392 = arith.xori %iota3A, %xor3A_391 : vector<16xi32>
      %lt3A_393 = arith.constant 0 : i32
      %lt3A_394 = vector.broadcast %lt3A_393 : i32 to vector<16xi32>
      %lt3A_395 = arith.cmpi slt, %xor3A_392, %lt3A_394 : vector<16xi32>
      %add3A_396 = arith.constant 16 : i32
      %add3A_397 = vector.broadcast %add3A_396 : i32 to vector<16xi32>
      %add3A_398 = arith.addi %xor3A_392, %add3A_397 : vector<16xi32>
      %select_n3A_399 = arith.select %lt3A_395, %add3A_398, %xor3A_392 : vector<16xi1>, vector<16xi32>
      %broadcast_in_dim3A_400 = vector.shape_cast %select_n3A_399 : vector<16xi32> to vector<16x1xi32>
      %gather3A_401 = vector.shape_cast %broadcast_in_dim3A_400 : vector<16x1xi32> to vector<16xi32>
      %gather3A_402 = tpu.dynamic_gather %min3A_389[%gather3A_401] in [0] : vector<16xi32>, vector<16xi32> -> vector<16xi32>
      %min3A_403 = arith.minsi %min3A_389, %gather3A_402 : vector<16xi32>
      %slice3A_404 = vector.extract_strided_slice %min3A_403 {offsets = [0], sizes = [1], strides = [1]} : vector<16xi32> to vector<1xi32>
      %squeeze3A_405 = vector.extract %slice3A_404[0] : i32 from vector<1xi32>
      %div3A_406 = arith.constant 512 : i32
      %div3A_407 = arith.divsi %squeeze3A_405, %div3A_406 : i32
      %rem3A_408 = arith.constant 512 : i32
      %rem3A_409 = arith.remsi %squeeze3A_405, %rem3A_408 : i32
      %mul3A_410 = arith.constant 512 : i32
      %mul3A_411 = arith.muli %add3A_12, %mul3A_410 : i32
      %add3A_412 = arith.addi %mul3A_411, %div3A_407 : i32
      %dma_start3A_413 = arith.constant 0 : i32
      %dma_start3A_414 = tpu.memref_slice %arg2[%add3A_412, %dma_start3A_413] : memref<65536x512xf32, #tpu.memory_space<hbm>> -> memref<1x512xf32, #tpu.memory_space<hbm>>
      %dma_start3A_415 = tpu.memref_squeeze %dma_start3A_414 : memref<1x512xf32, #tpu.memory_space<hbm>> -> memref<512xf32, #tpu.memory_space<hbm>>
      %dma_start3A_416 = arith.constant 0 : i32
      %dma_start3A_417 = tpu.memref_slice %arg2[%add3A_412, %dma_start3A_416] : memref<65536x512xf32, #tpu.memory_space<hbm>> -> memref<1x512xf32, #tpu.memory_space<hbm>>
      %dma_start3A_418 = tpu.memref_squeeze %dma_start3A_417 : memref<1x512xf32, #tpu.memory_space<hbm>> -> memref<512xf32, #tpu.memory_space<hbm>>
      tpu.enqueue_dma source(%dma_start3A_418 : memref<512xf32, #tpu.memory_space<hbm>>) target(%arg17 : memref<512xf32, #tpu.memory_space<vmem>>) target_semaphore(%arg22 : memref<!tpu.dma_semaphore, #tpu.memory_space<semaphore_mem>>)
      %scan3A_419 = arith.constant 0 : i32
      %scan3A_420 = arith.constant 8 : i32
      %scan3A_421 = arith.addi %scan3A_419, %scan3A_420 : i32
      %scan3A_422 = arith.constant 1 : i32
      %scan3A_423 = scf.for %scan3A_1488 = %scan3A_419 to %scan3A_421 step %scan3A_422 iter_args(%scan3A_1489 = %broadcast_in_dim3A_1) -> (vector<16xf32>)  : i32 {
        %mul3A_1490 = arith.constant 4 : i32
        %mul3A_1491 = arith.muli %scan3A_1488, %mul3A_1490 : i32
        %add3A_1492 = arith.constant 0 : i32
        %add3A_1493 = arith.addi %mul3A_1491, %add3A_1492 : i32
        %mul3A_1494 = arith.constant 16 : i32
        %mul3A_1495 = arith.muli %add3A_1493, %mul3A_1494 : i32
        %get3A_1496 = arith.index_cast %mul3A_1495 : i32 to index
        %get3A_1497 = tpu.vector_load %arg10[%get3A_1496] {strides = array<i32>} : memref<512xf32, #tpu.memory_space<vmem>>, vector<16xf32>,
        %get3A_1498 = vector.shape_cast %get3A_1497 : vector<16xf32> to vector<16xf32>
        %max3A_1499 = arith.maximumf %scan3A_1489, %get3A_1498 : vector<16xf32>
        %mul3A_1500 = arith.constant 4 : i32
        %mul3A_1501 = arith.muli %scan3A_1488, %mul3A_1500 : i32
        %add3A_1502 = arith.constant 1 : i32
        %add3A_1503 = arith.addi %mul3A_1501, %add3A_1502 : i32
        %mul3A_1504 = arith.constant 16 : i32
        %mul3A_1505 = arith.muli %add3A_1503, %mul3A_1504 : i32
        %get3A_1506 = arith.index_cast %mul3A_1505 : i32 to index
        %get3A_1507 = tpu.vector_load %arg10[%get3A_1506] {strides = array<i32>} : memref<512xf32, #tpu.memory_space<vmem>>, vector<16xf32>,
        %get3A_1508 = vector.shape_cast %get3A_1507 : vector<16xf32> to vector<16xf32>
        %max3A_1509 = arith.maximumf %max3A_1499, %get3A_1508 : vector<16xf32>
        %mul3A_1510 = arith.constant 4 : i32
        %mul3A_1511 = arith.muli %scan3A_1488, %mul3A_1510 : i32
        %add3A_1512 = arith.constant 2 : i32
        %add3A_1513 = arith.addi %mul3A_1511, %add3A_1512 : i32
        %mul3A_1514 = arith.constant 16 : i32
        %mul3A_1515 = arith.muli %add3A_1513, %mul3A_1514 : i32
        %get3A_1516 = arith.index_cast %mul3A_1515 : i32 to index
        %get3A_1517 = tpu.vector_load %arg10[%get3A_1516] {strides = array<i32>} : memref<512xf32, #tpu.memory_space<vmem>>, vector<16xf32>,
        %get3A_1518 = vector.shape_cast %get3A_1517 : vector<16xf32> to vector<16xf32>
        %max3A_1519 = arith.maximumf %max3A_1509, %get3A_1518 : vector<16xf32>
        %mul3A_1520 = arith.constant 4 : i32
        %mul3A_1521 = arith.muli %scan3A_1488, %mul3A_1520 : i32
        %add3A_1522 = arith.constant 3 : i32
        %add3A_1523 = arith.addi %mul3A_1521, %add3A_1522 : i32
        %mul3A_1524 = arith.constant 16 : i32
        %mul3A_1525 = arith.muli %add3A_1523, %mul3A_1524 : i32
        %get3A_1526 = arith.index_cast %mul3A_1525 : i32 to index
        %get3A_1527 = tpu.vector_load %arg10[%get3A_1526] {strides = array<i32>} : memref<512xf32, #tpu.memory_space<vmem>>, vector<16xf32>,
        %get3A_1528 = vector.shape_cast %get3A_1527 : vector<16xf32> to vector<16xf32>
        %max3A_1529 = arith.maximumf %max3A_1519, %get3A_1528 : vector<16xf32>
        scf.yield %max3A_1529 : vector<16xf32>
      }
      %scan3A_424 = arith.constant 8 : i32
      %xor3A_425 = arith.constant 1 : i32
      %xor3A_426 = vector.broadcast %xor3A_425 : i32 to vector<16xi32>
      %xor3A_427 = arith.xori %iota3A, %xor3A_426 : vector<16xi32>
      %lt3A_428 = arith.constant 0 : i32
      %lt3A_429 = vector.broadcast %lt3A_428 : i32 to vector<16xi32>
      %lt3A_430 = arith.cmpi slt, %xor3A_427, %lt3A_429 : vector<16xi32>
      %add3A_431 = arith.constant 16 : i32
      %add3A_432 = vector.broadcast %add3A_431 : i32 to vector<16xi32>
      %add3A_433 = arith.addi %xor3A_427, %add3A_432 : vector<16xi32>
      %select_n3A_434 = arith.select %lt3A_430, %add3A_433, %xor3A_427 : vector<16xi1>, vector<16xi32>
      %broadcast_in_dim3A_435 = vector.shape_cast %select_n3A_434 : vector<16xi32> to vector<16x1xi32>
      %gather3A_436 = vector.shape_cast %broadcast_in_dim3A_435 : vector<16x1xi32> to vector<16xi32>
      %gather3A_437 = tpu.dynamic_gather %scan3A_423[%gather3A_436] in [0] : vector<16xf32>, vector<16xi32> -> vector<16xf32>
      %max3A_438 = arith.maximumf %scan3A_423, %gather3A_437 : vector<16xf32>
      %xor3A_439 = arith.constant 2 : i32
      %xor3A_440 = vector.broadcast %xor3A_439 : i32 to vector<16xi32>
      %xor3A_441 = arith.xori %iota3A, %xor3A_440 : vector<16xi32>
      %lt3A_442 = arith.constant 0 : i32
      %lt3A_443 = vector.broadcast %lt3A_442 : i32 to vector<16xi32>
      %lt3A_444 = arith.cmpi slt, %xor3A_441, %lt3A_443 : vector<16xi32>
      %add3A_445 = arith.constant 16 : i32
      %add3A_446 = vector.broadcast %add3A_445 : i32 to vector<16xi32>
      %add3A_447 = arith.addi %xor3A_441, %add3A_446 : vector<16xi32>
      %select_n3A_448 = arith.select %lt3A_444, %add3A_447, %xor3A_441 : vector<16xi1>, vector<16xi32>
      %broadcast_in_dim3A_449 = vector.shape_cast %select_n3A_448 : vector<16xi32> to vector<16x1xi32>
      %gather3A_450 = vector.shape_cast %broadcast_in_dim3A_449 : vector<16x1xi32> to vector<16xi32>
      %gather3A_451 = tpu.dynamic_gather %max3A_438[%gather3A_450] in [0] : vector<16xf32>, vector<16xi32> -> vector<16xf32>
      %max3A_452 = arith.maximumf %max3A_438, %gather3A_451 : vector<16xf32>
      %xor3A_453 = arith.constant 4 : i32
      %xor3A_454 = vector.broadcast %xor3A_453 : i32 to vector<16xi32>
      %xor3A_455 = arith.xori %iota3A, %xor3A_454 : vector<16xi32>
      %lt3A_456 = arith.constant 0 : i32
      %lt3A_457 = vector.broadcast %lt3A_456 : i32 to vector<16xi32>
      %lt3A_458 = arith.cmpi slt, %xor3A_455, %lt3A_457 : vector<16xi32>
      %add3A_459 = arith.constant 16 : i32
      %add3A_460 = vector.broadcast %add3A_459 : i32 to vector<16xi32>
      %add3A_461 = arith.addi %xor3A_455, %add3A_460 : vector<16xi32>
      %select_n3A_462 = arith.select %lt3A_458, %add3A_461, %xor3A_455 : vector<16xi1>, vector<16xi32>
      %broadcast_in_dim3A_463 = vector.shape_cast %select_n3A_462 : vector<16xi32> to vector<16x1xi32>
      %gather3A_464 = vector.shape_cast %broadcast_in_dim3A_463 : vector<16x1xi32> to vector<16xi32>
      %gather3A_465 = tpu.dynamic_gather %max3A_452[%gather3A_464] in [0] : vector<16xf32>, vector<16xi32> -> vector<16xf32>
      %max3A_466 = arith.maximumf %max3A_452, %gather3A_465 : vector<16xf32>
      %xor3A_467 = arith.constant 8 : i32
      %xor3A_468 = vector.broadcast %xor3A_467 : i32 to vector<16xi32>
      %xor3A_469 = arith.xori %iota3A, %xor3A_468 : vector<16xi32>
      %lt3A_470 = arith.constant 0 : i32
      %lt3A_471 = vector.broadcast %lt3A_470 : i32 to vector<16xi32>
      %lt3A_472 = arith.cmpi slt, %xor3A_469, %lt3A_471 : vector<16xi32>
      %add3A_473 = arith.constant 16 : i32
      %add3A_474 = vector.broadcast %add3A_473 : i32 to vector<16xi32>
      %add3A_475 = arith.addi %xor3A_469, %add3A_474 : vector<16xi32>
      %select_n3A_476 = arith.select %lt3A_472, %add3A_475, %xor3A_469 : vector<16xi1>, vector<16xi32>
      %broadcast_in_dim3A_477 = vector.shape_cast %select_n3A_476 : vector<16xi32> to vector<16x1xi32>
      %gather3A_478 = vector.shape_cast %broadcast_in_dim3A_477 : vector<16x1xi32> to vector<16xi32>
      %gather3A_479 = tpu.dynamic_gather %max3A_466[%gather3A_478] in [0] : vector<16xf32>, vector<16xi32> -> vector<16xf32>
      %max3A_480 = arith.maximumf %max3A_466, %gather3A_479 : vector<16xf32>
      %slice3A_481 = vector.extract_strided_slice %max3A_480 {offsets = [0], sizes = [1], strides = [1]} : vector<16xf32> to vector<1xf32>
      %squeeze3A_482 = vector.extract %slice3A_481[0] : f32 from vector<1xf32>
      %scan3A_483 = arith.constant 0 : i32
      %scan3A_484 = arith.constant 8 : i32
      %scan3A_485 = arith.addi %scan3A_483, %scan3A_484 : i32
      %scan3A_486 = arith.constant 1 : i32
      %scan3A_487 = scf.for %scan3A_1488 = %scan3A_483 to %scan3A_485 step %scan3A_486 iter_args(%scan3A_1489 = %broadcast_in_dim3A_3) -> (vector<16xi32>)  : i32 {
        %mul3A_1490 = arith.constant 4 : i32
        %mul3A_1491 = arith.muli %scan3A_1488, %mul3A_1490 : i32
        %add3A_1492 = arith.constant 0 : i32
        %add3A_1493 = arith.addi %mul3A_1491, %add3A_1492 : i32
        %mul3A_1494 = arith.constant 16 : i32
        %mul3A_1495 = arith.muli %add3A_1493, %mul3A_1494 : i32
        %get3A_1496 = arith.index_cast %mul3A_1495 : i32 to index
        %get3A_1497 = tpu.vector_load %arg10[%get3A_1496] {strides = array<i32>} : memref<512xf32, #tpu.memory_space<vmem>>, vector<16xf32>,
        %get3A_1498 = vector.shape_cast %get3A_1497 : vector<16xf32> to vector<16xf32>
        %eq3A_1499 = vector.broadcast %squeeze3A_482 : f32 to vector<16xf32>
        %eq3A_1500 = arith.cmpf oeq, %get3A_1498, %eq3A_1499 : vector<16xf32>
        %mul3A_1501 = arith.constant 16 : i32
        %mul3A_1502 = arith.muli %add3A_1493, %mul3A_1501 : i32
        %get3A_1503 = arith.index_cast %mul3A_1502 : i32 to index
        %get3A_1504 = tpu.vector_load %arg14[%get3A_1503] {strides = array<i32>} : memref<512xi32, #tpu.memory_space<vmem>>, vector<16xi32>,
        %get3A_1505 = vector.shape_cast %get3A_1504 : vector<16xi32> to vector<16xi32>
        %jit3A = arith.constant 16777216 : i32
        %broadcast_in_dim3A_1506 = vector.broadcast %jit3A : i32 to vector<16xi32>
        %select_n3A_1507 = arith.select %eq3A_1500, %get3A_1505, %broadcast_in_dim3A_1506 : vector<16xi1>, vector<16xi32>
        %min3A_1508 = arith.minsi %scan3A_1489, %select_n3A_1507 : vector<16xi32>
        %mul3A_1509 = arith.constant 4 : i32
        %mul3A_1510 = arith.muli %scan3A_1488, %mul3A_1509 : i32
        %add3A_1511 = arith.constant 1 : i32
        %add3A_1512 = arith.addi %mul3A_1510, %add3A_1511 : i32
        %mul3A_1513 = arith.constant 16 : i32
        %mul3A_1514 = arith.muli %add3A_1512, %mul3A_1513 : i32
        %get3A_1515 = arith.index_cast %mul3A_1514 : i32 to index
        %get3A_1516 = tpu.vector_load %arg10[%get3A_1515] {strides = array<i32>} : memref<512xf32, #tpu.memory_space<vmem>>, vector<16xf32>,
        %get3A_1517 = vector.shape_cast %get3A_1516 : vector<16xf32> to vector<16xf32>
        %eq3A_1518 = vector.broadcast %squeeze3A_482 : f32 to vector<16xf32>
        %eq3A_1519 = arith.cmpf oeq, %get3A_1517, %eq3A_1518 : vector<16xf32>
        %mul3A_1520 = arith.constant 16 : i32
        %mul3A_1521 = arith.muli %add3A_1512, %mul3A_1520 : i32
        %get3A_1522 = arith.index_cast %mul3A_1521 : i32 to index
        %get3A_1523 = tpu.vector_load %arg14[%get3A_1522] {strides = array<i32>} : memref<512xi32, #tpu.memory_space<vmem>>, vector<16xi32>,
        %get3A_1524 = vector.shape_cast %get3A_1523 : vector<16xi32> to vector<16xi32>
        %jit3A_1525 = arith.constant 16777216 : i32
        %broadcast_in_dim3A_1526 = vector.broadcast %jit3A_1525 : i32 to vector<16xi32>
        %select_n3A_1527 = arith.select %eq3A_1519, %get3A_1524, %broadcast_in_dim3A_1526 : vector<16xi1>, vector<16xi32>
        %min3A_1528 = arith.minsi %min3A_1508, %select_n3A_1527 : vector<16xi32>
        %mul3A_1529 = arith.constant 4 : i32
        %mul3A_1530 = arith.muli %scan3A_1488, %mul3A_1529 : i32
        %add3A_1531 = arith.constant 2 : i32
        %add3A_1532 = arith.addi %mul3A_1530, %add3A_1531 : i32
        %mul3A_1533 = arith.constant 16 : i32
        %mul3A_1534 = arith.muli %add3A_1532, %mul3A_1533 : i32
        %get3A_1535 = arith.index_cast %mul3A_1534 : i32 to index
        %get3A_1536 = tpu.vector_load %arg10[%get3A_1535] {strides = array<i32>} : memref<512xf32, #tpu.memory_space<vmem>>, vector<16xf32>,
        %get3A_1537 = vector.shape_cast %get3A_1536 : vector<16xf32> to vector<16xf32>
        %eq3A_1538 = vector.broadcast %squeeze3A_482 : f32 to vector<16xf32>
        %eq3A_1539 = arith.cmpf oeq, %get3A_1537, %eq3A_1538 : vector<16xf32>
        %mul3A_1540 = arith.constant 16 : i32
        %mul3A_1541 = arith.muli %add3A_1532, %mul3A_1540 : i32
        %get3A_1542 = arith.index_cast %mul3A_1541 : i32 to index
        %get3A_1543 = tpu.vector_load %arg14[%get3A_1542] {strides = array<i32>} : memref<512xi32, #tpu.memory_space<vmem>>, vector<16xi32>,
        %get3A_1544 = vector.shape_cast %get3A_1543 : vector<16xi32> to vector<16xi32>
        %jit3A_1545 = arith.constant 16777216 : i32
        %broadcast_in_dim3A_1546 = vector.broadcast %jit3A_1545 : i32 to vector<16xi32>
        %select_n3A_1547 = arith.select %eq3A_1539, %get3A_1544, %broadcast_in_dim3A_1546 : vector<16xi1>, vector<16xi32>
        %min3A_1548 = arith.minsi %min3A_1528, %select_n3A_1547 : vector<16xi32>
        %mul3A_1549 = arith.constant 4 : i32
        %mul3A_1550 = arith.muli %scan3A_1488, %mul3A_1549 : i32
        %add3A_1551 = arith.constant 3 : i32
        %add3A_1552 = arith.addi %mul3A_1550, %add3A_1551 : i32
        %mul3A_1553 = arith.constant 16 : i32
        %mul3A_1554 = arith.muli %add3A_1552, %mul3A_1553 : i32
        %get3A_1555 = arith.index_cast %mul3A_1554 : i32 to index
        %get3A_1556 = tpu.vector_load %arg10[%get3A_1555] {strides = array<i32>} : memref<512xf32, #tpu.memory_space<vmem>>, vector<16xf32>,
        %get3A_1557 = vector.shape_cast %get3A_1556 : vector<16xf32> to vector<16xf32>
        %eq3A_1558 = vector.broadcast %squeeze3A_482 : f32 to vector<16xf32>
        %eq3A_1559 = arith.cmpf oeq, %get3A_1557, %eq3A_1558 : vector<16xf32>
        %mul3A_1560 = arith.constant 16 : i32
        %mul3A_1561 = arith.muli %add3A_1552, %mul3A_1560 : i32
        %get3A_1562 = arith.index_cast %mul3A_1561 : i32 to index
        %get3A_1563 = tpu.vector_load %arg14[%get3A_1562] {strides = array<i32>} : memref<512xi32, #tpu.memory_space<vmem>>, vector<16xi32>,
        %get3A_1564 = vector.shape_cast %get3A_1563 : vector<16xi32> to vector<16xi32>
        %jit3A_1565 = arith.constant 16777216 : i32
        %broadcast_in_dim3A_1566 = vector.broadcast %jit3A_1565 : i32 to vector<16xi32>
        %select_n3A_1567 = arith.select %eq3A_1559, %get3A_1564, %broadcast_in_dim3A_1566 : vector<16xi1>, vector<16xi32>
        %min3A_1568 = arith.minsi %min3A_1548, %select_n3A_1567 : vector<16xi32>
        scf.yield %min3A_1568 : vector<16xi32>
      }
      %scan3A_488 = arith.constant 8 : i32
      %xor3A_489 = arith.constant 1 : i32
      %xor3A_490 = vector.broadcast %xor3A_489 : i32 to vector<16xi32>
      %xor3A_491 = arith.xori %iota3A, %xor3A_490 : vector<16xi32>
      %lt3A_492 = arith.constant 0 : i32
      %lt3A_493 = vector.broadcast %lt3A_492 : i32 to vector<16xi32>
      %lt3A_494 = arith.cmpi slt, %xor3A_491, %lt3A_493 : vector<16xi32>
      %add3A_495 = arith.constant 16 : i32
      %add3A_496 = vector.broadcast %add3A_495 : i32 to vector<16xi32>
      %add3A_497 = arith.addi %xor3A_491, %add3A_496 : vector<16xi32>
      %select_n3A_498 = arith.select %lt3A_494, %add3A_497, %xor3A_491 : vector<16xi1>, vector<16xi32>
      %broadcast_in_dim3A_499 = vector.shape_cast %select_n3A_498 : vector<16xi32> to vector<16x1xi32>
      %gather3A_500 = vector.shape_cast %broadcast_in_dim3A_499 : vector<16x1xi32> to vector<16xi32>
      %gather3A_501 = tpu.dynamic_gather %scan3A_487[%gather3A_500] in [0] : vector<16xi32>, vector<16xi32> -> vector<16xi32>
      %min3A_502 = arith.minsi %scan3A_487, %gather3A_501 : vector<16xi32>
      %xor3A_503 = arith.constant 2 : i32
      %xor3A_504 = vector.broadcast %xor3A_503 : i32 to vector<16xi32>
      %xor3A_505 = arith.xori %iota3A, %xor3A_504 : vector<16xi32>
      %lt3A_506 = arith.constant 0 : i32
      %lt3A_507 = vector.broadcast %lt3A_506 : i32 to vector<16xi32>
      %lt3A_508 = arith.cmpi slt, %xor3A_505, %lt3A_507 : vector<16xi32>
      %add3A_509 = arith.constant 16 : i32
      %add3A_510 = vector.broadcast %add3A_509 : i32 to vector<16xi32>
      %add3A_511 = arith.addi %xor3A_505, %add3A_510 : vector<16xi32>
      %select_n3A_512 = arith.select %lt3A_508, %add3A_511, %xor3A_505 : vector<16xi1>, vector<16xi32>
      %broadcast_in_dim3A_513 = vector.shape_cast %select_n3A_512 : vector<16xi32> to vector<16x1xi32>
      %gather3A_514 = vector.shape_cast %broadcast_in_dim3A_513 : vector<16x1xi32> to vector<16xi32>
      %gather3A_515 = tpu.dynamic_gather %min3A_502[%gather3A_514] in [0] : vector<16xi32>, vector<16xi32> -> vector<16xi32>
      %min3A_516 = arith.minsi %min3A_502, %gather3A_515 : vector<16xi32>
      %xor3A_517 = arith.constant 4 : i32
      %xor3A_518 = vector.broadcast %xor3A_517 : i32 to vector<16xi32>
      %xor3A_519 = arith.xori %iota3A, %xor3A_518 : vector<16xi32>
      %lt3A_520 = arith.constant 0 : i32
      %lt3A_521 = vector.broadcast %lt3A_520 : i32 to vector<16xi32>
      %lt3A_522 = arith.cmpi slt, %xor3A_519, %lt3A_521 : vector<16xi32>
      %add3A_523 = arith.constant 16 : i32
      %add3A_524 = vector.broadcast %add3A_523 : i32 to vector<16xi32>
      %add3A_525 = arith.addi %xor3A_519, %add3A_524 : vector<16xi32>
      %select_n3A_526 = arith.select %lt3A_522, %add3A_525, %xor3A_519 : vector<16xi1>, vector<16xi32>
      %broadcast_in_dim3A_527 = vector.shape_cast %select_n3A_526 : vector<16xi32> to vector<16x1xi32>
      %gather3A_528 = vector.shape_cast %broadcast_in_dim3A_527 : vector<16x1xi32> to vector<16xi32>
      %gather3A_529 = tpu.dynamic_gather %min3A_516[%gather3A_528] in [0] : vector<16xi32>, vector<16xi32> -> vector<16xi32>
      %min3A_530 = arith.minsi %min3A_516, %gather3A_529 : vector<16xi32>
      %xor3A_531 = arith.constant 8 : i32
      %xor3A_532 = vector.broadcast %xor3A_531 : i32 to vector<16xi32>
      %xor3A_533 = arith.xori %iota3A, %xor3A_532 : vector<16xi32>
      %lt3A_534 = arith.constant 0 : i32
      %lt3A_535 = vector.broadcast %lt3A_534 : i32 to vector<16xi32>
      %lt3A_536 = arith.cmpi slt, %xor3A_533, %lt3A_535 : vector<16xi32>
      %add3A_537 = arith.constant 16 : i32
      %add3A_538 = vector.broadcast %add3A_537 : i32 to vector<16xi32>
      %add3A_539 = arith.addi %xor3A_533, %add3A_538 : vector<16xi32>
      %select_n3A_540 = arith.select %lt3A_536, %add3A_539, %xor3A_533 : vector<16xi1>, vector<16xi32>
      %broadcast_in_dim3A_541 = vector.shape_cast %select_n3A_540 : vector<16xi32> to vector<16x1xi32>
      %gather3A_542 = vector.shape_cast %broadcast_in_dim3A_541 : vector<16x1xi32> to vector<16xi32>
      %gather3A_543 = tpu.dynamic_gather %min3A_530[%gather3A_542] in [0] : vector<16xi32>, vector<16xi32> -> vector<16xi32>
      %min3A_544 = arith.minsi %min3A_530, %gather3A_543 : vector<16xi32>
      %slice3A_545 = vector.extract_strided_slice %min3A_544 {offsets = [0], sizes = [1], strides = [1]} : vector<16xi32> to vector<1xi32>
      %squeeze3A_546 = vector.extract %slice3A_545[0] : i32 from vector<1xi32>
      %div3A_547 = arith.constant 512 : i32
      %div3A_548 = arith.divsi %squeeze3A_546, %div3A_547 : i32
      %rem3A_549 = arith.constant 512 : i32
      %rem3A_550 = arith.remsi %squeeze3A_546, %rem3A_549 : i32
      %mul3A_551 = arith.constant 512 : i32
      %mul3A_552 = arith.muli %add3A_16, %mul3A_551 : i32
      %add3A_553 = arith.addi %mul3A_552, %div3A_548 : i32
      %dma_start3A_554 = arith.constant 0 : i32
      %dma_start3A_555 = tpu.memref_slice %arg2[%add3A_553, %dma_start3A_554] : memref<65536x512xf32, #tpu.memory_space<hbm>> -> memref<1x512xf32, #tpu.memory_space<hbm>>
      %dma_start3A_556 = tpu.memref_squeeze %dma_start3A_555 : memref<1x512xf32, #tpu.memory_space<hbm>> -> memref<512xf32, #tpu.memory_space<hbm>>
      %dma_start3A_557 = arith.constant 0 : i32
      %dma_start3A_558 = tpu.memref_slice %arg2[%add3A_553, %dma_start3A_557] : memref<65536x512xf32, #tpu.memory_space<hbm>> -> memref<1x512xf32, #tpu.memory_space<hbm>>
      %dma_start3A_559 = tpu.memref_squeeze %dma_start3A_558 : memref<1x512xf32, #tpu.memory_space<hbm>> -> memref<512xf32, #tpu.memory_space<hbm>>
      tpu.enqueue_dma source(%dma_start3A_559 : memref<512xf32, #tpu.memory_space<hbm>>) target(%arg18 : memref<512xf32, #tpu.memory_space<vmem>>) target_semaphore(%arg23 : memref<!tpu.dma_semaphore, #tpu.memory_space<semaphore_mem>>)
      %scan3A_560 = arith.constant 0 : i32
      %scan3A_561 = arith.constant 8 : i32
      %scan3A_562 = arith.addi %scan3A_560, %scan3A_561 : i32
      %scan3A_563 = arith.constant 1 : i32
      %scan3A_564 = scf.for %scan3A_1488 = %scan3A_560 to %scan3A_562 step %scan3A_563 iter_args(%scan3A_1489 = %broadcast_in_dim3A_1) -> (vector<16xf32>)  : i32 {
        %mul3A_1490 = arith.constant 4 : i32
        %mul3A_1491 = arith.muli %scan3A_1488, %mul3A_1490 : i32
        %add3A_1492 = arith.constant 0 : i32
        %add3A_1493 = arith.addi %mul3A_1491, %add3A_1492 : i32
        %mul3A_1494 = arith.constant 16 : i32
        %mul3A_1495 = arith.muli %add3A_1493, %mul3A_1494 : i32
        %get3A_1496 = arith.index_cast %mul3A_1495 : i32 to index
        %get3A_1497 = tpu.vector_load %arg11[%get3A_1496] {strides = array<i32>} : memref<512xf32, #tpu.memory_space<vmem>>, vector<16xf32>,
        %get3A_1498 = vector.shape_cast %get3A_1497 : vector<16xf32> to vector<16xf32>
        %max3A_1499 = arith.maximumf %scan3A_1489, %get3A_1498 : vector<16xf32>
        %mul3A_1500 = arith.constant 4 : i32
        %mul3A_1501 = arith.muli %scan3A_1488, %mul3A_1500 : i32
        %add3A_1502 = arith.constant 1 : i32
        %add3A_1503 = arith.addi %mul3A_1501, %add3A_1502 : i32
        %mul3A_1504 = arith.constant 16 : i32
        %mul3A_1505 = arith.muli %add3A_1503, %mul3A_1504 : i32
        %get3A_1506 = arith.index_cast %mul3A_1505 : i32 to index
        %get3A_1507 = tpu.vector_load %arg11[%get3A_1506] {strides = array<i32>} : memref<512xf32, #tpu.memory_space<vmem>>, vector<16xf32>,
        %get3A_1508 = vector.shape_cast %get3A_1507 : vector<16xf32> to vector<16xf32>
        %max3A_1509 = arith.maximumf %max3A_1499, %get3A_1508 : vector<16xf32>
        %mul3A_1510 = arith.constant 4 : i32
        %mul3A_1511 = arith.muli %scan3A_1488, %mul3A_1510 : i32
        %add3A_1512 = arith.constant 2 : i32
        %add3A_1513 = arith.addi %mul3A_1511, %add3A_1512 : i32
        %mul3A_1514 = arith.constant 16 : i32
        %mul3A_1515 = arith.muli %add3A_1513, %mul3A_1514 : i32
        %get3A_1516 = arith.index_cast %mul3A_1515 : i32 to index
        %get3A_1517 = tpu.vector_load %arg11[%get3A_1516] {strides = array<i32>} : memref<512xf32, #tpu.memory_space<vmem>>, vector<16xf32>,
        %get3A_1518 = vector.shape_cast %get3A_1517 : vector<16xf32> to vector<16xf32>
        %max3A_1519 = arith.maximumf %max3A_1509, %get3A_1518 : vector<16xf32>
        %mul3A_1520 = arith.constant 4 : i32
        %mul3A_1521 = arith.muli %scan3A_1488, %mul3A_1520 : i32
        %add3A_1522 = arith.constant 3 : i32
        %add3A_1523 = arith.addi %mul3A_1521, %add3A_1522 : i32
        %mul3A_1524 = arith.constant 16 : i32
        %mul3A_1525 = arith.muli %add3A_1523, %mul3A_1524 : i32
        %get3A_1526 = arith.index_cast %mul3A_1525 : i32 to index
        %get3A_1527 = tpu.vector_load %arg11[%get3A_1526] {strides = array<i32>} : memref<512xf32, #tpu.memory_space<vmem>>, vector<16xf32>,
        %get3A_1528 = vector.shape_cast %get3A_1527 : vector<16xf32> to vector<16xf32>
        %max3A_1529 = arith.maximumf %max3A_1519, %get3A_1528 : vector<16xf32>
        scf.yield %max3A_1529 : vector<16xf32>
      }
      %scan3A_565 = arith.constant 8 : i32
      %xor3A_566 = arith.constant 1 : i32
      %xor3A_567 = vector.broadcast %xor3A_566 : i32 to vector<16xi32>
      %xor3A_568 = arith.xori %iota3A, %xor3A_567 : vector<16xi32>
      %lt3A_569 = arith.constant 0 : i32
      %lt3A_570 = vector.broadcast %lt3A_569 : i32 to vector<16xi32>
      %lt3A_571 = arith.cmpi slt, %xor3A_568, %lt3A_570 : vector<16xi32>
      %add3A_572 = arith.constant 16 : i32
      %add3A_573 = vector.broadcast %add3A_572 : i32 to vector<16xi32>
      %add3A_574 = arith.addi %xor3A_568, %add3A_573 : vector<16xi32>
      %select_n3A_575 = arith.select %lt3A_571, %add3A_574, %xor3A_568 : vector<16xi1>, vector<16xi32>
      %broadcast_in_dim3A_576 = vector.shape_cast %select_n3A_575 : vector<16xi32> to vector<16x1xi32>
      %gather3A_577 = vector.shape_cast %broadcast_in_dim3A_576 : vector<16x1xi32> to vector<16xi32>
      %gather3A_578 = tpu.dynamic_gather %scan3A_564[%gather3A_577] in [0] : vector<16xf32>, vector<16xi32> -> vector<16xf32>
      %max3A_579 = arith.maximumf %scan3A_564, %gather3A_578 : vector<16xf32>
      %xor3A_580 = arith.constant 2 : i32
      %xor3A_581 = vector.broadcast %xor3A_580 : i32 to vector<16xi32>
      %xor3A_582 = arith.xori %iota3A, %xor3A_581 : vector<16xi32>
      %lt3A_583 = arith.constant 0 : i32
      %lt3A_584 = vector.broadcast %lt3A_583 : i32 to vector<16xi32>
      %lt3A_585 = arith.cmpi slt, %xor3A_582, %lt3A_584 : vector<16xi32>
      %add3A_586 = arith.constant 16 : i32
      %add3A_587 = vector.broadcast %add3A_586 : i32 to vector<16xi32>
      %add3A_588 = arith.addi %xor3A_582, %add3A_587 : vector<16xi32>
      %select_n3A_589 = arith.select %lt3A_585, %add3A_588, %xor3A_582 : vector<16xi1>, vector<16xi32>
      %broadcast_in_dim3A_590 = vector.shape_cast %select_n3A_589 : vector<16xi32> to vector<16x1xi32>
      %gather3A_591 = vector.shape_cast %broadcast_in_dim3A_590 : vector<16x1xi32> to vector<16xi32>
      %gather3A_592 = tpu.dynamic_gather %max3A_579[%gather3A_591] in [0] : vector<16xf32>, vector<16xi32> -> vector<16xf32>
      %max3A_593 = arith.maximumf %max3A_579, %gather3A_592 : vector<16xf32>
      %xor3A_594 = arith.constant 4 : i32
      %xor3A_595 = vector.broadcast %xor3A_594 : i32 to vector<16xi32>
      %xor3A_596 = arith.xori %iota3A, %xor3A_595 : vector<16xi32>
      %lt3A_597 = arith.constant 0 : i32
      %lt3A_598 = vector.broadcast %lt3A_597 : i32 to vector<16xi32>
      %lt3A_599 = arith.cmpi slt, %xor3A_596, %lt3A_598 : vector<16xi32>
      %add3A_600 = arith.constant 16 : i32
      %add3A_601 = vector.broadcast %add3A_600 : i32 to vector<16xi32>
      %add3A_602 = arith.addi %xor3A_596, %add3A_601 : vector<16xi32>
      %select_n3A_603 = arith.select %lt3A_599, %add3A_602, %xor3A_596 : vector<16xi1>, vector<16xi32>
      %broadcast_in_dim3A_604 = vector.shape_cast %select_n3A_603 : vector<16xi32> to vector<16x1xi32>
      %gather3A_605 = vector.shape_cast %broadcast_in_dim3A_604 : vector<16x1xi32> to vector<16xi32>
      %gather3A_606 = tpu.dynamic_gather %max3A_593[%gather3A_605] in [0] : vector<16xf32>, vector<16xi32> -> vector<16xf32>
      %max3A_607 = arith.maximumf %max3A_593, %gather3A_606 : vector<16xf32>
      %xor3A_608 = arith.constant 8 : i32
      %xor3A_609 = vector.broadcast %xor3A_608 : i32 to vector<16xi32>
      %xor3A_610 = arith.xori %iota3A, %xor3A_609 : vector<16xi32>
      %lt3A_611 = arith.constant 0 : i32
      %lt3A_612 = vector.broadcast %lt3A_611 : i32 to vector<16xi32>
      %lt3A_613 = arith.cmpi slt, %xor3A_610, %lt3A_612 : vector<16xi32>
      %add3A_614 = arith.constant 16 : i32
      %add3A_615 = vector.broadcast %add3A_614 : i32 to vector<16xi32>
      %add3A_616 = arith.addi %xor3A_610, %add3A_615 : vector<16xi32>
      %select_n3A_617 = arith.select %lt3A_613, %add3A_616, %xor3A_610 : vector<16xi1>, vector<16xi32>
      %broadcast_in_dim3A_618 = vector.shape_cast %select_n3A_617 : vector<16xi32> to vector<16x1xi32>
      %gather3A_619 = vector.shape_cast %broadcast_in_dim3A_618 : vector<16x1xi32> to vector<16xi32>
      %gather3A_620 = tpu.dynamic_gather %max3A_607[%gather3A_619] in [0] : vector<16xf32>, vector<16xi32> -> vector<16xf32>
      %max3A_621 = arith.maximumf %max3A_607, %gather3A_620 : vector<16xf32>
      %slice3A_622 = vector.extract_strided_slice %max3A_621 {offsets = [0], sizes = [1], strides = [1]} : vector<16xf32> to vector<1xf32>
      %squeeze3A_623 = vector.extract %slice3A_622[0] : f32 from vector<1xf32>
      %scan3A_624 = arith.constant 0 : i32
      %scan3A_625 = arith.constant 8 : i32
      %scan3A_626 = arith.addi %scan3A_624, %scan3A_625 : i32
      %scan3A_627 = arith.constant 1 : i32
      %scan3A_628 = scf.for %scan3A_1488 = %scan3A_624 to %scan3A_626 step %scan3A_627 iter_args(%scan3A_1489 = %broadcast_in_dim3A_3) -> (vector<16xi32>)  : i32 {
        %mul3A_1490 = arith.constant 4 : i32
        %mul3A_1491 = arith.muli %scan3A_1488, %mul3A_1490 : i32
        %add3A_1492 = arith.constant 0 : i32
        %add3A_1493 = arith.addi %mul3A_1491, %add3A_1492 : i32
        %mul3A_1494 = arith.constant 16 : i32
        %mul3A_1495 = arith.muli %add3A_1493, %mul3A_1494 : i32
        %get3A_1496 = arith.index_cast %mul3A_1495 : i32 to index
        %get3A_1497 = tpu.vector_load %arg11[%get3A_1496] {strides = array<i32>} : memref<512xf32, #tpu.memory_space<vmem>>, vector<16xf32>,
        %get3A_1498 = vector.shape_cast %get3A_1497 : vector<16xf32> to vector<16xf32>
        %eq3A_1499 = vector.broadcast %squeeze3A_623 : f32 to vector<16xf32>
        %eq3A_1500 = arith.cmpf oeq, %get3A_1498, %eq3A_1499 : vector<16xf32>
        %mul3A_1501 = arith.constant 16 : i32
        %mul3A_1502 = arith.muli %add3A_1493, %mul3A_1501 : i32
        %get3A_1503 = arith.index_cast %mul3A_1502 : i32 to index
        %get3A_1504 = tpu.vector_load %arg15[%get3A_1503] {strides = array<i32>} : memref<512xi32, #tpu.memory_space<vmem>>, vector<16xi32>,
        %get3A_1505 = vector.shape_cast %get3A_1504 : vector<16xi32> to vector<16xi32>
        %jit3A = arith.constant 16777216 : i32
        %broadcast_in_dim3A_1506 = vector.broadcast %jit3A : i32 to vector<16xi32>
        %select_n3A_1507 = arith.select %eq3A_1500, %get3A_1505, %broadcast_in_dim3A_1506 : vector<16xi1>, vector<16xi32>
        %min3A_1508 = arith.minsi %scan3A_1489, %select_n3A_1507 : vector<16xi32>
        %mul3A_1509 = arith.constant 4 : i32
        %mul3A_1510 = arith.muli %scan3A_1488, %mul3A_1509 : i32
        %add3A_1511 = arith.constant 1 : i32
        %add3A_1512 = arith.addi %mul3A_1510, %add3A_1511 : i32
        %mul3A_1513 = arith.constant 16 : i32
        %mul3A_1514 = arith.muli %add3A_1512, %mul3A_1513 : i32
        %get3A_1515 = arith.index_cast %mul3A_1514 : i32 to index
        %get3A_1516 = tpu.vector_load %arg11[%get3A_1515] {strides = array<i32>} : memref<512xf32, #tpu.memory_space<vmem>>, vector<16xf32>,
        %get3A_1517 = vector.shape_cast %get3A_1516 : vector<16xf32> to vector<16xf32>
        %eq3A_1518 = vector.broadcast %squeeze3A_623 : f32 to vector<16xf32>
        %eq3A_1519 = arith.cmpf oeq, %get3A_1517, %eq3A_1518 : vector<16xf32>
        %mul3A_1520 = arith.constant 16 : i32
        %mul3A_1521 = arith.muli %add3A_1512, %mul3A_1520 : i32
        %get3A_1522 = arith.index_cast %mul3A_1521 : i32 to index
        %get3A_1523 = tpu.vector_load %arg15[%get3A_1522] {strides = array<i32>} : memref<512xi32, #tpu.memory_space<vmem>>, vector<16xi32>,
        %get3A_1524 = vector.shape_cast %get3A_1523 : vector<16xi32> to vector<16xi32>
        %jit3A_1525 = arith.constant 16777216 : i32
        %broadcast_in_dim3A_1526 = vector.broadcast %jit3A_1525 : i32 to vector<16xi32>
        %select_n3A_1527 = arith.select %eq3A_1519, %get3A_1524, %broadcast_in_dim3A_1526 : vector<16xi1>, vector<16xi32>
        %min3A_1528 = arith.minsi %min3A_1508, %select_n3A_1527 : vector<16xi32>
        %mul3A_1529 = arith.constant 4 : i32
        %mul3A_1530 = arith.muli %scan3A_1488, %mul3A_1529 : i32
        %add3A_1531 = arith.constant 2 : i32
        %add3A_1532 = arith.addi %mul3A_1530, %add3A_1531 : i32
        %mul3A_1533 = arith.constant 16 : i32
        %mul3A_1534 = arith.muli %add3A_1532, %mul3A_1533 : i32
        %get3A_1535 = arith.index_cast %mul3A_1534 : i32 to index
        %get3A_1536 = tpu.vector_load %arg11[%get3A_1535] {strides = array<i32>} : memref<512xf32, #tpu.memory_space<vmem>>, vector<16xf32>,
        %get3A_1537 = vector.shape_cast %get3A_1536 : vector<16xf32> to vector<16xf32>
        %eq3A_1538 = vector.broadcast %squeeze3A_623 : f32 to vector<16xf32>
        %eq3A_1539 = arith.cmpf oeq, %get3A_1537, %eq3A_1538 : vector<16xf32>
        %mul3A_1540 = arith.constant 16 : i32
        %mul3A_1541 = arith.muli %add3A_1532, %mul3A_1540 : i32
        %get3A_1542 = arith.index_cast %mul3A_1541 : i32 to index
        %get3A_1543 = tpu.vector_load %arg15[%get3A_1542] {strides = array<i32>} : memref<512xi32, #tpu.memory_space<vmem>>, vector<16xi32>,
        %get3A_1544 = vector.shape_cast %get3A_1543 : vector<16xi32> to vector<16xi32>
        %jit3A_1545 = arith.constant 16777216 : i32
        %broadcast_in_dim3A_1546 = vector.broadcast %jit3A_1545 : i32 to vector<16xi32>
        %select_n3A_1547 = arith.select %eq3A_1539, %get3A_1544, %broadcast_in_dim3A_1546 : vector<16xi1>, vector<16xi32>
        %min3A_1548 = arith.minsi %min3A_1528, %select_n3A_1547 : vector<16xi32>
        %mul3A_1549 = arith.constant 4 : i32
        %mul3A_1550 = arith.muli %scan3A_1488, %mul3A_1549 : i32
        %add3A_1551 = arith.constant 3 : i32
        %add3A_1552 = arith.addi %mul3A_1550, %add3A_1551 : i32
        %mul3A_1553 = arith.constant 16 : i32
        %mul3A_1554 = arith.muli %add3A_1552, %mul3A_1553 : i32
        %get3A_1555 = arith.index_cast %mul3A_1554 : i32 to index
        %get3A_1556 = tpu.vector_load %arg11[%get3A_1555] {strides = array<i32>} : memref<512xf32, #tpu.memory_space<vmem>>, vector<16xf32>,
        %get3A_1557 = vector.shape_cast %get3A_1556 : vector<16xf32> to vector<16xf32>
        %eq3A_1558 = vector.broadcast %squeeze3A_623 : f32 to vector<16xf32>
        %eq3A_1559 = arith.cmpf oeq, %get3A_1557, %eq3A_1558 : vector<16xf32>
        %mul3A_1560 = arith.constant 16 : i32
        %mul3A_1561 = arith.muli %add3A_1552, %mul3A_1560 : i32
        %get3A_1562 = arith.index_cast %mul3A_1561 : i32 to index
        %get3A_1563 = tpu.vector_load %arg15[%get3A_1562] {strides = array<i32>} : memref<512xi32, #tpu.memory_space<vmem>>, vector<16xi32>,
        %get3A_1564 = vector.shape_cast %get3A_1563 : vector<16xi32> to vector<16xi32>
        %jit3A_1565 = arith.constant 16777216 : i32
        %broadcast_in_dim3A_1566 = vector.broadcast %jit3A_1565 : i32 to vector<16xi32>
        %select_n3A_1567 = arith.select %eq3A_1559, %get3A_1564, %broadcast_in_dim3A_1566 : vector<16xi1>, vector<16xi32>
        %min3A_1568 = arith.minsi %min3A_1548, %select_n3A_1567 : vector<16xi32>
        scf.yield %min3A_1568 : vector<16xi32>
      }
      %scan3A_629 = arith.constant 8 : i32
      %xor3A_630 = arith.constant 1 : i32
      %xor3A_631 = vector.broadcast %xor3A_630 : i32 to vector<16xi32>
      %xor3A_632 = arith.xori %iota3A, %xor3A_631 : vector<16xi32>
      %lt3A_633 = arith.constant 0 : i32
      %lt3A_634 = vector.broadcast %lt3A_633 : i32 to vector<16xi32>
      %lt3A_635 = arith.cmpi slt, %xor3A_632, %lt3A_634 : vector<16xi32>
      %add3A_636 = arith.constant 16 : i32
      %add3A_637 = vector.broadcast %add3A_636 : i32 to vector<16xi32>
      %add3A_638 = arith.addi %xor3A_632, %add3A_637 : vector<16xi32>
      %select_n3A_639 = arith.select %lt3A_635, %add3A_638, %xor3A_632 : vector<16xi1>, vector<16xi32>
      %broadcast_in_dim3A_640 = vector.shape_cast %select_n3A_639 : vector<16xi32> to vector<16x1xi32>
      %gather3A_641 = vector.shape_cast %broadcast_in_dim3A_640 : vector<16x1xi32> to vector<16xi32>
      %gather3A_642 = tpu.dynamic_gather %scan3A_628[%gather3A_641] in [0] : vector<16xi32>, vector<16xi32> -> vector<16xi32>
      %min3A_643 = arith.minsi %scan3A_628, %gather3A_642 : vector<16xi32>
      %xor3A_644 = arith.constant 2 : i32
      %xor3A_645 = vector.broadcast %xor3A_644 : i32 to vector<16xi32>
      %xor3A_646 = arith.xori %iota3A, %xor3A_645 : vector<16xi32>
      %lt3A_647 = arith.constant 0 : i32
      %lt3A_648 = vector.broadcast %lt3A_647 : i32 to vector<16xi32>
      %lt3A_649 = arith.cmpi slt, %xor3A_646, %lt3A_648 : vector<16xi32>
      %add3A_650 = arith.constant 16 : i32
      %add3A_651 = vector.broadcast %add3A_650 : i32 to vector<16xi32>
      %add3A_652 = arith.addi %xor3A_646, %add3A_651 : vector<16xi32>
      %select_n3A_653 = arith.select %lt3A_649, %add3A_652, %xor3A_646 : vector<16xi1>, vector<16xi32>
      %broadcast_in_dim3A_654 = vector.shape_cast %select_n3A_653 : vector<16xi32> to vector<16x1xi32>
      %gather3A_655 = vector.shape_cast %broadcast_in_dim3A_654 : vector<16x1xi32> to vector<16xi32>
      %gather3A_656 = tpu.dynamic_gather %min3A_643[%gather3A_655] in [0] : vector<16xi32>, vector<16xi32> -> vector<16xi32>
      %min3A_657 = arith.minsi %min3A_643, %gather3A_656 : vector<16xi32>
      %xor3A_658 = arith.constant 4 : i32
      %xor3A_659 = vector.broadcast %xor3A_658 : i32 to vector<16xi32>
      %xor3A_660 = arith.xori %iota3A, %xor3A_659 : vector<16xi32>
      %lt3A_661 = arith.constant 0 : i32
      %lt3A_662 = vector.broadcast %lt3A_661 : i32 to vector<16xi32>
      %lt3A_663 = arith.cmpi slt, %xor3A_660, %lt3A_662 : vector<16xi32>
      %add3A_664 = arith.constant 16 : i32
      %add3A_665 = vector.broadcast %add3A_664 : i32 to vector<16xi32>
      %add3A_666 = arith.addi %xor3A_660, %add3A_665 : vector<16xi32>
      %select_n3A_667 = arith.select %lt3A_663, %add3A_666, %xor3A_660 : vector<16xi1>, vector<16xi32>
      %broadcast_in_dim3A_668 = vector.shape_cast %select_n3A_667 : vector<16xi32> to vector<16x1xi32>
      %gather3A_669 = vector.shape_cast %broadcast_in_dim3A_668 : vector<16x1xi32> to vector<16xi32>
      %gather3A_670 = tpu.dynamic_gather %min3A_657[%gather3A_669] in [0] : vector<16xi32>, vector<16xi32> -> vector<16xi32>
      %min3A_671 = arith.minsi %min3A_657, %gather3A_670 : vector<16xi32>
      %xor3A_672 = arith.constant 8 : i32
      %xor3A_673 = vector.broadcast %xor3A_672 : i32 to vector<16xi32>
      %xor3A_674 = arith.xori %iota3A, %xor3A_673 : vector<16xi32>
      %lt3A_675 = arith.constant 0 : i32
      %lt3A_676 = vector.broadcast %lt3A_675 : i32 to vector<16xi32>
      %lt3A_677 = arith.cmpi slt, %xor3A_674, %lt3A_676 : vector<16xi32>
      %add3A_678 = arith.constant 16 : i32
      %add3A_679 = vector.broadcast %add3A_678 : i32 to vector<16xi32>
      %add3A_680 = arith.addi %xor3A_674, %add3A_679 : vector<16xi32>
      %select_n3A_681 = arith.select %lt3A_677, %add3A_680, %xor3A_674 : vector<16xi1>, vector<16xi32>
      %broadcast_in_dim3A_682 = vector.shape_cast %select_n3A_681 : vector<16xi32> to vector<16x1xi32>
      %gather3A_683 = vector.shape_cast %broadcast_in_dim3A_682 : vector<16x1xi32> to vector<16xi32>
      %gather3A_684 = tpu.dynamic_gather %min3A_671[%gather3A_683] in [0] : vector<16xi32>, vector<16xi32> -> vector<16xi32>
      %min3A_685 = arith.minsi %min3A_671, %gather3A_684 : vector<16xi32>
      %slice3A_686 = vector.extract_strided_slice %min3A_685 {offsets = [0], sizes = [1], strides = [1]} : vector<16xi32> to vector<1xi32>
      %squeeze3A_687 = vector.extract %slice3A_686[0] : i32 from vector<1xi32>
      %div3A_688 = arith.constant 512 : i32
      %div3A_689 = arith.divsi %squeeze3A_687, %div3A_688 : i32
      %rem3A_690 = arith.constant 512 : i32
      %rem3A_691 = arith.remsi %squeeze3A_687, %rem3A_690 : i32
      %mul3A_692 = arith.constant 512 : i32
      %mul3A_693 = arith.muli %add3A_20, %mul3A_692 : i32
      %add3A_694 = arith.addi %mul3A_693, %div3A_689 : i32
      %dma_start3A_695 = arith.constant 0 : i32
      %dma_start3A_696 = tpu.memref_slice %arg2[%add3A_694, %dma_start3A_695] : memref<65536x512xf32, #tpu.memory_space<hbm>> -> memref<1x512xf32, #tpu.memory_space<hbm>>
      %dma_start3A_697 = tpu.memref_squeeze %dma_start3A_696 : memref<1x512xf32, #tpu.memory_space<hbm>> -> memref<512xf32, #tpu.memory_space<hbm>>
      %dma_start3A_698 = arith.constant 0 : i32
      %dma_start3A_699 = tpu.memref_slice %arg2[%add3A_694, %dma_start3A_698] : memref<65536x512xf32, #tpu.memory_space<hbm>> -> memref<1x512xf32, #tpu.memory_space<hbm>>
      %dma_start3A_700 = tpu.memref_squeeze %dma_start3A_699 : memref<1x512xf32, #tpu.memory_space<hbm>> -> memref<512xf32, #tpu.memory_space<hbm>>
      tpu.enqueue_dma source(%dma_start3A_700 : memref<512xf32, #tpu.memory_space<hbm>>) target(%arg19 : memref<512xf32, #tpu.memory_space<vmem>>) target_semaphore(%arg24 : memref<!tpu.dma_semaphore, #tpu.memory_space<semaphore_mem>>)
      %mul3A_701 = arith.constant 512 : i32
      %mul3A_702 = arith.muli %add3A_8, %mul3A_701 : i32
      %add3A_703 = arith.addi %mul3A_702, %div3A_268 : i32
      %dma_wait3A = arith.constant 0 : i32
      %dma_wait3A_704 = tpu.memref_slice %arg2[%add3A_703, %dma_wait3A] : memref<65536x512xf32, #tpu.memory_space<hbm>> -> memref<1x512xf32, #tpu.memory_space<hbm>>
      %dma_wait3A_705 = tpu.memref_squeeze %dma_wait3A_704 : memref<1x512xf32, #tpu.memory_space<hbm>> -> memref<512xf32, #tpu.memory_space<hbm>>
      %dma_wait3A_706 = arith.constant 0 : i32
      %dma_wait3A_707 = tpu.memref_slice %arg2[%add3A_703, %dma_wait3A_706] : memref<65536x512xf32, #tpu.memory_space<hbm>> -> memref<1x512xf32, #tpu.memory_space<hbm>>
      %dma_wait3A_708 = tpu.memref_squeeze %dma_wait3A_707 : memref<1x512xf32, #tpu.memory_space<hbm>> -> memref<512xf32, #tpu.memory_space<hbm>>
      tpu.wait_dma2 semaphore(%arg21 : memref<!tpu.dma_semaphore, #tpu.memory_space<semaphore_mem>>) src(%dma_wait3A_708 : memref<512xf32, #tpu.memory_space<hbm>>) dst(%arg16 : memref<512xf32, #tpu.memory_space<vmem>>)
      %scan3A_709 = arith.constant 0 : i32
      %scan3A_710 = arith.constant 8 : i32
      %scan3A_711 = arith.addi %scan3A_709, %scan3A_710 : i32
      %scan3A_712 = arith.constant 1 : i32
      %scan3A_713 = scf.for %scan3A_1488 = %scan3A_709 to %scan3A_711 step %scan3A_712 iter_args(%scan3A_1489 = %broadcast_in_dim3A_1) -> (vector<16xf32>)  : i32 {
        %mul3A_1490 = arith.constant 4 : i32
        %mul3A_1491 = arith.muli %scan3A_1488, %mul3A_1490 : i32
        %add3A_1492 = arith.constant 0 : i32
        %add3A_1493 = arith.addi %mul3A_1491, %add3A_1492 : i32
        %mul3A_1494 = arith.constant 16 : i32
        %mul3A_1495 = arith.muli %add3A_1493, %mul3A_1494 : i32
        %get3A_1496 = arith.index_cast %mul3A_1495 : i32 to index
        %get3A_1497 = tpu.vector_load %arg16[%get3A_1496] {strides = array<i32>} : memref<512xf32, #tpu.memory_space<vmem>>, vector<16xf32>,
        %get3A_1498 = vector.shape_cast %get3A_1497 : vector<16xf32> to vector<16xf32>
        %mul3A_1499 = arith.constant 16 : i32
        %mul3A_1500 = arith.muli %add3A_1493, %mul3A_1499 : i32
        %add3A_1501 = vector.broadcast %mul3A_1500 : i32 to vector<16xi32>
        %add3A_1502 = arith.addi %iota3A_0, %add3A_1501 : vector<16xi32>
        %lt3A_1503 = vector.broadcast %squeeze3A : f32 to vector<16xf32>
        %lt3A_1504 = arith.cmpf olt, %get3A_1498, %lt3A_1503 : vector<16xf32>
        %eq3A_1505 = vector.broadcast %squeeze3A : f32 to vector<16xf32>
        %eq3A_1506 = arith.cmpf oeq, %get3A_1498, %eq3A_1505 : vector<16xf32>
        %gt3A = vector.broadcast %rem3A_269 : i32 to vector<16xi32>
        %gt3A_1507 = arith.cmpi sgt, %add3A_1502, %gt3A : vector<16xi32>
        %and3A = arith.andi %eq3A_1506, %gt3A_1507 : vector<16xi1>
        %or3A = arith.ori %lt3A_1504, %and3A : vector<16xi1>
        %jit3A = arith.constant 0xFF800000 : f32
        %broadcast_in_dim3A_1508 = vector.broadcast %jit3A : f32 to vector<16xf32>
        %select_n3A_1509 = arith.select %or3A, %get3A_1498, %broadcast_in_dim3A_1508 : vector<16xi1>, vector<16xf32>
        %max3A_1510 = arith.maximumf %scan3A_1489, %select_n3A_1509 : vector<16xf32>
        %mul3A_1511 = arith.constant 4 : i32
        %mul3A_1512 = arith.muli %scan3A_1488, %mul3A_1511 : i32
        %add3A_1513 = arith.constant 1 : i32
        %add3A_1514 = arith.addi %mul3A_1512, %add3A_1513 : i32
        %mul3A_1515 = arith.constant 16 : i32
        %mul3A_1516 = arith.muli %add3A_1514, %mul3A_1515 : i32
        %get3A_1517 = arith.index_cast %mul3A_1516 : i32 to index
        %get3A_1518 = tpu.vector_load %arg16[%get3A_1517] {strides = array<i32>} : memref<512xf32, #tpu.memory_space<vmem>>, vector<16xf32>,
        %get3A_1519 = vector.shape_cast %get3A_1518 : vector<16xf32> to vector<16xf32>
        %mul3A_1520 = arith.constant 16 : i32
        %mul3A_1521 = arith.muli %add3A_1514, %mul3A_1520 : i32
        %add3A_1522 = vector.broadcast %mul3A_1521 : i32 to vector<16xi32>
        %add3A_1523 = arith.addi %iota3A_0, %add3A_1522 : vector<16xi32>
        %lt3A_1524 = vector.broadcast %squeeze3A : f32 to vector<16xf32>
        %lt3A_1525 = arith.cmpf olt, %get3A_1519, %lt3A_1524 : vector<16xf32>
        %eq3A_1526 = vector.broadcast %squeeze3A : f32 to vector<16xf32>
        %eq3A_1527 = arith.cmpf oeq, %get3A_1519, %eq3A_1526 : vector<16xf32>
        %gt3A_1528 = vector.broadcast %rem3A_269 : i32 to vector<16xi32>
        %gt3A_1529 = arith.cmpi sgt, %add3A_1523, %gt3A_1528 : vector<16xi32>
        %and3A_1530 = arith.andi %eq3A_1527, %gt3A_1529 : vector<16xi1>
        %or3A_1531 = arith.ori %lt3A_1525, %and3A_1530 : vector<16xi1>
        %jit3A_1532 = arith.constant 0xFF800000 : f32
        %broadcast_in_dim3A_1533 = vector.broadcast %jit3A_1532 : f32 to vector<16xf32>
        %select_n3A_1534 = arith.select %or3A_1531, %get3A_1519, %broadcast_in_dim3A_1533 : vector<16xi1>, vector<16xf32>
        %max3A_1535 = arith.maximumf %max3A_1510, %select_n3A_1534 : vector<16xf32>
        %mul3A_1536 = arith.constant 4 : i32
        %mul3A_1537 = arith.muli %scan3A_1488, %mul3A_1536 : i32
        %add3A_1538 = arith.constant 2 : i32
        %add3A_1539 = arith.addi %mul3A_1537, %add3A_1538 : i32
        %mul3A_1540 = arith.constant 16 : i32
        %mul3A_1541 = arith.muli %add3A_1539, %mul3A_1540 : i32
        %get3A_1542 = arith.index_cast %mul3A_1541 : i32 to index
        %get3A_1543 = tpu.vector_load %arg16[%get3A_1542] {strides = array<i32>} : memref<512xf32, #tpu.memory_space<vmem>>, vector<16xf32>,
        %get3A_1544 = vector.shape_cast %get3A_1543 : vector<16xf32> to vector<16xf32>
        %mul3A_1545 = arith.constant 16 : i32
        %mul3A_1546 = arith.muli %add3A_1539, %mul3A_1545 : i32
        %add3A_1547 = vector.broadcast %mul3A_1546 : i32 to vector<16xi32>
        %add3A_1548 = arith.addi %iota3A_0, %add3A_1547 : vector<16xi32>
        %lt3A_1549 = vector.broadcast %squeeze3A : f32 to vector<16xf32>
        %lt3A_1550 = arith.cmpf olt, %get3A_1544, %lt3A_1549 : vector<16xf32>
        %eq3A_1551 = vector.broadcast %squeeze3A : f32 to vector<16xf32>
        %eq3A_1552 = arith.cmpf oeq, %get3A_1544, %eq3A_1551 : vector<16xf32>
        %gt3A_1553 = vector.broadcast %rem3A_269 : i32 to vector<16xi32>
        %gt3A_1554 = arith.cmpi sgt, %add3A_1548, %gt3A_1553 : vector<16xi32>
        %and3A_1555 = arith.andi %eq3A_1552, %gt3A_1554 : vector<16xi1>
        %or3A_1556 = arith.ori %lt3A_1550, %and3A_1555 : vector<16xi1>
        %jit3A_1557 = arith.constant 0xFF800000 : f32
        %broadcast_in_dim3A_1558 = vector.broadcast %jit3A_1557 : f32 to vector<16xf32>
        %select_n3A_1559 = arith.select %or3A_1556, %get3A_1544, %broadcast_in_dim3A_1558 : vector<16xi1>, vector<16xf32>
        %max3A_1560 = arith.maximumf %max3A_1535, %select_n3A_1559 : vector<16xf32>
        %mul3A_1561 = arith.constant 4 : i32
        %mul3A_1562 = arith.muli %scan3A_1488, %mul3A_1561 : i32
        %add3A_1563 = arith.constant 3 : i32
        %add3A_1564 = arith.addi %mul3A_1562, %add3A_1563 : i32
        %mul3A_1565 = arith.constant 16 : i32
        %mul3A_1566 = arith.muli %add3A_1564, %mul3A_1565 : i32
        %get3A_1567 = arith.index_cast %mul3A_1566 : i32 to index
        %get3A_1568 = tpu.vector_load %arg16[%get3A_1567] {strides = array<i32>} : memref<512xf32, #tpu.memory_space<vmem>>, vector<16xf32>,
        %get3A_1569 = vector.shape_cast %get3A_1568 : vector<16xf32> to vector<16xf32>
        %mul3A_1570 = arith.constant 16 : i32
        %mul3A_1571 = arith.muli %add3A_1564, %mul3A_1570 : i32
        %add3A_1572 = vector.broadcast %mul3A_1571 : i32 to vector<16xi32>
        %add3A_1573 = arith.addi %iota3A_0, %add3A_1572 : vector<16xi32>
        %lt3A_1574 = vector.broadcast %squeeze3A : f32 to vector<16xf32>
        %lt3A_1575 = arith.cmpf olt, %get3A_1569, %lt3A_1574 : vector<16xf32>
        %eq3A_1576 = vector.broadcast %squeeze3A : f32 to vector<16xf32>
        %eq3A_1577 = arith.cmpf oeq, %get3A_1569, %eq3A_1576 : vector<16xf32>
        %gt3A_1578 = vector.broadcast %rem3A_269 : i32 to vector<16xi32>
        %gt3A_1579 = arith.cmpi sgt, %add3A_1573, %gt3A_1578 : vector<16xi32>
        %and3A_1580 = arith.andi %eq3A_1577, %gt3A_1579 : vector<16xi1>
        %or3A_1581 = arith.ori %lt3A_1575, %and3A_1580 : vector<16xi1>
        %jit3A_1582 = arith.constant 0xFF800000 : f32
        %broadcast_in_dim3A_1583 = vector.broadcast %jit3A_1582 : f32 to vector<16xf32>
        %select_n3A_1584 = arith.select %or3A_1581, %get3A_1569, %broadcast_in_dim3A_1583 : vector<16xi1>, vector<16xf32>
        %max3A_1585 = arith.maximumf %max3A_1560, %select_n3A_1584 : vector<16xf32>
        scf.yield %max3A_1585 : vector<16xf32>
      }
      %scan3A_714 = arith.constant 8 : i32
      %xor3A_715 = arith.constant 1 : i32
      %xor3A_716 = vector.broadcast %xor3A_715 : i32 to vector<16xi32>
      %xor3A_717 = arith.xori %iota3A, %xor3A_716 : vector<16xi32>
      %lt3A_718 = arith.constant 0 : i32
      %lt3A_719 = vector.broadcast %lt3A_718 : i32 to vector<16xi32>
      %lt3A_720 = arith.cmpi slt, %xor3A_717, %lt3A_719 : vector<16xi32>
      %add3A_721 = arith.constant 16 : i32
      %add3A_722 = vector.broadcast %add3A_721 : i32 to vector<16xi32>
      %add3A_723 = arith.addi %xor3A_717, %add3A_722 : vector<16xi32>
      %select_n3A_724 = arith.select %lt3A_720, %add3A_723, %xor3A_717 : vector<16xi1>, vector<16xi32>
      %broadcast_in_dim3A_725 = vector.shape_cast %select_n3A_724 : vector<16xi32> to vector<16x1xi32>
      %gather3A_726 = vector.shape_cast %broadcast_in_dim3A_725 : vector<16x1xi32> to vector<16xi32>
      %gather3A_727 = tpu.dynamic_gather %scan3A_713[%gather3A_726] in [0] : vector<16xf32>, vector<16xi32> -> vector<16xf32>
      %max3A_728 = arith.maximumf %scan3A_713, %gather3A_727 : vector<16xf32>
      %xor3A_729 = arith.constant 2 : i32
      %xor3A_730 = vector.broadcast %xor3A_729 : i32 to vector<16xi32>
      %xor3A_731 = arith.xori %iota3A, %xor3A_730 : vector<16xi32>
      %lt3A_732 = arith.constant 0 : i32
      %lt3A_733 = vector.broadcast %lt3A_732 : i32 to vector<16xi32>
      %lt3A_734 = arith.cmpi slt, %xor3A_731, %lt3A_733 : vector<16xi32>
      %add3A_735 = arith.constant 16 : i32
      %add3A_736 = vector.broadcast %add3A_735 : i32 to vector<16xi32>
      %add3A_737 = arith.addi %xor3A_731, %add3A_736 : vector<16xi32>
      %select_n3A_738 = arith.select %lt3A_734, %add3A_737, %xor3A_731 : vector<16xi1>, vector<16xi32>
      %broadcast_in_dim3A_739 = vector.shape_cast %select_n3A_738 : vector<16xi32> to vector<16x1xi32>
      %gather3A_740 = vector.shape_cast %broadcast_in_dim3A_739 : vector<16x1xi32> to vector<16xi32>
      %gather3A_741 = tpu.dynamic_gather %max3A_728[%gather3A_740] in [0] : vector<16xf32>, vector<16xi32> -> vector<16xf32>
      %max3A_742 = arith.maximumf %max3A_728, %gather3A_741 : vector<16xf32>
      %xor3A_743 = arith.constant 4 : i32
      %xor3A_744 = vector.broadcast %xor3A_743 : i32 to vector<16xi32>
      %xor3A_745 = arith.xori %iota3A, %xor3A_744 : vector<16xi32>
      %lt3A_746 = arith.constant 0 : i32
      %lt3A_747 = vector.broadcast %lt3A_746 : i32 to vector<16xi32>
      %lt3A_748 = arith.cmpi slt, %xor3A_745, %lt3A_747 : vector<16xi32>
      %add3A_749 = arith.constant 16 : i32
      %add3A_750 = vector.broadcast %add3A_749 : i32 to vector<16xi32>
      %add3A_751 = arith.addi %xor3A_745, %add3A_750 : vector<16xi32>
      %select_n3A_752 = arith.select %lt3A_748, %add3A_751, %xor3A_745 : vector<16xi1>, vector<16xi32>
      %broadcast_in_dim3A_753 = vector.shape_cast %select_n3A_752 : vector<16xi32> to vector<16x1xi32>
      %gather3A_754 = vector.shape_cast %broadcast_in_dim3A_753 : vector<16x1xi32> to vector<16xi32>
      %gather3A_755 = tpu.dynamic_gather %max3A_742[%gather3A_754] in [0] : vector<16xf32>, vector<16xi32> -> vector<16xf32>
      %max3A_756 = arith.maximumf %max3A_742, %gather3A_755 : vector<16xf32>
      %xor3A_757 = arith.constant 8 : i32
      %xor3A_758 = vector.broadcast %xor3A_757 : i32 to vector<16xi32>
      %xor3A_759 = arith.xori %iota3A, %xor3A_758 : vector<16xi32>
      %lt3A_760 = arith.constant 0 : i32
      %lt3A_761 = vector.broadcast %lt3A_760 : i32 to vector<16xi32>
      %lt3A_762 = arith.cmpi slt, %xor3A_759, %lt3A_761 : vector<16xi32>
      %add3A_763 = arith.constant 16 : i32
      %add3A_764 = vector.broadcast %add3A_763 : i32 to vector<16xi32>
      %add3A_765 = arith.addi %xor3A_759, %add3A_764 : vector<16xi32>
      %select_n3A_766 = arith.select %lt3A_762, %add3A_765, %xor3A_759 : vector<16xi1>, vector<16xi32>
      %broadcast_in_dim3A_767 = vector.shape_cast %select_n3A_766 : vector<16xi32> to vector<16x1xi32>
      %gather3A_768 = vector.shape_cast %broadcast_in_dim3A_767 : vector<16x1xi32> to vector<16xi32>
      %gather3A_769 = tpu.dynamic_gather %max3A_756[%gather3A_768] in [0] : vector<16xf32>, vector<16xi32> -> vector<16xf32>
      %max3A_770 = arith.maximumf %max3A_756, %gather3A_769 : vector<16xf32>
      %slice3A_771 = vector.extract_strided_slice %max3A_770 {offsets = [0], sizes = [1], strides = [1]} : vector<16xf32> to vector<1xf32>
      %squeeze3A_772 = vector.extract %slice3A_771[0] : f32 from vector<1xf32>
      %scan3A_773 = arith.constant 0 : i32
      %scan3A_774 = arith.constant 8 : i32
      %scan3A_775 = arith.addi %scan3A_773, %scan3A_774 : i32
      %scan3A_776 = arith.constant 1 : i32
      %scan3A_777 = scf.for %scan3A_1488 = %scan3A_773 to %scan3A_775 step %scan3A_776 iter_args(%scan3A_1489 = %broadcast_in_dim3A_3) -> (vector<16xi32>)  : i32 {
        %mul3A_1490 = arith.constant 4 : i32
        %mul3A_1491 = arith.muli %scan3A_1488, %mul3A_1490 : i32
        %add3A_1492 = arith.constant 0 : i32
        %add3A_1493 = arith.addi %mul3A_1491, %add3A_1492 : i32
        %mul3A_1494 = arith.constant 16 : i32
        %mul3A_1495 = arith.muli %add3A_1493, %mul3A_1494 : i32
        %get3A_1496 = arith.index_cast %mul3A_1495 : i32 to index
        %get3A_1497 = tpu.vector_load %arg16[%get3A_1496] {strides = array<i32>} : memref<512xf32, #tpu.memory_space<vmem>>, vector<16xf32>,
        %get3A_1498 = vector.shape_cast %get3A_1497 : vector<16xf32> to vector<16xf32>
        %mul3A_1499 = arith.constant 16 : i32
        %mul3A_1500 = arith.muli %add3A_1493, %mul3A_1499 : i32
        %add3A_1501 = vector.broadcast %mul3A_1500 : i32 to vector<16xi32>
        %add3A_1502 = arith.addi %iota3A_0, %add3A_1501 : vector<16xi32>
        %lt3A_1503 = vector.broadcast %squeeze3A : f32 to vector<16xf32>
        %lt3A_1504 = arith.cmpf olt, %get3A_1498, %lt3A_1503 : vector<16xf32>
        %eq3A_1505 = vector.broadcast %squeeze3A : f32 to vector<16xf32>
        %eq3A_1506 = arith.cmpf oeq, %get3A_1498, %eq3A_1505 : vector<16xf32>
        %gt3A = vector.broadcast %rem3A_269 : i32 to vector<16xi32>
        %gt3A_1507 = arith.cmpi sgt, %add3A_1502, %gt3A : vector<16xi32>
        %and3A = arith.andi %eq3A_1506, %gt3A_1507 : vector<16xi1>
        %or3A = arith.ori %lt3A_1504, %and3A : vector<16xi1>
        %eq3A_1508 = vector.broadcast %squeeze3A_772 : f32 to vector<16xf32>
        %eq3A_1509 = arith.cmpf oeq, %get3A_1498, %eq3A_1508 : vector<16xf32>
        %and3A_1510 = arith.andi %or3A, %eq3A_1509 : vector<16xi1>
        %jit3A = arith.constant 16777216 : i32
        %broadcast_in_dim3A_1511 = vector.broadcast %jit3A : i32 to vector<16xi32>
        %select_n3A_1512 = arith.select %and3A_1510, %add3A_1502, %broadcast_in_dim3A_1511 : vector<16xi1>, vector<16xi32>
        %min3A_1513 = arith.minsi %scan3A_1489, %select_n3A_1512 : vector<16xi32>
        %mul3A_1514 = arith.constant 4 : i32
        %mul3A_1515 = arith.muli %scan3A_1488, %mul3A_1514 : i32
        %add3A_1516 = arith.constant 1 : i32
        %add3A_1517 = arith.addi %mul3A_1515, %add3A_1516 : i32
        %mul3A_1518 = arith.constant 16 : i32
        %mul3A_1519 = arith.muli %add3A_1517, %mul3A_1518 : i32
        %get3A_1520 = arith.index_cast %mul3A_1519 : i32 to index
        %get3A_1521 = tpu.vector_load %arg16[%get3A_1520] {strides = array<i32>} : memref<512xf32, #tpu.memory_space<vmem>>, vector<16xf32>,
        %get3A_1522 = vector.shape_cast %get3A_1521 : vector<16xf32> to vector<16xf32>
        %mul3A_1523 = arith.constant 16 : i32
        %mul3A_1524 = arith.muli %add3A_1517, %mul3A_1523 : i32
        %add3A_1525 = vector.broadcast %mul3A_1524 : i32 to vector<16xi32>
        %add3A_1526 = arith.addi %iota3A_0, %add3A_1525 : vector<16xi32>
        %lt3A_1527 = vector.broadcast %squeeze3A : f32 to vector<16xf32>
        %lt3A_1528 = arith.cmpf olt, %get3A_1522, %lt3A_1527 : vector<16xf32>
        %eq3A_1529 = vector.broadcast %squeeze3A : f32 to vector<16xf32>
        %eq3A_1530 = arith.cmpf oeq, %get3A_1522, %eq3A_1529 : vector<16xf32>
        %gt3A_1531 = vector.broadcast %rem3A_269 : i32 to vector<16xi32>
        %gt3A_1532 = arith.cmpi sgt, %add3A_1526, %gt3A_1531 : vector<16xi32>
        %and3A_1533 = arith.andi %eq3A_1530, %gt3A_1532 : vector<16xi1>
        %or3A_1534 = arith.ori %lt3A_1528, %and3A_1533 : vector<16xi1>
        %eq3A_1535 = vector.broadcast %squeeze3A_772 : f32 to vector<16xf32>
        %eq3A_1536 = arith.cmpf oeq, %get3A_1522, %eq3A_1535 : vector<16xf32>
        %and3A_1537 = arith.andi %or3A_1534, %eq3A_1536 : vector<16xi1>
        %jit3A_1538 = arith.constant 16777216 : i32
        %broadcast_in_dim3A_1539 = vector.broadcast %jit3A_1538 : i32 to vector<16xi32>
        %select_n3A_1540 = arith.select %and3A_1537, %add3A_1526, %broadcast_in_dim3A_1539 : vector<16xi1>, vector<16xi32>
        %min3A_1541 = arith.minsi %min3A_1513, %select_n3A_1540 : vector<16xi32>
        %mul3A_1542 = arith.constant 4 : i32
        %mul3A_1543 = arith.muli %scan3A_1488, %mul3A_1542 : i32
        %add3A_1544 = arith.constant 2 : i32
        %add3A_1545 = arith.addi %mul3A_1543, %add3A_1544 : i32
        %mul3A_1546 = arith.constant 16 : i32
        %mul3A_1547 = arith.muli %add3A_1545, %mul3A_1546 : i32
        %get3A_1548 = arith.index_cast %mul3A_1547 : i32 to index
        %get3A_1549 = tpu.vector_load %arg16[%get3A_1548] {strides = array<i32>} : memref<512xf32, #tpu.memory_space<vmem>>, vector<16xf32>,
        %get3A_1550 = vector.shape_cast %get3A_1549 : vector<16xf32> to vector<16xf32>
        %mul3A_1551 = arith.constant 16 : i32
        %mul3A_1552 = arith.muli %add3A_1545, %mul3A_1551 : i32
        %add3A_1553 = vector.broadcast %mul3A_1552 : i32 to vector<16xi32>
        %add3A_1554 = arith.addi %iota3A_0, %add3A_1553 : vector<16xi32>
        %lt3A_1555 = vector.broadcast %squeeze3A : f32 to vector<16xf32>
        %lt3A_1556 = arith.cmpf olt, %get3A_1550, %lt3A_1555 : vector<16xf32>
        %eq3A_1557 = vector.broadcast %squeeze3A : f32 to vector<16xf32>
        %eq3A_1558 = arith.cmpf oeq, %get3A_1550, %eq3A_1557 : vector<16xf32>
        %gt3A_1559 = vector.broadcast %rem3A_269 : i32 to vector<16xi32>
        %gt3A_1560 = arith.cmpi sgt, %add3A_1554, %gt3A_1559 : vector<16xi32>
        %and3A_1561 = arith.andi %eq3A_1558, %gt3A_1560 : vector<16xi1>
        %or3A_1562 = arith.ori %lt3A_1556, %and3A_1561 : vector<16xi1>
        %eq3A_1563 = vector.broadcast %squeeze3A_772 : f32 to vector<16xf32>
        %eq3A_1564 = arith.cmpf oeq, %get3A_1550, %eq3A_1563 : vector<16xf32>
        %and3A_1565 = arith.andi %or3A_1562, %eq3A_1564 : vector<16xi1>
        %jit3A_1566 = arith.constant 16777216 : i32
        %broadcast_in_dim3A_1567 = vector.broadcast %jit3A_1566 : i32 to vector<16xi32>
        %select_n3A_1568 = arith.select %and3A_1565, %add3A_1554, %broadcast_in_dim3A_1567 : vector<16xi1>, vector<16xi32>
        %min3A_1569 = arith.minsi %min3A_1541, %select_n3A_1568 : vector<16xi32>
        %mul3A_1570 = arith.constant 4 : i32
        %mul3A_1571 = arith.muli %scan3A_1488, %mul3A_1570 : i32
        %add3A_1572 = arith.constant 3 : i32
        %add3A_1573 = arith.addi %mul3A_1571, %add3A_1572 : i32
        %mul3A_1574 = arith.constant 16 : i32
        %mul3A_1575 = arith.muli %add3A_1573, %mul3A_1574 : i32
        %get3A_1576 = arith.index_cast %mul3A_1575 : i32 to index
        %get3A_1577 = tpu.vector_load %arg16[%get3A_1576] {strides = array<i32>} : memref<512xf32, #tpu.memory_space<vmem>>, vector<16xf32>,
        %get3A_1578 = vector.shape_cast %get3A_1577 : vector<16xf32> to vector<16xf32>
        %mul3A_1579 = arith.constant 16 : i32
        %mul3A_1580 = arith.muli %add3A_1573, %mul3A_1579 : i32
        %add3A_1581 = vector.broadcast %mul3A_1580 : i32 to vector<16xi32>
        %add3A_1582 = arith.addi %iota3A_0, %add3A_1581 : vector<16xi32>
        %lt3A_1583 = vector.broadcast %squeeze3A : f32 to vector<16xf32>
        %lt3A_1584 = arith.cmpf olt, %get3A_1578, %lt3A_1583 : vector<16xf32>
        %eq3A_1585 = vector.broadcast %squeeze3A : f32 to vector<16xf32>
        %eq3A_1586 = arith.cmpf oeq, %get3A_1578, %eq3A_1585 : vector<16xf32>
        %gt3A_1587 = vector.broadcast %rem3A_269 : i32 to vector<16xi32>
        %gt3A_1588 = arith.cmpi sgt, %add3A_1582, %gt3A_1587 : vector<16xi32>
        %and3A_1589 = arith.andi %eq3A_1586, %gt3A_1588 : vector<16xi1>
        %or3A_1590 = arith.ori %lt3A_1584, %and3A_1589 : vector<16xi1>
        %eq3A_1591 = vector.broadcast %squeeze3A_772 : f32 to vector<16xf32>
        %eq3A_1592 = arith.cmpf oeq, %get3A_1578, %eq3A_1591 : vector<16xf32>
        %and3A_1593 = arith.andi %or3A_1590, %eq3A_1592 : vector<16xi1>
        %jit3A_1594 = arith.constant 16777216 : i32
        %broadcast_in_dim3A_1595 = vector.broadcast %jit3A_1594 : i32 to vector<16xi32>
        %select_n3A_1596 = arith.select %and3A_1593, %add3A_1582, %broadcast_in_dim3A_1595 : vector<16xi1>, vector<16xi32>
        %min3A_1597 = arith.minsi %min3A_1569, %select_n3A_1596 : vector<16xi32>
        scf.yield %min3A_1597 : vector<16xi32>
      }
      %scan3A_778 = arith.constant 8 : i32
      %xor3A_779 = arith.constant 1 : i32
      %xor3A_780 = vector.broadcast %xor3A_779 : i32 to vector<16xi32>
      %xor3A_781 = arith.xori %iota3A, %xor3A_780 : vector<16xi32>
      %lt3A_782 = arith.constant 0 : i32
      %lt3A_783 = vector.broadcast %lt3A_782 : i32 to vector<16xi32>
      %lt3A_784 = arith.cmpi slt, %xor3A_781, %lt3A_783 : vector<16xi32>
      %add3A_785 = arith.constant 16 : i32
      %add3A_786 = vector.broadcast %add3A_785 : i32 to vector<16xi32>
      %add3A_787 = arith.addi %xor3A_781, %add3A_786 : vector<16xi32>
      %select_n3A_788 = arith.select %lt3A_784, %add3A_787, %xor3A_781 : vector<16xi1>, vector<16xi32>
      %broadcast_in_dim3A_789 = vector.shape_cast %select_n3A_788 : vector<16xi32> to vector<16x1xi32>
      %gather3A_790 = vector.shape_cast %broadcast_in_dim3A_789 : vector<16x1xi32> to vector<16xi32>
      %gather3A_791 = tpu.dynamic_gather %scan3A_777[%gather3A_790] in [0] : vector<16xi32>, vector<16xi32> -> vector<16xi32>
      %min3A_792 = arith.minsi %scan3A_777, %gather3A_791 : vector<16xi32>
      %xor3A_793 = arith.constant 2 : i32
      %xor3A_794 = vector.broadcast %xor3A_793 : i32 to vector<16xi32>
      %xor3A_795 = arith.xori %iota3A, %xor3A_794 : vector<16xi32>
      %lt3A_796 = arith.constant 0 : i32
      %lt3A_797 = vector.broadcast %lt3A_796 : i32 to vector<16xi32>
      %lt3A_798 = arith.cmpi slt, %xor3A_795, %lt3A_797 : vector<16xi32>
      %add3A_799 = arith.constant 16 : i32
      %add3A_800 = vector.broadcast %add3A_799 : i32 to vector<16xi32>
      %add3A_801 = arith.addi %xor3A_795, %add3A_800 : vector<16xi32>
      %select_n3A_802 = arith.select %lt3A_798, %add3A_801, %xor3A_795 : vector<16xi1>, vector<16xi32>
      %broadcast_in_dim3A_803 = vector.shape_cast %select_n3A_802 : vector<16xi32> to vector<16x1xi32>
      %gather3A_804 = vector.shape_cast %broadcast_in_dim3A_803 : vector<16x1xi32> to vector<16xi32>
      %gather3A_805 = tpu.dynamic_gather %min3A_792[%gather3A_804] in [0] : vector<16xi32>, vector<16xi32> -> vector<16xi32>
      %min3A_806 = arith.minsi %min3A_792, %gather3A_805 : vector<16xi32>
      %xor3A_807 = arith.constant 4 : i32
      %xor3A_808 = vector.broadcast %xor3A_807 : i32 to vector<16xi32>
      %xor3A_809 = arith.xori %iota3A, %xor3A_808 : vector<16xi32>
      %lt3A_810 = arith.constant 0 : i32
      %lt3A_811 = vector.broadcast %lt3A_810 : i32 to vector<16xi32>
      %lt3A_812 = arith.cmpi slt, %xor3A_809, %lt3A_811 : vector<16xi32>
      %add3A_813 = arith.constant 16 : i32
      %add3A_814 = vector.broadcast %add3A_813 : i32 to vector<16xi32>
      %add3A_815 = arith.addi %xor3A_809, %add3A_814 : vector<16xi32>
      %select_n3A_816 = arith.select %lt3A_812, %add3A_815, %xor3A_809 : vector<16xi1>, vector<16xi32>
      %broadcast_in_dim3A_817 = vector.shape_cast %select_n3A_816 : vector<16xi32> to vector<16x1xi32>
      %gather3A_818 = vector.shape_cast %broadcast_in_dim3A_817 : vector<16x1xi32> to vector<16xi32>
      %gather3A_819 = tpu.dynamic_gather %min3A_806[%gather3A_818] in [0] : vector<16xi32>, vector<16xi32> -> vector<16xi32>
      %min3A_820 = arith.minsi %min3A_806, %gather3A_819 : vector<16xi32>
      %xor3A_821 = arith.constant 8 : i32
      %xor3A_822 = vector.broadcast %xor3A_821 : i32 to vector<16xi32>
      %xor3A_823 = arith.xori %iota3A, %xor3A_822 : vector<16xi32>
      %lt3A_824 = arith.constant 0 : i32
      %lt3A_825 = vector.broadcast %lt3A_824 : i32 to vector<16xi32>
      %lt3A_826 = arith.cmpi slt, %xor3A_823, %lt3A_825 : vector<16xi32>
      %add3A_827 = arith.constant 16 : i32
      %add3A_828 = vector.broadcast %add3A_827 : i32 to vector<16xi32>
      %add3A_829 = arith.addi %xor3A_823, %add3A_828 : vector<16xi32>
      %select_n3A_830 = arith.select %lt3A_826, %add3A_829, %xor3A_823 : vector<16xi1>, vector<16xi32>
      %broadcast_in_dim3A_831 = vector.shape_cast %select_n3A_830 : vector<16xi32> to vector<16x1xi32>
      %gather3A_832 = vector.shape_cast %broadcast_in_dim3A_831 : vector<16x1xi32> to vector<16xi32>
      %gather3A_833 = tpu.dynamic_gather %min3A_820[%gather3A_832] in [0] : vector<16xi32>, vector<16xi32> -> vector<16xi32>
      %min3A_834 = arith.minsi %min3A_820, %gather3A_833 : vector<16xi32>
      %slice3A_835 = vector.extract_strided_slice %min3A_834 {offsets = [0], sizes = [1], strides = [1]} : vector<16xi32> to vector<1xi32>
      %squeeze3A_836 = vector.extract %slice3A_835[0] : i32 from vector<1xi32>
      %div3A_837 = arith.constant 16 : i32
      %div3A_838 = arith.divsi %div3A_268, %div3A_837 : i32
      %mul3A_839 = arith.constant 16 : i32
      %mul3A_840 = arith.muli %div3A_838, %mul3A_839 : i32
      %rem3A_841 = arith.constant 16 : i32
      %rem3A_842 = arith.remsi %div3A_268, %rem3A_841 : i32
      %eq3A = vector.broadcast %rem3A_842 : i32 to vector<16xi32>
      %eq3A_843 = arith.cmpi eq, %iota3A_0, %eq3A : vector<16xi32>
      %get3A = arith.index_cast %mul3A_840 : i32 to index
      %get3A_844 = tpu.vector_load %arg8[%get3A] {strides = array<i32>} : memref<512xf32, #tpu.memory_space<vmem>>, vector<16xf32>,
      %get3A_845 = vector.shape_cast %get3A_844 : vector<16xf32> to vector<16xf32>
      %broadcast_in_dim3A_846 = vector.broadcast %squeeze3A_772 : f32 to vector<16xf32>
      %select_n3A_847 = arith.select %eq3A_843, %broadcast_in_dim3A_846, %get3A_845 : vector<16xi1>, vector<16xf32>
      %swap3A_848 = arith.index_cast %mul3A_840 : i32 to index
      %swap3A_849 = tpu.vector_load %arg8[%swap3A_848] {strides = array<i32>} : memref<512xf32, #tpu.memory_space<vmem>>, vector<16xf32>,
      %swap3A_850 = vector.shape_cast %swap3A_849 : vector<16xf32> to vector<16xf32>
      %swap3A_851 = vector.shape_cast %select_n3A_847 : vector<16xf32> to vector<16xf32>
      tpu.vector_store %arg8[%swap3A_848], %swap3A_851 {strides = array<i32>} : memref<512xf32, #tpu.memory_space<vmem>>, vector<16xf32>,
      %mul3A_852 = arith.constant 512 : i32
      %mul3A_853 = arith.muli %div3A_268, %mul3A_852 : i32
      %add3A_854 = arith.addi %mul3A_853, %squeeze3A_836 : i32
      %get3A_855 = arith.index_cast %mul3A_840 : i32 to index
      %get3A_856 = tpu.vector_load %arg12[%get3A_855] {strides = array<i32>} : memref<512xi32, #tpu.memory_space<vmem>>, vector<16xi32>,
      %get3A_857 = vector.shape_cast %get3A_856 : vector<16xi32> to vector<16xi32>
      %broadcast_in_dim3A_858 = vector.broadcast %add3A_854 : i32 to vector<16xi32>
      %select_n3A_859 = arith.select %eq3A_843, %broadcast_in_dim3A_858, %get3A_857 : vector<16xi1>, vector<16xi32>
      %swap3A_860 = arith.index_cast %mul3A_840 : i32 to index
      %swap3A_861 = tpu.vector_load %arg12[%swap3A_860] {strides = array<i32>} : memref<512xi32, #tpu.memory_space<vmem>>, vector<16xi32>,
      %swap3A_862 = vector.shape_cast %swap3A_861 : vector<16xi32> to vector<16xi32>
      %swap3A_863 = vector.shape_cast %select_n3A_859 : vector<16xi32> to vector<16xi32>
      tpu.vector_store %arg12[%swap3A_860], %swap3A_863 {strides = array<i32>} : memref<512xi32, #tpu.memory_space<vmem>>, vector<16xi32>,
      %convert_element_type3A = arith.sitofp %rem3A_269 : i32 to f32
      %convert_element_type3A_864 = arith.sitofp %div3A_268 : i32 to f32
      %eq3A_865 = vector.broadcast %scan3A_123 : i32 to vector<16xi32>
      %eq3A_866 = arith.cmpi eq, %iota3A_0, %eq3A_865 : vector<16xi32>
      %broadcast_in_dim3A_867 = vector.broadcast %squeeze3A : f32 to vector<16xf32>
      %select_n3A_868 = arith.select %eq3A_866, %broadcast_in_dim3A_867, %scan3A_124 : vector<16xi1>, vector<16xf32>
      %sub3A = arith.constant 16 : i32
      %sub3A_869 = arith.subi %scan3A_123, %sub3A : i32
      %eq3A_870 = vector.broadcast %sub3A_869 : i32 to vector<16xi32>
      %eq3A_871 = arith.cmpi eq, %iota3A_0, %eq3A_870 : vector<16xi32>
      %broadcast_in_dim3A_872 = vector.broadcast %squeeze3A : f32 to vector<16xf32>
      %select_n3A_873 = arith.select %eq3A_871, %broadcast_in_dim3A_872, %scan3A_125 : vector<16xi1>, vector<16xf32>
      %eq3A_874 = vector.broadcast %scan3A_123 : i32 to vector<16xi32>
      %eq3A_875 = arith.cmpi eq, %iota3A_0, %eq3A_874 : vector<16xi32>
      %broadcast_in_dim3A_876 = vector.broadcast %convert_element_type3A : f32 to vector<16xf32>
      %select_n3A_877 = arith.select %eq3A_875, %broadcast_in_dim3A_876, %scan3A_126 : vector<16xi1>, vector<16xf32>
      %sub3A_878 = arith.constant 16 : i32
      %sub3A_879 = arith.subi %scan3A_123, %sub3A_878 : i32
      %eq3A_880 = vector.broadcast %sub3A_879 : i32 to vector<16xi32>
      %eq3A_881 = arith.cmpi eq, %iota3A_0, %eq3A_880 : vector<16xi32>
      %broadcast_in_dim3A_882 = vector.broadcast %convert_element_type3A : f32 to vector<16xf32>
      %select_n3A_883 = arith.select %eq3A_881, %broadcast_in_dim3A_882, %scan3A_127 : vector<16xi1>, vector<16xf32>
      %eq3A_884 = vector.broadcast %scan3A_123 : i32 to vector<16xi32>
      %eq3A_885 = arith.cmpi eq, %iota3A_0, %eq3A_884 : vector<16xi32>
      %broadcast_in_dim3A_886 = vector.broadcast %convert_element_type3A_864 : f32 to vector<16xf32>
      %select_n3A_887 = arith.select %eq3A_885, %broadcast_in_dim3A_886, %scan3A_128 : vector<16xi1>, vector<16xf32>
      %sub3A_888 = arith.constant 16 : i32
      %sub3A_889 = arith.subi %scan3A_123, %sub3A_888 : i32
      %eq3A_890 = vector.broadcast %sub3A_889 : i32 to vector<16xi32>
      %eq3A_891 = arith.cmpi eq, %iota3A_0, %eq3A_890 : vector<16xi32>
      %broadcast_in_dim3A_892 = vector.broadcast %convert_element_type3A_864 : f32 to vector<16xf32>
      %select_n3A_893 = arith.select %eq3A_891, %broadcast_in_dim3A_892, %scan3A_129 : vector<16xi1>, vector<16xf32>
      %mul3A_894 = arith.constant 512 : i32
      %mul3A_895 = arith.muli %add3A_12, %mul3A_894 : i32
      %add3A_896 = arith.addi %mul3A_895, %div3A_407 : i32
      %dma_wait3A_897 = arith.constant 0 : i32
      %dma_wait3A_898 = tpu.memref_slice %arg2[%add3A_896, %dma_wait3A_897] : memref<65536x512xf32, #tpu.memory_space<hbm>> -> memref<1x512xf32, #tpu.memory_space<hbm>>
      %dma_wait3A_899 = tpu.memref_squeeze %dma_wait3A_898 : memref<1x512xf32, #tpu.memory_space<hbm>> -> memref<512xf32, #tpu.memory_space<hbm>>
      %dma_wait3A_900 = arith.constant 0 : i32
      %dma_wait3A_901 = tpu.memref_slice %arg2[%add3A_896, %dma_wait3A_900] : memref<65536x512xf32, #tpu.memory_space<hbm>> -> memref<1x512xf32, #tpu.memory_space<hbm>>
      %dma_wait3A_902 = tpu.memref_squeeze %dma_wait3A_901 : memref<1x512xf32, #tpu.memory_space<hbm>> -> memref<512xf32, #tpu.memory_space<hbm>>
      tpu.wait_dma2 semaphore(%arg22 : memref<!tpu.dma_semaphore, #tpu.memory_space<semaphore_mem>>) src(%dma_wait3A_902 : memref<512xf32, #tpu.memory_space<hbm>>) dst(%arg17 : memref<512xf32, #tpu.memory_space<vmem>>)
      %scan3A_903 = arith.constant 0 : i32
      %scan3A_904 = arith.constant 8 : i32
      %scan3A_905 = arith.addi %scan3A_903, %scan3A_904 : i32
      %scan3A_906 = arith.constant 1 : i32
      %scan3A_907 = scf.for %scan3A_1488 = %scan3A_903 to %scan3A_905 step %scan3A_906 iter_args(%scan3A_1489 = %broadcast_in_dim3A_1) -> (vector<16xf32>)  : i32 {
        %mul3A_1490 = arith.constant 4 : i32
        %mul3A_1491 = arith.muli %scan3A_1488, %mul3A_1490 : i32
        %add3A_1492 = arith.constant 0 : i32
        %add3A_1493 = arith.addi %mul3A_1491, %add3A_1492 : i32
        %mul3A_1494 = arith.constant 16 : i32
        %mul3A_1495 = arith.muli %add3A_1493, %mul3A_1494 : i32
        %get3A_1496 = arith.index_cast %mul3A_1495 : i32 to index
        %get3A_1497 = tpu.vector_load %arg17[%get3A_1496] {strides = array<i32>} : memref<512xf32, #tpu.memory_space<vmem>>, vector<16xf32>,
        %get3A_1498 = vector.shape_cast %get3A_1497 : vector<16xf32> to vector<16xf32>
        %mul3A_1499 = arith.constant 16 : i32
        %mul3A_1500 = arith.muli %add3A_1493, %mul3A_1499 : i32
        %add3A_1501 = vector.broadcast %mul3A_1500 : i32 to vector<16xi32>
        %add3A_1502 = arith.addi %iota3A_0, %add3A_1501 : vector<16xi32>
        %lt3A_1503 = vector.broadcast %squeeze3A_341 : f32 to vector<16xf32>
        %lt3A_1504 = arith.cmpf olt, %get3A_1498, %lt3A_1503 : vector<16xf32>
        %eq3A_1505 = vector.broadcast %squeeze3A_341 : f32 to vector<16xf32>
        %eq3A_1506 = arith.cmpf oeq, %get3A_1498, %eq3A_1505 : vector<16xf32>
        %gt3A = vector.broadcast %rem3A_409 : i32 to vector<16xi32>
        %gt3A_1507 = arith.cmpi sgt, %add3A_1502, %gt3A : vector<16xi32>
        %and3A = arith.andi %eq3A_1506, %gt3A_1507 : vector<16xi1>
        %or3A = arith.ori %lt3A_1504, %and3A : vector<16xi1>
        %jit3A = arith.constant 0xFF800000 : f32
        %broadcast_in_dim3A_1508 = vector.broadcast %jit3A : f32 to vector<16xf32>
        %select_n3A_1509 = arith.select %or3A, %get3A_1498, %broadcast_in_dim3A_1508 : vector<16xi1>, vector<16xf32>
        %max3A_1510 = arith.maximumf %scan3A_1489, %select_n3A_1509 : vector<16xf32>
        %mul3A_1511 = arith.constant 4 : i32
        %mul3A_1512 = arith.muli %scan3A_1488, %mul3A_1511 : i32
        %add3A_1513 = arith.constant 1 : i32
        %add3A_1514 = arith.addi %mul3A_1512, %add3A_1513 : i32
        %mul3A_1515 = arith.constant 16 : i32
        %mul3A_1516 = arith.muli %add3A_1514, %mul3A_1515 : i32
        %get3A_1517 = arith.index_cast %mul3A_1516 : i32 to index
        %get3A_1518 = tpu.vector_load %arg17[%get3A_1517] {strides = array<i32>} : memref<512xf32, #tpu.memory_space<vmem>>, vector<16xf32>,
        %get3A_1519 = vector.shape_cast %get3A_1518 : vector<16xf32> to vector<16xf32>
        %mul3A_1520 = arith.constant 16 : i32
        %mul3A_1521 = arith.muli %add3A_1514, %mul3A_1520 : i32
        %add3A_1522 = vector.broadcast %mul3A_1521 : i32 to vector<16xi32>
        %add3A_1523 = arith.addi %iota3A_0, %add3A_1522 : vector<16xi32>
        %lt3A_1524 = vector.broadcast %squeeze3A_341 : f32 to vector<16xf32>
        %lt3A_1525 = arith.cmpf olt, %get3A_1519, %lt3A_1524 : vector<16xf32>
        %eq3A_1526 = vector.broadcast %squeeze3A_341 : f32 to vector<16xf32>
        %eq3A_1527 = arith.cmpf oeq, %get3A_1519, %eq3A_1526 : vector<16xf32>
        %gt3A_1528 = vector.broadcast %rem3A_409 : i32 to vector<16xi32>
        %gt3A_1529 = arith.cmpi sgt, %add3A_1523, %gt3A_1528 : vector<16xi32>
        %and3A_1530 = arith.andi %eq3A_1527, %gt3A_1529 : vector<16xi1>
        %or3A_1531 = arith.ori %lt3A_1525, %and3A_1530 : vector<16xi1>
        %jit3A_1532 = arith.constant 0xFF800000 : f32
        %broadcast_in_dim3A_1533 = vector.broadcast %jit3A_1532 : f32 to vector<16xf32>
        %select_n3A_1534 = arith.select %or3A_1531, %get3A_1519, %broadcast_in_dim3A_1533 : vector<16xi1>, vector<16xf32>
        %max3A_1535 = arith.maximumf %max3A_1510, %select_n3A_1534 : vector<16xf32>
        %mul3A_1536 = arith.constant 4 : i32
        %mul3A_1537 = arith.muli %scan3A_1488, %mul3A_1536 : i32
        %add3A_1538 = arith.constant 2 : i32
        %add3A_1539 = arith.addi %mul3A_1537, %add3A_1538 : i32
        %mul3A_1540 = arith.constant 16 : i32
        %mul3A_1541 = arith.muli %add3A_1539, %mul3A_1540 : i32
        %get3A_1542 = arith.index_cast %mul3A_1541 : i32 to index
        %get3A_1543 = tpu.vector_load %arg17[%get3A_1542] {strides = array<i32>} : memref<512xf32, #tpu.memory_space<vmem>>, vector<16xf32>,
        %get3A_1544 = vector.shape_cast %get3A_1543 : vector<16xf32> to vector<16xf32>
        %mul3A_1545 = arith.constant 16 : i32
        %mul3A_1546 = arith.muli %add3A_1539, %mul3A_1545 : i32
        %add3A_1547 = vector.broadcast %mul3A_1546 : i32 to vector<16xi32>
        %add3A_1548 = arith.addi %iota3A_0, %add3A_1547 : vector<16xi32>
        %lt3A_1549 = vector.broadcast %squeeze3A_341 : f32 to vector<16xf32>
        %lt3A_1550 = arith.cmpf olt, %get3A_1544, %lt3A_1549 : vector<16xf32>
        %eq3A_1551 = vector.broadcast %squeeze3A_341 : f32 to vector<16xf32>
        %eq3A_1552 = arith.cmpf oeq, %get3A_1544, %eq3A_1551 : vector<16xf32>
        %gt3A_1553 = vector.broadcast %rem3A_409 : i32 to vector<16xi32>
        %gt3A_1554 = arith.cmpi sgt, %add3A_1548, %gt3A_1553 : vector<16xi32>
        %and3A_1555 = arith.andi %eq3A_1552, %gt3A_1554 : vector<16xi1>
        %or3A_1556 = arith.ori %lt3A_1550, %and3A_1555 : vector<16xi1>
        %jit3A_1557 = arith.constant 0xFF800000 : f32
        %broadcast_in_dim3A_1558 = vector.broadcast %jit3A_1557 : f32 to vector<16xf32>
        %select_n3A_1559 = arith.select %or3A_1556, %get3A_1544, %broadcast_in_dim3A_1558 : vector<16xi1>, vector<16xf32>
        %max3A_1560 = arith.maximumf %max3A_1535, %select_n3A_1559 : vector<16xf32>
        %mul3A_1561 = arith.constant 4 : i32
        %mul3A_1562 = arith.muli %scan3A_1488, %mul3A_1561 : i32
        %add3A_1563 = arith.constant 3 : i32
        %add3A_1564 = arith.addi %mul3A_1562, %add3A_1563 : i32
        %mul3A_1565 = arith.constant 16 : i32
        %mul3A_1566 = arith.muli %add3A_1564, %mul3A_1565 : i32
        %get3A_1567 = arith.index_cast %mul3A_1566 : i32 to index
        %get3A_1568 = tpu.vector_load %arg17[%get3A_1567] {strides = array<i32>} : memref<512xf32, #tpu.memory_space<vmem>>, vector<16xf32>,
        %get3A_1569 = vector.shape_cast %get3A_1568 : vector<16xf32> to vector<16xf32>
        %mul3A_1570 = arith.constant 16 : i32
        %mul3A_1571 = arith.muli %add3A_1564, %mul3A_1570 : i32
        %add3A_1572 = vector.broadcast %mul3A_1571 : i32 to vector<16xi32>
        %add3A_1573 = arith.addi %iota3A_0, %add3A_1572 : vector<16xi32>
        %lt3A_1574 = vector.broadcast %squeeze3A_341 : f32 to vector<16xf32>
        %lt3A_1575 = arith.cmpf olt, %get3A_1569, %lt3A_1574 : vector<16xf32>
        %eq3A_1576 = vector.broadcast %squeeze3A_341 : f32 to vector<16xf32>
        %eq3A_1577 = arith.cmpf oeq, %get3A_1569, %eq3A_1576 : vector<16xf32>
        %gt3A_1578 = vector.broadcast %rem3A_409 : i32 to vector<16xi32>
        %gt3A_1579 = arith.cmpi sgt, %add3A_1573, %gt3A_1578 : vector<16xi32>
        %and3A_1580 = arith.andi %eq3A_1577, %gt3A_1579 : vector<16xi1>
        %or3A_1581 = arith.ori %lt3A_1575, %and3A_1580 : vector<16xi1>
        %jit3A_1582 = arith.constant 0xFF800000 : f32
        %broadcast_in_dim3A_1583 = vector.broadcast %jit3A_1582 : f32 to vector<16xf32>
        %select_n3A_1584 = arith.select %or3A_1581, %get3A_1569, %broadcast_in_dim3A_1583 : vector<16xi1>, vector<16xf32>
        %max3A_1585 = arith.maximumf %max3A_1560, %select_n3A_1584 : vector<16xf32>
        scf.yield %max3A_1585 : vector<16xf32>
      }
      %scan3A_908 = arith.constant 8 : i32
      %xor3A_909 = arith.constant 1 : i32
      %xor3A_910 = vector.broadcast %xor3A_909 : i32 to vector<16xi32>
      %xor3A_911 = arith.xori %iota3A, %xor3A_910 : vector<16xi32>
      %lt3A_912 = arith.constant 0 : i32
      %lt3A_913 = vector.broadcast %lt3A_912 : i32 to vector<16xi32>
      %lt3A_914 = arith.cmpi slt, %xor3A_911, %lt3A_913 : vector<16xi32>
      %add3A_915 = arith.constant 16 : i32
      %add3A_916 = vector.broadcast %add3A_915 : i32 to vector<16xi32>
      %add3A_917 = arith.addi %xor3A_911, %add3A_916 : vector<16xi32>
      %select_n3A_918 = arith.select %lt3A_914, %add3A_917, %xor3A_911 : vector<16xi1>, vector<16xi32>
      %broadcast_in_dim3A_919 = vector.shape_cast %select_n3A_918 : vector<16xi32> to vector<16x1xi32>
      %gather3A_920 = vector.shape_cast %broadcast_in_dim3A_919 : vector<16x1xi32> to vector<16xi32>
      %gather3A_921 = tpu.dynamic_gather %scan3A_907[%gather3A_920] in [0] : vector<16xf32>, vector<16xi32> -> vector<16xf32>
      %max3A_922 = arith.maximumf %scan3A_907, %gather3A_921 : vector<16xf32>
      %xor3A_923 = arith.constant 2 : i32
      %xor3A_924 = vector.broadcast %xor3A_923 : i32 to vector<16xi32>
      %xor3A_925 = arith.xori %iota3A, %xor3A_924 : vector<16xi32>
      %lt3A_926 = arith.constant 0 : i32
      %lt3A_927 = vector.broadcast %lt3A_926 : i32 to vector<16xi32>
      %lt3A_928 = arith.cmpi slt, %xor3A_925, %lt3A_927 : vector<16xi32>
      %add3A_929 = arith.constant 16 : i32
      %add3A_930 = vector.broadcast %add3A_929 : i32 to vector<16xi32>
      %add3A_931 = arith.addi %xor3A_925, %add3A_930 : vector<16xi32>
      %select_n3A_932 = arith.select %lt3A_928, %add3A_931, %xor3A_925 : vector<16xi1>, vector<16xi32>
      %broadcast_in_dim3A_933 = vector.shape_cast %select_n3A_932 : vector<16xi32> to vector<16x1xi32>
      %gather3A_934 = vector.shape_cast %broadcast_in_dim3A_933 : vector<16x1xi32> to vector<16xi32>
      %gather3A_935 = tpu.dynamic_gather %max3A_922[%gather3A_934] in [0] : vector<16xf32>, vector<16xi32> -> vector<16xf32>
      %max3A_936 = arith.maximumf %max3A_922, %gather3A_935 : vector<16xf32>
      %xor3A_937 = arith.constant 4 : i32
      %xor3A_938 = vector.broadcast %xor3A_937 : i32 to vector<16xi32>
      %xor3A_939 = arith.xori %iota3A, %xor3A_938 : vector<16xi32>
      %lt3A_940 = arith.constant 0 : i32
      %lt3A_941 = vector.broadcast %lt3A_940 : i32 to vector<16xi32>
      %lt3A_942 = arith.cmpi slt, %xor3A_939, %lt3A_941 : vector<16xi32>
      %add3A_943 = arith.constant 16 : i32
      %add3A_944 = vector.broadcast %add3A_943 : i32 to vector<16xi32>
      %add3A_945 = arith.addi %xor3A_939, %add3A_944 : vector<16xi32>
      %select_n3A_946 = arith.select %lt3A_942, %add3A_945, %xor3A_939 : vector<16xi1>, vector<16xi32>
      %broadcast_in_dim3A_947 = vector.shape_cast %select_n3A_946 : vector<16xi32> to vector<16x1xi32>
      %gather3A_948 = vector.shape_cast %broadcast_in_dim3A_947 : vector<16x1xi32> to vector<16xi32>
      %gather3A_949 = tpu.dynamic_gather %max3A_936[%gather3A_948] in [0] : vector<16xf32>, vector<16xi32> -> vector<16xf32>
      %max3A_950 = arith.maximumf %max3A_936, %gather3A_949 : vector<16xf32>
      %xor3A_951 = arith.constant 8 : i32
      %xor3A_952 = vector.broadcast %xor3A_951 : i32 to vector<16xi32>
      %xor3A_953 = arith.xori %iota3A, %xor3A_952 : vector<16xi32>
      %lt3A_954 = arith.constant 0 : i32
      %lt3A_955 = vector.broadcast %lt3A_954 : i32 to vector<16xi32>
      %lt3A_956 = arith.cmpi slt, %xor3A_953, %lt3A_955 : vector<16xi32>
      %add3A_957 = arith.constant 16 : i32
      %add3A_958 = vector.broadcast %add3A_957 : i32 to vector<16xi32>
      %add3A_959 = arith.addi %xor3A_953, %add3A_958 : vector<16xi32>
      %select_n3A_960 = arith.select %lt3A_956, %add3A_959, %xor3A_953 : vector<16xi1>, vector<16xi32>
      %broadcast_in_dim3A_961 = vector.shape_cast %select_n3A_960 : vector<16xi32> to vector<16x1xi32>
      %gather3A_962 = vector.shape_cast %broadcast_in_dim3A_961 : vector<16x1xi32> to vector<16xi32>
      %gather3A_963 = tpu.dynamic_gather %max3A_950[%gather3A_962] in [0] : vector<16xf32>, vector<16xi32> -> vector<16xf32>
      %max3A_964 = arith.maximumf %max3A_950, %gather3A_963 : vector<16xf32>
      %slice3A_965 = vector.extract_strided_slice %max3A_964 {offsets = [0], sizes = [1], strides = [1]} : vector<16xf32> to vector<1xf32>
      %squeeze3A_966 = vector.extract %slice3A_965[0] : f32 from vector<1xf32>
      %scan3A_967 = arith.constant 0 : i32
      %scan3A_968 = arith.constant 8 : i32
      %scan3A_969 = arith.addi %scan3A_967, %scan3A_968 : i32
      %scan3A_970 = arith.constant 1 : i32
      %scan3A_971 = scf.for %scan3A_1488 = %scan3A_967 to %scan3A_969 step %scan3A_970 iter_args(%scan3A_1489 = %broadcast_in_dim3A_3) -> (vector<16xi32>)  : i32 {
        %mul3A_1490 = arith.constant 4 : i32
        %mul3A_1491 = arith.muli %scan3A_1488, %mul3A_1490 : i32
        %add3A_1492 = arith.constant 0 : i32
        %add3A_1493 = arith.addi %mul3A_1491, %add3A_1492 : i32
        %mul3A_1494 = arith.constant 16 : i32
        %mul3A_1495 = arith.muli %add3A_1493, %mul3A_1494 : i32
        %get3A_1496 = arith.index_cast %mul3A_1495 : i32 to index
        %get3A_1497 = tpu.vector_load %arg17[%get3A_1496] {strides = array<i32>} : memref<512xf32, #tpu.memory_space<vmem>>, vector<16xf32>,
        %get3A_1498 = vector.shape_cast %get3A_1497 : vector<16xf32> to vector<16xf32>
        %mul3A_1499 = arith.constant 16 : i32
        %mul3A_1500 = arith.muli %add3A_1493, %mul3A_1499 : i32
        %add3A_1501 = vector.broadcast %mul3A_1500 : i32 to vector<16xi32>
        %add3A_1502 = arith.addi %iota3A_0, %add3A_1501 : vector<16xi32>
        %lt3A_1503 = vector.broadcast %squeeze3A_341 : f32 to vector<16xf32>
        %lt3A_1504 = arith.cmpf olt, %get3A_1498, %lt3A_1503 : vector<16xf32>
        %eq3A_1505 = vector.broadcast %squeeze3A_341 : f32 to vector<16xf32>
        %eq3A_1506 = arith.cmpf oeq, %get3A_1498, %eq3A_1505 : vector<16xf32>
        %gt3A = vector.broadcast %rem3A_409 : i32 to vector<16xi32>
        %gt3A_1507 = arith.cmpi sgt, %add3A_1502, %gt3A : vector<16xi32>
        %and3A = arith.andi %eq3A_1506, %gt3A_1507 : vector<16xi1>
        %or3A = arith.ori %lt3A_1504, %and3A : vector<16xi1>
        %eq3A_1508 = vector.broadcast %squeeze3A_966 : f32 to vector<16xf32>
        %eq3A_1509 = arith.cmpf oeq, %get3A_1498, %eq3A_1508 : vector<16xf32>
        %and3A_1510 = arith.andi %or3A, %eq3A_1509 : vector<16xi1>
        %jit3A = arith.constant 16777216 : i32
        %broadcast_in_dim3A_1511 = vector.broadcast %jit3A : i32 to vector<16xi32>
        %select_n3A_1512 = arith.select %and3A_1510, %add3A_1502, %broadcast_in_dim3A_1511 : vector<16xi1>, vector<16xi32>
        %min3A_1513 = arith.minsi %scan3A_1489, %select_n3A_1512 : vector<16xi32>
        %mul3A_1514 = arith.constant 4 : i32
        %mul3A_1515 = arith.muli %scan3A_1488, %mul3A_1514 : i32
        %add3A_1516 = arith.constant 1 : i32
        %add3A_1517 = arith.addi %mul3A_1515, %add3A_1516 : i32
        %mul3A_1518 = arith.constant 16 : i32
        %mul3A_1519 = arith.muli %add3A_1517, %mul3A_1518 : i32
        %get3A_1520 = arith.index_cast %mul3A_1519 : i32 to index
        %get3A_1521 = tpu.vector_load %arg17[%get3A_1520] {strides = array<i32>} : memref<512xf32, #tpu.memory_space<vmem>>, vector<16xf32>,
        %get3A_1522 = vector.shape_cast %get3A_1521 : vector<16xf32> to vector<16xf32>
        %mul3A_1523 = arith.constant 16 : i32
        %mul3A_1524 = arith.muli %add3A_1517, %mul3A_1523 : i32
        %add3A_1525 = vector.broadcast %mul3A_1524 : i32 to vector<16xi32>
        %add3A_1526 = arith.addi %iota3A_0, %add3A_1525 : vector<16xi32>
        %lt3A_1527 = vector.broadcast %squeeze3A_341 : f32 to vector<16xf32>
        %lt3A_1528 = arith.cmpf olt, %get3A_1522, %lt3A_1527 : vector<16xf32>
        %eq3A_1529 = vector.broadcast %squeeze3A_341 : f32 to vector<16xf32>
        %eq3A_1530 = arith.cmpf oeq, %get3A_1522, %eq3A_1529 : vector<16xf32>
        %gt3A_1531 = vector.broadcast %rem3A_409 : i32 to vector<16xi32>
        %gt3A_1532 = arith.cmpi sgt, %add3A_1526, %gt3A_1531 : vector<16xi32>
        %and3A_1533 = arith.andi %eq3A_1530, %gt3A_1532 : vector<16xi1>
        %or3A_1534 = arith.ori %lt3A_1528, %and3A_1533 : vector<16xi1>
        %eq3A_1535 = vector.broadcast %squeeze3A_966 : f32 to vector<16xf32>
        %eq3A_1536 = arith.cmpf oeq, %get3A_1522, %eq3A_1535 : vector<16xf32>
        %and3A_1537 = arith.andi %or3A_1534, %eq3A_1536 : vector<16xi1>
        %jit3A_1538 = arith.constant 16777216 : i32
        %broadcast_in_dim3A_1539 = vector.broadcast %jit3A_1538 : i32 to vector<16xi32>
        %select_n3A_1540 = arith.select %and3A_1537, %add3A_1526, %broadcast_in_dim3A_1539 : vector<16xi1>, vector<16xi32>
        %min3A_1541 = arith.minsi %min3A_1513, %select_n3A_1540 : vector<16xi32>
        %mul3A_1542 = arith.constant 4 : i32
        %mul3A_1543 = arith.muli %scan3A_1488, %mul3A_1542 : i32
        %add3A_1544 = arith.constant 2 : i32
        %add3A_1545 = arith.addi %mul3A_1543, %add3A_1544 : i32
        %mul3A_1546 = arith.constant 16 : i32
        %mul3A_1547 = arith.muli %add3A_1545, %mul3A_1546 : i32
        %get3A_1548 = arith.index_cast %mul3A_1547 : i32 to index
        %get3A_1549 = tpu.vector_load %arg17[%get3A_1548] {strides = array<i32>} : memref<512xf32, #tpu.memory_space<vmem>>, vector<16xf32>,
        %get3A_1550 = vector.shape_cast %get3A_1549 : vector<16xf32> to vector<16xf32>
        %mul3A_1551 = arith.constant 16 : i32
        %mul3A_1552 = arith.muli %add3A_1545, %mul3A_1551 : i32
        %add3A_1553 = vector.broadcast %mul3A_1552 : i32 to vector<16xi32>
        %add3A_1554 = arith.addi %iota3A_0, %add3A_1553 : vector<16xi32>
        %lt3A_1555 = vector.broadcast %squeeze3A_341 : f32 to vector<16xf32>
        %lt3A_1556 = arith.cmpf olt, %get3A_1550, %lt3A_1555 : vector<16xf32>
        %eq3A_1557 = vector.broadcast %squeeze3A_341 : f32 to vector<16xf32>
        %eq3A_1558 = arith.cmpf oeq, %get3A_1550, %eq3A_1557 : vector<16xf32>
        %gt3A_1559 = vector.broadcast %rem3A_409 : i32 to vector<16xi32>
        %gt3A_1560 = arith.cmpi sgt, %add3A_1554, %gt3A_1559 : vector<16xi32>
        %and3A_1561 = arith.andi %eq3A_1558, %gt3A_1560 : vector<16xi1>
        %or3A_1562 = arith.ori %lt3A_1556, %and3A_1561 : vector<16xi1>
        %eq3A_1563 = vector.broadcast %squeeze3A_966 : f32 to vector<16xf32>
        %eq3A_1564 = arith.cmpf oeq, %get3A_1550, %eq3A_1563 : vector<16xf32>
        %and3A_1565 = arith.andi %or3A_1562, %eq3A_1564 : vector<16xi1>
        %jit3A_1566 = arith.constant 16777216 : i32
        %broadcast_in_dim3A_1567 = vector.broadcast %jit3A_1566 : i32 to vector<16xi32>
        %select_n3A_1568 = arith.select %and3A_1565, %add3A_1554, %broadcast_in_dim3A_1567 : vector<16xi1>, vector<16xi32>
        %min3A_1569 = arith.minsi %min3A_1541, %select_n3A_1568 : vector<16xi32>
        %mul3A_1570 = arith.constant 4 : i32
        %mul3A_1571 = arith.muli %scan3A_1488, %mul3A_1570 : i32
        %add3A_1572 = arith.constant 3 : i32
        %add3A_1573 = arith.addi %mul3A_1571, %add3A_1572 : i32
        %mul3A_1574 = arith.constant 16 : i32
        %mul3A_1575 = arith.muli %add3A_1573, %mul3A_1574 : i32
        %get3A_1576 = arith.index_cast %mul3A_1575 : i32 to index
        %get3A_1577 = tpu.vector_load %arg17[%get3A_1576] {strides = array<i32>} : memref<512xf32, #tpu.memory_space<vmem>>, vector<16xf32>,
        %get3A_1578 = vector.shape_cast %get3A_1577 : vector<16xf32> to vector<16xf32>
        %mul3A_1579 = arith.constant 16 : i32
        %mul3A_1580 = arith.muli %add3A_1573, %mul3A_1579 : i32
        %add3A_1581 = vector.broadcast %mul3A_1580 : i32 to vector<16xi32>
        %add3A_1582 = arith.addi %iota3A_0, %add3A_1581 : vector<16xi32>
        %lt3A_1583 = vector.broadcast %squeeze3A_341 : f32 to vector<16xf32>
        %lt3A_1584 = arith.cmpf olt, %get3A_1578, %lt3A_1583 : vector<16xf32>
        %eq3A_1585 = vector.broadcast %squeeze3A_341 : f32 to vector<16xf32>
        %eq3A_1586 = arith.cmpf oeq, %get3A_1578, %eq3A_1585 : vector<16xf32>
        %gt3A_1587 = vector.broadcast %rem3A_409 : i32 to vector<16xi32>
        %gt3A_1588 = arith.cmpi sgt, %add3A_1582, %gt3A_1587 : vector<16xi32>
        %and3A_1589 = arith.andi %eq3A_1586, %gt3A_1588 : vector<16xi1>
        %or3A_1590 = arith.ori %lt3A_1584, %and3A_1589 : vector<16xi1>
        %eq3A_1591 = vector.broadcast %squeeze3A_966 : f32 to vector<16xf32>
        %eq3A_1592 = arith.cmpf oeq, %get3A_1578, %eq3A_1591 : vector<16xf32>
        %and3A_1593 = arith.andi %or3A_1590, %eq3A_1592 : vector<16xi1>
        %jit3A_1594 = arith.constant 16777216 : i32
        %broadcast_in_dim3A_1595 = vector.broadcast %jit3A_1594 : i32 to vector<16xi32>
        %select_n3A_1596 = arith.select %and3A_1593, %add3A_1582, %broadcast_in_dim3A_1595 : vector<16xi1>, vector<16xi32>
        %min3A_1597 = arith.minsi %min3A_1569, %select_n3A_1596 : vector<16xi32>
        scf.yield %min3A_1597 : vector<16xi32>
      }
      %scan3A_972 = arith.constant 8 : i32
      %xor3A_973 = arith.constant 1 : i32
      %xor3A_974 = vector.broadcast %xor3A_973 : i32 to vector<16xi32>
      %xor3A_975 = arith.xori %iota3A, %xor3A_974 : vector<16xi32>
      %lt3A_976 = arith.constant 0 : i32
      %lt3A_977 = vector.broadcast %lt3A_976 : i32 to vector<16xi32>
      %lt3A_978 = arith.cmpi slt, %xor3A_975, %lt3A_977 : vector<16xi32>
      %add3A_979 = arith.constant 16 : i32
      %add3A_980 = vector.broadcast %add3A_979 : i32 to vector<16xi32>
      %add3A_981 = arith.addi %xor3A_975, %add3A_980 : vector<16xi32>
      %select_n3A_982 = arith.select %lt3A_978, %add3A_981, %xor3A_975 : vector<16xi1>, vector<16xi32>
      %broadcast_in_dim3A_983 = vector.shape_cast %select_n3A_982 : vector<16xi32> to vector<16x1xi32>
      %gather3A_984 = vector.shape_cast %broadcast_in_dim3A_983 : vector<16x1xi32> to vector<16xi32>
      %gather3A_985 = tpu.dynamic_gather %scan3A_971[%gather3A_984] in [0] : vector<16xi32>, vector<16xi32> -> vector<16xi32>
      %min3A_986 = arith.minsi %scan3A_971, %gather3A_985 : vector<16xi32>
      %xor3A_987 = arith.constant 2 : i32
      %xor3A_988 = vector.broadcast %xor3A_987 : i32 to vector<16xi32>
      %xor3A_989 = arith.xori %iota3A, %xor3A_988 : vector<16xi32>
      %lt3A_990 = arith.constant 0 : i32
      %lt3A_991 = vector.broadcast %lt3A_990 : i32 to vector<16xi32>
      %lt3A_992 = arith.cmpi slt, %xor3A_989, %lt3A_991 : vector<16xi32>
      %add3A_993 = arith.constant 16 : i32
      %add3A_994 = vector.broadcast %add3A_993 : i32 to vector<16xi32>
      %add3A_995 = arith.addi %xor3A_989, %add3A_994 : vector<16xi32>
      %select_n3A_996 = arith.select %lt3A_992, %add3A_995, %xor3A_989 : vector<16xi1>, vector<16xi32>
      %broadcast_in_dim3A_997 = vector.shape_cast %select_n3A_996 : vector<16xi32> to vector<16x1xi32>
      %gather3A_998 = vector.shape_cast %broadcast_in_dim3A_997 : vector<16x1xi32> to vector<16xi32>
      %gather3A_999 = tpu.dynamic_gather %min3A_986[%gather3A_998] in [0] : vector<16xi32>, vector<16xi32> -> vector<16xi32>
      %min3A_1000 = arith.minsi %min3A_986, %gather3A_999 : vector<16xi32>
      %xor3A_1001 = arith.constant 4 : i32
      %xor3A_1002 = vector.broadcast %xor3A_1001 : i32 to vector<16xi32>
      %xor3A_1003 = arith.xori %iota3A, %xor3A_1002 : vector<16xi32>
      %lt3A_1004 = arith.constant 0 : i32
      %lt3A_1005 = vector.broadcast %lt3A_1004 : i32 to vector<16xi32>
      %lt3A_1006 = arith.cmpi slt, %xor3A_1003, %lt3A_1005 : vector<16xi32>
      %add3A_1007 = arith.constant 16 : i32
      %add3A_1008 = vector.broadcast %add3A_1007 : i32 to vector<16xi32>
      %add3A_1009 = arith.addi %xor3A_1003, %add3A_1008 : vector<16xi32>
      %select_n3A_1010 = arith.select %lt3A_1006, %add3A_1009, %xor3A_1003 : vector<16xi1>, vector<16xi32>
      %broadcast_in_dim3A_1011 = vector.shape_cast %select_n3A_1010 : vector<16xi32> to vector<16x1xi32>
      %gather3A_1012 = vector.shape_cast %broadcast_in_dim3A_1011 : vector<16x1xi32> to vector<16xi32>
      %gather3A_1013 = tpu.dynamic_gather %min3A_1000[%gather3A_1012] in [0] : vector<16xi32>, vector<16xi32> -> vector<16xi32>
      %min3A_1014 = arith.minsi %min3A_1000, %gather3A_1013 : vector<16xi32>
      %xor3A_1015 = arith.constant 8 : i32
      %xor3A_1016 = vector.broadcast %xor3A_1015 : i32 to vector<16xi32>
      %xor3A_1017 = arith.xori %iota3A, %xor3A_1016 : vector<16xi32>
      %lt3A_1018 = arith.constant 0 : i32
      %lt3A_1019 = vector.broadcast %lt3A_1018 : i32 to vector<16xi32>
      %lt3A_1020 = arith.cmpi slt, %xor3A_1017, %lt3A_1019 : vector<16xi32>
      %add3A_1021 = arith.constant 16 : i32
      %add3A_1022 = vector.broadcast %add3A_1021 : i32 to vector<16xi32>
      %add3A_1023 = arith.addi %xor3A_1017, %add3A_1022 : vector<16xi32>
      %select_n3A_1024 = arith.select %lt3A_1020, %add3A_1023, %xor3A_1017 : vector<16xi1>, vector<16xi32>
      %broadcast_in_dim3A_1025 = vector.shape_cast %select_n3A_1024 : vector<16xi32> to vector<16x1xi32>
      %gather3A_1026 = vector.shape_cast %broadcast_in_dim3A_1025 : vector<16x1xi32> to vector<16xi32>
      %gather3A_1027 = tpu.dynamic_gather %min3A_1014[%gather3A_1026] in [0] : vector<16xi32>, vector<16xi32> -> vector<16xi32>
      %min3A_1028 = arith.minsi %min3A_1014, %gather3A_1027 : vector<16xi32>
      %slice3A_1029 = vector.extract_strided_slice %min3A_1028 {offsets = [0], sizes = [1], strides = [1]} : vector<16xi32> to vector<1xi32>
      %squeeze3A_1030 = vector.extract %slice3A_1029[0] : i32 from vector<1xi32>
      %div3A_1031 = arith.constant 16 : i32
      %div3A_1032 = arith.divsi %div3A_407, %div3A_1031 : i32
      %mul3A_1033 = arith.constant 16 : i32
      %mul3A_1034 = arith.muli %div3A_1032, %mul3A_1033 : i32
      %rem3A_1035 = arith.constant 16 : i32
      %rem3A_1036 = arith.remsi %div3A_407, %rem3A_1035 : i32
      %eq3A_1037 = vector.broadcast %rem3A_1036 : i32 to vector<16xi32>
      %eq3A_1038 = arith.cmpi eq, %iota3A_0, %eq3A_1037 : vector<16xi32>
      %get3A_1039 = arith.index_cast %mul3A_1034 : i32 to index
      %get3A_1040 = tpu.vector_load %arg9[%get3A_1039] {strides = array<i32>} : memref<512xf32, #tpu.memory_space<vmem>>, vector<16xf32>,
      %get3A_1041 = vector.shape_cast %get3A_1040 : vector<16xf32> to vector<16xf32>
      %broadcast_in_dim3A_1042 = vector.broadcast %squeeze3A_966 : f32 to vector<16xf32>
      %select_n3A_1043 = arith.select %eq3A_1038, %broadcast_in_dim3A_1042, %get3A_1041 : vector<16xi1>, vector<16xf32>
      %swap3A_1044 = arith.index_cast %mul3A_1034 : i32 to index
      %swap3A_1045 = tpu.vector_load %arg9[%swap3A_1044] {strides = array<i32>} : memref<512xf32, #tpu.memory_space<vmem>>, vector<16xf32>,
      %swap3A_1046 = vector.shape_cast %swap3A_1045 : vector<16xf32> to vector<16xf32>
      %swap3A_1047 = vector.shape_cast %select_n3A_1043 : vector<16xf32> to vector<16xf32>
      tpu.vector_store %arg9[%swap3A_1044], %swap3A_1047 {strides = array<i32>} : memref<512xf32, #tpu.memory_space<vmem>>, vector<16xf32>,
      %mul3A_1048 = arith.constant 512 : i32
      %mul3A_1049 = arith.muli %div3A_407, %mul3A_1048 : i32
      %add3A_1050 = arith.addi %mul3A_1049, %squeeze3A_1030 : i32
      %get3A_1051 = arith.index_cast %mul3A_1034 : i32 to index
      %get3A_1052 = tpu.vector_load %arg13[%get3A_1051] {strides = array<i32>} : memref<512xi32, #tpu.memory_space<vmem>>, vector<16xi32>,
      %get3A_1053 = vector.shape_cast %get3A_1052 : vector<16xi32> to vector<16xi32>
      %broadcast_in_dim3A_1054 = vector.broadcast %add3A_1050 : i32 to vector<16xi32>
      %select_n3A_1055 = arith.select %eq3A_1038, %broadcast_in_dim3A_1054, %get3A_1053 : vector<16xi1>, vector<16xi32>
      %swap3A_1056 = arith.index_cast %mul3A_1034 : i32 to index
      %swap3A_1057 = tpu.vector_load %arg13[%swap3A_1056] {strides = array<i32>} : memref<512xi32, #tpu.memory_space<vmem>>, vector<16xi32>,
      %swap3A_1058 = vector.shape_cast %swap3A_1057 : vector<16xi32> to vector<16xi32>
      %swap3A_1059 = vector.shape_cast %select_n3A_1055 : vector<16xi32> to vector<16xi32>
      tpu.vector_store %arg13[%swap3A_1056], %swap3A_1059 {strides = array<i32>} : memref<512xi32, #tpu.memory_space<vmem>>, vector<16xi32>,
      %convert_element_type3A_1060 = arith.sitofp %rem3A_409 : i32 to f32
      %convert_element_type3A_1061 = arith.sitofp %div3A_407 : i32 to f32
      %eq3A_1062 = vector.broadcast %scan3A_123 : i32 to vector<16xi32>
      %eq3A_1063 = arith.cmpi eq, %iota3A_0, %eq3A_1062 : vector<16xi32>
      %broadcast_in_dim3A_1064 = vector.broadcast %squeeze3A_341 : f32 to vector<16xf32>
      %select_n3A_1065 = arith.select %eq3A_1063, %broadcast_in_dim3A_1064, %scan3A_130 : vector<16xi1>, vector<16xf32>
      %sub3A_1066 = arith.constant 16 : i32
      %sub3A_1067 = arith.subi %scan3A_123, %sub3A_1066 : i32
      %eq3A_1068 = vector.broadcast %sub3A_1067 : i32 to vector<16xi32>
      %eq3A_1069 = arith.cmpi eq, %iota3A_0, %eq3A_1068 : vector<16xi32>
      %broadcast_in_dim3A_1070 = vector.broadcast %squeeze3A_341 : f32 to vector<16xf32>
      %select_n3A_1071 = arith.select %eq3A_1069, %broadcast_in_dim3A_1070, %scan3A_131 : vector<16xi1>, vector<16xf32>
      %eq3A_1072 = vector.broadcast %scan3A_123 : i32 to vector<16xi32>
      %eq3A_1073 = arith.cmpi eq, %iota3A_0, %eq3A_1072 : vector<16xi32>
      %broadcast_in_dim3A_1074 = vector.broadcast %convert_element_type3A_1060 : f32 to vector<16xf32>
      %select_n3A_1075 = arith.select %eq3A_1073, %broadcast_in_dim3A_1074, %scan3A_132 : vector<16xi1>, vector<16xf32>
      %sub3A_1076 = arith.constant 16 : i32
      %sub3A_1077 = arith.subi %scan3A_123, %sub3A_1076 : i32
      %eq3A_1078 = vector.broadcast %sub3A_1077 : i32 to vector<16xi32>
      %eq3A_1079 = arith.cmpi eq, %iota3A_0, %eq3A_1078 : vector<16xi32>
      %broadcast_in_dim3A_1080 = vector.broadcast %convert_element_type3A_1060 : f32 to vector<16xf32>
      %select_n3A_1081 = arith.select %eq3A_1079, %broadcast_in_dim3A_1080, %scan3A_133 : vector<16xi1>, vector<16xf32>
      %eq3A_1082 = vector.broadcast %scan3A_123 : i32 to vector<16xi32>
      %eq3A_1083 = arith.cmpi eq, %iota3A_0, %eq3A_1082 : vector<16xi32>
      %broadcast_in_dim3A_1084 = vector.broadcast %convert_element_type3A_1061 : f32 to vector<16xf32>
      %select_n3A_1085 = arith.select %eq3A_1083, %broadcast_in_dim3A_1084, %scan3A_134 : vector<16xi1>, vector<16xf32>
      %sub3A_1086 = arith.constant 16 : i32
      %sub3A_1087 = arith.subi %scan3A_123, %sub3A_1086 : i32
      %eq3A_1088 = vector.broadcast %sub3A_1087 : i32 to vector<16xi32>
      %eq3A_1089 = arith.cmpi eq, %iota3A_0, %eq3A_1088 : vector<16xi32>
      %broadcast_in_dim3A_1090 = vector.broadcast %convert_element_type3A_1061 : f32 to vector<16xf32>
      %select_n3A_1091 = arith.select %eq3A_1089, %broadcast_in_dim3A_1090, %scan3A_135 : vector<16xi1>, vector<16xf32>
      %mul3A_1092 = arith.constant 512 : i32
      %mul3A_1093 = arith.muli %add3A_16, %mul3A_1092 : i32
      %add3A_1094 = arith.addi %mul3A_1093, %div3A_548 : i32
      %dma_wait3A_1095 = arith.constant 0 : i32
      %dma_wait3A_1096 = tpu.memref_slice %arg2[%add3A_1094, %dma_wait3A_1095] : memref<65536x512xf32, #tpu.memory_space<hbm>> -> memref<1x512xf32, #tpu.memory_space<hbm>>
      %dma_wait3A_1097 = tpu.memref_squeeze %dma_wait3A_1096 : memref<1x512xf32, #tpu.memory_space<hbm>> -> memref<512xf32, #tpu.memory_space<hbm>>
      %dma_wait3A_1098 = arith.constant 0 : i32
      %dma_wait3A_1099 = tpu.memref_slice %arg2[%add3A_1094, %dma_wait3A_1098] : memref<65536x512xf32, #tpu.memory_space<hbm>> -> memref<1x512xf32, #tpu.memory_space<hbm>>
      %dma_wait3A_1100 = tpu.memref_squeeze %dma_wait3A_1099 : memref<1x512xf32, #tpu.memory_space<hbm>> -> memref<512xf32, #tpu.memory_space<hbm>>
      tpu.wait_dma2 semaphore(%arg23 : memref<!tpu.dma_semaphore, #tpu.memory_space<semaphore_mem>>) src(%dma_wait3A_1100 : memref<512xf32, #tpu.memory_space<hbm>>) dst(%arg18 : memref<512xf32, #tpu.memory_space<vmem>>)
      %scan3A_1101 = arith.constant 0 : i32
      %scan3A_1102 = arith.constant 8 : i32
      %scan3A_1103 = arith.addi %scan3A_1101, %scan3A_1102 : i32
      %scan3A_1104 = arith.constant 1 : i32
      %scan3A_1105 = scf.for %scan3A_1488 = %scan3A_1101 to %scan3A_1103 step %scan3A_1104 iter_args(%scan3A_1489 = %broadcast_in_dim3A_1) -> (vector<16xf32>)  : i32 {
        %mul3A_1490 = arith.constant 4 : i32
        %mul3A_1491 = arith.muli %scan3A_1488, %mul3A_1490 : i32
        %add3A_1492 = arith.constant 0 : i32
        %add3A_1493 = arith.addi %mul3A_1491, %add3A_1492 : i32
        %mul3A_1494 = arith.constant 16 : i32
        %mul3A_1495 = arith.muli %add3A_1493, %mul3A_1494 : i32
        %get3A_1496 = arith.index_cast %mul3A_1495 : i32 to index
        %get3A_1497 = tpu.vector_load %arg18[%get3A_1496] {strides = array<i32>} : memref<512xf32, #tpu.memory_space<vmem>>, vector<16xf32>,
        %get3A_1498 = vector.shape_cast %get3A_1497 : vector<16xf32> to vector<16xf32>
        %mul3A_1499 = arith.constant 16 : i32
        %mul3A_1500 = arith.muli %add3A_1493, %mul3A_1499 : i32
        %add3A_1501 = vector.broadcast %mul3A_1500 : i32 to vector<16xi32>
        %add3A_1502 = arith.addi %iota3A_0, %add3A_1501 : vector<16xi32>
        %lt3A_1503 = vector.broadcast %squeeze3A_482 : f32 to vector<16xf32>
        %lt3A_1504 = arith.cmpf olt, %get3A_1498, %lt3A_1503 : vector<16xf32>
        %eq3A_1505 = vector.broadcast %squeeze3A_482 : f32 to vector<16xf32>
        %eq3A_1506 = arith.cmpf oeq, %get3A_1498, %eq3A_1505 : vector<16xf32>
        %gt3A = vector.broadcast %rem3A_550 : i32 to vector<16xi32>
        %gt3A_1507 = arith.cmpi sgt, %add3A_1502, %gt3A : vector<16xi32>
        %and3A = arith.andi %eq3A_1506, %gt3A_1507 : vector<16xi1>
        %or3A = arith.ori %lt3A_1504, %and3A : vector<16xi1>
        %jit3A = arith.constant 0xFF800000 : f32
        %broadcast_in_dim3A_1508 = vector.broadcast %jit3A : f32 to vector<16xf32>
        %select_n3A_1509 = arith.select %or3A, %get3A_1498, %broadcast_in_dim3A_1508 : vector<16xi1>, vector<16xf32>
        %max3A_1510 = arith.maximumf %scan3A_1489, %select_n3A_1509 : vector<16xf32>
        %mul3A_1511 = arith.constant 4 : i32
        %mul3A_1512 = arith.muli %scan3A_1488, %mul3A_1511 : i32
        %add3A_1513 = arith.constant 1 : i32
        %add3A_1514 = arith.addi %mul3A_1512, %add3A_1513 : i32
        %mul3A_1515 = arith.constant 16 : i32
        %mul3A_1516 = arith.muli %add3A_1514, %mul3A_1515 : i32
        %get3A_1517 = arith.index_cast %mul3A_1516 : i32 to index
        %get3A_1518 = tpu.vector_load %arg18[%get3A_1517] {strides = array<i32>} : memref<512xf32, #tpu.memory_space<vmem>>, vector<16xf32>,
        %get3A_1519 = vector.shape_cast %get3A_1518 : vector<16xf32> to vector<16xf32>
        %mul3A_1520 = arith.constant 16 : i32
        %mul3A_1521 = arith.muli %add3A_1514, %mul3A_1520 : i32
        %add3A_1522 = vector.broadcast %mul3A_1521 : i32 to vector<16xi32>
        %add3A_1523 = arith.addi %iota3A_0, %add3A_1522 : vector<16xi32>
        %lt3A_1524 = vector.broadcast %squeeze3A_482 : f32 to vector<16xf32>
        %lt3A_1525 = arith.cmpf olt, %get3A_1519, %lt3A_1524 : vector<16xf32>
        %eq3A_1526 = vector.broadcast %squeeze3A_482 : f32 to vector<16xf32>
        %eq3A_1527 = arith.cmpf oeq, %get3A_1519, %eq3A_1526 : vector<16xf32>
        %gt3A_1528 = vector.broadcast %rem3A_550 : i32 to vector<16xi32>
        %gt3A_1529 = arith.cmpi sgt, %add3A_1523, %gt3A_1528 : vector<16xi32>
        %and3A_1530 = arith.andi %eq3A_1527, %gt3A_1529 : vector<16xi1>
        %or3A_1531 = arith.ori %lt3A_1525, %and3A_1530 : vector<16xi1>
        %jit3A_1532 = arith.constant 0xFF800000 : f32
        %broadcast_in_dim3A_1533 = vector.broadcast %jit3A_1532 : f32 to vector<16xf32>
        %select_n3A_1534 = arith.select %or3A_1531, %get3A_1519, %broadcast_in_dim3A_1533 : vector<16xi1>, vector<16xf32>
        %max3A_1535 = arith.maximumf %max3A_1510, %select_n3A_1534 : vector<16xf32>
        %mul3A_1536 = arith.constant 4 : i32
        %mul3A_1537 = arith.muli %scan3A_1488, %mul3A_1536 : i32
        %add3A_1538 = arith.constant 2 : i32
        %add3A_1539 = arith.addi %mul3A_1537, %add3A_1538 : i32
        %mul3A_1540 = arith.constant 16 : i32
        %mul3A_1541 = arith.muli %add3A_1539, %mul3A_1540 : i32
        %get3A_1542 = arith.index_cast %mul3A_1541 : i32 to index
        %get3A_1543 = tpu.vector_load %arg18[%get3A_1542] {strides = array<i32>} : memref<512xf32, #tpu.memory_space<vmem>>, vector<16xf32>,
        %get3A_1544 = vector.shape_cast %get3A_1543 : vector<16xf32> to vector<16xf32>
        %mul3A_1545 = arith.constant 16 : i32
        %mul3A_1546 = arith.muli %add3A_1539, %mul3A_1545 : i32
        %add3A_1547 = vector.broadcast %mul3A_1546 : i32 to vector<16xi32>
        %add3A_1548 = arith.addi %iota3A_0, %add3A_1547 : vector<16xi32>
        %lt3A_1549 = vector.broadcast %squeeze3A_482 : f32 to vector<16xf32>
        %lt3A_1550 = arith.cmpf olt, %get3A_1544, %lt3A_1549 : vector<16xf32>
        %eq3A_1551 = vector.broadcast %squeeze3A_482 : f32 to vector<16xf32>
        %eq3A_1552 = arith.cmpf oeq, %get3A_1544, %eq3A_1551 : vector<16xf32>
        %gt3A_1553 = vector.broadcast %rem3A_550 : i32 to vector<16xi32>
        %gt3A_1554 = arith.cmpi sgt, %add3A_1548, %gt3A_1553 : vector<16xi32>
        %and3A_1555 = arith.andi %eq3A_1552, %gt3A_1554 : vector<16xi1>
        %or3A_1556 = arith.ori %lt3A_1550, %and3A_1555 : vector<16xi1>
        %jit3A_1557 = arith.constant 0xFF800000 : f32
        %broadcast_in_dim3A_1558 = vector.broadcast %jit3A_1557 : f32 to vector<16xf32>
        %select_n3A_1559 = arith.select %or3A_1556, %get3A_1544, %broadcast_in_dim3A_1558 : vector<16xi1>, vector<16xf32>
        %max3A_1560 = arith.maximumf %max3A_1535, %select_n3A_1559 : vector<16xf32>
        %mul3A_1561 = arith.constant 4 : i32
        %mul3A_1562 = arith.muli %scan3A_1488, %mul3A_1561 : i32
        %add3A_1563 = arith.constant 3 : i32
        %add3A_1564 = arith.addi %mul3A_1562, %add3A_1563 : i32
        %mul3A_1565 = arith.constant 16 : i32
        %mul3A_1566 = arith.muli %add3A_1564, %mul3A_1565 : i32
        %get3A_1567 = arith.index_cast %mul3A_1566 : i32 to index
        %get3A_1568 = tpu.vector_load %arg18[%get3A_1567] {strides = array<i32>} : memref<512xf32, #tpu.memory_space<vmem>>, vector<16xf32>,
        %get3A_1569 = vector.shape_cast %get3A_1568 : vector<16xf32> to vector<16xf32>
        %mul3A_1570 = arith.constant 16 : i32
        %mul3A_1571 = arith.muli %add3A_1564, %mul3A_1570 : i32
        %add3A_1572 = vector.broadcast %mul3A_1571 : i32 to vector<16xi32>
        %add3A_1573 = arith.addi %iota3A_0, %add3A_1572 : vector<16xi32>
        %lt3A_1574 = vector.broadcast %squeeze3A_482 : f32 to vector<16xf32>
        %lt3A_1575 = arith.cmpf olt, %get3A_1569, %lt3A_1574 : vector<16xf32>
        %eq3A_1576 = vector.broadcast %squeeze3A_482 : f32 to vector<16xf32>
        %eq3A_1577 = arith.cmpf oeq, %get3A_1569, %eq3A_1576 : vector<16xf32>
        %gt3A_1578 = vector.broadcast %rem3A_550 : i32 to vector<16xi32>
        %gt3A_1579 = arith.cmpi sgt, %add3A_1573, %gt3A_1578 : vector<16xi32>
        %and3A_1580 = arith.andi %eq3A_1577, %gt3A_1579 : vector<16xi1>
        %or3A_1581 = arith.ori %lt3A_1575, %and3A_1580 : vector<16xi1>
        %jit3A_1582 = arith.constant 0xFF800000 : f32
        %broadcast_in_dim3A_1583 = vector.broadcast %jit3A_1582 : f32 to vector<16xf32>
        %select_n3A_1584 = arith.select %or3A_1581, %get3A_1569, %broadcast_in_dim3A_1583 : vector<16xi1>, vector<16xf32>
        %max3A_1585 = arith.maximumf %max3A_1560, %select_n3A_1584 : vector<16xf32>
        scf.yield %max3A_1585 : vector<16xf32>
      }
      %scan3A_1106 = arith.constant 8 : i32
      %xor3A_1107 = arith.constant 1 : i32
      %xor3A_1108 = vector.broadcast %xor3A_1107 : i32 to vector<16xi32>
      %xor3A_1109 = arith.xori %iota3A, %xor3A_1108 : vector<16xi32>
      %lt3A_1110 = arith.constant 0 : i32
      %lt3A_1111 = vector.broadcast %lt3A_1110 : i32 to vector<16xi32>
      %lt3A_1112 = arith.cmpi slt, %xor3A_1109, %lt3A_1111 : vector<16xi32>
      %add3A_1113 = arith.constant 16 : i32
      %add3A_1114 = vector.broadcast %add3A_1113 : i32 to vector<16xi32>
      %add3A_1115 = arith.addi %xor3A_1109, %add3A_1114 : vector<16xi32>
      %select_n3A_1116 = arith.select %lt3A_1112, %add3A_1115, %xor3A_1109 : vector<16xi1>, vector<16xi32>
      %broadcast_in_dim3A_1117 = vector.shape_cast %select_n3A_1116 : vector<16xi32> to vector<16x1xi32>
      %gather3A_1118 = vector.shape_cast %broadcast_in_dim3A_1117 : vector<16x1xi32> to vector<16xi32>
      %gather3A_1119 = tpu.dynamic_gather %scan3A_1105[%gather3A_1118] in [0] : vector<16xf32>, vector<16xi32> -> vector<16xf32>
      %max3A_1120 = arith.maximumf %scan3A_1105, %gather3A_1119 : vector<16xf32>
      %xor3A_1121 = arith.constant 2 : i32
      %xor3A_1122 = vector.broadcast %xor3A_1121 : i32 to vector<16xi32>
      %xor3A_1123 = arith.xori %iota3A, %xor3A_1122 : vector<16xi32>
      %lt3A_1124 = arith.constant 0 : i32
      %lt3A_1125 = vector.broadcast %lt3A_1124 : i32 to vector<16xi32>
      %lt3A_1126 = arith.cmpi slt, %xor3A_1123, %lt3A_1125 : vector<16xi32>
      %add3A_1127 = arith.constant 16 : i32
      %add3A_1128 = vector.broadcast %add3A_1127 : i32 to vector<16xi32>
      %add3A_1129 = arith.addi %xor3A_1123, %add3A_1128 : vector<16xi32>
      %select_n3A_1130 = arith.select %lt3A_1126, %add3A_1129, %xor3A_1123 : vector<16xi1>, vector<16xi32>
      %broadcast_in_dim3A_1131 = vector.shape_cast %select_n3A_1130 : vector<16xi32> to vector<16x1xi32>
      %gather3A_1132 = vector.shape_cast %broadcast_in_dim3A_1131 : vector<16x1xi32> to vector<16xi32>
      %gather3A_1133 = tpu.dynamic_gather %max3A_1120[%gather3A_1132] in [0] : vector<16xf32>, vector<16xi32> -> vector<16xf32>
      %max3A_1134 = arith.maximumf %max3A_1120, %gather3A_1133 : vector<16xf32>
      %xor3A_1135 = arith.constant 4 : i32
      %xor3A_1136 = vector.broadcast %xor3A_1135 : i32 to vector<16xi32>
      %xor3A_1137 = arith.xori %iota3A, %xor3A_1136 : vector<16xi32>
      %lt3A_1138 = arith.constant 0 : i32
      %lt3A_1139 = vector.broadcast %lt3A_1138 : i32 to vector<16xi32>
      %lt3A_1140 = arith.cmpi slt, %xor3A_1137, %lt3A_1139 : vector<16xi32>
      %add3A_1141 = arith.constant 16 : i32
      %add3A_1142 = vector.broadcast %add3A_1141 : i32 to vector<16xi32>
      %add3A_1143 = arith.addi %xor3A_1137, %add3A_1142 : vector<16xi32>
      %select_n3A_1144 = arith.select %lt3A_1140, %add3A_1143, %xor3A_1137 : vector<16xi1>, vector<16xi32>
      %broadcast_in_dim3A_1145 = vector.shape_cast %select_n3A_1144 : vector<16xi32> to vector<16x1xi32>
      %gather3A_1146 = vector.shape_cast %broadcast_in_dim3A_1145 : vector<16x1xi32> to vector<16xi32>
      %gather3A_1147 = tpu.dynamic_gather %max3A_1134[%gather3A_1146] in [0] : vector<16xf32>, vector<16xi32> -> vector<16xf32>
      %max3A_1148 = arith.maximumf %max3A_1134, %gather3A_1147 : vector<16xf32>
      %xor3A_1149 = arith.constant 8 : i32
      %xor3A_1150 = vector.broadcast %xor3A_1149 : i32 to vector<16xi32>
      %xor3A_1151 = arith.xori %iota3A, %xor3A_1150 : vector<16xi32>
      %lt3A_1152 = arith.constant 0 : i32
      %lt3A_1153 = vector.broadcast %lt3A_1152 : i32 to vector<16xi32>
      %lt3A_1154 = arith.cmpi slt, %xor3A_1151, %lt3A_1153 : vector<16xi32>
      %add3A_1155 = arith.constant 16 : i32
      %add3A_1156 = vector.broadcast %add3A_1155 : i32 to vector<16xi32>
      %add3A_1157 = arith.addi %xor3A_1151, %add3A_1156 : vector<16xi32>
      %select_n3A_1158 = arith.select %lt3A_1154, %add3A_1157, %xor3A_1151 : vector<16xi1>, vector<16xi32>
      %broadcast_in_dim3A_1159 = vector.shape_cast %select_n3A_1158 : vector<16xi32> to vector<16x1xi32>
      %gather3A_1160 = vector.shape_cast %broadcast_in_dim3A_1159 : vector<16x1xi32> to vector<16xi32>
      %gather3A_1161 = tpu.dynamic_gather %max3A_1148[%gather3A_1160] in [0] : vector<16xf32>, vector<16xi32> -> vector<16xf32>
      %max3A_1162 = arith.maximumf %max3A_1148, %gather3A_1161 : vector<16xf32>
      %slice3A_1163 = vector.extract_strided_slice %max3A_1162 {offsets = [0], sizes = [1], strides = [1]} : vector<16xf32> to vector<1xf32>
      %squeeze3A_1164 = vector.extract %slice3A_1163[0] : f32 from vector<1xf32>
      %scan3A_1165 = arith.constant 0 : i32
      %scan3A_1166 = arith.constant 8 : i32
      %scan3A_1167 = arith.addi %scan3A_1165, %scan3A_1166 : i32
      %scan3A_1168 = arith.constant 1 : i32
      %scan3A_1169 = scf.for %scan3A_1488 = %scan3A_1165 to %scan3A_1167 step %scan3A_1168 iter_args(%scan3A_1489 = %broadcast_in_dim3A_3) -> (vector<16xi32>)  : i32 {
        %mul3A_1490 = arith.constant 4 : i32
        %mul3A_1491 = arith.muli %scan3A_1488, %mul3A_1490 : i32
        %add3A_1492 = arith.constant 0 : i32
        %add3A_1493 = arith.addi %mul3A_1491, %add3A_1492 : i32
        %mul3A_1494 = arith.constant 16 : i32
        %mul3A_1495 = arith.muli %add3A_1493, %mul3A_1494 : i32
        %get3A_1496 = arith.index_cast %mul3A_1495 : i32 to index
        %get3A_1497 = tpu.vector_load %arg18[%get3A_1496] {strides = array<i32>} : memref<512xf32, #tpu.memory_space<vmem>>, vector<16xf32>,
        %get3A_1498 = vector.shape_cast %get3A_1497 : vector<16xf32> to vector<16xf32>
        %mul3A_1499 = arith.constant 16 : i32
        %mul3A_1500 = arith.muli %add3A_1493, %mul3A_1499 : i32
        %add3A_1501 = vector.broadcast %mul3A_1500 : i32 to vector<16xi32>
        %add3A_1502 = arith.addi %iota3A_0, %add3A_1501 : vector<16xi32>
        %lt3A_1503 = vector.broadcast %squeeze3A_482 : f32 to vector<16xf32>
        %lt3A_1504 = arith.cmpf olt, %get3A_1498, %lt3A_1503 : vector<16xf32>
        %eq3A_1505 = vector.broadcast %squeeze3A_482 : f32 to vector<16xf32>
        %eq3A_1506 = arith.cmpf oeq, %get3A_1498, %eq3A_1505 : vector<16xf32>
        %gt3A = vector.broadcast %rem3A_550 : i32 to vector<16xi32>
        %gt3A_1507 = arith.cmpi sgt, %add3A_1502, %gt3A : vector<16xi32>
        %and3A = arith.andi %eq3A_1506, %gt3A_1507 : vector<16xi1>
        %or3A = arith.ori %lt3A_1504, %and3A : vector<16xi1>
        %eq3A_1508 = vector.broadcast %squeeze3A_1164 : f32 to vector<16xf32>
        %eq3A_1509 = arith.cmpf oeq, %get3A_1498, %eq3A_1508 : vector<16xf32>
        %and3A_1510 = arith.andi %or3A, %eq3A_1509 : vector<16xi1>
        %jit3A = arith.constant 16777216 : i32
        %broadcast_in_dim3A_1511 = vector.broadcast %jit3A : i32 to vector<16xi32>
        %select_n3A_1512 = arith.select %and3A_1510, %add3A_1502, %broadcast_in_dim3A_1511 : vector<16xi1>, vector<16xi32>
        %min3A_1513 = arith.minsi %scan3A_1489, %select_n3A_1512 : vector<16xi32>
        %mul3A_1514 = arith.constant 4 : i32
        %mul3A_1515 = arith.muli %scan3A_1488, %mul3A_1514 : i32
        %add3A_1516 = arith.constant 1 : i32
        %add3A_1517 = arith.addi %mul3A_1515, %add3A_1516 : i32
        %mul3A_1518 = arith.constant 16 : i32
        %mul3A_1519 = arith.muli %add3A_1517, %mul3A_1518 : i32
        %get3A_1520 = arith.index_cast %mul3A_1519 : i32 to index
        %get3A_1521 = tpu.vector_load %arg18[%get3A_1520] {strides = array<i32>} : memref<512xf32, #tpu.memory_space<vmem>>, vector<16xf32>,
        %get3A_1522 = vector.shape_cast %get3A_1521 : vector<16xf32> to vector<16xf32>
        %mul3A_1523 = arith.constant 16 : i32
        %mul3A_1524 = arith.muli %add3A_1517, %mul3A_1523 : i32
        %add3A_1525 = vector.broadcast %mul3A_1524 : i32 to vector<16xi32>
        %add3A_1526 = arith.addi %iota3A_0, %add3A_1525 : vector<16xi32>
        %lt3A_1527 = vector.broadcast %squeeze3A_482 : f32 to vector<16xf32>
        %lt3A_1528 = arith.cmpf olt, %get3A_1522, %lt3A_1527 : vector<16xf32>
        %eq3A_1529 = vector.broadcast %squeeze3A_482 : f32 to vector<16xf32>
        %eq3A_1530 = arith.cmpf oeq, %get3A_1522, %eq3A_1529 : vector<16xf32>
        %gt3A_1531 = vector.broadcast %rem3A_550 : i32 to vector<16xi32>
        %gt3A_1532 = arith.cmpi sgt, %add3A_1526, %gt3A_1531 : vector<16xi32>
        %and3A_1533 = arith.andi %eq3A_1530, %gt3A_1532 : vector<16xi1>
        %or3A_1534 = arith.ori %lt3A_1528, %and3A_1533 : vector<16xi1>
        %eq3A_1535 = vector.broadcast %squeeze3A_1164 : f32 to vector<16xf32>
        %eq3A_1536 = arith.cmpf oeq, %get3A_1522, %eq3A_1535 : vector<16xf32>
        %and3A_1537 = arith.andi %or3A_1534, %eq3A_1536 : vector<16xi1>
        %jit3A_1538 = arith.constant 16777216 : i32
        %broadcast_in_dim3A_1539 = vector.broadcast %jit3A_1538 : i32 to vector<16xi32>
        %select_n3A_1540 = arith.select %and3A_1537, %add3A_1526, %broadcast_in_dim3A_1539 : vector<16xi1>, vector<16xi32>
        %min3A_1541 = arith.minsi %min3A_1513, %select_n3A_1540 : vector<16xi32>
        %mul3A_1542 = arith.constant 4 : i32
        %mul3A_1543 = arith.muli %scan3A_1488, %mul3A_1542 : i32
        %add3A_1544 = arith.constant 2 : i32
        %add3A_1545 = arith.addi %mul3A_1543, %add3A_1544 : i32
        %mul3A_1546 = arith.constant 16 : i32
        %mul3A_1547 = arith.muli %add3A_1545, %mul3A_1546 : i32
        %get3A_1548 = arith.index_cast %mul3A_1547 : i32 to index
        %get3A_1549 = tpu.vector_load %arg18[%get3A_1548] {strides = array<i32>} : memref<512xf32, #tpu.memory_space<vmem>>, vector<16xf32>,
        %get3A_1550 = vector.shape_cast %get3A_1549 : vector<16xf32> to vector<16xf32>
        %mul3A_1551 = arith.constant 16 : i32
        %mul3A_1552 = arith.muli %add3A_1545, %mul3A_1551 : i32
        %add3A_1553 = vector.broadcast %mul3A_1552 : i32 to vector<16xi32>
        %add3A_1554 = arith.addi %iota3A_0, %add3A_1553 : vector<16xi32>
        %lt3A_1555 = vector.broadcast %squeeze3A_482 : f32 to vector<16xf32>
        %lt3A_1556 = arith.cmpf olt, %get3A_1550, %lt3A_1555 : vector<16xf32>
        %eq3A_1557 = vector.broadcast %squeeze3A_482 : f32 to vector<16xf32>
        %eq3A_1558 = arith.cmpf oeq, %get3A_1550, %eq3A_1557 : vector<16xf32>
        %gt3A_1559 = vector.broadcast %rem3A_550 : i32 to vector<16xi32>
        %gt3A_1560 = arith.cmpi sgt, %add3A_1554, %gt3A_1559 : vector<16xi32>
        %and3A_1561 = arith.andi %eq3A_1558, %gt3A_1560 : vector<16xi1>
        %or3A_1562 = arith.ori %lt3A_1556, %and3A_1561 : vector<16xi1>
        %eq3A_1563 = vector.broadcast %squeeze3A_1164 : f32 to vector<16xf32>
        %eq3A_1564 = arith.cmpf oeq, %get3A_1550, %eq3A_1563 : vector<16xf32>
        %and3A_1565 = arith.andi %or3A_1562, %eq3A_1564 : vector<16xi1>
        %jit3A_1566 = arith.constant 16777216 : i32
        %broadcast_in_dim3A_1567 = vector.broadcast %jit3A_1566 : i32 to vector<16xi32>
        %select_n3A_1568 = arith.select %and3A_1565, %add3A_1554, %broadcast_in_dim3A_1567 : vector<16xi1>, vector<16xi32>
        %min3A_1569 = arith.minsi %min3A_1541, %select_n3A_1568 : vector<16xi32>
        %mul3A_1570 = arith.constant 4 : i32
        %mul3A_1571 = arith.muli %scan3A_1488, %mul3A_1570 : i32
        %add3A_1572 = arith.constant 3 : i32
        %add3A_1573 = arith.addi %mul3A_1571, %add3A_1572 : i32
        %mul3A_1574 = arith.constant 16 : i32
        %mul3A_1575 = arith.muli %add3A_1573, %mul3A_1574 : i32
        %get3A_1576 = arith.index_cast %mul3A_1575 : i32 to index
        %get3A_1577 = tpu.vector_load %arg18[%get3A_1576] {strides = array<i32>} : memref<512xf32, #tpu.memory_space<vmem>>, vector<16xf32>,
        %get3A_1578 = vector.shape_cast %get3A_1577 : vector<16xf32> to vector<16xf32>
        %mul3A_1579 = arith.constant 16 : i32
        %mul3A_1580 = arith.muli %add3A_1573, %mul3A_1579 : i32
        %add3A_1581 = vector.broadcast %mul3A_1580 : i32 to vector<16xi32>
        %add3A_1582 = arith.addi %iota3A_0, %add3A_1581 : vector<16xi32>
        %lt3A_1583 = vector.broadcast %squeeze3A_482 : f32 to vector<16xf32>
        %lt3A_1584 = arith.cmpf olt, %get3A_1578, %lt3A_1583 : vector<16xf32>
        %eq3A_1585 = vector.broadcast %squeeze3A_482 : f32 to vector<16xf32>
        %eq3A_1586 = arith.cmpf oeq, %get3A_1578, %eq3A_1585 : vector<16xf32>
        %gt3A_1587 = vector.broadcast %rem3A_550 : i32 to vector<16xi32>
        %gt3A_1588 = arith.cmpi sgt, %add3A_1582, %gt3A_1587 : vector<16xi32>
        %and3A_1589 = arith.andi %eq3A_1586, %gt3A_1588 : vector<16xi1>
        %or3A_1590 = arith.ori %lt3A_1584, %and3A_1589 : vector<16xi1>
        %eq3A_1591 = vector.broadcast %squeeze3A_1164 : f32 to vector<16xf32>
        %eq3A_1592 = arith.cmpf oeq, %get3A_1578, %eq3A_1591 : vector<16xf32>
        %and3A_1593 = arith.andi %or3A_1590, %eq3A_1592 : vector<16xi1>
        %jit3A_1594 = arith.constant 16777216 : i32
        %broadcast_in_dim3A_1595 = vector.broadcast %jit3A_1594 : i32 to vector<16xi32>
        %select_n3A_1596 = arith.select %and3A_1593, %add3A_1582, %broadcast_in_dim3A_1595 : vector<16xi1>, vector<16xi32>
        %min3A_1597 = arith.minsi %min3A_1569, %select_n3A_1596 : vector<16xi32>
        scf.yield %min3A_1597 : vector<16xi32>
      }
      %scan3A_1170 = arith.constant 8 : i32
      %xor3A_1171 = arith.constant 1 : i32
      %xor3A_1172 = vector.broadcast %xor3A_1171 : i32 to vector<16xi32>
      %xor3A_1173 = arith.xori %iota3A, %xor3A_1172 : vector<16xi32>
      %lt3A_1174 = arith.constant 0 : i32
      %lt3A_1175 = vector.broadcast %lt3A_1174 : i32 to vector<16xi32>
      %lt3A_1176 = arith.cmpi slt, %xor3A_1173, %lt3A_1175 : vector<16xi32>
      %add3A_1177 = arith.constant 16 : i32
      %add3A_1178 = vector.broadcast %add3A_1177 : i32 to vector<16xi32>
      %add3A_1179 = arith.addi %xor3A_1173, %add3A_1178 : vector<16xi32>
      %select_n3A_1180 = arith.select %lt3A_1176, %add3A_1179, %xor3A_1173 : vector<16xi1>, vector<16xi32>
      %broadcast_in_dim3A_1181 = vector.shape_cast %select_n3A_1180 : vector<16xi32> to vector<16x1xi32>
      %gather3A_1182 = vector.shape_cast %broadcast_in_dim3A_1181 : vector<16x1xi32> to vector<16xi32>
      %gather3A_1183 = tpu.dynamic_gather %scan3A_1169[%gather3A_1182] in [0] : vector<16xi32>, vector<16xi32> -> vector<16xi32>
      %min3A_1184 = arith.minsi %scan3A_1169, %gather3A_1183 : vector<16xi32>
      %xor3A_1185 = arith.constant 2 : i32
      %xor3A_1186 = vector.broadcast %xor3A_1185 : i32 to vector<16xi32>
      %xor3A_1187 = arith.xori %iota3A, %xor3A_1186 : vector<16xi32>
      %lt3A_1188 = arith.constant 0 : i32
      %lt3A_1189 = vector.broadcast %lt3A_1188 : i32 to vector<16xi32>
      %lt3A_1190 = arith.cmpi slt, %xor3A_1187, %lt3A_1189 : vector<16xi32>
      %add3A_1191 = arith.constant 16 : i32
      %add3A_1192 = vector.broadcast %add3A_1191 : i32 to vector<16xi32>
      %add3A_1193 = arith.addi %xor3A_1187, %add3A_1192 : vector<16xi32>
      %select_n3A_1194 = arith.select %lt3A_1190, %add3A_1193, %xor3A_1187 : vector<16xi1>, vector<16xi32>
      %broadcast_in_dim3A_1195 = vector.shape_cast %select_n3A_1194 : vector<16xi32> to vector<16x1xi32>
      %gather3A_1196 = vector.shape_cast %broadcast_in_dim3A_1195 : vector<16x1xi32> to vector<16xi32>
      %gather3A_1197 = tpu.dynamic_gather %min3A_1184[%gather3A_1196] in [0] : vector<16xi32>, vector<16xi32> -> vector<16xi32>
      %min3A_1198 = arith.minsi %min3A_1184, %gather3A_1197 : vector<16xi32>
      %xor3A_1199 = arith.constant 4 : i32
      %xor3A_1200 = vector.broadcast %xor3A_1199 : i32 to vector<16xi32>
      %xor3A_1201 = arith.xori %iota3A, %xor3A_1200 : vector<16xi32>
      %lt3A_1202 = arith.constant 0 : i32
      %lt3A_1203 = vector.broadcast %lt3A_1202 : i32 to vector<16xi32>
      %lt3A_1204 = arith.cmpi slt, %xor3A_1201, %lt3A_1203 : vector<16xi32>
      %add3A_1205 = arith.constant 16 : i32
      %add3A_1206 = vector.broadcast %add3A_1205 : i32 to vector<16xi32>
      %add3A_1207 = arith.addi %xor3A_1201, %add3A_1206 : vector<16xi32>
      %select_n3A_1208 = arith.select %lt3A_1204, %add3A_1207, %xor3A_1201 : vector<16xi1>, vector<16xi32>
      %broadcast_in_dim3A_1209 = vector.shape_cast %select_n3A_1208 : vector<16xi32> to vector<16x1xi32>
      %gather3A_1210 = vector.shape_cast %broadcast_in_dim3A_1209 : vector<16x1xi32> to vector<16xi32>
      %gather3A_1211 = tpu.dynamic_gather %min3A_1198[%gather3A_1210] in [0] : vector<16xi32>, vector<16xi32> -> vector<16xi32>
      %min3A_1212 = arith.minsi %min3A_1198, %gather3A_1211 : vector<16xi32>
      %xor3A_1213 = arith.constant 8 : i32
      %xor3A_1214 = vector.broadcast %xor3A_1213 : i32 to vector<16xi32>
      %xor3A_1215 = arith.xori %iota3A, %xor3A_1214 : vector<16xi32>
      %lt3A_1216 = arith.constant 0 : i32
      %lt3A_1217 = vector.broadcast %lt3A_1216 : i32 to vector<16xi32>
      %lt3A_1218 = arith.cmpi slt, %xor3A_1215, %lt3A_1217 : vector<16xi32>
      %add3A_1219 = arith.constant 16 : i32
      %add3A_1220 = vector.broadcast %add3A_1219 : i32 to vector<16xi32>
      %add3A_1221 = arith.addi %xor3A_1215, %add3A_1220 : vector<16xi32>
      %select_n3A_1222 = arith.select %lt3A_1218, %add3A_1221, %xor3A_1215 : vector<16xi1>, vector<16xi32>
      %broadcast_in_dim3A_1223 = vector.shape_cast %select_n3A_1222 : vector<16xi32> to vector<16x1xi32>
      %gather3A_1224 = vector.shape_cast %broadcast_in_dim3A_1223 : vector<16x1xi32> to vector<16xi32>
      %gather3A_1225 = tpu.dynamic_gather %min3A_1212[%gather3A_1224] in [0] : vector<16xi32>, vector<16xi32> -> vector<16xi32>
      %min3A_1226 = arith.minsi %min3A_1212, %gather3A_1225 : vector<16xi32>
      %slice3A_1227 = vector.extract_strided_slice %min3A_1226 {offsets = [0], sizes = [1], strides = [1]} : vector<16xi32> to vector<1xi32>
      %squeeze3A_1228 = vector.extract %slice3A_1227[0] : i32 from vector<1xi32>
      %div3A_1229 = arith.constant 16 : i32
      %div3A_1230 = arith.divsi %div3A_548, %div3A_1229 : i32
      %mul3A_1231 = arith.constant 16 : i32
      %mul3A_1232 = arith.muli %div3A_1230, %mul3A_1231 : i32
      %rem3A_1233 = arith.constant 16 : i32
      %rem3A_1234 = arith.remsi %div3A_548, %rem3A_1233 : i32
      %eq3A_1235 = vector.broadcast %rem3A_1234 : i32 to vector<16xi32>
      %eq3A_1236 = arith.cmpi eq, %iota3A_0, %eq3A_1235 : vector<16xi32>
      %get3A_1237 = arith.index_cast %mul3A_1232 : i32 to index
      %get3A_1238 = tpu.vector_load %arg10[%get3A_1237] {strides = array<i32>} : memref<512xf32, #tpu.memory_space<vmem>>, vector<16xf32>,
      %get3A_1239 = vector.shape_cast %get3A_1238 : vector<16xf32> to vector<16xf32>
      %broadcast_in_dim3A_1240 = vector.broadcast %squeeze3A_1164 : f32 to vector<16xf32>
      %select_n3A_1241 = arith.select %eq3A_1236, %broadcast_in_dim3A_1240, %get3A_1239 : vector<16xi1>, vector<16xf32>
      %swap3A_1242 = arith.index_cast %mul3A_1232 : i32 to index
      %swap3A_1243 = tpu.vector_load %arg10[%swap3A_1242] {strides = array<i32>} : memref<512xf32, #tpu.memory_space<vmem>>, vector<16xf32>,
      %swap3A_1244 = vector.shape_cast %swap3A_1243 : vector<16xf32> to vector<16xf32>
      %swap3A_1245 = vector.shape_cast %select_n3A_1241 : vector<16xf32> to vector<16xf32>
      tpu.vector_store %arg10[%swap3A_1242], %swap3A_1245 {strides = array<i32>} : memref<512xf32, #tpu.memory_space<vmem>>, vector<16xf32>,
      %mul3A_1246 = arith.constant 512 : i32
      %mul3A_1247 = arith.muli %div3A_548, %mul3A_1246 : i32
      %add3A_1248 = arith.addi %mul3A_1247, %squeeze3A_1228 : i32
      %get3A_1249 = arith.index_cast %mul3A_1232 : i32 to index
      %get3A_1250 = tpu.vector_load %arg14[%get3A_1249] {strides = array<i32>} : memref<512xi32, #tpu.memory_space<vmem>>, vector<16xi32>,
      %get3A_1251 = vector.shape_cast %get3A_1250 : vector<16xi32> to vector<16xi32>
      %broadcast_in_dim3A_1252 = vector.broadcast %add3A_1248 : i32 to vector<16xi32>
      %select_n3A_1253 = arith.select %eq3A_1236, %broadcast_in_dim3A_1252, %get3A_1251 : vector<16xi1>, vector<16xi32>
      %swap3A_1254 = arith.index_cast %mul3A_1232 : i32 to index
      %swap3A_1255 = tpu.vector_load %arg14[%swap3A_1254] {strides = array<i32>} : memref<512xi32, #tpu.memory_space<vmem>>, vector<16xi32>,
      %swap3A_1256 = vector.shape_cast %swap3A_1255 : vector<16xi32> to vector<16xi32>
      %swap3A_1257 = vector.shape_cast %select_n3A_1253 : vector<16xi32> to vector<16xi32>
      tpu.vector_store %arg14[%swap3A_1254], %swap3A_1257 {strides = array<i32>} : memref<512xi32, #tpu.memory_space<vmem>>, vector<16xi32>,
      %convert_element_type3A_1258 = arith.sitofp %rem3A_550 : i32 to f32
      %convert_element_type3A_1259 = arith.sitofp %div3A_548 : i32 to f32
      %eq3A_1260 = vector.broadcast %scan3A_123 : i32 to vector<16xi32>
      %eq3A_1261 = arith.cmpi eq, %iota3A_0, %eq3A_1260 : vector<16xi32>
      %broadcast_in_dim3A_1262 = vector.broadcast %squeeze3A_482 : f32 to vector<16xf32>
      %select_n3A_1263 = arith.select %eq3A_1261, %broadcast_in_dim3A_1262, %scan3A_136 : vector<16xi1>, vector<16xf32>
      %sub3A_1264 = arith.constant 16 : i32
      %sub3A_1265 = arith.subi %scan3A_123, %sub3A_1264 : i32
      %eq3A_1266 = vector.broadcast %sub3A_1265 : i32 to vector<16xi32>
      %eq3A_1267 = arith.cmpi eq, %iota3A_0, %eq3A_1266 : vector<16xi32>
      %broadcast_in_dim3A_1268 = vector.broadcast %squeeze3A_482 : f32 to vector<16xf32>
      %select_n3A_1269 = arith.select %eq3A_1267, %broadcast_in_dim3A_1268, %scan3A_137 : vector<16xi1>, vector<16xf32>
      %eq3A_1270 = vector.broadcast %scan3A_123 : i32 to vector<16xi32>
      %eq3A_1271 = arith.cmpi eq, %iota3A_0, %eq3A_1270 : vector<16xi32>
      %broadcast_in_dim3A_1272 = vector.broadcast %convert_element_type3A_1258 : f32 to vector<16xf32>
      %select_n3A_1273 = arith.select %eq3A_1271, %broadcast_in_dim3A_1272, %scan3A_138 : vector<16xi1>, vector<16xf32>
      %sub3A_1274 = arith.constant 16 : i32
      %sub3A_1275 = arith.subi %scan3A_123, %sub3A_1274 : i32
      %eq3A_1276 = vector.broadcast %sub3A_1275 : i32 to vector<16xi32>
      %eq3A_1277 = arith.cmpi eq, %iota3A_0, %eq3A_1276 : vector<16xi32>
      %broadcast_in_dim3A_1278 = vector.broadcast %convert_element_type3A_1258 : f32 to vector<16xf32>
      %select_n3A_1279 = arith.select %eq3A_1277, %broadcast_in_dim3A_1278, %scan3A_139 : vector<16xi1>, vector<16xf32>
      %eq3A_1280 = vector.broadcast %scan3A_123 : i32 to vector<16xi32>
      %eq3A_1281 = arith.cmpi eq, %iota3A_0, %eq3A_1280 : vector<16xi32>
      %broadcast_in_dim3A_1282 = vector.broadcast %convert_element_type3A_1259 : f32 to vector<16xf32>
      %select_n3A_1283 = arith.select %eq3A_1281, %broadcast_in_dim3A_1282, %scan3A_140 : vector<16xi1>, vector<16xf32>
      %sub3A_1284 = arith.constant 16 : i32
      %sub3A_1285 = arith.subi %scan3A_123, %sub3A_1284 : i32
      %eq3A_1286 = vector.broadcast %sub3A_1285 : i32 to vector<16xi32>
      %eq3A_1287 = arith.cmpi eq, %iota3A_0, %eq3A_1286 : vector<16xi32>
      %broadcast_in_dim3A_1288 = vector.broadcast %convert_element_type3A_1259 : f32 to vector<16xf32>
      %select_n3A_1289 = arith.select %eq3A_1287, %broadcast_in_dim3A_1288, %scan3A_141 : vector<16xi1>, vector<16xf32>
      %mul3A_1290 = arith.constant 512 : i32
      %mul3A_1291 = arith.muli %add3A_20, %mul3A_1290 : i32
      %add3A_1292 = arith.addi %mul3A_1291, %div3A_689 : i32
      %dma_wait3A_1293 = arith.constant 0 : i32
      %dma_wait3A_1294 = tpu.memref_slice %arg2[%add3A_1292, %dma_wait3A_1293] : memref<65536x512xf32, #tpu.memory_space<hbm>> -> memref<1x512xf32, #tpu.memory_space<hbm>>
      %dma_wait3A_1295 = tpu.memref_squeeze %dma_wait3A_1294 : memref<1x512xf32, #tpu.memory_space<hbm>> -> memref<512xf32, #tpu.memory_space<hbm>>
      %dma_wait3A_1296 = arith.constant 0 : i32
      %dma_wait3A_1297 = tpu.memref_slice %arg2[%add3A_1292, %dma_wait3A_1296] : memref<65536x512xf32, #tpu.memory_space<hbm>> -> memref<1x512xf32, #tpu.memory_space<hbm>>
      %dma_wait3A_1298 = tpu.memref_squeeze %dma_wait3A_1297 : memref<1x512xf32, #tpu.memory_space<hbm>> -> memref<512xf32, #tpu.memory_space<hbm>>
      tpu.wait_dma2 semaphore(%arg24 : memref<!tpu.dma_semaphore, #tpu.memory_space<semaphore_mem>>) src(%dma_wait3A_1298 : memref<512xf32, #tpu.memory_space<hbm>>) dst(%arg19 : memref<512xf32, #tpu.memory_space<vmem>>)
      %scan3A_1299 = arith.constant 0 : i32
      %scan3A_1300 = arith.constant 8 : i32
      %scan3A_1301 = arith.addi %scan3A_1299, %scan3A_1300 : i32
      %scan3A_1302 = arith.constant 1 : i32
      %scan3A_1303 = scf.for %scan3A_1488 = %scan3A_1299 to %scan3A_1301 step %scan3A_1302 iter_args(%scan3A_1489 = %broadcast_in_dim3A_1) -> (vector<16xf32>)  : i32 {
        %mul3A_1490 = arith.constant 4 : i32
        %mul3A_1491 = arith.muli %scan3A_1488, %mul3A_1490 : i32
        %add3A_1492 = arith.constant 0 : i32
        %add3A_1493 = arith.addi %mul3A_1491, %add3A_1492 : i32
        %mul3A_1494 = arith.constant 16 : i32
        %mul3A_1495 = arith.muli %add3A_1493, %mul3A_1494 : i32
        %get3A_1496 = arith.index_cast %mul3A_1495 : i32 to index
        %get3A_1497 = tpu.vector_load %arg19[%get3A_1496] {strides = array<i32>} : memref<512xf32, #tpu.memory_space<vmem>>, vector<16xf32>,
        %get3A_1498 = vector.shape_cast %get3A_1497 : vector<16xf32> to vector<16xf32>
        %mul3A_1499 = arith.constant 16 : i32
        %mul3A_1500 = arith.muli %add3A_1493, %mul3A_1499 : i32
        %add3A_1501 = vector.broadcast %mul3A_1500 : i32 to vector<16xi32>
        %add3A_1502 = arith.addi %iota3A_0, %add3A_1501 : vector<16xi32>
        %lt3A_1503 = vector.broadcast %squeeze3A_623 : f32 to vector<16xf32>
        %lt3A_1504 = arith.cmpf olt, %get3A_1498, %lt3A_1503 : vector<16xf32>
        %eq3A_1505 = vector.broadcast %squeeze3A_623 : f32 to vector<16xf32>
        %eq3A_1506 = arith.cmpf oeq, %get3A_1498, %eq3A_1505 : vector<16xf32>
        %gt3A = vector.broadcast %rem3A_691 : i32 to vector<16xi32>
        %gt3A_1507 = arith.cmpi sgt, %add3A_1502, %gt3A : vector<16xi32>
        %and3A = arith.andi %eq3A_1506, %gt3A_1507 : vector<16xi1>
        %or3A = arith.ori %lt3A_1504, %and3A : vector<16xi1>
        %jit3A = arith.constant 0xFF800000 : f32
        %broadcast_in_dim3A_1508 = vector.broadcast %jit3A : f32 to vector<16xf32>
        %select_n3A_1509 = arith.select %or3A, %get3A_1498, %broadcast_in_dim3A_1508 : vector<16xi1>, vector<16xf32>
        %max3A_1510 = arith.maximumf %scan3A_1489, %select_n3A_1509 : vector<16xf32>
        %mul3A_1511 = arith.constant 4 : i32
        %mul3A_1512 = arith.muli %scan3A_1488, %mul3A_1511 : i32
        %add3A_1513 = arith.constant 1 : i32
        %add3A_1514 = arith.addi %mul3A_1512, %add3A_1513 : i32
        %mul3A_1515 = arith.constant 16 : i32
        %mul3A_1516 = arith.muli %add3A_1514, %mul3A_1515 : i32
        %get3A_1517 = arith.index_cast %mul3A_1516 : i32 to index
        %get3A_1518 = tpu.vector_load %arg19[%get3A_1517] {strides = array<i32>} : memref<512xf32, #tpu.memory_space<vmem>>, vector<16xf32>,
        %get3A_1519 = vector.shape_cast %get3A_1518 : vector<16xf32> to vector<16xf32>
        %mul3A_1520 = arith.constant 16 : i32
        %mul3A_1521 = arith.muli %add3A_1514, %mul3A_1520 : i32
        %add3A_1522 = vector.broadcast %mul3A_1521 : i32 to vector<16xi32>
        %add3A_1523 = arith.addi %iota3A_0, %add3A_1522 : vector<16xi32>
        %lt3A_1524 = vector.broadcast %squeeze3A_623 : f32 to vector<16xf32>
        %lt3A_1525 = arith.cmpf olt, %get3A_1519, %lt3A_1524 : vector<16xf32>
        %eq3A_1526 = vector.broadcast %squeeze3A_623 : f32 to vector<16xf32>
        %eq3A_1527 = arith.cmpf oeq, %get3A_1519, %eq3A_1526 : vector<16xf32>
        %gt3A_1528 = vector.broadcast %rem3A_691 : i32 to vector<16xi32>
        %gt3A_1529 = arith.cmpi sgt, %add3A_1523, %gt3A_1528 : vector<16xi32>
        %and3A_1530 = arith.andi %eq3A_1527, %gt3A_1529 : vector<16xi1>
        %or3A_1531 = arith.ori %lt3A_1525, %and3A_1530 : vector<16xi1>
        %jit3A_1532 = arith.constant 0xFF800000 : f32
        %broadcast_in_dim3A_1533 = vector.broadcast %jit3A_1532 : f32 to vector<16xf32>
        %select_n3A_1534 = arith.select %or3A_1531, %get3A_1519, %broadcast_in_dim3A_1533 : vector<16xi1>, vector<16xf32>
        %max3A_1535 = arith.maximumf %max3A_1510, %select_n3A_1534 : vector<16xf32>
        %mul3A_1536 = arith.constant 4 : i32
        %mul3A_1537 = arith.muli %scan3A_1488, %mul3A_1536 : i32
        %add3A_1538 = arith.constant 2 : i32
        %add3A_1539 = arith.addi %mul3A_1537, %add3A_1538 : i32
        %mul3A_1540 = arith.constant 16 : i32
        %mul3A_1541 = arith.muli %add3A_1539, %mul3A_1540 : i32
        %get3A_1542 = arith.index_cast %mul3A_1541 : i32 to index
        %get3A_1543 = tpu.vector_load %arg19[%get3A_1542] {strides = array<i32>} : memref<512xf32, #tpu.memory_space<vmem>>, vector<16xf32>,
        %get3A_1544 = vector.shape_cast %get3A_1543 : vector<16xf32> to vector<16xf32>
        %mul3A_1545 = arith.constant 16 : i32
        %mul3A_1546 = arith.muli %add3A_1539, %mul3A_1545 : i32
        %add3A_1547 = vector.broadcast %mul3A_1546 : i32 to vector<16xi32>
        %add3A_1548 = arith.addi %iota3A_0, %add3A_1547 : vector<16xi32>
        %lt3A_1549 = vector.broadcast %squeeze3A_623 : f32 to vector<16xf32>
        %lt3A_1550 = arith.cmpf olt, %get3A_1544, %lt3A_1549 : vector<16xf32>
        %eq3A_1551 = vector.broadcast %squeeze3A_623 : f32 to vector<16xf32>
        %eq3A_1552 = arith.cmpf oeq, %get3A_1544, %eq3A_1551 : vector<16xf32>
        %gt3A_1553 = vector.broadcast %rem3A_691 : i32 to vector<16xi32>
        %gt3A_1554 = arith.cmpi sgt, %add3A_1548, %gt3A_1553 : vector<16xi32>
        %and3A_1555 = arith.andi %eq3A_1552, %gt3A_1554 : vector<16xi1>
        %or3A_1556 = arith.ori %lt3A_1550, %and3A_1555 : vector<16xi1>
        %jit3A_1557 = arith.constant 0xFF800000 : f32
        %broadcast_in_dim3A_1558 = vector.broadcast %jit3A_1557 : f32 to vector<16xf32>
        %select_n3A_1559 = arith.select %or3A_1556, %get3A_1544, %broadcast_in_dim3A_1558 : vector<16xi1>, vector<16xf32>
        %max3A_1560 = arith.maximumf %max3A_1535, %select_n3A_1559 : vector<16xf32>
        %mul3A_1561 = arith.constant 4 : i32
        %mul3A_1562 = arith.muli %scan3A_1488, %mul3A_1561 : i32
        %add3A_1563 = arith.constant 3 : i32
        %add3A_1564 = arith.addi %mul3A_1562, %add3A_1563 : i32
        %mul3A_1565 = arith.constant 16 : i32
        %mul3A_1566 = arith.muli %add3A_1564, %mul3A_1565 : i32
        %get3A_1567 = arith.index_cast %mul3A_1566 : i32 to index
        %get3A_1568 = tpu.vector_load %arg19[%get3A_1567] {strides = array<i32>} : memref<512xf32, #tpu.memory_space<vmem>>, vector<16xf32>,
        %get3A_1569 = vector.shape_cast %get3A_1568 : vector<16xf32> to vector<16xf32>
        %mul3A_1570 = arith.constant 16 : i32
        %mul3A_1571 = arith.muli %add3A_1564, %mul3A_1570 : i32
        %add3A_1572 = vector.broadcast %mul3A_1571 : i32 to vector<16xi32>
        %add3A_1573 = arith.addi %iota3A_0, %add3A_1572 : vector<16xi32>
        %lt3A_1574 = vector.broadcast %squeeze3A_623 : f32 to vector<16xf32>
        %lt3A_1575 = arith.cmpf olt, %get3A_1569, %lt3A_1574 : vector<16xf32>
        %eq3A_1576 = vector.broadcast %squeeze3A_623 : f32 to vector<16xf32>
        %eq3A_1577 = arith.cmpf oeq, %get3A_1569, %eq3A_1576 : vector<16xf32>
        %gt3A_1578 = vector.broadcast %rem3A_691 : i32 to vector<16xi32>
        %gt3A_1579 = arith.cmpi sgt, %add3A_1573, %gt3A_1578 : vector<16xi32>
        %and3A_1580 = arith.andi %eq3A_1577, %gt3A_1579 : vector<16xi1>
        %or3A_1581 = arith.ori %lt3A_1575, %and3A_1580 : vector<16xi1>
        %jit3A_1582 = arith.constant 0xFF800000 : f32
        %broadcast_in_dim3A_1583 = vector.broadcast %jit3A_1582 : f32 to vector<16xf32>
        %select_n3A_1584 = arith.select %or3A_1581, %get3A_1569, %broadcast_in_dim3A_1583 : vector<16xi1>, vector<16xf32>
        %max3A_1585 = arith.maximumf %max3A_1560, %select_n3A_1584 : vector<16xf32>
        scf.yield %max3A_1585 : vector<16xf32>
      }
      %scan3A_1304 = arith.constant 8 : i32
      %xor3A_1305 = arith.constant 1 : i32
      %xor3A_1306 = vector.broadcast %xor3A_1305 : i32 to vector<16xi32>
      %xor3A_1307 = arith.xori %iota3A, %xor3A_1306 : vector<16xi32>
      %lt3A_1308 = arith.constant 0 : i32
      %lt3A_1309 = vector.broadcast %lt3A_1308 : i32 to vector<16xi32>
      %lt3A_1310 = arith.cmpi slt, %xor3A_1307, %lt3A_1309 : vector<16xi32>
      %add3A_1311 = arith.constant 16 : i32
      %add3A_1312 = vector.broadcast %add3A_1311 : i32 to vector<16xi32>
      %add3A_1313 = arith.addi %xor3A_1307, %add3A_1312 : vector<16xi32>
      %select_n3A_1314 = arith.select %lt3A_1310, %add3A_1313, %xor3A_1307 : vector<16xi1>, vector<16xi32>
      %broadcast_in_dim3A_1315 = vector.shape_cast %select_n3A_1314 : vector<16xi32> to vector<16x1xi32>
      %gather3A_1316 = vector.shape_cast %broadcast_in_dim3A_1315 : vector<16x1xi32> to vector<16xi32>
      %gather3A_1317 = tpu.dynamic_gather %scan3A_1303[%gather3A_1316] in [0] : vector<16xf32>, vector<16xi32> -> vector<16xf32>
      %max3A_1318 = arith.maximumf %scan3A_1303, %gather3A_1317 : vector<16xf32>
      %xor3A_1319 = arith.constant 2 : i32
      %xor3A_1320 = vector.broadcast %xor3A_1319 : i32 to vector<16xi32>
      %xor3A_1321 = arith.xori %iota3A, %xor3A_1320 : vector<16xi32>
      %lt3A_1322 = arith.constant 0 : i32
      %lt3A_1323 = vector.broadcast %lt3A_1322 : i32 to vector<16xi32>
      %lt3A_1324 = arith.cmpi slt, %xor3A_1321, %lt3A_1323 : vector<16xi32>
      %add3A_1325 = arith.constant 16 : i32
      %add3A_1326 = vector.broadcast %add3A_1325 : i32 to vector<16xi32>
      %add3A_1327 = arith.addi %xor3A_1321, %add3A_1326 : vector<16xi32>
      %select_n3A_1328 = arith.select %lt3A_1324, %add3A_1327, %xor3A_1321 : vector<16xi1>, vector<16xi32>
      %broadcast_in_dim3A_1329 = vector.shape_cast %select_n3A_1328 : vector<16xi32> to vector<16x1xi32>
      %gather3A_1330 = vector.shape_cast %broadcast_in_dim3A_1329 : vector<16x1xi32> to vector<16xi32>
      %gather3A_1331 = tpu.dynamic_gather %max3A_1318[%gather3A_1330] in [0] : vector<16xf32>, vector<16xi32> -> vector<16xf32>
      %max3A_1332 = arith.maximumf %max3A_1318, %gather3A_1331 : vector<16xf32>
      %xor3A_1333 = arith.constant 4 : i32
      %xor3A_1334 = vector.broadcast %xor3A_1333 : i32 to vector<16xi32>
      %xor3A_1335 = arith.xori %iota3A, %xor3A_1334 : vector<16xi32>
      %lt3A_1336 = arith.constant 0 : i32
      %lt3A_1337 = vector.broadcast %lt3A_1336 : i32 to vector<16xi32>
      %lt3A_1338 = arith.cmpi slt, %xor3A_1335, %lt3A_1337 : vector<16xi32>
      %add3A_1339 = arith.constant 16 : i32
      %add3A_1340 = vector.broadcast %add3A_1339 : i32 to vector<16xi32>
      %add3A_1341 = arith.addi %xor3A_1335, %add3A_1340 : vector<16xi32>
      %select_n3A_1342 = arith.select %lt3A_1338, %add3A_1341, %xor3A_1335 : vector<16xi1>, vector<16xi32>
      %broadcast_in_dim3A_1343 = vector.shape_cast %select_n3A_1342 : vector<16xi32> to vector<16x1xi32>
      %gather3A_1344 = vector.shape_cast %broadcast_in_dim3A_1343 : vector<16x1xi32> to vector<16xi32>
      %gather3A_1345 = tpu.dynamic_gather %max3A_1332[%gather3A_1344] in [0] : vector<16xf32>, vector<16xi32> -> vector<16xf32>
      %max3A_1346 = arith.maximumf %max3A_1332, %gather3A_1345 : vector<16xf32>
      %xor3A_1347 = arith.constant 8 : i32
      %xor3A_1348 = vector.broadcast %xor3A_1347 : i32 to vector<16xi32>
      %xor3A_1349 = arith.xori %iota3A, %xor3A_1348 : vector<16xi32>
      %lt3A_1350 = arith.constant 0 : i32
      %lt3A_1351 = vector.broadcast %lt3A_1350 : i32 to vector<16xi32>
      %lt3A_1352 = arith.cmpi slt, %xor3A_1349, %lt3A_1351 : vector<16xi32>
      %add3A_1353 = arith.constant 16 : i32
      %add3A_1354 = vector.broadcast %add3A_1353 : i32 to vector<16xi32>
      %add3A_1355 = arith.addi %xor3A_1349, %add3A_1354 : vector<16xi32>
      %select_n3A_1356 = arith.select %lt3A_1352, %add3A_1355, %xor3A_1349 : vector<16xi1>, vector<16xi32>
      %broadcast_in_dim3A_1357 = vector.shape_cast %select_n3A_1356 : vector<16xi32> to vector<16x1xi32>
      %gather3A_1358 = vector.shape_cast %broadcast_in_dim3A_1357 : vector<16x1xi32> to vector<16xi32>
      %gather3A_1359 = tpu.dynamic_gather %max3A_1346[%gather3A_1358] in [0] : vector<16xf32>, vector<16xi32> -> vector<16xf32>
      %max3A_1360 = arith.maximumf %max3A_1346, %gather3A_1359 : vector<16xf32>
      %slice3A_1361 = vector.extract_strided_slice %max3A_1360 {offsets = [0], sizes = [1], strides = [1]} : vector<16xf32> to vector<1xf32>
      %squeeze3A_1362 = vector.extract %slice3A_1361[0] : f32 from vector<1xf32>
      %scan3A_1363 = arith.constant 0 : i32
      %scan3A_1364 = arith.constant 8 : i32
      %scan3A_1365 = arith.addi %scan3A_1363, %scan3A_1364 : i32
      %scan3A_1366 = arith.constant 1 : i32
      %scan3A_1367 = scf.for %scan3A_1488 = %scan3A_1363 to %scan3A_1365 step %scan3A_1366 iter_args(%scan3A_1489 = %broadcast_in_dim3A_3) -> (vector<16xi32>)  : i32 {
        %mul3A_1490 = arith.constant 4 : i32
        %mul3A_1491 = arith.muli %scan3A_1488, %mul3A_1490 : i32
        %add3A_1492 = arith.constant 0 : i32
        %add3A_1493 = arith.addi %mul3A_1491, %add3A_1492 : i32
        %mul3A_1494 = arith.constant 16 : i32
        %mul3A_1495 = arith.muli %add3A_1493, %mul3A_1494 : i32
        %get3A_1496 = arith.index_cast %mul3A_1495 : i32 to index
        %get3A_1497 = tpu.vector_load %arg19[%get3A_1496] {strides = array<i32>} : memref<512xf32, #tpu.memory_space<vmem>>, vector<16xf32>,
        %get3A_1498 = vector.shape_cast %get3A_1497 : vector<16xf32> to vector<16xf32>
        %mul3A_1499 = arith.constant 16 : i32
        %mul3A_1500 = arith.muli %add3A_1493, %mul3A_1499 : i32
        %add3A_1501 = vector.broadcast %mul3A_1500 : i32 to vector<16xi32>
        %add3A_1502 = arith.addi %iota3A_0, %add3A_1501 : vector<16xi32>
        %lt3A_1503 = vector.broadcast %squeeze3A_623 : f32 to vector<16xf32>
        %lt3A_1504 = arith.cmpf olt, %get3A_1498, %lt3A_1503 : vector<16xf32>
        %eq3A_1505 = vector.broadcast %squeeze3A_623 : f32 to vector<16xf32>
        %eq3A_1506 = arith.cmpf oeq, %get3A_1498, %eq3A_1505 : vector<16xf32>
        %gt3A = vector.broadcast %rem3A_691 : i32 to vector<16xi32>
        %gt3A_1507 = arith.cmpi sgt, %add3A_1502, %gt3A : vector<16xi32>
        %and3A = arith.andi %eq3A_1506, %gt3A_1507 : vector<16xi1>
        %or3A = arith.ori %lt3A_1504, %and3A : vector<16xi1>
        %eq3A_1508 = vector.broadcast %squeeze3A_1362 : f32 to vector<16xf32>
        %eq3A_1509 = arith.cmpf oeq, %get3A_1498, %eq3A_1508 : vector<16xf32>
        %and3A_1510 = arith.andi %or3A, %eq3A_1509 : vector<16xi1>
        %jit3A = arith.constant 16777216 : i32
        %broadcast_in_dim3A_1511 = vector.broadcast %jit3A : i32 to vector<16xi32>
        %select_n3A_1512 = arith.select %and3A_1510, %add3A_1502, %broadcast_in_dim3A_1511 : vector<16xi1>, vector<16xi32>
        %min3A_1513 = arith.minsi %scan3A_1489, %select_n3A_1512 : vector<16xi32>
        %mul3A_1514 = arith.constant 4 : i32
        %mul3A_1515 = arith.muli %scan3A_1488, %mul3A_1514 : i32
        %add3A_1516 = arith.constant 1 : i32
        %add3A_1517 = arith.addi %mul3A_1515, %add3A_1516 : i32
        %mul3A_1518 = arith.constant 16 : i32
        %mul3A_1519 = arith.muli %add3A_1517, %mul3A_1518 : i32
        %get3A_1520 = arith.index_cast %mul3A_1519 : i32 to index
        %get3A_1521 = tpu.vector_load %arg19[%get3A_1520] {strides = array<i32>} : memref<512xf32, #tpu.memory_space<vmem>>, vector<16xf32>,
        %get3A_1522 = vector.shape_cast %get3A_1521 : vector<16xf32> to vector<16xf32>
        %mul3A_1523 = arith.constant 16 : i32
        %mul3A_1524 = arith.muli %add3A_1517, %mul3A_1523 : i32
        %add3A_1525 = vector.broadcast %mul3A_1524 : i32 to vector<16xi32>
        %add3A_1526 = arith.addi %iota3A_0, %add3A_1525 : vector<16xi32>
        %lt3A_1527 = vector.broadcast %squeeze3A_623 : f32 to vector<16xf32>
        %lt3A_1528 = arith.cmpf olt, %get3A_1522, %lt3A_1527 : vector<16xf32>
        %eq3A_1529 = vector.broadcast %squeeze3A_623 : f32 to vector<16xf32>
        %eq3A_1530 = arith.cmpf oeq, %get3A_1522, %eq3A_1529 : vector<16xf32>
        %gt3A_1531 = vector.broadcast %rem3A_691 : i32 to vector<16xi32>
        %gt3A_1532 = arith.cmpi sgt, %add3A_1526, %gt3A_1531 : vector<16xi32>
        %and3A_1533 = arith.andi %eq3A_1530, %gt3A_1532 : vector<16xi1>
        %or3A_1534 = arith.ori %lt3A_1528, %and3A_1533 : vector<16xi1>
        %eq3A_1535 = vector.broadcast %squeeze3A_1362 : f32 to vector<16xf32>
        %eq3A_1536 = arith.cmpf oeq, %get3A_1522, %eq3A_1535 : vector<16xf32>
        %and3A_1537 = arith.andi %or3A_1534, %eq3A_1536 : vector<16xi1>
        %jit3A_1538 = arith.constant 16777216 : i32
        %broadcast_in_dim3A_1539 = vector.broadcast %jit3A_1538 : i32 to vector<16xi32>
        %select_n3A_1540 = arith.select %and3A_1537, %add3A_1526, %broadcast_in_dim3A_1539 : vector<16xi1>, vector<16xi32>
        %min3A_1541 = arith.minsi %min3A_1513, %select_n3A_1540 : vector<16xi32>
        %mul3A_1542 = arith.constant 4 : i32
        %mul3A_1543 = arith.muli %scan3A_1488, %mul3A_1542 : i32
        %add3A_1544 = arith.constant 2 : i32
        %add3A_1545 = arith.addi %mul3A_1543, %add3A_1544 : i32
        %mul3A_1546 = arith.constant 16 : i32
        %mul3A_1547 = arith.muli %add3A_1545, %mul3A_1546 : i32
        %get3A_1548 = arith.index_cast %mul3A_1547 : i32 to index
        %get3A_1549 = tpu.vector_load %arg19[%get3A_1548] {strides = array<i32>} : memref<512xf32, #tpu.memory_space<vmem>>, vector<16xf32>,
        %get3A_1550 = vector.shape_cast %get3A_1549 : vector<16xf32> to vector<16xf32>
        %mul3A_1551 = arith.constant 16 : i32
        %mul3A_1552 = arith.muli %add3A_1545, %mul3A_1551 : i32
        %add3A_1553 = vector.broadcast %mul3A_1552 : i32 to vector<16xi32>
        %add3A_1554 = arith.addi %iota3A_0, %add3A_1553 : vector<16xi32>
        %lt3A_1555 = vector.broadcast %squeeze3A_623 : f32 to vector<16xf32>
        %lt3A_1556 = arith.cmpf olt, %get3A_1550, %lt3A_1555 : vector<16xf32>
        %eq3A_1557 = vector.broadcast %squeeze3A_623 : f32 to vector<16xf32>
        %eq3A_1558 = arith.cmpf oeq, %get3A_1550, %eq3A_1557 : vector<16xf32>
        %gt3A_1559 = vector.broadcast %rem3A_691 : i32 to vector<16xi32>
        %gt3A_1560 = arith.cmpi sgt, %add3A_1554, %gt3A_1559 : vector<16xi32>
        %and3A_1561 = arith.andi %eq3A_1558, %gt3A_1560 : vector<16xi1>
        %or3A_1562 = arith.ori %lt3A_1556, %and3A_1561 : vector<16xi1>
        %eq3A_1563 = vector.broadcast %squeeze3A_1362 : f32 to vector<16xf32>
        %eq3A_1564 = arith.cmpf oeq, %get3A_1550, %eq3A_1563 : vector<16xf32>
        %and3A_1565 = arith.andi %or3A_1562, %eq3A_1564 : vector<16xi1>
        %jit3A_1566 = arith.constant 16777216 : i32
        %broadcast_in_dim3A_1567 = vector.broadcast %jit3A_1566 : i32 to vector<16xi32>
        %select_n3A_1568 = arith.select %and3A_1565, %add3A_1554, %broadcast_in_dim3A_1567 : vector<16xi1>, vector<16xi32>
        %min3A_1569 = arith.minsi %min3A_1541, %select_n3A_1568 : vector<16xi32>
        %mul3A_1570 = arith.constant 4 : i32
        %mul3A_1571 = arith.muli %scan3A_1488, %mul3A_1570 : i32
        %add3A_1572 = arith.constant 3 : i32
        %add3A_1573 = arith.addi %mul3A_1571, %add3A_1572 : i32
        %mul3A_1574 = arith.constant 16 : i32
        %mul3A_1575 = arith.muli %add3A_1573, %mul3A_1574 : i32
        %get3A_1576 = arith.index_cast %mul3A_1575 : i32 to index
        %get3A_1577 = tpu.vector_load %arg19[%get3A_1576] {strides = array<i32>} : memref<512xf32, #tpu.memory_space<vmem>>, vector<16xf32>,
        %get3A_1578 = vector.shape_cast %get3A_1577 : vector<16xf32> to vector<16xf32>
        %mul3A_1579 = arith.constant 16 : i32
        %mul3A_1580 = arith.muli %add3A_1573, %mul3A_1579 : i32
        %add3A_1581 = vector.broadcast %mul3A_1580 : i32 to vector<16xi32>
        %add3A_1582 = arith.addi %iota3A_0, %add3A_1581 : vector<16xi32>
        %lt3A_1583 = vector.broadcast %squeeze3A_623 : f32 to vector<16xf32>
        %lt3A_1584 = arith.cmpf olt, %get3A_1578, %lt3A_1583 : vector<16xf32>
        %eq3A_1585 = vector.broadcast %squeeze3A_623 : f32 to vector<16xf32>
        %eq3A_1586 = arith.cmpf oeq, %get3A_1578, %eq3A_1585 : vector<16xf32>
        %gt3A_1587 = vector.broadcast %rem3A_691 : i32 to vector<16xi32>
        %gt3A_1588 = arith.cmpi sgt, %add3A_1582, %gt3A_1587 : vector<16xi32>
        %and3A_1589 = arith.andi %eq3A_1586, %gt3A_1588 : vector<16xi1>
        %or3A_1590 = arith.ori %lt3A_1584, %and3A_1589 : vector<16xi1>
        %eq3A_1591 = vector.broadcast %squeeze3A_1362 : f32 to vector<16xf32>
        %eq3A_1592 = arith.cmpf oeq, %get3A_1578, %eq3A_1591 : vector<16xf32>
        %and3A_1593 = arith.andi %or3A_1590, %eq3A_1592 : vector<16xi1>
        %jit3A_1594 = arith.constant 16777216 : i32
        %broadcast_in_dim3A_1595 = vector.broadcast %jit3A_1594 : i32 to vector<16xi32>
        %select_n3A_1596 = arith.select %and3A_1593, %add3A_1582, %broadcast_in_dim3A_1595 : vector<16xi1>, vector<16xi32>
        %min3A_1597 = arith.minsi %min3A_1569, %select_n3A_1596 : vector<16xi32>
        scf.yield %min3A_1597 : vector<16xi32>
      }
      %scan3A_1368 = arith.constant 8 : i32
      %xor3A_1369 = arith.constant 1 : i32
      %xor3A_1370 = vector.broadcast %xor3A_1369 : i32 to vector<16xi32>
      %xor3A_1371 = arith.xori %iota3A, %xor3A_1370 : vector<16xi32>
      %lt3A_1372 = arith.constant 0 : i32
      %lt3A_1373 = vector.broadcast %lt3A_1372 : i32 to vector<16xi32>
      %lt3A_1374 = arith.cmpi slt, %xor3A_1371, %lt3A_1373 : vector<16xi32>
      %add3A_1375 = arith.constant 16 : i32
      %add3A_1376 = vector.broadcast %add3A_1375 : i32 to vector<16xi32>
      %add3A_1377 = arith.addi %xor3A_1371, %add3A_1376 : vector<16xi32>
      %select_n3A_1378 = arith.select %lt3A_1374, %add3A_1377, %xor3A_1371 : vector<16xi1>, vector<16xi32>
      %broadcast_in_dim3A_1379 = vector.shape_cast %select_n3A_1378 : vector<16xi32> to vector<16x1xi32>
      %gather3A_1380 = vector.shape_cast %broadcast_in_dim3A_1379 : vector<16x1xi32> to vector<16xi32>
      %gather3A_1381 = tpu.dynamic_gather %scan3A_1367[%gather3A_1380] in [0] : vector<16xi32>, vector<16xi32> -> vector<16xi32>
      %min3A_1382 = arith.minsi %scan3A_1367, %gather3A_1381 : vector<16xi32>
      %xor3A_1383 = arith.constant 2 : i32
      %xor3A_1384 = vector.broadcast %xor3A_1383 : i32 to vector<16xi32>
      %xor3A_1385 = arith.xori %iota3A, %xor3A_1384 : vector<16xi32>
      %lt3A_1386 = arith.constant 0 : i32
      %lt3A_1387 = vector.broadcast %lt3A_1386 : i32 to vector<16xi32>
      %lt3A_1388 = arith.cmpi slt, %xor3A_1385, %lt3A_1387 : vector<16xi32>
      %add3A_1389 = arith.constant 16 : i32
      %add3A_1390 = vector.broadcast %add3A_1389 : i32 to vector<16xi32>
      %add3A_1391 = arith.addi %xor3A_1385, %add3A_1390 : vector<16xi32>
      %select_n3A_1392 = arith.select %lt3A_1388, %add3A_1391, %xor3A_1385 : vector<16xi1>, vector<16xi32>
      %broadcast_in_dim3A_1393 = vector.shape_cast %select_n3A_1392 : vector<16xi32> to vector<16x1xi32>
      %gather3A_1394 = vector.shape_cast %broadcast_in_dim3A_1393 : vector<16x1xi32> to vector<16xi32>
      %gather3A_1395 = tpu.dynamic_gather %min3A_1382[%gather3A_1394] in [0] : vector<16xi32>, vector<16xi32> -> vector<16xi32>
      %min3A_1396 = arith.minsi %min3A_1382, %gather3A_1395 : vector<16xi32>
      %xor3A_1397 = arith.constant 4 : i32
      %xor3A_1398 = vector.broadcast %xor3A_1397 : i32 to vector<16xi32>
      %xor3A_1399 = arith.xori %iota3A, %xor3A_1398 : vector<16xi32>
      %lt3A_1400 = arith.constant 0 : i32
      %lt3A_1401 = vector.broadcast %lt3A_1400 : i32 to vector<16xi32>
      %lt3A_1402 = arith.cmpi slt, %xor3A_1399, %lt3A_1401 : vector<16xi32>
      %add3A_1403 = arith.constant 16 : i32
      %add3A_1404 = vector.broadcast %add3A_1403 : i32 to vector<16xi32>
      %add3A_1405 = arith.addi %xor3A_1399, %add3A_1404 : vector<16xi32>
      %select_n3A_1406 = arith.select %lt3A_1402, %add3A_1405, %xor3A_1399 : vector<16xi1>, vector<16xi32>
      %broadcast_in_dim3A_1407 = vector.shape_cast %select_n3A_1406 : vector<16xi32> to vector<16x1xi32>
      %gather3A_1408 = vector.shape_cast %broadcast_in_dim3A_1407 : vector<16x1xi32> to vector<16xi32>
      %gather3A_1409 = tpu.dynamic_gather %min3A_1396[%gather3A_1408] in [0] : vector<16xi32>, vector<16xi32> -> vector<16xi32>
      %min3A_1410 = arith.minsi %min3A_1396, %gather3A_1409 : vector<16xi32>
      %xor3A_1411 = arith.constant 8 : i32
      %xor3A_1412 = vector.broadcast %xor3A_1411 : i32 to vector<16xi32>
      %xor3A_1413 = arith.xori %iota3A, %xor3A_1412 : vector<16xi32>
      %lt3A_1414 = arith.constant 0 : i32
      %lt3A_1415 = vector.broadcast %lt3A_1414 : i32 to vector<16xi32>
      %lt3A_1416 = arith.cmpi slt, %xor3A_1413, %lt3A_1415 : vector<16xi32>
      %add3A_1417 = arith.constant 16 : i32
      %add3A_1418 = vector.broadcast %add3A_1417 : i32 to vector<16xi32>
      %add3A_1419 = arith.addi %xor3A_1413, %add3A_1418 : vector<16xi32>
      %select_n3A_1420 = arith.select %lt3A_1416, %add3A_1419, %xor3A_1413 : vector<16xi1>, vector<16xi32>
      %broadcast_in_dim3A_1421 = vector.shape_cast %select_n3A_1420 : vector<16xi32> to vector<16x1xi32>
      %gather3A_1422 = vector.shape_cast %broadcast_in_dim3A_1421 : vector<16x1xi32> to vector<16xi32>
      %gather3A_1423 = tpu.dynamic_gather %min3A_1410[%gather3A_1422] in [0] : vector<16xi32>, vector<16xi32> -> vector<16xi32>
      %min3A_1424 = arith.minsi %min3A_1410, %gather3A_1423 : vector<16xi32>
      %slice3A_1425 = vector.extract_strided_slice %min3A_1424 {offsets = [0], sizes = [1], strides = [1]} : vector<16xi32> to vector<1xi32>
      %squeeze3A_1426 = vector.extract %slice3A_1425[0] : i32 from vector<1xi32>
      %div3A_1427 = arith.constant 16 : i32
      %div3A_1428 = arith.divsi %div3A_689, %div3A_1427 : i32
      %mul3A_1429 = arith.constant 16 : i32
      %mul3A_1430 = arith.muli %div3A_1428, %mul3A_1429 : i32
      %rem3A_1431 = arith.constant 16 : i32
      %rem3A_1432 = arith.remsi %div3A_689, %rem3A_1431 : i32
      %eq3A_1433 = vector.broadcast %rem3A_1432 : i32 to vector<16xi32>
      %eq3A_1434 = arith.cmpi eq, %iota3A_0, %eq3A_1433 : vector<16xi32>
      %get3A_1435 = arith.index_cast %mul3A_1430 : i32 to index
      %get3A_1436 = tpu.vector_load %arg11[%get3A_1435] {strides = array<i32>} : memref<512xf32, #tpu.memory_space<vmem>>, vector<16xf32>,
      %get3A_1437 = vector.shape_cast %get3A_1436 : vector<16xf32> to vector<16xf32>
      %broadcast_in_dim3A_1438 = vector.broadcast %squeeze3A_1362 : f32 to vector<16xf32>
      %select_n3A_1439 = arith.select %eq3A_1434, %broadcast_in_dim3A_1438, %get3A_1437 : vector<16xi1>, vector<16xf32>
      %swap3A_1440 = arith.index_cast %mul3A_1430 : i32 to index
      %swap3A_1441 = tpu.vector_load %arg11[%swap3A_1440] {strides = array<i32>} : memref<512xf32, #tpu.memory_space<vmem>>, vector<16xf32>,
      %swap3A_1442 = vector.shape_cast %swap3A_1441 : vector<16xf32> to vector<16xf32>
      %swap3A_1443 = vector.shape_cast %select_n3A_1439 : vector<16xf32> to vector<16xf32>
      tpu.vector_store %arg11[%swap3A_1440], %swap3A_1443 {strides = array<i32>} : memref<512xf32, #tpu.memory_space<vmem>>, vector<16xf32>,
      %mul3A_1444 = arith.constant 512 : i32
      %mul3A_1445 = arith.muli %div3A_689, %mul3A_1444 : i32
      %add3A_1446 = arith.addi %mul3A_1445, %squeeze3A_1426 : i32
      %get3A_1447 = arith.index_cast %mul3A_1430 : i32 to index
      %get3A_1448 = tpu.vector_load %arg15[%get3A_1447] {strides = array<i32>} : memref<512xi32, #tpu.memory_space<vmem>>, vector<16xi32>,
      %get3A_1449 = vector.shape_cast %get3A_1448 : vector<16xi32> to vector<16xi32>
      %broadcast_in_dim3A_1450 = vector.broadcast %add3A_1446 : i32 to vector<16xi32>
      %select_n3A_1451 = arith.select %eq3A_1434, %broadcast_in_dim3A_1450, %get3A_1449 : vector<16xi1>, vector<16xi32>
      %swap3A_1452 = arith.index_cast %mul3A_1430 : i32 to index
      %swap3A_1453 = tpu.vector_load %arg15[%swap3A_1452] {strides = array<i32>} : memref<512xi32, #tpu.memory_space<vmem>>, vector<16xi32>,
      %swap3A_1454 = vector.shape_cast %swap3A_1453 : vector<16xi32> to vector<16xi32>
      %swap3A_1455 = vector.shape_cast %select_n3A_1451 : vector<16xi32> to vector<16xi32>
      tpu.vector_store %arg15[%swap3A_1452], %swap3A_1455 {strides = array<i32>} : memref<512xi32, #tpu.memory_space<vmem>>, vector<16xi32>,
      %convert_element_type3A_1456 = arith.sitofp %rem3A_691 : i32 to f32
      %convert_element_type3A_1457 = arith.sitofp %div3A_689 : i32 to f32
      %eq3A_1458 = vector.broadcast %scan3A_123 : i32 to vector<16xi32>
      %eq3A_1459 = arith.cmpi eq, %iota3A_0, %eq3A_1458 : vector<16xi32>
      %broadcast_in_dim3A_1460 = vector.broadcast %squeeze3A_623 : f32 to vector<16xf32>
      %select_n3A_1461 = arith.select %eq3A_1459, %broadcast_in_dim3A_1460, %scan3A_142 : vector<16xi1>, vector<16xf32>
      %sub3A_1462 = arith.constant 16 : i32
      %sub3A_1463 = arith.subi %scan3A_123, %sub3A_1462 : i32
      %eq3A_1464 = vector.broadcast %sub3A_1463 : i32 to vector<16xi32>
      %eq3A_1465 = arith.cmpi eq, %iota3A_0, %eq3A_1464 : vector<16xi32>
      %broadcast_in_dim3A_1466 = vector.broadcast %squeeze3A_623 : f32 to vector<16xf32>
      %select_n3A_1467 = arith.select %eq3A_1465, %broadcast_in_dim3A_1466, %scan3A_143 : vector<16xi1>, vector<16xf32>
      %eq3A_1468 = vector.broadcast %scan3A_123 : i32 to vector<16xi32>
      %eq3A_1469 = arith.cmpi eq, %iota3A_0, %eq3A_1468 : vector<16xi32>
      %broadcast_in_dim3A_1470 = vector.broadcast %convert_element_type3A_1456 : f32 to vector<16xf32>
      %select_n3A_1471 = arith.select %eq3A_1469, %broadcast_in_dim3A_1470, %scan3A_144 : vector<16xi1>, vector<16xf32>
      %sub3A_1472 = arith.constant 16 : i32
      %sub3A_1473 = arith.subi %scan3A_123, %sub3A_1472 : i32
      %eq3A_1474 = vector.broadcast %sub3A_1473 : i32 to vector<16xi32>
      %eq3A_1475 = arith.cmpi eq, %iota3A_0, %eq3A_1474 : vector<16xi32>
      %broadcast_in_dim3A_1476 = vector.broadcast %convert_element_type3A_1456 : f32 to vector<16xf32>
      %select_n3A_1477 = arith.select %eq3A_1475, %broadcast_in_dim3A_1476, %scan3A_145 : vector<16xi1>, vector<16xf32>
      %eq3A_1478 = vector.broadcast %scan3A_123 : i32 to vector<16xi32>
      %eq3A_1479 = arith.cmpi eq, %iota3A_0, %eq3A_1478 : vector<16xi32>
      %broadcast_in_dim3A_1480 = vector.broadcast %convert_element_type3A_1457 : f32 to vector<16xf32>
      %select_n3A_1481 = arith.select %eq3A_1479, %broadcast_in_dim3A_1480, %scan3A_146 : vector<16xi1>, vector<16xf32>
      %sub3A_1482 = arith.constant 16 : i32
      %sub3A_1483 = arith.subi %scan3A_123, %sub3A_1482 : i32
      %eq3A_1484 = vector.broadcast %sub3A_1483 : i32 to vector<16xi32>
      %eq3A_1485 = arith.cmpi eq, %iota3A_0, %eq3A_1484 : vector<16xi32>
      %broadcast_in_dim3A_1486 = vector.broadcast %convert_element_type3A_1457 : f32 to vector<16xf32>
      %select_n3A_1487 = arith.select %eq3A_1485, %broadcast_in_dim3A_1486, %scan3A_147 : vector<16xi1>, vector<16xf32>
      scf.yield %select_n3A_868, %select_n3A_873, %select_n3A_877, %select_n3A_883, %select_n3A_887, %select_n3A_893, %select_n3A_1065, %select_n3A_1071, %select_n3A_1075, %select_n3A_1081, %select_n3A_1085, %select_n3A_1091, %select_n3A_1263, %select_n3A_1269, %select_n3A_1273, %select_n3A_1279, %select_n3A_1283, %select_n3A_1289, %select_n3A_1461, %select_n3A_1467, %select_n3A_1471, %select_n3A_1477, %select_n3A_1481, %select_n3A_1487 : vector<16xf32>, vector<16xf32>, vector<16xf32>, vector<16xf32>, vector<16xf32>, vector<16xf32>, vector<16xf32>, vector<16xf32>, vector<16xf32>, vector<16xf32>, vector<16xf32>, vector<16xf32>, vector<16xf32>, vector<16xf32>, vector<16xf32>, vector<16xf32>, vector<16xf32>, vector<16xf32>, vector<16xf32>, vector<16xf32>, vector<16xf32>, vector<16xf32>, vector<16xf32>, vector<16xf32>
    }
    %scan3A_27 = arith.constant 20 : i32
    %swap3A = arith.constant 0 : index
    %swap3A_28 = tpu.vector_load %arg20[%swap3A] {strides = array<i32>} : memref<32xf32, #tpu.memory_space<vmem>>, vector<16xf32>,
    %swap3A_29 = vector.shape_cast %swap3A_28 : vector<16xf32> to vector<16xf32>
    %swap3A_30 = vector.shape_cast %scan3A_26#0 : vector<16xf32> to vector<16xf32>
    tpu.vector_store %arg20[%swap3A], %swap3A_30 {strides = array<i32>} : memref<32xf32, #tpu.memory_space<vmem>>, vector<16xf32>,
    %swap3A_31 = arith.constant 16 : index
    %swap3A_32 = tpu.vector_load %arg20[%swap3A_31] {strides = array<i32>} : memref<32xf32, #tpu.memory_space<vmem>>, vector<16xf32>,
    %swap3A_33 = vector.shape_cast %swap3A_32 : vector<16xf32> to vector<16xf32>
    %swap3A_34 = vector.shape_cast %scan3A_26#1 : vector<16xf32> to vector<16xf32>
    tpu.vector_store %arg20[%swap3A_31], %swap3A_34 {strides = array<i32>} : memref<32xf32, #tpu.memory_space<vmem>>, vector<16xf32>,
    "tpu.region"() ({
      %run_scoped3A = tpu.sem_alloc : memref<!tpu.dma_semaphore, #tpu.memory_space<semaphore_mem>>
      %dma_start3A = arith.constant 0 : i32
      %dma_start3A_123 = tpu.memref_slice %arg5[%add3A_8, %dma_start3A] : memref<128x32xf32, #tpu.memory_space<hbm>> -> memref<1x32xf32, #tpu.memory_space<hbm>>
      %dma_start3A_124 = tpu.memref_squeeze %dma_start3A_123 : memref<1x32xf32, #tpu.memory_space<hbm>> -> memref<32xf32, #tpu.memory_space<hbm>>
      %dma_start3A_125 = arith.constant 0 : i32
      %dma_start3A_126 = tpu.memref_slice %arg5[%add3A_8, %dma_start3A_125] : memref<128x32xf32, #tpu.memory_space<hbm>> -> memref<1x32xf32, #tpu.memory_space<hbm>>
      %dma_start3A_127 = tpu.memref_squeeze %dma_start3A_126 : memref<1x32xf32, #tpu.memory_space<hbm>> -> memref<32xf32, #tpu.memory_space<hbm>>
      tpu.enqueue_dma source(%arg20 : memref<32xf32, #tpu.memory_space<vmem>>) target(%dma_start3A_127 : memref<32xf32, #tpu.memory_space<hbm>>) target_semaphore(%run_scoped3A : memref<!tpu.dma_semaphore, #tpu.memory_space<semaphore_mem>>)
      %dma_wait3A = arith.constant 0 : i32
      %dma_wait3A_128 = tpu.memref_slice %arg5[%add3A_8, %dma_wait3A] : memref<128x32xf32, #tpu.memory_space<hbm>> -> memref<1x32xf32, #tpu.memory_space<hbm>>
      %dma_wait3A_129 = tpu.memref_squeeze %dma_wait3A_128 : memref<1x32xf32, #tpu.memory_space<hbm>> -> memref<32xf32, #tpu.memory_space<hbm>>
      %dma_wait3A_130 = arith.constant 0 : i32
      %dma_wait3A_131 = tpu.memref_slice %arg5[%add3A_8, %dma_wait3A_130] : memref<128x32xf32, #tpu.memory_space<hbm>> -> memref<1x32xf32, #tpu.memory_space<hbm>>
      %dma_wait3A_132 = tpu.memref_squeeze %dma_wait3A_131 : memref<1x32xf32, #tpu.memory_space<hbm>> -> memref<32xf32, #tpu.memory_space<hbm>>
      tpu.wait_dma2 semaphore(%run_scoped3A : memref<!tpu.dma_semaphore, #tpu.memory_space<semaphore_mem>>) src(%arg20 : memref<32xf32, #tpu.memory_space<vmem>>) dst(%dma_wait3A_132 : memref<32xf32, #tpu.memory_space<hbm>>)
      tpu.yield
    }) : () -> ()
    %swap3A_35 = arith.constant 0 : index
    %swap3A_36 = tpu.vector_load %arg20[%swap3A_35] {strides = array<i32>} : memref<32xf32, #tpu.memory_space<vmem>>, vector<16xf32>,
    %swap3A_37 = vector.shape_cast %swap3A_36 : vector<16xf32> to vector<16xf32>
    %swap3A_38 = vector.shape_cast %scan3A_26#2 : vector<16xf32> to vector<16xf32>
    tpu.vector_store %arg20[%swap3A_35], %swap3A_38 {strides = array<i32>} : memref<32xf32, #tpu.memory_space<vmem>>, vector<16xf32>,
    %swap3A_39 = arith.constant 16 : index
    %swap3A_40 = tpu.vector_load %arg20[%swap3A_39] {strides = array<i32>} : memref<32xf32, #tpu.memory_space<vmem>>, vector<16xf32>,
    %swap3A_41 = vector.shape_cast %swap3A_40 : vector<16xf32> to vector<16xf32>
    %swap3A_42 = vector.shape_cast %scan3A_26#3 : vector<16xf32> to vector<16xf32>
    tpu.vector_store %arg20[%swap3A_39], %swap3A_42 {strides = array<i32>} : memref<32xf32, #tpu.memory_space<vmem>>, vector<16xf32>,
    "tpu.region"() ({
      %run_scoped3A = tpu.sem_alloc : memref<!tpu.dma_semaphore, #tpu.memory_space<semaphore_mem>>
      %dma_start3A = arith.constant 0 : i32
      %dma_start3A_123 = tpu.memref_slice %arg6[%add3A_8, %dma_start3A] : memref<128x32xf32, #tpu.memory_space<hbm>> -> memref<1x32xf32, #tpu.memory_space<hbm>>
      %dma_start3A_124 = tpu.memref_squeeze %dma_start3A_123 : memref<1x32xf32, #tpu.memory_space<hbm>> -> memref<32xf32, #tpu.memory_space<hbm>>
      %dma_start3A_125 = arith.constant 0 : i32
      %dma_start3A_126 = tpu.memref_slice %arg6[%add3A_8, %dma_start3A_125] : memref<128x32xf32, #tpu.memory_space<hbm>> -> memref<1x32xf32, #tpu.memory_space<hbm>>
      %dma_start3A_127 = tpu.memref_squeeze %dma_start3A_126 : memref<1x32xf32, #tpu.memory_space<hbm>> -> memref<32xf32, #tpu.memory_space<hbm>>
      tpu.enqueue_dma source(%arg20 : memref<32xf32, #tpu.memory_space<vmem>>) target(%dma_start3A_127 : memref<32xf32, #tpu.memory_space<hbm>>) target_semaphore(%run_scoped3A : memref<!tpu.dma_semaphore, #tpu.memory_space<semaphore_mem>>)
      %dma_wait3A = arith.constant 0 : i32
      %dma_wait3A_128 = tpu.memref_slice %arg6[%add3A_8, %dma_wait3A] : memref<128x32xf32, #tpu.memory_space<hbm>> -> memref<1x32xf32, #tpu.memory_space<hbm>>
      %dma_wait3A_129 = tpu.memref_squeeze %dma_wait3A_128 : memref<1x32xf32, #tpu.memory_space<hbm>> -> memref<32xf32, #tpu.memory_space<hbm>>
      %dma_wait3A_130 = arith.constant 0 : i32
      %dma_wait3A_131 = tpu.memref_slice %arg6[%add3A_8, %dma_wait3A_130] : memref<128x32xf32, #tpu.memory_space<hbm>> -> memref<1x32xf32, #tpu.memory_space<hbm>>
      %dma_wait3A_132 = tpu.memref_squeeze %dma_wait3A_131 : memref<1x32xf32, #tpu.memory_space<hbm>> -> memref<32xf32, #tpu.memory_space<hbm>>
      tpu.wait_dma2 semaphore(%run_scoped3A : memref<!tpu.dma_semaphore, #tpu.memory_space<semaphore_mem>>) src(%arg20 : memref<32xf32, #tpu.memory_space<vmem>>) dst(%dma_wait3A_132 : memref<32xf32, #tpu.memory_space<hbm>>)
      tpu.yield
    }) : () -> ()
    %swap3A_43 = arith.constant 0 : index
    %swap3A_44 = tpu.vector_load %arg20[%swap3A_43] {strides = array<i32>} : memref<32xf32, #tpu.memory_space<vmem>>, vector<16xf32>,
    %swap3A_45 = vector.shape_cast %swap3A_44 : vector<16xf32> to vector<16xf32>
    %swap3A_46 = vector.shape_cast %scan3A_26#4 : vector<16xf32> to vector<16xf32>
    tpu.vector_store %arg20[%swap3A_43], %swap3A_46 {strides = array<i32>} : memref<32xf32, #tpu.memory_space<vmem>>, vector<16xf32>,
    %swap3A_47 = arith.constant 16 : index
    %swap3A_48 = tpu.vector_load %arg20[%swap3A_47] {strides = array<i32>} : memref<32xf32, #tpu.memory_space<vmem>>, vector<16xf32>,
    %swap3A_49 = vector.shape_cast %swap3A_48 : vector<16xf32> to vector<16xf32>
    %swap3A_50 = vector.shape_cast %scan3A_26#5 : vector<16xf32> to vector<16xf32>
    tpu.vector_store %arg20[%swap3A_47], %swap3A_50 {strides = array<i32>} : memref<32xf32, #tpu.memory_space<vmem>>, vector<16xf32>,
    "tpu.region"() ({
      %run_scoped3A = tpu.sem_alloc : memref<!tpu.dma_semaphore, #tpu.memory_space<semaphore_mem>>
      %dma_start3A = arith.constant 0 : i32
      %dma_start3A_123 = tpu.memref_slice %arg7[%add3A_8, %dma_start3A] : memref<128x32xf32, #tpu.memory_space<hbm>> -> memref<1x32xf32, #tpu.memory_space<hbm>>
      %dma_start3A_124 = tpu.memref_squeeze %dma_start3A_123 : memref<1x32xf32, #tpu.memory_space<hbm>> -> memref<32xf32, #tpu.memory_space<hbm>>
      %dma_start3A_125 = arith.constant 0 : i32
      %dma_start3A_126 = tpu.memref_slice %arg7[%add3A_8, %dma_start3A_125] : memref<128x32xf32, #tpu.memory_space<hbm>> -> memref<1x32xf32, #tpu.memory_space<hbm>>
      %dma_start3A_127 = tpu.memref_squeeze %dma_start3A_126 : memref<1x32xf32, #tpu.memory_space<hbm>> -> memref<32xf32, #tpu.memory_space<hbm>>
      tpu.enqueue_dma source(%arg20 : memref<32xf32, #tpu.memory_space<vmem>>) target(%dma_start3A_127 : memref<32xf32, #tpu.memory_space<hbm>>) target_semaphore(%run_scoped3A : memref<!tpu.dma_semaphore, #tpu.memory_space<semaphore_mem>>)
      %dma_wait3A = arith.constant 0 : i32
      %dma_wait3A_128 = tpu.memref_slice %arg7[%add3A_8, %dma_wait3A] : memref<128x32xf32, #tpu.memory_space<hbm>> -> memref<1x32xf32, #tpu.memory_space<hbm>>
      %dma_wait3A_129 = tpu.memref_squeeze %dma_wait3A_128 : memref<1x32xf32, #tpu.memory_space<hbm>> -> memref<32xf32, #tpu.memory_space<hbm>>
      %dma_wait3A_130 = arith.constant 0 : i32
      %dma_wait3A_131 = tpu.memref_slice %arg7[%add3A_8, %dma_wait3A_130] : memref<128x32xf32, #tpu.memory_space<hbm>> -> memref<1x32xf32, #tpu.memory_space<hbm>>
      %dma_wait3A_132 = tpu.memref_squeeze %dma_wait3A_131 : memref<1x32xf32, #tpu.memory_space<hbm>> -> memref<32xf32, #tpu.memory_space<hbm>>
      tpu.wait_dma2 semaphore(%run_scoped3A : memref<!tpu.dma_semaphore, #tpu.memory_space<semaphore_mem>>) src(%arg20 : memref<32xf32, #tpu.memory_space<vmem>>) dst(%dma_wait3A_132 : memref<32xf32, #tpu.memory_space<hbm>>)
      tpu.yield
    }) : () -> ()
    %swap3A_51 = arith.constant 0 : index
    %swap3A_52 = tpu.vector_load %arg20[%swap3A_51] {strides = array<i32>} : memref<32xf32, #tpu.memory_space<vmem>>, vector<16xf32>,
    %swap3A_53 = vector.shape_cast %swap3A_52 : vector<16xf32> to vector<16xf32>
    %swap3A_54 = vector.shape_cast %scan3A_26#6 : vector<16xf32> to vector<16xf32>
    tpu.vector_store %arg20[%swap3A_51], %swap3A_54 {strides = array<i32>} : memref<32xf32, #tpu.memory_space<vmem>>, vector<16xf32>,
    %swap3A_55 = arith.constant 16 : index
    %swap3A_56 = tpu.vector_load %arg20[%swap3A_55] {strides = array<i32>} : memref<32xf32, #tpu.memory_space<vmem>>, vector<16xf32>,
    %swap3A_57 = vector.shape_cast %swap3A_56 : vector<16xf32> to vector<16xf32>
    %swap3A_58 = vector.shape_cast %scan3A_26#7 : vector<16xf32> to vector<16xf32>
    tpu.vector_store %arg20[%swap3A_55], %swap3A_58 {strides = array<i32>} : memref<32xf32, #tpu.memory_space<vmem>>, vector<16xf32>,
    "tpu.region"() ({
      %run_scoped3A = tpu.sem_alloc : memref<!tpu.dma_semaphore, #tpu.memory_space<semaphore_mem>>
      %dma_start3A = arith.constant 0 : i32
      %dma_start3A_123 = tpu.memref_slice %arg5[%add3A_12, %dma_start3A] : memref<128x32xf32, #tpu.memory_space<hbm>> -> memref<1x32xf32, #tpu.memory_space<hbm>>
      %dma_start3A_124 = tpu.memref_squeeze %dma_start3A_123 : memref<1x32xf32, #tpu.memory_space<hbm>> -> memref<32xf32, #tpu.memory_space<hbm>>
      %dma_start3A_125 = arith.constant 0 : i32
      %dma_start3A_126 = tpu.memref_slice %arg5[%add3A_12, %dma_start3A_125] : memref<128x32xf32, #tpu.memory_space<hbm>> -> memref<1x32xf32, #tpu.memory_space<hbm>>
      %dma_start3A_127 = tpu.memref_squeeze %dma_start3A_126 : memref<1x32xf32, #tpu.memory_space<hbm>> -> memref<32xf32, #tpu.memory_space<hbm>>
      tpu.enqueue_dma source(%arg20 : memref<32xf32, #tpu.memory_space<vmem>>) target(%dma_start3A_127 : memref<32xf32, #tpu.memory_space<hbm>>) target_semaphore(%run_scoped3A : memref<!tpu.dma_semaphore, #tpu.memory_space<semaphore_mem>>)
      %dma_wait3A = arith.constant 0 : i32
      %dma_wait3A_128 = tpu.memref_slice %arg5[%add3A_12, %dma_wait3A] : memref<128x32xf32, #tpu.memory_space<hbm>> -> memref<1x32xf32, #tpu.memory_space<hbm>>
      %dma_wait3A_129 = tpu.memref_squeeze %dma_wait3A_128 : memref<1x32xf32, #tpu.memory_space<hbm>> -> memref<32xf32, #tpu.memory_space<hbm>>
      %dma_wait3A_130 = arith.constant 0 : i32
      %dma_wait3A_131 = tpu.memref_slice %arg5[%add3A_12, %dma_wait3A_130] : memref<128x32xf32, #tpu.memory_space<hbm>> -> memref<1x32xf32, #tpu.memory_space<hbm>>
      %dma_wait3A_132 = tpu.memref_squeeze %dma_wait3A_131 : memref<1x32xf32, #tpu.memory_space<hbm>> -> memref<32xf32, #tpu.memory_space<hbm>>
      tpu.wait_dma2 semaphore(%run_scoped3A : memref<!tpu.dma_semaphore, #tpu.memory_space<semaphore_mem>>) src(%arg20 : memref<32xf32, #tpu.memory_space<vmem>>) dst(%dma_wait3A_132 : memref<32xf32, #tpu.memory_space<hbm>>)
      tpu.yield
    }) : () -> ()
    %swap3A_59 = arith.constant 0 : index
    %swap3A_60 = tpu.vector_load %arg20[%swap3A_59] {strides = array<i32>} : memref<32xf32, #tpu.memory_space<vmem>>, vector<16xf32>,
    %swap3A_61 = vector.shape_cast %swap3A_60 : vector<16xf32> to vector<16xf32>
    %swap3A_62 = vector.shape_cast %scan3A_26#8 : vector<16xf32> to vector<16xf32>
    tpu.vector_store %arg20[%swap3A_59], %swap3A_62 {strides = array<i32>} : memref<32xf32, #tpu.memory_space<vmem>>, vector<16xf32>,
    %swap3A_63 = arith.constant 16 : index
    %swap3A_64 = tpu.vector_load %arg20[%swap3A_63] {strides = array<i32>} : memref<32xf32, #tpu.memory_space<vmem>>, vector<16xf32>,
    %swap3A_65 = vector.shape_cast %swap3A_64 : vector<16xf32> to vector<16xf32>
    %swap3A_66 = vector.shape_cast %scan3A_26#9 : vector<16xf32> to vector<16xf32>
    tpu.vector_store %arg20[%swap3A_63], %swap3A_66 {strides = array<i32>} : memref<32xf32, #tpu.memory_space<vmem>>, vector<16xf32>,
    "tpu.region"() ({
      %run_scoped3A = tpu.sem_alloc : memref<!tpu.dma_semaphore, #tpu.memory_space<semaphore_mem>>
      %dma_start3A = arith.constant 0 : i32
      %dma_start3A_123 = tpu.memref_slice %arg6[%add3A_12, %dma_start3A] : memref<128x32xf32, #tpu.memory_space<hbm>> -> memref<1x32xf32, #tpu.memory_space<hbm>>
      %dma_start3A_124 = tpu.memref_squeeze %dma_start3A_123 : memref<1x32xf32, #tpu.memory_space<hbm>> -> memref<32xf32, #tpu.memory_space<hbm>>
      %dma_start3A_125 = arith.constant 0 : i32
      %dma_start3A_126 = tpu.memref_slice %arg6[%add3A_12, %dma_start3A_125] : memref<128x32xf32, #tpu.memory_space<hbm>> -> memref<1x32xf32, #tpu.memory_space<hbm>>
      %dma_start3A_127 = tpu.memref_squeeze %dma_start3A_126 : memref<1x32xf32, #tpu.memory_space<hbm>> -> memref<32xf32, #tpu.memory_space<hbm>>
      tpu.enqueue_dma source(%arg20 : memref<32xf32, #tpu.memory_space<vmem>>) target(%dma_start3A_127 : memref<32xf32, #tpu.memory_space<hbm>>) target_semaphore(%run_scoped3A : memref<!tpu.dma_semaphore, #tpu.memory_space<semaphore_mem>>)
      %dma_wait3A = arith.constant 0 : i32
      %dma_wait3A_128 = tpu.memref_slice %arg6[%add3A_12, %dma_wait3A] : memref<128x32xf32, #tpu.memory_space<hbm>> -> memref<1x32xf32, #tpu.memory_space<hbm>>
      %dma_wait3A_129 = tpu.memref_squeeze %dma_wait3A_128 : memref<1x32xf32, #tpu.memory_space<hbm>> -> memref<32xf32, #tpu.memory_space<hbm>>
      %dma_wait3A_130 = arith.constant 0 : i32
      %dma_wait3A_131 = tpu.memref_slice %arg6[%add3A_12, %dma_wait3A_130] : memref<128x32xf32, #tpu.memory_space<hbm>> -> memref<1x32xf32, #tpu.memory_space<hbm>>
      %dma_wait3A_132 = tpu.memref_squeeze %dma_wait3A_131 : memref<1x32xf32, #tpu.memory_space<hbm>> -> memref<32xf32, #tpu.memory_space<hbm>>
      tpu.wait_dma2 semaphore(%run_scoped3A : memref<!tpu.dma_semaphore, #tpu.memory_space<semaphore_mem>>) src(%arg20 : memref<32xf32, #tpu.memory_space<vmem>>) dst(%dma_wait3A_132 : memref<32xf32, #tpu.memory_space<hbm>>)
      tpu.yield
    }) : () -> ()
    %swap3A_67 = arith.constant 0 : index
    %swap3A_68 = tpu.vector_load %arg20[%swap3A_67] {strides = array<i32>} : memref<32xf32, #tpu.memory_space<vmem>>, vector<16xf32>,
    %swap3A_69 = vector.shape_cast %swap3A_68 : vector<16xf32> to vector<16xf32>
    %swap3A_70 = vector.shape_cast %scan3A_26#10 : vector<16xf32> to vector<16xf32>
    tpu.vector_store %arg20[%swap3A_67], %swap3A_70 {strides = array<i32>} : memref<32xf32, #tpu.memory_space<vmem>>, vector<16xf32>,
    %swap3A_71 = arith.constant 16 : index
    %swap3A_72 = tpu.vector_load %arg20[%swap3A_71] {strides = array<i32>} : memref<32xf32, #tpu.memory_space<vmem>>, vector<16xf32>,
    %swap3A_73 = vector.shape_cast %swap3A_72 : vector<16xf32> to vector<16xf32>
    %swap3A_74 = vector.shape_cast %scan3A_26#11 : vector<16xf32> to vector<16xf32>
    tpu.vector_store %arg20[%swap3A_71], %swap3A_74 {strides = array<i32>} : memref<32xf32, #tpu.memory_space<vmem>>, vector<16xf32>,
    "tpu.region"() ({
      %run_scoped3A = tpu.sem_alloc : memref<!tpu.dma_semaphore, #tpu.memory_space<semaphore_mem>>
      %dma_start3A = arith.constant 0 : i32
      %dma_start3A_123 = tpu.memref_slice %arg7[%add3A_12, %dma_start3A] : memref<128x32xf32, #tpu.memory_space<hbm>> -> memref<1x32xf32, #tpu.memory_space<hbm>>
      %dma_start3A_124 = tpu.memref_squeeze %dma_start3A_123 : memref<1x32xf32, #tpu.memory_space<hbm>> -> memref<32xf32, #tpu.memory_space<hbm>>
      %dma_start3A_125 = arith.constant 0 : i32
      %dma_start3A_126 = tpu.memref_slice %arg7[%add3A_12, %dma_start3A_125] : memref<128x32xf32, #tpu.memory_space<hbm>> -> memref<1x32xf32, #tpu.memory_space<hbm>>
      %dma_start3A_127 = tpu.memref_squeeze %dma_start3A_126 : memref<1x32xf32, #tpu.memory_space<hbm>> -> memref<32xf32, #tpu.memory_space<hbm>>
      tpu.enqueue_dma source(%arg20 : memref<32xf32, #tpu.memory_space<vmem>>) target(%dma_start3A_127 : memref<32xf32, #tpu.memory_space<hbm>>) target_semaphore(%run_scoped3A : memref<!tpu.dma_semaphore, #tpu.memory_space<semaphore_mem>>)
      %dma_wait3A = arith.constant 0 : i32
      %dma_wait3A_128 = tpu.memref_slice %arg7[%add3A_12, %dma_wait3A] : memref<128x32xf32, #tpu.memory_space<hbm>> -> memref<1x32xf32, #tpu.memory_space<hbm>>
      %dma_wait3A_129 = tpu.memref_squeeze %dma_wait3A_128 : memref<1x32xf32, #tpu.memory_space<hbm>> -> memref<32xf32, #tpu.memory_space<hbm>>
      %dma_wait3A_130 = arith.constant 0 : i32
      %dma_wait3A_131 = tpu.memref_slice %arg7[%add3A_12, %dma_wait3A_130] : memref<128x32xf32, #tpu.memory_space<hbm>> -> memref<1x32xf32, #tpu.memory_space<hbm>>
      %dma_wait3A_132 = tpu.memref_squeeze %dma_wait3A_131 : memref<1x32xf32, #tpu.memory_space<hbm>> -> memref<32xf32, #tpu.memory_space<hbm>>
      tpu.wait_dma2 semaphore(%run_scoped3A : memref<!tpu.dma_semaphore, #tpu.memory_space<semaphore_mem>>) src(%arg20 : memref<32xf32, #tpu.memory_space<vmem>>) dst(%dma_wait3A_132 : memref<32xf32, #tpu.memory_space<hbm>>)
      tpu.yield
    }) : () -> ()
    %swap3A_75 = arith.constant 0 : index
    %swap3A_76 = tpu.vector_load %arg20[%swap3A_75] {strides = array<i32>} : memref<32xf32, #tpu.memory_space<vmem>>, vector<16xf32>,
    %swap3A_77 = vector.shape_cast %swap3A_76 : vector<16xf32> to vector<16xf32>
    %swap3A_78 = vector.shape_cast %scan3A_26#12 : vector<16xf32> to vector<16xf32>
    tpu.vector_store %arg20[%swap3A_75], %swap3A_78 {strides = array<i32>} : memref<32xf32, #tpu.memory_space<vmem>>, vector<16xf32>,
    %swap3A_79 = arith.constant 16 : index
    %swap3A_80 = tpu.vector_load %arg20[%swap3A_79] {strides = array<i32>} : memref<32xf32, #tpu.memory_space<vmem>>, vector<16xf32>,
    %swap3A_81 = vector.shape_cast %swap3A_80 : vector<16xf32> to vector<16xf32>
    %swap3A_82 = vector.shape_cast %scan3A_26#13 : vector<16xf32> to vector<16xf32>
    tpu.vector_store %arg20[%swap3A_79], %swap3A_82 {strides = array<i32>} : memref<32xf32, #tpu.memory_space<vmem>>, vector<16xf32>,
    "tpu.region"() ({
      %run_scoped3A = tpu.sem_alloc : memref<!tpu.dma_semaphore, #tpu.memory_space<semaphore_mem>>
      %dma_start3A = arith.constant 0 : i32
      %dma_start3A_123 = tpu.memref_slice %arg5[%add3A_16, %dma_start3A] : memref<128x32xf32, #tpu.memory_space<hbm>> -> memref<1x32xf32, #tpu.memory_space<hbm>>
      %dma_start3A_124 = tpu.memref_squeeze %dma_start3A_123 : memref<1x32xf32, #tpu.memory_space<hbm>> -> memref<32xf32, #tpu.memory_space<hbm>>
      %dma_start3A_125 = arith.constant 0 : i32
      %dma_start3A_126 = tpu.memref_slice %arg5[%add3A_16, %dma_start3A_125] : memref<128x32xf32, #tpu.memory_space<hbm>> -> memref<1x32xf32, #tpu.memory_space<hbm>>
      %dma_start3A_127 = tpu.memref_squeeze %dma_start3A_126 : memref<1x32xf32, #tpu.memory_space<hbm>> -> memref<32xf32, #tpu.memory_space<hbm>>
      tpu.enqueue_dma source(%arg20 : memref<32xf32, #tpu.memory_space<vmem>>) target(%dma_start3A_127 : memref<32xf32, #tpu.memory_space<hbm>>) target_semaphore(%run_scoped3A : memref<!tpu.dma_semaphore, #tpu.memory_space<semaphore_mem>>)
      %dma_wait3A = arith.constant 0 : i32
      %dma_wait3A_128 = tpu.memref_slice %arg5[%add3A_16, %dma_wait3A] : memref<128x32xf32, #tpu.memory_space<hbm>> -> memref<1x32xf32, #tpu.memory_space<hbm>>
      %dma_wait3A_129 = tpu.memref_squeeze %dma_wait3A_128 : memref<1x32xf32, #tpu.memory_space<hbm>> -> memref<32xf32, #tpu.memory_space<hbm>>
      %dma_wait3A_130 = arith.constant 0 : i32
      %dma_wait3A_131 = tpu.memref_slice %arg5[%add3A_16, %dma_wait3A_130] : memref<128x32xf32, #tpu.memory_space<hbm>> -> memref<1x32xf32, #tpu.memory_space<hbm>>
      %dma_wait3A_132 = tpu.memref_squeeze %dma_wait3A_131 : memref<1x32xf32, #tpu.memory_space<hbm>> -> memref<32xf32, #tpu.memory_space<hbm>>
      tpu.wait_dma2 semaphore(%run_scoped3A : memref<!tpu.dma_semaphore, #tpu.memory_space<semaphore_mem>>) src(%arg20 : memref<32xf32, #tpu.memory_space<vmem>>) dst(%dma_wait3A_132 : memref<32xf32, #tpu.memory_space<hbm>>)
      tpu.yield
    }) : () -> ()
    %swap3A_83 = arith.constant 0 : index
    %swap3A_84 = tpu.vector_load %arg20[%swap3A_83] {strides = array<i32>} : memref<32xf32, #tpu.memory_space<vmem>>, vector<16xf32>,
    %swap3A_85 = vector.shape_cast %swap3A_84 : vector<16xf32> to vector<16xf32>
    %swap3A_86 = vector.shape_cast %scan3A_26#14 : vector<16xf32> to vector<16xf32>
    tpu.vector_store %arg20[%swap3A_83], %swap3A_86 {strides = array<i32>} : memref<32xf32, #tpu.memory_space<vmem>>, vector<16xf32>,
    %swap3A_87 = arith.constant 16 : index
    %swap3A_88 = tpu.vector_load %arg20[%swap3A_87] {strides = array<i32>} : memref<32xf32, #tpu.memory_space<vmem>>, vector<16xf32>,
    %swap3A_89 = vector.shape_cast %swap3A_88 : vector<16xf32> to vector<16xf32>
    %swap3A_90 = vector.shape_cast %scan3A_26#15 : vector<16xf32> to vector<16xf32>
    tpu.vector_store %arg20[%swap3A_87], %swap3A_90 {strides = array<i32>} : memref<32xf32, #tpu.memory_space<vmem>>, vector<16xf32>,
    "tpu.region"() ({
      %run_scoped3A = tpu.sem_alloc : memref<!tpu.dma_semaphore, #tpu.memory_space<semaphore_mem>>
      %dma_start3A = arith.constant 0 : i32
      %dma_start3A_123 = tpu.memref_slice %arg6[%add3A_16, %dma_start3A] : memref<128x32xf32, #tpu.memory_space<hbm>> -> memref<1x32xf32, #tpu.memory_space<hbm>>
      %dma_start3A_124 = tpu.memref_squeeze %dma_start3A_123 : memref<1x32xf32, #tpu.memory_space<hbm>> -> memref<32xf32, #tpu.memory_space<hbm>>
      %dma_start3A_125 = arith.constant 0 : i32
      %dma_start3A_126 = tpu.memref_slice %arg6[%add3A_16, %dma_start3A_125] : memref<128x32xf32, #tpu.memory_space<hbm>> -> memref<1x32xf32, #tpu.memory_space<hbm>>
      %dma_start3A_127 = tpu.memref_squeeze %dma_start3A_126 : memref<1x32xf32, #tpu.memory_space<hbm>> -> memref<32xf32, #tpu.memory_space<hbm>>
      tpu.enqueue_dma source(%arg20 : memref<32xf32, #tpu.memory_space<vmem>>) target(%dma_start3A_127 : memref<32xf32, #tpu.memory_space<hbm>>) target_semaphore(%run_scoped3A : memref<!tpu.dma_semaphore, #tpu.memory_space<semaphore_mem>>)
      %dma_wait3A = arith.constant 0 : i32
      %dma_wait3A_128 = tpu.memref_slice %arg6[%add3A_16, %dma_wait3A] : memref<128x32xf32, #tpu.memory_space<hbm>> -> memref<1x32xf32, #tpu.memory_space<hbm>>
      %dma_wait3A_129 = tpu.memref_squeeze %dma_wait3A_128 : memref<1x32xf32, #tpu.memory_space<hbm>> -> memref<32xf32, #tpu.memory_space<hbm>>
      %dma_wait3A_130 = arith.constant 0 : i32
      %dma_wait3A_131 = tpu.memref_slice %arg6[%add3A_16, %dma_wait3A_130] : memref<128x32xf32, #tpu.memory_space<hbm>> -> memref<1x32xf32, #tpu.memory_space<hbm>>
      %dma_wait3A_132 = tpu.memref_squeeze %dma_wait3A_131 : memref<1x32xf32, #tpu.memory_space<hbm>> -> memref<32xf32, #tpu.memory_space<hbm>>
      tpu.wait_dma2 semaphore(%run_scoped3A : memref<!tpu.dma_semaphore, #tpu.memory_space<semaphore_mem>>) src(%arg20 : memref<32xf32, #tpu.memory_space<vmem>>) dst(%dma_wait3A_132 : memref<32xf32, #tpu.memory_space<hbm>>)
      tpu.yield
    }) : () -> ()
    %swap3A_91 = arith.constant 0 : index
    %swap3A_92 = tpu.vector_load %arg20[%swap3A_91] {strides = array<i32>} : memref<32xf32, #tpu.memory_space<vmem>>, vector<16xf32>,
    %swap3A_93 = vector.shape_cast %swap3A_92 : vector<16xf32> to vector<16xf32>
    %swap3A_94 = vector.shape_cast %scan3A_26#16 : vector<16xf32> to vector<16xf32>
    tpu.vector_store %arg20[%swap3A_91], %swap3A_94 {strides = array<i32>} : memref<32xf32, #tpu.memory_space<vmem>>, vector<16xf32>,
    %swap3A_95 = arith.constant 16 : index
    %swap3A_96 = tpu.vector_load %arg20[%swap3A_95] {strides = array<i32>} : memref<32xf32, #tpu.memory_space<vmem>>, vector<16xf32>,
    %swap3A_97 = vector.shape_cast %swap3A_96 : vector<16xf32> to vector<16xf32>
    %swap3A_98 = vector.shape_cast %scan3A_26#17 : vector<16xf32> to vector<16xf32>
    tpu.vector_store %arg20[%swap3A_95], %swap3A_98 {strides = array<i32>} : memref<32xf32, #tpu.memory_space<vmem>>, vector<16xf32>,
    "tpu.region"() ({
      %run_scoped3A = tpu.sem_alloc : memref<!tpu.dma_semaphore, #tpu.memory_space<semaphore_mem>>
      %dma_start3A = arith.constant 0 : i32
      %dma_start3A_123 = tpu.memref_slice %arg7[%add3A_16, %dma_start3A] : memref<128x32xf32, #tpu.memory_space<hbm>> -> memref<1x32xf32, #tpu.memory_space<hbm>>
      %dma_start3A_124 = tpu.memref_squeeze %dma_start3A_123 : memref<1x32xf32, #tpu.memory_space<hbm>> -> memref<32xf32, #tpu.memory_space<hbm>>
      %dma_start3A_125 = arith.constant 0 : i32
      %dma_start3A_126 = tpu.memref_slice %arg7[%add3A_16, %dma_start3A_125] : memref<128x32xf32, #tpu.memory_space<hbm>> -> memref<1x32xf32, #tpu.memory_space<hbm>>
      %dma_start3A_127 = tpu.memref_squeeze %dma_start3A_126 : memref<1x32xf32, #tpu.memory_space<hbm>> -> memref<32xf32, #tpu.memory_space<hbm>>
      tpu.enqueue_dma source(%arg20 : memref<32xf32, #tpu.memory_space<vmem>>) target(%dma_start3A_127 : memref<32xf32, #tpu.memory_space<hbm>>) target_semaphore(%run_scoped3A : memref<!tpu.dma_semaphore, #tpu.memory_space<semaphore_mem>>)
      %dma_wait3A = arith.constant 0 : i32
      %dma_wait3A_128 = tpu.memref_slice %arg7[%add3A_16, %dma_wait3A] : memref<128x32xf32, #tpu.memory_space<hbm>> -> memref<1x32xf32, #tpu.memory_space<hbm>>
      %dma_wait3A_129 = tpu.memref_squeeze %dma_wait3A_128 : memref<1x32xf32, #tpu.memory_space<hbm>> -> memref<32xf32, #tpu.memory_space<hbm>>
      %dma_wait3A_130 = arith.constant 0 : i32
      %dma_wait3A_131 = tpu.memref_slice %arg7[%add3A_16, %dma_wait3A_130] : memref<128x32xf32, #tpu.memory_space<hbm>> -> memref<1x32xf32, #tpu.memory_space<hbm>>
      %dma_wait3A_132 = tpu.memref_squeeze %dma_wait3A_131 : memref<1x32xf32, #tpu.memory_space<hbm>> -> memref<32xf32, #tpu.memory_space<hbm>>
      tpu.wait_dma2 semaphore(%run_scoped3A : memref<!tpu.dma_semaphore, #tpu.memory_space<semaphore_mem>>) src(%arg20 : memref<32xf32, #tpu.memory_space<vmem>>) dst(%dma_wait3A_132 : memref<32xf32, #tpu.memory_space<hbm>>)
      tpu.yield
    }) : () -> ()
    %swap3A_99 = arith.constant 0 : index
    %swap3A_100 = tpu.vector_load %arg20[%swap3A_99] {strides = array<i32>} : memref<32xf32, #tpu.memory_space<vmem>>, vector<16xf32>,
    %swap3A_101 = vector.shape_cast %swap3A_100 : vector<16xf32> to vector<16xf32>
    %swap3A_102 = vector.shape_cast %scan3A_26#18 : vector<16xf32> to vector<16xf32>
    tpu.vector_store %arg20[%swap3A_99], %swap3A_102 {strides = array<i32>} : memref<32xf32, #tpu.memory_space<vmem>>, vector<16xf32>,
    %swap3A_103 = arith.constant 16 : index
    %swap3A_104 = tpu.vector_load %arg20[%swap3A_103] {strides = array<i32>} : memref<32xf32, #tpu.memory_space<vmem>>, vector<16xf32>,
    %swap3A_105 = vector.shape_cast %swap3A_104 : vector<16xf32> to vector<16xf32>
    %swap3A_106 = vector.shape_cast %scan3A_26#19 : vector<16xf32> to vector<16xf32>
    tpu.vector_store %arg20[%swap3A_103], %swap3A_106 {strides = array<i32>} : memref<32xf32, #tpu.memory_space<vmem>>, vector<16xf32>,
    "tpu.region"() ({
      %run_scoped3A = tpu.sem_alloc : memref<!tpu.dma_semaphore, #tpu.memory_space<semaphore_mem>>
      %dma_start3A = arith.constant 0 : i32
      %dma_start3A_123 = tpu.memref_slice %arg5[%add3A_20, %dma_start3A] : memref<128x32xf32, #tpu.memory_space<hbm>> -> memref<1x32xf32, #tpu.memory_space<hbm>>
      %dma_start3A_124 = tpu.memref_squeeze %dma_start3A_123 : memref<1x32xf32, #tpu.memory_space<hbm>> -> memref<32xf32, #tpu.memory_space<hbm>>
      %dma_start3A_125 = arith.constant 0 : i32
      %dma_start3A_126 = tpu.memref_slice %arg5[%add3A_20, %dma_start3A_125] : memref<128x32xf32, #tpu.memory_space<hbm>> -> memref<1x32xf32, #tpu.memory_space<hbm>>
      %dma_start3A_127 = tpu.memref_squeeze %dma_start3A_126 : memref<1x32xf32, #tpu.memory_space<hbm>> -> memref<32xf32, #tpu.memory_space<hbm>>
      tpu.enqueue_dma source(%arg20 : memref<32xf32, #tpu.memory_space<vmem>>) target(%dma_start3A_127 : memref<32xf32, #tpu.memory_space<hbm>>) target_semaphore(%run_scoped3A : memref<!tpu.dma_semaphore, #tpu.memory_space<semaphore_mem>>)
      %dma_wait3A = arith.constant 0 : i32
      %dma_wait3A_128 = tpu.memref_slice %arg5[%add3A_20, %dma_wait3A] : memref<128x32xf32, #tpu.memory_space<hbm>> -> memref<1x32xf32, #tpu.memory_space<hbm>>
      %dma_wait3A_129 = tpu.memref_squeeze %dma_wait3A_128 : memref<1x32xf32, #tpu.memory_space<hbm>> -> memref<32xf32, #tpu.memory_space<hbm>>
      %dma_wait3A_130 = arith.constant 0 : i32
      %dma_wait3A_131 = tpu.memref_slice %arg5[%add3A_20, %dma_wait3A_130] : memref<128x32xf32, #tpu.memory_space<hbm>> -> memref<1x32xf32, #tpu.memory_space<hbm>>
      %dma_wait3A_132 = tpu.memref_squeeze %dma_wait3A_131 : memref<1x32xf32, #tpu.memory_space<hbm>> -> memref<32xf32, #tpu.memory_space<hbm>>
      tpu.wait_dma2 semaphore(%run_scoped3A : memref<!tpu.dma_semaphore, #tpu.memory_space<semaphore_mem>>) src(%arg20 : memref<32xf32, #tpu.memory_space<vmem>>) dst(%dma_wait3A_132 : memref<32xf32, #tpu.memory_space<hbm>>)
      tpu.yield
    }) : () -> ()
    %swap3A_107 = arith.constant 0 : index
    %swap3A_108 = tpu.vector_load %arg20[%swap3A_107] {strides = array<i32>} : memref<32xf32, #tpu.memory_space<vmem>>, vector<16xf32>,
    %swap3A_109 = vector.shape_cast %swap3A_108 : vector<16xf32> to vector<16xf32>
    %swap3A_110 = vector.shape_cast %scan3A_26#20 : vector<16xf32> to vector<16xf32>
    tpu.vector_store %arg20[%swap3A_107], %swap3A_110 {strides = array<i32>} : memref<32xf32, #tpu.memory_space<vmem>>, vector<16xf32>,
    %swap3A_111 = arith.constant 16 : index
    %swap3A_112 = tpu.vector_load %arg20[%swap3A_111] {strides = array<i32>} : memref<32xf32, #tpu.memory_space<vmem>>, vector<16xf32>,
    %swap3A_113 = vector.shape_cast %swap3A_112 : vector<16xf32> to vector<16xf32>
    %swap3A_114 = vector.shape_cast %scan3A_26#21 : vector<16xf32> to vector<16xf32>
    tpu.vector_store %arg20[%swap3A_111], %swap3A_114 {strides = array<i32>} : memref<32xf32, #tpu.memory_space<vmem>>, vector<16xf32>,
    "tpu.region"() ({
      %run_scoped3A = tpu.sem_alloc : memref<!tpu.dma_semaphore, #tpu.memory_space<semaphore_mem>>
      %dma_start3A = arith.constant 0 : i32
      %dma_start3A_123 = tpu.memref_slice %arg6[%add3A_20, %dma_start3A] : memref<128x32xf32, #tpu.memory_space<hbm>> -> memref<1x32xf32, #tpu.memory_space<hbm>>
      %dma_start3A_124 = tpu.memref_squeeze %dma_start3A_123 : memref<1x32xf32, #tpu.memory_space<hbm>> -> memref<32xf32, #tpu.memory_space<hbm>>
      %dma_start3A_125 = arith.constant 0 : i32
      %dma_start3A_126 = tpu.memref_slice %arg6[%add3A_20, %dma_start3A_125] : memref<128x32xf32, #tpu.memory_space<hbm>> -> memref<1x32xf32, #tpu.memory_space<hbm>>
      %dma_start3A_127 = tpu.memref_squeeze %dma_start3A_126 : memref<1x32xf32, #tpu.memory_space<hbm>> -> memref<32xf32, #tpu.memory_space<hbm>>
      tpu.enqueue_dma source(%arg20 : memref<32xf32, #tpu.memory_space<vmem>>) target(%dma_start3A_127 : memref<32xf32, #tpu.memory_space<hbm>>) target_semaphore(%run_scoped3A : memref<!tpu.dma_semaphore, #tpu.memory_space<semaphore_mem>>)
      %dma_wait3A = arith.constant 0 : i32
      %dma_wait3A_128 = tpu.memref_slice %arg6[%add3A_20, %dma_wait3A] : memref<128x32xf32, #tpu.memory_space<hbm>> -> memref<1x32xf32, #tpu.memory_space<hbm>>
      %dma_wait3A_129 = tpu.memref_squeeze %dma_wait3A_128 : memref<1x32xf32, #tpu.memory_space<hbm>> -> memref<32xf32, #tpu.memory_space<hbm>>
      %dma_wait3A_130 = arith.constant 0 : i32
      %dma_wait3A_131 = tpu.memref_slice %arg6[%add3A_20, %dma_wait3A_130] : memref<128x32xf32, #tpu.memory_space<hbm>> -> memref<1x32xf32, #tpu.memory_space<hbm>>
      %dma_wait3A_132 = tpu.memref_squeeze %dma_wait3A_131 : memref<1x32xf32, #tpu.memory_space<hbm>> -> memref<32xf32, #tpu.memory_space<hbm>>
      tpu.wait_dma2 semaphore(%run_scoped3A : memref<!tpu.dma_semaphore, #tpu.memory_space<semaphore_mem>>) src(%arg20 : memref<32xf32, #tpu.memory_space<vmem>>) dst(%dma_wait3A_132 : memref<32xf32, #tpu.memory_space<hbm>>)
      tpu.yield
    }) : () -> ()
    %swap3A_115 = arith.constant 0 : index
    %swap3A_116 = tpu.vector_load %arg20[%swap3A_115] {strides = array<i32>} : memref<32xf32, #tpu.memory_space<vmem>>, vector<16xf32>,
    %swap3A_117 = vector.shape_cast %swap3A_116 : vector<16xf32> to vector<16xf32>
    %swap3A_118 = vector.shape_cast %scan3A_26#22 : vector<16xf32> to vector<16xf32>
    tpu.vector_store %arg20[%swap3A_115], %swap3A_118 {strides = array<i32>} : memref<32xf32, #tpu.memory_space<vmem>>, vector<16xf32>,
    %swap3A_119 = arith.constant 16 : index
    %swap3A_120 = tpu.vector_load %arg20[%swap3A_119] {strides = array<i32>} : memref<32xf32, #tpu.memory_space<vmem>>, vector<16xf32>,
    %swap3A_121 = vector.shape_cast %swap3A_120 : vector<16xf32> to vector<16xf32>
    %swap3A_122 = vector.shape_cast %scan3A_26#23 : vector<16xf32> to vector<16xf32>
    tpu.vector_store %arg20[%swap3A_119], %swap3A_122 {strides = array<i32>} : memref<32xf32, #tpu.memory_space<vmem>>, vector<16xf32>,
    "tpu.region"() ({
      %run_scoped3A = tpu.sem_alloc : memref<!tpu.dma_semaphore, #tpu.memory_space<semaphore_mem>>
      %dma_start3A = arith.constant 0 : i32
      %dma_start3A_123 = tpu.memref_slice %arg7[%add3A_20, %dma_start3A] : memref<128x32xf32, #tpu.memory_space<hbm>> -> memref<1x32xf32, #tpu.memory_space<hbm>>
      %dma_start3A_124 = tpu.memref_squeeze %dma_start3A_123 : memref<1x32xf32, #tpu.memory_space<hbm>> -> memref<32xf32, #tpu.memory_space<hbm>>
      %dma_start3A_125 = arith.constant 0 : i32
      %dma_start3A_126 = tpu.memref_slice %arg7[%add3A_20, %dma_start3A_125] : memref<128x32xf32, #tpu.memory_space<hbm>> -> memref<1x32xf32, #tpu.memory_space<hbm>>
      %dma_start3A_127 = tpu.memref_squeeze %dma_start3A_126 : memref<1x32xf32, #tpu.memory_space<hbm>> -> memref<32xf32, #tpu.memory_space<hbm>>
      tpu.enqueue_dma source(%arg20 : memref<32xf32, #tpu.memory_space<vmem>>) target(%dma_start3A_127 : memref<32xf32, #tpu.memory_space<hbm>>) target_semaphore(%run_scoped3A : memref<!tpu.dma_semaphore, #tpu.memory_space<semaphore_mem>>)
      %dma_wait3A = arith.constant 0 : i32
      %dma_wait3A_128 = tpu.memref_slice %arg7[%add3A_20, %dma_wait3A] : memref<128x32xf32, #tpu.memory_space<hbm>> -> memref<1x32xf32, #tpu.memory_space<hbm>>
      %dma_wait3A_129 = tpu.memref_squeeze %dma_wait3A_128 : memref<1x32xf32, #tpu.memory_space<hbm>> -> memref<32xf32, #tpu.memory_space<hbm>>
      %dma_wait3A_130 = arith.constant 0 : i32
      %dma_wait3A_131 = tpu.memref_slice %arg7[%add3A_20, %dma_wait3A_130] : memref<128x32xf32, #tpu.memory_space<hbm>> -> memref<1x32xf32, #tpu.memory_space<hbm>>
      %dma_wait3A_132 = tpu.memref_squeeze %dma_wait3A_131 : memref<1x32xf32, #tpu.memory_space<hbm>> -> memref<32xf32, #tpu.memory_space<hbm>>
      tpu.wait_dma2 semaphore(%run_scoped3A : memref<!tpu.dma_semaphore, #tpu.memory_space<semaphore_mem>>) src(%arg20 : memref<32xf32, #tpu.memory_space<vmem>>) dst(%dma_wait3A_132 : memref<32xf32, #tpu.memory_space<hbm>>)
      tpu.yield
    }) : () -> ()
    return
  }
}

module attributes {stable_mosaic.version = 14 : i64} {
  func.func @_tc_stage1(%arg0: i32, %arg1: memref<1x4x512x512xf32, #tpu.memory_space<vmem>>, %arg2: memref<1x4x512x512xf32, #tpu.memory_space<vmem>>, %arg3: memref<1x4x512xf32, #tpu.memory_space<vmem>>, %arg4: memref<1x4x512xi32, #tpu.memory_space<vmem>>) attributes {dimension_semantics = [#tpu.dimension_semantics<arbitrary>], iteration_bounds = array<i64: 32>, scalar_prefetch = 0 : i64, scratch_operands = 0 : i64, tpu.core_type = #tpu.core_type<tc>, window_params = [{transform_indices = @transform_0, window_bounds = array<i64: 1, 4, 512, 512>}, {transform_indices = @transform_1, window_bounds = array<i64: 1, 4, 512, 512>}, {transform_indices = @transform_2, window_bounds = array<i64: 1, 4, 512>}, {transform_indices = @transform_3, window_bounds = array<i64: 1, 4, 512>}]} {
    %get3A = arith.constant 0 : index
    %get3A_0 = arith.constant 0 : index
    %get3A_1 = arith.constant 0 : index
    %get3A_2 = arith.constant 0 : index
    %get3A_3 = vector.load %arg1[%get3A, %get3A_0, %get3A_1, %get3A_2] : memref<1x4x512x512xf32, #tpu.memory_space<vmem>>, vector<1x4x512x512xf32>
    %get3A_4 = vector.shape_cast %get3A_3 : vector<1x4x512x512xf32> to vector<4x512x512xf32>
    %broadcast_in_dim3A = arith.constant 0xFF800000 : f32
    %broadcast_in_dim3A_5 = vector.broadcast %broadcast_in_dim3A : f32 to vector<4x512x1xf32>
    %slice3A = vector.extract_strided_slice %get3A_4 {offsets = [0, 0, 1], sizes = [4, 512, 511], strides = [1, 1, 1]} : vector<4x512x512xf32> to vector<4x512x511xf32>
    %concatenate3A = tpu.concatenate %slice3A, %broadcast_in_dim3A_5 in 2 : vector<4x512x511xf32>, vector<4x512x1xf32> -> vector<4x512x512xf32>
    %slice3A_6 = vector.extract_strided_slice %get3A_4 {offsets = [0, 0, 0], sizes = [4, 512, 511], strides = [1, 1, 1]} : vector<4x512x512xf32> to vector<4x512x511xf32>
    %concatenate3A_7 = tpu.concatenate %broadcast_in_dim3A_5, %slice3A_6 in 2 : vector<4x512x1xf32>, vector<4x512x511xf32> -> vector<4x512x512xf32>
    %max3A = arith.maximumf %concatenate3A, %concatenate3A_7 : vector<4x512x512xf32>
    %max3A_8 = arith.maximumf %get3A_4, %max3A : vector<4x512x512xf32>
    %broadcast_in_dim3A_9 = arith.constant 0xFF800000 : f32
    %broadcast_in_dim3A_10 = vector.broadcast %broadcast_in_dim3A_9 : f32 to vector<4x1x512xf32>
    %slice3A_11 = vector.extract_strided_slice %max3A_8 {offsets = [0, 1, 0], sizes = [4, 511, 512], strides = [1, 1, 1]} : vector<4x512x512xf32> to vector<4x511x512xf32>
    %concatenate3A_12 = tpu.concatenate %slice3A_11, %broadcast_in_dim3A_10 in 1 : vector<4x511x512xf32>, vector<4x1x512xf32> -> vector<4x512x512xf32>
    %slice3A_13 = vector.extract_strided_slice %max3A_8 {offsets = [0, 0, 0], sizes = [4, 511, 512], strides = [1, 1, 1]} : vector<4x512x512xf32> to vector<4x511x512xf32>
    %concatenate3A_14 = tpu.concatenate %broadcast_in_dim3A_10, %slice3A_13 in 1 : vector<4x1x512xf32>, vector<4x511x512xf32> -> vector<4x512x512xf32>
    %max3A_15 = arith.maximumf %concatenate3A_12, %concatenate3A_14 : vector<4x512x512xf32>
    %max3A_16 = arith.maximumf %max3A_8, %max3A_15 : vector<4x512x512xf32>
    %eq3A = arith.cmpf oeq, %get3A_4, %max3A_16 : vector<4x512x512xf32>
    %gt3A = arith.constant 0.000000e+00 : f32
    %gt3A_17 = vector.broadcast %gt3A : f32 to vector<4x512x512xf32>
    %gt3A_18 = arith.cmpf ogt, %get3A_4, %gt3A_17 : vector<4x512x512xf32>
    %and3A = arith.andi %eq3A, %gt3A_18 : vector<4x512x512xi1>
    %jit3A = arith.constant -1.000000e+09 : f32
    %broadcast_in_dim3A_19 = vector.broadcast %jit3A : f32 to vector<4x512x512xf32>
    %select_n3A = arith.select %and3A, %get3A_4, %broadcast_in_dim3A_19 : vector<4x512x512xi1>, vector<4x512x512xf32>
    %swap3A = arith.constant 0 : index
    %swap3A_20 = arith.constant 0 : index
    %swap3A_21 = arith.constant 0 : index
    %swap3A_22 = arith.constant 0 : index
    %swap3A_23 = vector.load %arg2[%swap3A, %swap3A_20, %swap3A_21, %swap3A_22] : memref<1x4x512x512xf32, #tpu.memory_space<vmem>>, vector<1x4x512x512xf32>
    %swap3A_24 = vector.shape_cast %swap3A_23 : vector<1x4x512x512xf32> to vector<4x512x512xf32>
    %swap3A_25 = vector.shape_cast %select_n3A : vector<4x512x512xf32> to vector<1x4x512x512xf32>
    tpu.vector_store %arg2[%swap3A, %swap3A_20, %swap3A_21, %swap3A_22], %swap3A_25 {strides = array<i32>} : memref<1x4x512x512xf32, #tpu.memory_space<vmem>>, vector<1x4x512x512xf32>,
    %iota3A = tpu.iota {dimensions = array<i32: 2>} : vector<4x512x512xi32>
    %reduce_max3A = arith.constant dense<0xFF800000> : vector<4x512xf32>
    %reduce_max3A_26 = vector.multi_reduction <maximumf>, %select_n3A, %reduce_max3A [2] : vector<4x512x512xf32> to vector<4x512xf32>
    %broadcast_in_dim3A_27 = vector.shape_cast %reduce_max3A_26 : vector<4x512xf32> to vector<4x512x1xf32>
    %eq3A_28 = vector.broadcast %broadcast_in_dim3A_27 : vector<4x512x1xf32> to vector<4x512x512xf32>
    %eq3A_29 = arith.cmpf oeq, %select_n3A, %eq3A_28 : vector<4x512x512xf32>
    %jit3A_30 = arith.constant 16777216 : i32
    %broadcast_in_dim3A_31 = vector.broadcast %jit3A_30 : i32 to vector<4x512x512xi32>
    %select_n3A_32 = arith.select %eq3A_29, %iota3A, %broadcast_in_dim3A_31 : vector<4x512x512xi1>, vector<4x512x512xi32>
    %reduce_min3A = arith.constant dense<2147483647> : vector<4x512xi32>
    %reduce_min3A_33 = vector.multi_reduction <minsi>, %select_n3A_32, %reduce_min3A [2] : vector<4x512x512xi32> to vector<4x512xi32>
    %iota3A_34 = tpu.iota {dimensions = array<i32: 1>} : vector<4x512xi32>
    %swap3A_35 = arith.constant 0 : index
    %swap3A_36 = arith.constant 0 : index
    %swap3A_37 = arith.constant 0 : index
    %swap3A_38 = vector.load %arg3[%swap3A_35, %swap3A_36, %swap3A_37] : memref<1x4x512xf32, #tpu.memory_space<vmem>>, vector<1x4x512xf32>
    %swap3A_39 = vector.shape_cast %swap3A_38 : vector<1x4x512xf32> to vector<4x512xf32>
    %swap3A_40 = vector.shape_cast %reduce_max3A_26 : vector<4x512xf32> to vector<1x4x512xf32>
    tpu.vector_store %arg3[%swap3A_35, %swap3A_36, %swap3A_37], %swap3A_40 {strides = array<i32>} : memref<1x4x512xf32, #tpu.memory_space<vmem>>, vector<1x4x512xf32>,
    %mul3A = arith.constant 512 : i32
    %mul3A_41 = vector.broadcast %mul3A : i32 to vector<4x512xi32>
    %mul3A_42 = arith.muli %iota3A_34, %mul3A_41 : vector<4x512xi32>
    %add3A = arith.addi %mul3A_42, %reduce_min3A_33 : vector<4x512xi32>
    %swap3A_43 = arith.constant 0 : index
    %swap3A_44 = arith.constant 0 : index
    %swap3A_45 = arith.constant 0 : index
    %swap3A_46 = vector.load %arg4[%swap3A_43, %swap3A_44, %swap3A_45] : memref<1x4x512xi32, #tpu.memory_space<vmem>>, vector<1x4x512xi32>
    %swap3A_47 = vector.shape_cast %swap3A_46 : vector<1x4x512xi32> to vector<4x512xi32>
    %swap3A_48 = vector.shape_cast %add3A : vector<4x512xi32> to vector<1x4x512xi32>
    tpu.vector_store %arg4[%swap3A_43, %swap3A_44, %swap3A_45], %swap3A_48 {strides = array<i32>} : memref<1x4x512xi32, #tpu.memory_space<vmem>>, vector<1x4x512xi32>,
    return
  }
  func.func @transform_0(%arg0: i32) -> (i32, i32, i32, i32) {
    %c0_i32 = arith.constant 0 : i32
    %c0_i32_0 = arith.constant 0 : i32
    %c0_i32_1 = arith.constant 0 : i32
    %c0_i32_2 = arith.constant 0 : i32
    return %arg0, %c0_i32, %c0_i32_0, %c0_i32_1 : i32, i32, i32, i32
  }
  func.func @transform_1(%arg0: i32) -> (i32, i32, i32, i32) {
    %c0_i32 = arith.constant 0 : i32
    %c0_i32_0 = arith.constant 0 : i32
    %c0_i32_1 = arith.constant 0 : i32
    %c0_i32_2 = arith.constant 0 : i32
    return %arg0, %c0_i32, %c0_i32_0, %c0_i32_1 : i32, i32, i32, i32
  }
  func.func @transform_2(%arg0: i32) -> (i32, i32, i32) {
    %c0_i32 = arith.constant 0 : i32
    %c0_i32_0 = arith.constant 0 : i32
    %c0_i32_1 = arith.constant 0 : i32
    return %arg0, %c0_i32, %c0_i32_0 : i32, i32, i32
  }
  func.func @transform_3(%arg0: i32) -> (i32, i32, i32) {
    %c0_i32 = arith.constant 0 : i32
    %c0_i32_0 = arith.constant 0 : i32
    %c0_i32_1 = arith.constant 0 : i32
    return %arg0, %c0_i32, %c0_i32_0 : i32, i32, i32
  }
}

</mosaic_0001>

<sc_bundles>
// kernel: kernel.4.cloned.1.call-start
scs
__scs_entry_jumppad:
0x0: {  	(pc) =	sbr.rel $0x88, $3  }
0x1: {  	(tag) =	ssettag $0x0;
	lr =	simm.s32 $0x1  }
0x2: {  	[smem:$0x3F9F] =	sst lr;
	_ =	strace $0xD0000000  }
0x3: {  	_ = 	snop  }
0x4: {  	_ = 	snop  }
0x5: {  	_ = 	snop  }
0x6: {  	_ = 	snop  }
0x7: {  	_ = 	snop  }
__scs_overlays_trampoline_lowered:
0x8: {  	[smem:$0x3FAE] =	sst s0  }
0x9: {  	[smem:$0x3FAF] =	sst s1  }
0xa: {  	[smem:$0x3FB0] =	sst s2  }
0xb: {  	[smem:$0x3FB1] =	sst s3  }
0xc: {  	[smem:$0x3FB2] =	sst s4  }
0xd: {  	[smem:$0x3FB3] =	sst s5  }
0xe: {  	[smem:$0x3FB4] =	sst s6  }
0xf: {  	[smem:$0x3FB5] =	sst s7  }
0x10: {  	[smem:$0x3FB6] =	sst s8  }
0x11: {  	[smem:$0x3FB7] =	sst s9;
	s0 =	simm.s32 @!p0 $0x0  }
0x12: {  	s1 =	sld [smem:$0x3F9D];
	s0 =	simm.s32 @p0 $0x1  }
0x13: {  	[smem:$0x3FB8] =	sst s0;
	s0 =	simm.s32 @!p1 $0x0  }
0x14: {  	s2 =	sld [smem:$0x3F9C];
	s0 =	simm.s32 @p1 $0x1  }
0x15: {  	[smem:$0x3FB9] =	sst s0;
	s0 =	simm.s32 @!p2 $0x0  }
0x16: {  	s3 =	sld [smem:$0x3FDB];
	s0 =	simm.s32 @p2 $0x1  }
0x17: {  	s4 =	simm.s32 $0x1BF5;
	[smem:$0x3FBB] =	sst s0  }
0x18: {  	s0 =	sld [smem:$0x3F9E];
	_ =	swait.ge [sflag:s4], $0x0  }
0x19: {  	s7 =	sld [smem:$0x3F9F]  }
0x1a: {  	s8 =	sadd.s32 $0xFFFFE003, lr  }
0x1b: {  	s9 =	sadd.s32 $0xFFFFFEF7, lr;
	s5 =	simm.s32 $0xFFFFFFFF;
	p2 =	slt.u32 s8, $0xFFFFF086  }
0x1c: {  	p1 =	slt.u32 s9, $0xF7A;
	s5 =	simm.s32 @!p2 $0x0  }
0x1d: {  	s5 =	simm.s32 @p1 $0x1;
	p0 =	seq.s32 s7, s2  }
0x1e: {  	s7 =	smul.u32 @!p0 $0xF7A, s2;
	p2 =	seq.s32 @!p0 s5, $0x0  }
0x1f: {  	s9 =	smul.u32 $0xF7A, s1;
	s8 =	simm.s32 @!p0 $0x1BF5;
	p2 =	por !p2, p0  }
0x20: {  	[sflag:s8] =	ssyncset.s32 @!p0 $0xFFFFF086;
	s6 =	sadd.s32 @!p0 s3, s7;
	s7 =	simm.s32 @!p0 $0x108  }
0x21: {  	s3 =	sadd.s32 s3, s9;
	s6 =	sadd.s32 @!p0 $0x88, s6;
	s7 =	simm.s32 @p2 $0x1082  }
0x22: {  	[simem:s7], [sflag:s8] =	dma.local @!p0 [hbm:s6], $0xF7A  }
0x23: {  	s9 =	sor.u32 $0xD0000000, s2;
	s6 =	simm.s32 $0x108;
	_ =	swait.ge @!p0 [sflag:s8], $0x0  }
0x24: {  	s3 =	sadd.s32 $0x88, s3;
	s6 =	simm.s32 @!p1 $0x1082;
	[sflag:s4] =	ssyncset.s32 $0xFFFFF086  }
0x25: {  	[simem:s6], [sflag:s4] =	dma.local [hbm:s3], $0xF7A  }
0x26: {  	[smem:$0x3F9F] =	sst s1;
	(tag) =	ssettag s2;
	_ =	strace s9  }
0x27: {  	s1 =	sld [smem:$0x3FAF]  }
0x28: {  	s2 =	sld [smem:$0x3FB0]  }
0x29: {  	s4 =	sld [smem:$0x3FB2]  }
0x2a: {  	p0 =	seq.s32 s5, $0x0;
	s5 =	sld [smem:$0x3FB3]  }
0x2b: {  	s6 =	sld [smem:$0x3FB4]  }
0x2c: {  	s7 =	sld [smem:$0x3FB5]  }
0x2d: {  	s3 =	simm.s32 $0x108;
	s8 =	sld [smem:$0x3FB6]  }
0x2e: {  	s3 =	simm.s32 @!p0 $0x1082;
	s9 =	sld [smem:$0x3FB7]  }
0x2f: {  	lr =	sadd.s32 s0, s3;
	s0 =	sld [smem:$0x3FAE]  }
0x30: {  	s3 =	sld [smem:$0x3FB1]  }
0x31: {  	[smem:$0x3FBA] =	sst s10  }
0x32: {  	s10 =	sld [smem:$0x3FB8];
	_ =	sdelay $0x3  }
0x33: {  	p0 =	seq.s32 s10, $0x1;
	s10 =	sld [smem:$0x3FBA];
	_ =	sdelay $0x3  }
0x34: {  	[smem:$0x3FBA] =	sst s10  }
0x35: {  	s10 =	sld [smem:$0x3FB9];
	_ =	sdelay $0x3  }
0x36: {  	p1 =	seq.s32 s10, $0x1;
	s10 =	sld [smem:$0x3FBA];
	_ =	sdelay $0x3  }
0x37: {  	[smem:$0x3FBA] =	sst s10  }
0x38: {  	s10 =	sld [smem:$0x3FBB]  }
0x39: {  	_ = 	snop;
	(pc) =	sbr.ind lr, $3  }
0x3a: {  	_ = 	snop  }
0x3b: {  	_ = 	snop  }
0x3c: {  	p2 =	seq.s32 s10, $0x1;
	s10 =	sld [smem:$0x3FBA]  }
0x3d: {  	_ =	shalt  }
0x3e: {  	_ =	shalt  }
0x3f: {  	_ =	shalt  }
0x40: {  	_ =	shalt  }
0x41: {  	_ =	shalt  }
0x42: {  	_ =	shalt  }
0x43: {  	_ =	shalt  }
0x44: {  	_ =	shalt  }
0x45: {  	_ =	shalt  }
0x46: {  	_ =	shalt  }
0x47: {  	_ =	shalt  }
0x48: {  	_ =	shalt  }
0x49: {  	_ =	shalt  }
0x4a: {  	_ =	shalt  }
0x4b: {  	_ =	shalt  }
0x4c: {  	_ =	shalt  }
0x4d: {  	_ =	shalt  }
0x4e: {  	_ =	shalt  }
0x4f: {  	_ =	shalt  }
0x50: {  	_ =	shalt  }
0x51: {  	_ =	shalt  }
0x52: {  	_ =	shalt  }
0x53: {  	_ =	shalt  }
0x54: {  	_ =	shalt  }
0x55: {  	_ =	shalt  }
0x56: {  	_ =	shalt  }
0x57: {  	_ =	shalt  }
0x58: {  	_ =	shalt  }
0x59: {  	_ =	shalt  }
0x5a: {  	_ =	shalt  }
0x5b: {  	_ =	shalt  }
0x5c: {  	_ =	shalt  }
0x5d: {  	_ =	shalt  }
0x5e: {  	_ =	shalt  }
0x5f: {  	_ =	shalt  }
0x60: {  	_ =	shalt  }
0x61: {  	_ =	shalt  }
0x62: {  	_ =	shalt  }
0x63: {  	_ =	shalt  }
0x64: {  	_ =	shalt  }
0x65: {  	_ =	shalt  }
0x66: {  	_ =	shalt  }
0x67: {  	_ =	shalt  }
0x68: {  	_ =	shalt  }
0x69: {  	_ =	shalt  }
0x6a: {  	_ =	shalt  }
0x6b: {  	_ =	shalt  }
0x6c: {  	_ =	shalt  }
0x6d: {  	_ =	shalt  }
0x6e: {  	_ =	shalt  }
0x6f: {  	_ =	shalt  }
0x70: {  	_ =	shalt  }
0x71: {  	_ =	shalt  }
0x72: {  	_ =	shalt  }
0x73: {  	_ =	shalt  }
0x74: {  	_ =	shalt  }
0x75: {  	_ =	shalt  }
0x76: {  	_ =	shalt  }
0x77: {  	_ =	shalt  }
0x78: {  	_ =	shalt  }
0x79: {  	_ =	shalt  }
0x7a: {  	_ =	shalt  }
0x7b: {  	_ =	shalt  }
0x7c: {  	_ =	shalt  }
0x7d: {  	_ =	shalt  }
0x7e: {  	_ =	shalt  }
0x7f: {  	_ =	shalt  }
0x80: {  	_ =	shalt  }
0x81: {  	_ =	shalt  }
0x82: {  	_ =	shalt  }
0x83: {  	_ =	shalt  }
0x84: {  	_ =	shalt  }
0x85: {  	_ =	shalt  }
0x86: {  	_ =	shalt  }
0x87: {  	_ =	shalt  }
.Lfunc_end0:
.L_simem_size_0:
called_computation_lowered:
.L_overlay_start_0:
0x88: {  	s2 =	sld [smem:$0x3FD9]  }
0x89: {  	s3 =	sld [smem:$0x3FFE];
	_ =	sdelay $0x1  }
0x8a: {  	s1 =	srdreg.scid  }
0x8b: {  	s0 =	sand.u32 $0x1, s1  }
0x8c: {  	s14 =	sshll.u32 s0, $0xA;
	s2 =	sadd.s32 s3, s2  }
0x8d: {  	s2 =	sadd.s32 s2, s14  }
0x8e: {  	[smem:$0x3FC6] =	sst s2  }
0x8f: {  	_ = 	snop  }
0x90: {  	s2 =	sld [smem:$0x3FD0];
	_ =	sdelay $0x2  }
0x91: {  	s15 =	simm.s32 $0xA;
	s4 =	simm.s32 $0x10  }
0x92: {  	[smem:s4], [sflag:s15] =	dma.local [hbm:s2], $0x1  }
0x93: {  	_ =	swait.eq [sflag:s15], $0x1  }
0x94: {  	[sflag:s15] =	ssyncset.done $0x0  }
0x95: {  	[sflag:s15] =	ssyncadd.s32 $0xFFFFFFFF  }
0x96: {  	s16 =	sld [smem:$0x10];
	(tm) =	ssettm $0x1  }
0x97: {  	s17 =	sld [smem:$0x3FFB];
	_ =	sdelay $0x3  }
0x98: {  	_ =	strace s17  }
0x99: {  	s3 =	sld [smem:$0x3FFC];
	_ =	sdelay $0x3  }
0x9a: {  	_ =	strace s3  }
0x9b: {  	s3 =	sld [smem:$0x3FFD];
	_ =	sdelay $0x3  }
0x9c: {  	_ =	strace s3  }
0x9d: {  	_ =	strace $0x8FFFFFFF  }
0x9e: {  	s18 =	sld [smem:$0x3FDB];
	_ =	sdelay $0x1  }
0x9f: {  	s19 =	simm.s32 $_scs_section_size  }
0xa0: {  	s5 =	simm.s32 $_size__tile_overlayer_lowered;
	s6 =	simm.s32 $_tile_overlayer_lowered  }
0xa1: {  	s22 =	simm.s32 $0x1BFF;
	s21 =	sshll.u32 s6, $0x1;
	s3 =	sadd.s32 s19, s18  }
0xa2: {  	s7 =	simm.s32 $0x0;
	s20 =	sshll.u32 s5, $0x1;
	s5 =	sadd.s32 s21, s3  }
0xa3: {  	[timem:s7], [sflag:s22] =	dma.local [hbm:s5], s20  }
0xa4: {  	_ =	swait.ge [sflag:s22], s20  }
0xa5: {  	s4 =	ssub.s32 $0x0, s20;
	[sflag:s22] =	ssyncset.done $0x0  }
0xa6: {  	[sflag:s22] =	ssyncadd.s32 s4;
	_ =	sdelay $0x1  }
0xa7: {  	s23 =	simm.s32 $0x1B8B  }
0xa8: {  	_ =	swait.ge [sflag:s23], $0x1  }
0xa9: {  	[sflag:s23] =	ssyncset.done $0x0  }
0xaa: {  	s25 =	simm.s32 $0x1B8E;
	s24 =	sld [smem:$0x3FFE];
	[sflag:s23] =	ssyncadd.s32 $0xFFFFFFFF  }
0xab: {  	s26 =	simm.s32 $execute0_lowered;
	[smem:$0x3FD2] =	sst s25  }
0xac: {  	s5 =	sshll.u32 s26, $0x1;
	_ =	strace $0x80000046;
	[dreg:$0x1] =	wrdreg $0xFFFFFFFF  }
0xad: {  	s28 =	simm.s32 $_size_execute0_lowered;
	s3 =	sadd.s32 s3, s5;
	[dreg:$0x0] =	wrdreg $0x0  }
0xae: {  	s5 =	sshll.u32 s28, $0x1;
	[dreg:$0x2] =	wrdreg s3  }
0xaf: {  	[dreg:$0x3] =	wrdreg s5  }
0xb0: {  	[dreg:$0x4] =	wrdreg $0xC0  }
0xb1: {  	_ =	task [dreg:s7], $0x5FFFF  }
0xb2: {  	[dreg:$0x1] =	wrdreg $0xFFFFFFFF  }
0xb3: {  	[dreg:$0x0] =	wrdreg $0x60  }
0xb4: {  	[dreg:$0x2] =	wrdreg s24  }
0xb5: {  	[dreg:$0x3] =	wrdreg s16  }
0xb6: {  	[dreg:$0x4] =	wrdreg $0x9  }
0xb7: {  	_ =	task.clear_ibuf [dreg:s7], $0x5FFFF;
	_ =	strace $0x90000046  }
0xb8: {  	s29 =	simm.s32 $0x9;
	_ =	strace $0x80000048  }
0xb9: {  	_ =	swait.ge [sflag:s29], $0x1  }
0xba: {  	[sflag:s29] =	ssyncadd.s32 $0xFFFFFFFF  }
0xbb: {  	_ =	strace $0x90000048  }
0xbc: {  	_ =	sfence  }
0xbd: {  	s30 =	sld [smem:$0x0];
	_ =	sdelay $0x2  }
0xbe: {  	s31 =	sshll.u32 s1, $0xD;
	s1 =	sshrl.u32 s1, $0x2  }
0xbf: {  	s3 =	sand.u32 $0x4000, s31;
	s1 =	sadd.s32 s1, s30  }
0xc0: {  	s0 =	sor.u32 s3, s0;
	s1 =	sshll.u32 s1, $0x11  }
0xc1: {  	s0 =	sor.u32 s1, s0  }
0xc2: {  	s0 =	sadd.s32 $0x8F2B, s0  }
0xc3: {  	[sflag:s0] =	ssyncadd.remote.s32 $0x1  }
0xc4: {  	_ =	sfence.sel $0xFFFF  }
0xc5: {  	[dreg:$0x0] =	wrdreg $0xFFFFFFFF;
	(pc) =	sbr.abs _section_cstart, $3  }
0xc6: {  	[dreg:$0x1] =	wrdreg $0xFFFFFFFF  }
0xc7: {  	_ =	task.clear_ibuf [dreg:s7], $0x2FFFF;
	_ =	strace $0x9FFFFFFF  }
0xc8: {  	(tm) =	ssettm $0x7FFFFFFF  }
0xc9: {  	_ =	shalt  }
tec
execute0_lowered:
.L_overlay_start_1:
0x0: {  	(tag) =	ssettag $0x1  }
0x1: {  	s0 =	rddreg [dreg:$0x0]  }
0x2: {  	s2 =	rddreg [dreg:$0x1];
	s19 =	simm.s32 $0x0;
	s1 =	srdreg.scid  }
0x3: {  	s18 =	stileid.u32;
	[smem:$0x7FF] =	sst s19  }
0x4: {  	s4 =	sadd.s32 $0x402C00, s0;
	s5 =	sand.u32 $0x1, s1;
	s6 =	sadd.s32 $0x400C00, s0  }
0x5: {  	s3 =	sshll.u32 s18, $0x1;
	s7 =	sadd.s32 $0x404C00, s0;
	s9 =	sadd.s32 $0x405400, s0  }
0x6: {  	s11 =	sshll.u32 s18, $0xC;
	s24 =	sshll.u32 s18, $0xA;
	s1 =	ssub.s32 $0x2, s5  }
0x7: {  	s3 =	sor.u32 s5, s3;
	s5 =	sshll.u32 s5, $0x9;
	s8 =	sshrl.u32 s1, $0x1  }
0x8: {  	s26 =	sshll.u32 s3, $0x2;
	s12 =	sor.u32 s5, s11;
	s14 =	sshllo.u32 s3, $0x2  }
0x9: {  	s5 =	sor.u32 s5, s24;
	s1 =	ssub.s32 s1, s8;
	s10 =	sor.u32 $0x1, s26  }
0xa: {  	s8 =	sor.u32 $0x2, s26;
	s12 =	sshrl.u32 s12, $0x3;
	s26 =	sshrl.u32 s5, $0x3  }
0xb: {  	s13 =	sshll.u32 s10, $0x7;
	s15 =	sadd.s32 s4, s12;
	s16 =	sshll.u32 s8, $0x7  }
0xc: {  	s12 =	sadd.s32 s6, s12;
	s5 =	sadd.s32 s2, s26;
	[dreg:$0x3] =	wrdreg s15  }
0xd: {  	s13 =	sand.u32 $0x280, s13;
	[dreg:$0x4] =	wrdreg s12;
	s15 =	sand.u32 $0x300, s16  }
0xe: {  	[dreg:$0xb] =	wrdreg s5;
	s28 =	sor.u32 s11, s13;
	s20 =	sor.u32 s11, s15  }
0xf: {  	s29 =	sshrl.u32 s28, $0x3;
	s21 =	sshrl.u32 s20, $0x3;
	s28 =	sadd.s32 s7, s26  }
0x10: {  	s17 =	sadd.s32 s4, s29;
	s12 =	sadd.s32 s6, s29;
	[dreg:$0xc] =	wrdreg s28  }
0x11: {  	s23 =	sadd.s32 s4, s21;
	[dreg:$0x6] =	wrdreg s12;
	s12 =	sadd.s32 s6, s21  }
0x12: {  	s29 =	sor.u32 s24, s13;
	[dreg:$0x8] =	wrdreg s12;
	s12 =	sor.u32 s24, s15  }
0x13: {  	[dreg:$0x5] =	wrdreg s17;
	s17 =	sshll.u32 s14, $0x7;
	s5 =	sshrl.u32 s12, $0x3  }
0x14: {  	[dreg:$0x7] =	wrdreg s23;
	s22 =	sand.u32 $0x380, s17;
	s17 =	sadd.s32 s2, s5  }
0x15: {  	s11 =	sor.u32 s11, s22;
	s18 =	sadd.s32 s7, s5;
	[dreg:$0x11] =	wrdreg s17  }
0x16: {  	s11 =	sshrl.u32 s11, $0x3;
	s20 =	sadd.s32 s9, s5;
	[dreg:$0x12] =	wrdreg s18  }
0x17: {  	s13 =	sor.u32 s24, s22;
	s4 =	sadd.s32 s4, s11;
	[dreg:$0x13] =	wrdreg s20  }
0x18: {  	s21 =	sshrl.u32 s13, $0x3;
	s25 =	sadd.s32 s6, s11;
	[dreg:$0x9] =	wrdreg s4  }
0x19: {  	s22 =	sadd.s32 s7, s21;
	[dreg:$0xa] =	wrdreg s25  }
0x1a: {  	v0 =	vimm.s32 $0xEFCDAB89;
	v1 =	vimm.s32 $0x67452301;
	s23 =	sadd.s32 s9, s21;
	[dreg:$0x15] =	wrdreg s22  }
0x1b: {  	v2 =	vimm.s32 $0xDCFE98BA;
	v3 =	vimm.s32 $0x54761032;
	v4 =	vimm.s32 $0xBA98FEDC;
	s6 =	sshrl.u32 s29, $0x3;
	s4 =	sadd.s32 s9, s26;
	[dreg:$0x16] =	wrdreg s23  }
0x1c: {  	v5 =	vimm.s32 $0x32107654;
	v6 =	vimm.s32 $0xFEDCBA98;
	v7 =	vimm.s32 $0x76543210;
	s15 =	sadd.s32 s2, s6;
	[dreg:$0xd] =	wrdreg s4  }
0x1d: {  	s30 =	simm.s32 $0x80;
	v0 =	vunpack.c.l.s4.s8 v0;
	v1 =	vunpack.c.l.s4.s8 v1;
	v2 =	vunpack.c.l.s4.s8 v2;
	s16 =	sadd.s32 s7, s6;
	[dreg:$0xe] =	wrdreg s15  }
0x1e: {  	s31 =	simm.s32 $0x400;
	v3 =	vunpack.c.l.s4.s8 v3;
	v4 =	vunpack.c.l.s4.s8 v4;
	v5 =	vunpack.c.l.s4.s8 v5;
	s2 =	sadd.s32 s2, s21;
	[dreg:$0xf] =	wrdreg s16  }
0x1f: {  	v6 =	vunpack.c.l.s4.s8 v6;
	v7 =	vunpack.c.l.s4.s8 v7;
	v0 =	vunpack.c.0.s8.s32 v0;
	s28 =	sshll.u32 s14, $0x12;
	s4 =	sadd.s32 s9, s6;
	[dreg:$0x14] =	wrdreg s2  }
0x20: {  	v1 =	vunpack.c.0.s8.s32 v1;
	v2 =	vunpack.c.0.s8.s32 v2;
	v3 =	vunpack.c.0.s8.s32 v3;
	s24 =	sshll.u32 s3, $0x14;
	s5 =	simm.s32 $0x1;
	[dreg:$0x10] =	wrdreg s4  }
0x21: {  	v4 =	vunpack.c.0.s8.s32 v4;
	v5 =	vunpack.c.0.s8.s32 v5;
	v6 =	vunpack.c.0.s8.s32 v6;
	s25 =	sshll.u32 s10, $0x12;
	_ =	strace $0x80000047;
	[dreg:$0x17] =	wrdreg s24  }
0x22: {  	v7 =	vunpack.c.0.s8.s32 v7;
	v0 =	vcombine.low v1, v0;
	s29 =	smax.u32 s1, $0x1;
	s26 =	sshll.u32 s8, $0x12;
	[dreg:$0x18] =	wrdreg s25  }
0x23: {  	v1 =	vcombine.low v3, v2;
	v2 =	vcombine.low v5, v4;
	v6 =	vand.u32 $0xF, v6;
	s1 =	simm.s32 $0x5;
	s23 =	sadd.s32 $0xC00, s0;
	[dreg:$0x19] =	wrdreg s26  }
0x24: {  	v6 =	vcombine.low v6, v7;
	v7 =	vlaneseq.u32;
	s7 =	simm.s32 $0x3;
	s8 =	simm.s32 $0x4;
	[dreg:$0x1a] =	wrdreg s28  }
0x25: {  	v3 =	vand.u32 $0xF, v0;
	v4 =	vand.u32 $0xF, v1;
	v5 =	vand.u32 $0xF, v2;
	s6 =	simm.s32 $0x2;
	s2 =	simm.s32 $0x0;
	[dreg:$0x1b] =	wrdreg s29  }
.LBB2_1:
0x26: {  	[dreg:$0x1c] =	wrdreg s2  }
0x27: {  	s0 =	rddreg [dreg:$0x3]  }
0x28: {  	[tilespmem:s19], [sflag:$0x5] =	stream.strided.gather [hbm4b:s0+s30], $0x200, s31, s30, $0x38;
	[tilespmem:$0x1880] =	vst v63  }
0x29: {  	_ =	swait.ge [sflag:s1], $0x200  }
0x2a: {  	[sflag:s1] =	ssyncset.done $0x0  }
0x2b: {  	s16 =	simm.s32 $0x800;
	s15 =	rddreg [dreg:$0x4];
	[sflag:s1] =	ssyncadd.s32 $0xFFFFFE00  }
0x2c: {  	[tilespmem:s16], [sflag:$0x5] =	stream.strided.gather [hbm4b:s15+s30], $0x200, s31, s30, $0x38;
	[tilespmem:$0x1880] =	vst v63  }
0x2d: {  	_ =	swait.ge [sflag:s1], $0x200  }
0x2e: {  	[sflag:s1] =	ssyncset.done $0x0  }
0x2f: {  	s18 =	simm.s32 $0x200;
	s17 =	rddreg [dreg:$0x5];
	[sflag:s1] =	ssyncadd.s32 $0xFFFFFE00  }
0x30: {  	[tilespmem:s18], [sflag:$0x5] =	stream.strided.gather [hbm4b:s17+s30], $0x200, s31, s30, $0x38;
	[tilespmem:$0x1880] =	vst v63  }
0x31: {  	_ =	swait.ge [sflag:s1], $0x200  }
0x32: {  	[sflag:s1] =	ssyncset.done $0x0  }
0x33: {  	s20 =	simm.s32 $0xA00;
	s19 =	rddreg [dreg:$0x6];
	[sflag:s1] =	ssyncadd.s32 $0xFFFFFE00  }
0x34: {  	[tilespmem:s20], [sflag:$0x5] =	stream.strided.gather [hbm4b:s19+s30], $0x200, s31, s30, $0x38;
	[tilespmem:$0x1880] =	vst v63  }
0x35: {  	_ =	swait.ge [sflag:s1], $0x200  }
0x36: {  	[sflag:s1] =	ssyncset.done $0x0  }
0x37: {  	s21 =	rddreg [dreg:$0x7];
	[sflag:s1] =	ssyncadd.s32 $0xFFFFFE00  }
0x38: {  	[tilespmem:s31], [sflag:$0x5] =	stream.strided.gather [hbm4b:s21+s30], $0x200, s31, s30, $0x38;
	[tilespmem:$0x1880] =	vst v63  }
0x39: {  	_ =	swait.ge [sflag:s1], $0x200  }
0x3a: {  	[sflag:s1] =	ssyncset.done $0x0  }
0x3b: {  	s24 =	simm.s32 $0xC00;
	s22 =	rddreg [dreg:$0x8];
	[sflag:s1] =	ssyncadd.s32 $0xFFFFFE00  }
0x3c: {  	[tilespmem:s24], [sflag:$0x5] =	stream.strided.gather [hbm4b:s22+s30], $0x200, s31, s30, $0x38;
	[tilespmem:$0x1880] =	vst v63  }
0x3d: {  	_ =	swait.ge [sflag:s1], $0x200  }
0x3e: {  	[sflag:s1] =	ssyncset.done $0x0  }
0x3f: {  	s26 =	simm.s32 $0x600;
	s25 =	rddreg [dreg:$0x9];
	[sflag:s1] =	ssyncadd.s32 $0xFFFFFE00  }
0x40: {  	v8 =	vimm.f32 $0.0e+00;
	v9 =	vimm.f32 $0.0e+00;
	v10 =	vimm.f32 $0.0e+00;
	[tilespmem:s26], [sflag:$0x5] =	stream.strided.gather [hbm4b:s25+s30], $0x200, s31, s30, $0x38;
	[tilespmem:$0x1880] =	vst v63  }
0x41: {  	v11 =	vimm.f32 $0.0e+00;
	v12 =	vimm.f32 $0.0e+00;
	v13 =	vimm.f32 $0.0e+00;
	_ =	swait.ge [sflag:s1], $0x200  }
0x42: {  	v14 =	vimm.f32 $0.0e+00;
	v15 =	vimm.f32 $0.0e+00;
	v16 =	vimm.f32 $0.0e+00;
	[sflag:s1] =	ssyncset.done $0x0  }
0x43: {  	v17 =	vimm.f32 $0.0e+00;
	v18 =	vimm.f32 $0.0e+00;
	v19 =	vimm.f32 $0.0e+00;
	s29 =	simm.s32 $0xE00;
	s28 =	rddreg [dreg:$0xa];
	[sflag:s1] =	ssyncadd.s32 $0xFFFFFE00  }
0x44: {  	v20 =	vimm.f32 $0.0e+00;
	v21 =	vimm.f32 $0.0e+00;
	v22 =	vimm.f32 $0.0e+00;
	[tilespmem:s29], [sflag:$0x5] =	stream.strided.gather [hbm4b:s28+s30], $0x200, s31, s30, $0x38;
	[tilespmem:$0x1880] =	vst v63  }
0x45: {  	v23 =	vimm.f32 $0.0e+00;
	v24 =	vimm.f32 $0.0e+00;
	v25 =	vimm.f32 $0.0e+00;
	_ =	swait.ge [sflag:s1], $0x200  }
0x46: {  	v26 =	vimm.f32 $0.0e+00;
	v27 =	vimm.f32 $0.0e+00;
	v28 =	vimm.f32 $0.0e+00;
	[sflag:s1] =	ssyncset.done $0x0  }
0x47: {  	v29 =	vimm.f32 $0.0e+00;
	v30 =	vimm.f32 $0.0e+00;
	v31 =	vimm.f32 $0.0e+00;
	s11 =	simm.s32 $0x0;
	[sflag:s1] =	ssyncadd.s32 $0xFFFFFE00  }
.LBB2_2:
0x48: {  	v48 =	vld [tilespmem:$0x0]  }
0x49: {  	v49 =	vld [tilespmem:$0x10]  }
0x4a: {  	v50 =	vld [tilespmem:$0x20]  }
0x4b: {  	v51 =	vld [tilespmem:$0x30]  }
0x4c: {  	v52 =	vld [tilespmem:$0x40]  }
0x4d: {  	v53 =	vld [tilespmem:$0x50]  }
0x4e: {  	v54 =	vld [tilespmem:$0x60];
	v32 =	vmax.f32 v48, v49  }
0x4f: {  	v55 =	vld [tilespmem:$0x70];
	v32 =	vmax.f32 v32, v50  }
0x50: {  	v56 =	vld [tilespmem:$0x80];
	v32 =	vmax.f32 v32, v51  }
0x51: {  	v57 =	vld [tilespmem:$0x90];
	v32 =	vmax.f32 v32, v52  }
0x52: {  	v58 =	vld [tilespmem:$0xA0];
	v32 =	vmax.f32 v32, v53  }
0x53: {  	v59 =	vld [tilespmem:$0xB0];
	v32 =	vmax.f32 v32, v54  }
0x54: {  	v60 =	vld [tilespmem:$0xC0];
	v32 =	vmax.f32 v32, v55  }
0x55: {  	v61 =	vld [tilespmem:$0xD0];
	v32 =	vmax.f32 v32, v56  }
0x56: {  	v62 =	vld [tilespmem:$0xE0];
	v32 =	vmax.f32 v32, v57  }
0x57: {  	v63 =	vld [tilespmem:$0xF0];
	v32 =	vmax.f32 v32, v58  }
0x58: {  	[tilespmem:$0x1FFF0] =	vst v8;
	v8 =	vld [tilespmem:$0x100];
	v32 =	vmax.f32 v32, v59  }
0x59: {  	v47 =	vld [tilespmem:$0x110];
	v32 =	vmax.f32 v32, v60  }
0x5a: {  	v46 =	vld [tilespmem:$0x120];
	v32 =	vmax.f32 v32, v61  }
0x5b: {  	v45 =	vld [tilespmem:$0x130];
	v32 =	vmax.f32 v32, v62  }
0x5c: {  	v44 =	vld [tilespmem:$0x140];
	v32 =	vmax.f32 v32, v63  }
0x5d: {  	v43 =	vld [tilespmem:$0x150];
	v32 =	vmax.f32 v32, v8  }
0x5e: {  	v42 =	vld [tilespmem:$0x160];
	v32 =	vmax.f32 v32, v47  }
0x5f: {  	v41 =	vld [tilespmem:$0x170];
	v32 =	vmax.f32 v32, v46  }
0x60: {  	v40 =	vld [tilespmem:$0x180];
	v32 =	vmax.f32 v32, v45  }
0x61: {  	v39 =	vld [tilespmem:$0x190];
	v32 =	vmax.f32 v32, v44  }
0x62: {  	v38 =	vld [tilespmem:$0x1A0];
	v32 =	vmax.f32 v32, v43  }
0x63: {  	v37 =	vld [tilespmem:$0x1B0];
	v32 =	vmax.f32 v32, v42  }
0x64: {  	v36 =	vld [tilespmem:$0x1C0];
	v32 =	vmax.f32 v32, v41  }
0x65: {  	v35 =	vld [tilespmem:$0x1D0];
	v32 =	vmax.f32 v32, v40  }
0x66: {  	v34 =	vld [tilespmem:$0x1E0];
	v32 =	vmax.f32 v32, v39  }
0x67: {  	v33 =	vld [tilespmem:$0x1F0];
	v32 =	vmax.f32 v32, v38  }
0x68: {  	v32 =	vmax.f32 v32, v37  }
0x69: {  	v32 =	vmax.f32 v32, v36  }
0x6a: {  	v32 =	vmax.f32 v32, v35  }
0x6b: {  	v32 =	vmax.f32 v32, v34  }
0x6c: {  	v32 =	vmax.f32 v32, v33  }
0x6d: {  	[tilespmem:$0x1FFE0] =	vst v9;
	v9 =	vperm.xlane v32, v3;
	_ =	sdelay $0x1  }
0x6e: {  	v9 =	vmax.f32 v32, v9  }
0x6f: {  	v32 =	vperm.xlane v9, v4;
	_ =	sdelay $0x1  }
0x70: {  	v9 =	vmax.f32 v9, v32  }
0x71: {  	v32 =	vperm.xlane v9, v5;
	_ =	sdelay $0x1  }
0x72: {  	[tilespmem:$0x1FFD0] =	vst v10;
	v10 =	vld [tilespmem:$0x800];
	v9 =	vmax.f32 v9, v32  }
0x73: {  	v32 =	vperm.xlane v9, v6;
	_ =	sdelay $0x1  }
0x74: {  	[tilespmem:$0x1FFC0] =	vst v11;
	v11 =	vld [tilespmem:$0x810];
	v9 =	vmax.f32 v9, v32  }
0x75: {  	v32 =	vbroadcast v9, $0x0  }
0x76: {  	vm0 =	vlt.s32 v10, $0x1000000;
	v9 =	vld [tilespmem:$0x820]  }
0x77: {  	v10 =	vnsel vm0, $0x1000000, v10;
	vm1 =	veq.f32 v48, v32  }
0x78: {  	v48 =	vld [tilespmem:$0x830];
	v10 =	vnsel vm1, $0x1000000, v10  }
0x79: {  	vm0 =	vlt.s32 v10, v11  }
0x7a: {  	vm1 =	veq.f32 v49, v32;
	v49 =	vld [tilespmem:$0x840];
	v11 =	vsel vm0, v10, v11;
	vm0 =	veq.f32 v50, v32  }
0x7b: {  	v10 =	vsel vm1, v11, v10;
	v9 =	vnsel vm0, $0x1000000, v9  }
0x7c: {  	vm1 =	veq.f32 v51, v32;
	v11 =	vld [tilespmem:$0x850];
	vm0 =	vlt.s32 v10, v9  }
0x7d: {  	v9 =	vsel vm0, v10, v9;
	v10 =	vnsel vm1, $0x1000000, v48  }
0x7e: {  	vm1 =	veq.f32 v52, v32;
	v48 =	vld [tilespmem:$0x860];
	vm0 =	vlt.s32 v9, v10  }
0x7f: {  	v52 =	vnsel vm1, $0x1000000, v49;
	v9 =	vsel vm0, v9, v10  }
0x80: {  	vm1 =	veq.f32 v53, v32;
	v49 =	vld [tilespmem:$0x870];
	vm0 =	vlt.s32 v9, v52  }
0x81: {  	v51 =	vnsel vm1, $0x1000000, v11;
	v9 =	vsel vm0, v9, v52  }
0x82: {  	vm1 =	veq.f32 v54, v32;
	v52 =	vld [tilespmem:$0x880];
	vm0 =	vlt.s32 v9, v51  }
0x83: {  	v53 =	vnsel vm1, $0x1000000, v48;
	v9 =	vsel vm0, v9, v51  }
0x84: {  	v54 =	vld [tilespmem:$0x890];
	vm1 =	veq.f32 v55, v32;
	vm0 =	vlt.s32 v9, v53  }
0x85: {  	v55 =	vnsel vm1, $0x1000000, v49;
	v9 =	vsel vm0, v9, v53  }
0x86: {  	vm1 =	veq.f32 v56, v32;
	v56 =	vld [tilespmem:$0x8A0];
	vm0 =	vlt.s32 v9, v55  }
0x87: {  	v51 =	vnsel vm1, $0x1000000, v52;
	v9 =	vsel vm0, v9, v55  }
0x88: {  	vm1 =	veq.f32 v57, v32;
	v52 =	vld [tilespmem:$0x8B0];
	vm0 =	vlt.s32 v9, v51  }
0x89: {  	v53 =	vnsel vm1, $0x1000000, v54;
	v9 =	vsel vm0, v9, v51  }
0x8a: {  	vm1 =	veq.f32 v58, v32;
	v54 =	vld [tilespmem:$0x8C0];
	vm0 =	vlt.s32 v9, v53  }
0x8b: {  	v55 =	vnsel vm1, $0x1000000, v56;
	v9 =	vsel vm0, v9, v53  }
0x8c: {  	vm1 =	veq.f32 v59, v32;
	v56 =	vld [tilespmem:$0x8D0];
	vm0 =	vlt.s32 v9, v55  }
0x8d: {  	v57 =	vnsel vm1, $0x1000000, v52;
	v9 =	vsel vm0, v9, v55  }
0x8e: {  	v58 =	vld [tilespmem:$0x8E0];
	vm1 =	veq.f32 v60, v32;
	vm0 =	vlt.s32 v9, v57  }
0x8f: {  	v59 =	vnsel vm1, $0x1000000, v54;
	v9 =	vsel vm0, v9, v57  }
0x90: {  	v60 =	vld [tilespmem:$0x8F0];
	vm1 =	veq.f32 v61, v32;
	vm0 =	vlt.s32 v9, v59  }
0x91: {  	v61 =	vnsel vm1, $0x1000000, v56;
	v9 =	vsel vm0, v9, v59  }
0x92: {  	vm1 =	veq.f32 v62, v32;
	v62 =	vld [tilespmem:$0x900];
	vm0 =	vlt.s32 v9, v61  }
0x93: {  	v50 =	vnsel vm1, $0x1000000, v58;
	v9 =	vsel vm0, v9, v61  }
0x94: {  	v51 =	vld [tilespmem:$0x910];
	vm1 =	veq.f32 v63, v32;
	vm0 =	vlt.s32 v9, v50  }
0x95: {  	v52 =	vnsel vm1, $0x1000000, v60;
	v9 =	vsel vm0, v9, v50  }
0x96: {  	vm1 =	veq.f32 v8, v32;
	v8 =	vld [tilespmem:$0x920];
	vm0 =	vlt.s32 v9, v52  }
0x97: {  	v53 =	vnsel vm1, $0x1000000, v62;
	v9 =	vsel vm0, v9, v52  }
0x98: {  	v54 =	vld [tilespmem:$0x930];
	vm1 =	veq.f32 v47, v32;
	vm0 =	vlt.s32 v9, v53  }
0x99: {  	v55 =	vnsel vm1, $0x1000000, v51;
	v9 =	vsel vm0, v9, v53  }
0x9a: {  	v56 =	vld [tilespmem:$0x940];
	vm1 =	veq.f32 v46, v32;
	vm0 =	vlt.s32 v9, v55  }
0x9b: {  	v8 =	vnsel vm1, $0x1000000, v8;
	v9 =	vsel vm0, v9, v55  }
0x9c: {  	v57 =	vld [tilespmem:$0x950];
	vm1 =	veq.f32 v45, v32;
	vm0 =	vlt.s32 v9, v8  }
0x9d: {  	v58 =	vnsel vm1, $0x1000000, v54;
	v8 =	vsel vm0, v9, v8  }
0x9e: {  	v59 =	vld [tilespmem:$0x960];
	vm1 =	veq.f32 v44, v32;
	vm0 =	vlt.s32 v8, v58  }
0x9f: {  	v60 =	vnsel vm1, $0x1000000, v56;
	v8 =	vsel vm0, v8, v58  }
0xa0: {  	v61 =	vld [tilespmem:$0x970];
	vm1 =	veq.f32 v43, v32;
	vm0 =	vlt.s32 v8, v60  }
0xa1: {  	v62 =	vnsel vm1, $0x1000000, v57;
	v8 =	vsel vm0, v8, v60  }
0xa2: {  	v63 =	vld [tilespmem:$0x980];
	vm1 =	veq.f32 v42, v32;
	vm0 =	vlt.s32 v8, v62  }
0xa3: {  	v45 =	vnsel vm1, $0x1000000, v59;
	v8 =	vsel vm0, v8, v62  }
0xa4: {  	v46 =	vld [tilespmem:$0x990];
	vm1 =	veq.f32 v41, v32;
	vm0 =	vlt.s32 v8, v45  }
0xa5: {  	v47 =	vnsel vm1, $0x1000000, v61;
	v8 =	vsel vm0, v8, v45  }
0xa6: {  	v48 =	vld [tilespmem:$0x9A0];
	vm1 =	veq.f32 v40, v32;
	vm0 =	vlt.s32 v8, v47  }
0xa7: {  	v49 =	vnsel vm1, $0x1000000, v63;
	v8 =	vsel vm0, v8, v47  }
0xa8: {  	v50 =	vld [tilespmem:$0x9B0];
	vm1 =	veq.f32 v39, v32;
	vm0 =	vlt.s32 v8, v49  }
0xa9: {  	v51 =	vnsel vm1, $0x1000000, v46;
	v8 =	vsel vm0, v8, v49  }
0xaa: {  	v52 =	vld [tilespmem:$0x9C0];
	vm1 =	veq.f32 v38, v32;
	vm0 =	vlt.s32 v8, v51  }
0xab: {  	v53 =	vnsel vm1, $0x1000000, v48;
	v8 =	vsel vm0, v8, v51  }
0xac: {  	v54 =	vld [tilespmem:$0x9D0];
	vm1 =	veq.f32 v37, v32;
	vm0 =	vlt.s32 v8, v53  }
0xad: {  	v55 =	vnsel vm1, $0x1000000, v50;
	v8 =	vsel vm0, v8, v53  }
0xae: {  	v56 =	vld [tilespmem:$0x9E0];
	vm1 =	veq.f32 v36, v32;
	vm0 =	vlt.s32 v8, v55  }
0xaf: {  	v57 =	vnsel vm1, $0x1000000, v52;
	v8 =	vsel vm0, v8, v55  }
0xb0: {  	vm1 =	veq.f32 v35, v32;
	v58 =	vld [tilespmem:$0x9F0];
	vm0 =	vlt.s32 v8, v57  }
0xb1: {  	v59 =	vnsel vm1, $0x1000000, v54;
	v8 =	vsel vm0, v8, v57  }
0xb2: {  	vm1 =	veq.f32 v34, v32;
	vm0 =	vlt.s32 v8, v59  }
0xb3: {  	v60 =	vnsel vm1, $0x1000000, v56;
	v8 =	vsel vm0, v8, v59  }
0xb4: {  	vm1 =	veq.f32 v33, v32;
	vm0 =	vlt.s32 v8, v60  }
0xb5: {  	v61 =	vnsel vm1, $0x1000000, v58;
	v8 =	vsel vm0, v8, v60  }
0xb6: {  	vm0 =	vlt.s32 v8, v61  }
0xb7: {  	v8 =	vsel vm0, v8, v61  }
0xb8: {  	v9 =	vperm.xlane v8, v3;
	_ =	sdelay $0x1  }
0xb9: {  	vm0 =	vlt.s32 v8, v9  }
0xba: {  	v8 =	vsel vm0, v8, v9  }
0xbb: {  	v9 =	vperm.xlane v8, v4;
	_ =	sdelay $0x1  }
0xbc: {  	vm0 =	vlt.s32 v8, v9  }
0xbd: {  	v8 =	vsel vm0, v8, v9  }
0xbe: {  	v9 =	vperm.xlane v8, v5;
	_ =	sdelay $0x1  }
0xbf: {  	vm0 =	vlt.s32 v8, v9  }
0xc0: {  	v8 =	vsel vm0, v8, v9  }
0xc1: {  	v9 =	vperm.xlane v8, v6;
	_ =	sdelay $0x1  }
0xc2: {  	vm0 =	vlt.s32 v8, v9  }
0xc3: {  	v8 =	vsel vm0, v8, v9  }
0xc4: {  	(v2sf) =	vpush v8, $0x0;
	_ =	sdelay $0xe  }
0xc5: {  	s2 =	spop (v2sf)  }
0xc6: {  	s3 =	sshra.s32 s2, $0x1F  }
0xc7: {  	s0 =	sshrl.u32 s3, $0x17  }
0xc8: {  	s0 =	sadd.s32 s0, s2  }
0xc9: {  	s1 =	rddreg [dreg:$0x17];
	s12 =	sshra.s32 s0, $0x9;
	s0 =	sand.u32 $0xFFFFFE00, s0  }
0xca: {  	s1 =	sadd.s32 s1, s0;
	s4 =	sshll.u32 s12, $0x7  }
0xcb: {  	s1 =	sand.u32 $0xFFFFF000, s1;
	s4 =	sand.u32 $0x380, s4  }
0xcc: {  	s1 =	sor.u32 s4, s1  }
0xcd: {  	s1 =	sshrl.u32 s1, $0x3  }
0xce: {  	s10 =	simm.s32 $0x1000;
	s1 =	sadd.s32 s23, s1  }
0xcf: {  	[tilespmem:s10], [sflag:$0x1] =	stream.strided.gather [hbm4b:s1+s30], $0x200, s31, s30, $0x38;
	[tilespmem:$0x1880] =	vst v63  }
0xd0: {  	v8 =	vld [tilespmem:$0x200]  }
0xd1: {  	v9 =	vld [tilespmem:$0x210]  }
0xd2: {  	v10 =	vld [tilespmem:$0x220]  }
0xd3: {  	v11 =	vld [tilespmem:$0x230]  }
0xd4: {  	v49 =	vld [tilespmem:$0x240]  }
0xd5: {  	v50 =	vld [tilespmem:$0x250]  }
0xd6: {  	v51 =	vld [tilespmem:$0x260];
	v62 =	vmax.f32 v8, v9  }
0xd7: {  	v52 =	vld [tilespmem:$0x270];
	v33 =	vmax.f32 v62, v10  }
0xd8: {  	v53 =	vld [tilespmem:$0x280];
	v33 =	vmax.f32 v33, v11  }
0xd9: {  	v54 =	vld [tilespmem:$0x290];
	v33 =	vmax.f32 v33, v49  }
0xda: {  	v55 =	vld [tilespmem:$0x2A0];
	v33 =	vmax.f32 v33, v50  }
0xdb: {  	v56 =	vld [tilespmem:$0x2B0];
	v33 =	vmax.f32 v33, v51  }
0xdc: {  	v57 =	vld [tilespmem:$0x2C0];
	v33 =	vmax.f32 v33, v52  }
0xdd: {  	v58 =	vld [tilespmem:$0x2D0];
	v33 =	vmax.f32 v33, v53  }
0xde: {  	v59 =	vld [tilespmem:$0x2E0];
	v33 =	vmax.f32 v33, v54  }
0xdf: {  	v60 =	vld [tilespmem:$0x2F0];
	v33 =	vmax.f32 v33, v55  }
0xe0: {  	v61 =	vld [tilespmem:$0x300];
	v33 =	vmax.f32 v33, v56  }
0xe1: {  	v48 =	vld [tilespmem:$0x310];
	v33 =	vmax.f32 v33, v57  }
0xe2: {  	v47 =	vld [tilespmem:$0x320];
	v33 =	vmax.f32 v33, v58  }
0xe3: {  	v46 =	vld [tilespmem:$0x330];
	v33 =	vmax.f32 v33, v59  }
0xe4: {  	v45 =	vld [tilespmem:$0x340];
	v33 =	vmax.f32 v33, v60  }
0xe5: {  	v44 =	vld [tilespmem:$0x350];
	v33 =	vmax.f32 v33, v61  }
0xe6: {  	v43 =	vld [tilespmem:$0x360];
	v33 =	vmax.f32 v33, v48  }
0xe7: {  	v42 =	vld [tilespmem:$0x370];
	v33 =	vmax.f32 v33, v47  }
0xe8: {  	v41 =	vld [tilespmem:$0x380];
	v33 =	vmax.f32 v33, v46  }
0xe9: {  	v40 =	vld [tilespmem:$0x390];
	v33 =	vmax.f32 v33, v45  }
0xea: {  	v39 =	vld [tilespmem:$0x3A0];
	v33 =	vmax.f32 v33, v44  }
0xeb: {  	v38 =	vld [tilespmem:$0x3B0];
	v33 =	vmax.f32 v33, v43  }
0xec: {  	v37 =	vld [tilespmem:$0x3C0];
	v33 =	vmax.f32 v33, v42  }
0xed: {  	v36 =	vld [tilespmem:$0x3D0];
	v33 =	vmax.f32 v33, v41  }
0xee: {  	v35 =	vld [tilespmem:$0x3E0];
	v33 =	vmax.f32 v33, v40  }
0xef: {  	v34 =	vld [tilespmem:$0x3F0];
	v33 =	vmax.f32 v33, v39  }
0xf0: {  	v33 =	vmax.f32 v33, v38  }
0xf1: {  	v33 =	vmax.f32 v33, v37  }
0xf2: {  	v33 =	vmax.f32 v33, v36  }
0xf3: {  	v33 =	vmax.f32 v33, v35  }
0xf4: {  	v33 =	vmax.f32 v33, v34  }
0xf5: {  	v62 =	vperm.xlane v33, v3;
	_ =	sdelay $0x1  }
0xf6: {  	v33 =	vmax.f32 v33, v62  }
0xf7: {  	v62 =	vperm.xlane v33, v4;
	_ =	sdelay $0x1  }
0xf8: {  	v33 =	vmax.f32 v33, v62  }
0xf9: {  	v62 =	vperm.xlane v33, v5;
	_ =	sdelay $0x1  }
0xfa: {  	v33 =	vmax.f32 v33, v62;
	v62 =	vld [tilespmem:$0xA00]  }
0xfb: {  	v63 =	vperm.xlane v33, v6;
	_ =	sdelay $0x1  }
0xfc: {  	v33 =	vmax.f32 v33, v63;
	v63 =	vld [tilespmem:$0xA10]  }
0xfd: {  	v33 =	vbroadcast v33, $0x0  }
0xfe: {  	[tilespmem:$0x1FFB0] =	vst v12;
	v12 =	vld [tilespmem:$0xA20];
	vm0 =	vlt.s32 v62, $0x1000000  }
0xff: {  	vm1 =	veq.f32 v8, v33;
	v8 =	vnsel vm0, $0x1000000, v62  }
0x100: {  	v62 =	vld [tilespmem:$0xA30];
	v8 =	vnsel vm1, $0x1000000, v8  }
0x101: {  	vm0 =	vlt.s32 v8, v63  }
0x102: {  	vm1 =	veq.f32 v9, v33;
	v63 =	vsel vm0, v8, v63;
	vm0 =	veq.f32 v10, v33;
	v10 =	vld [tilespmem:$0xA40]  }
0x103: {  	v8 =	vsel vm1, v63, v8;
	v63 =	vnsel vm0, $0x1000000, v12  }
0x104: {  	vm1 =	veq.f32 v11, v33;
	v11 =	vld [tilespmem:$0xA50];
	vm0 =	vlt.s32 v8, v63  }
0x105: {  	v8 =	vsel vm0, v8, v63;
	v63 =	vnsel vm1, $0x1000000, v62  }
0x106: {  	v12 =	vld [tilespmem:$0xA60];
	vm1 =	veq.f32 v49, v33;
	vm0 =	vlt.s32 v8, v63  }
0x107: {  	v8 =	vsel vm0, v8, v63;
	v49 =	vnsel vm1, $0x1000000, v10  }
0x108: {  	vm1 =	veq.f32 v50, v33;
	v50 =	vld [tilespmem:$0xA70];
	vm0 =	vlt.s32 v8, v49  }
0x109: {  	v62 =	vnsel vm1, $0x1000000, v11;
	v8 =	vsel vm0, v8, v49  }
0x10a: {  	v63 =	vld [tilespmem:$0xA80];
	vm1 =	veq.f32 v51, v33;
	vm0 =	vlt.s32 v8, v62  }
0x10b: {  	v49 =	vnsel vm1, $0x1000000, v12;
	v8 =	vsel vm0, v8, v62  }
0x10c: {  	vm1 =	veq.f32 v52, v33;
	v12 =	vld [tilespmem:$0xA90];
	vm0 =	vlt.s32 v8, v49  }
0x10d: {  	v50 =	vnsel vm1, $0x1000000, v50;
	v8 =	vsel vm0, v8, v49  }
0x10e: {  	v51 =	vld [tilespmem:$0xAA0];
	vm1 =	veq.f32 v53, v33;
	vm0 =	vlt.s32 v8, v50  }
0x10f: {  	v52 =	vnsel vm1, $0x1000000, v63;
	v8 =	vsel vm0, v8, v50  }
0x110: {  	v53 =	vld [tilespmem:$0xAB0];
	vm1 =	veq.f32 v54, v33;
	vm0 =	vlt.s32 v8, v52  }
0x111: {  	v54 =	vnsel vm1, $0x1000000, v12;
	v8 =	vsel vm0, v8, v52  }
0x112: {  	vm1 =	veq.f32 v55, v33;
	v12 =	vld [tilespmem:$0xAC0];
	vm0 =	vlt.s32 v8, v54  }
0x113: {  	v55 =	vnsel vm1, $0x1000000, v51;
	v8 =	vsel vm0, v8, v54  }
0x114: {  	v62 =	vld [tilespmem:$0xAD0];
	vm1 =	veq.f32 v56, v33;
	vm0 =	vlt.s32 v8, v55  }
0x115: {  	v63 =	vnsel vm1, $0x1000000, v53;
	v8 =	vsel vm0, v8, v55  }
0x116: {  	v49 =	vld [tilespmem:$0xAE0];
	vm1 =	veq.f32 v57, v33;
	vm0 =	vlt.s32 v8, v63  }
0x117: {  	v50 =	vnsel vm1, $0x1000000, v12;
	v8 =	vsel vm0, v8, v63  }
0x118: {  	vm1 =	veq.f32 v58, v33;
	v12 =	vld [tilespmem:$0xAF0];
	vm0 =	vlt.s32 v8, v50  }
0x119: {  	v51 =	vnsel vm1, $0x1000000, v62;
	v8 =	vsel vm0, v8, v50  }
0x11a: {  	v52 =	vld [tilespmem:$0xB00];
	vm1 =	veq.f32 v59, v33;
	vm0 =	vlt.s32 v8, v51  }
0x11b: {  	v53 =	vnsel vm1, $0x1000000, v49;
	v8 =	vsel vm0, v8, v51  }
0x11c: {  	v54 =	vld [tilespmem:$0xB10];
	vm1 =	veq.f32 v60, v33;
	vm0 =	vlt.s32 v8, v53  }
0x11d: {  	v55 =	vnsel vm1, $0x1000000, v12;
	v8 =	vsel vm0, v8, v53  }
0x11e: {  	vm1 =	veq.f32 v61, v33;
	v12 =	vld [tilespmem:$0xB20];
	vm0 =	vlt.s32 v8, v55  }
0x11f: {  	v56 =	vnsel vm1, $0x1000000, v52;
	v8 =	vsel vm0, v8, v55  }
0x120: {  	v57 =	vld [tilespmem:$0xB30];
	vm1 =	veq.f32 v48, v33;
	vm0 =	vlt.s32 v8, v56  }
0x121: {  	v58 =	vnsel vm1, $0x1000000, v54;
	v8 =	vsel vm0, v8, v56  }
0x122: {  	v59 =	vld [tilespmem:$0xB40];
	vm1 =	veq.f32 v47, v33;
	vm0 =	vlt.s32 v8, v58  }
0x123: {  	v60 =	vnsel vm1, $0x1000000, v12;
	v8 =	vsel vm0, v8, v58  }
0x124: {  	vm1 =	veq.f32 v46, v33;
	v12 =	vld [tilespmem:$0xB50];
	vm0 =	vlt.s32 v8, v60  }
0x125: {  	v61 =	vnsel vm1, $0x1000000, v57;
	v8 =	vsel vm0, v8, v60  }
0x126: {  	v62 =	vld [tilespmem:$0xB60];
	vm1 =	veq.f32 v45, v33;
	vm0 =	vlt.s32 v8, v61  }
0x127: {  	v63 =	vnsel vm1, $0x1000000, v59;
	v8 =	vsel vm0, v8, v61  }
0x128: {  	v45 =	vld [tilespmem:$0xB70];
	vm1 =	veq.f32 v44, v33;
	vm0 =	vlt.s32 v8, v63  }
0x129: {  	v46 =	vnsel vm1, $0x1000000, v12;
	v8 =	vsel vm0, v8, v63  }
0x12a: {  	vm1 =	veq.f32 v43, v33;
	v12 =	vld [tilespmem:$0xB80];
	vm0 =	vlt.s32 v8, v46  }
0x12b: {  	v47 =	vnsel vm1, $0x1000000, v62;
	v8 =	vsel vm0, v8, v46  }
0x12c: {  	v48 =	vld [tilespmem:$0xB90];
	vm1 =	veq.f32 v42, v33;
	vm0 =	vlt.s32 v8, v47  }
0x12d: {  	v49 =	vnsel vm1, $0x1000000, v45;
	v8 =	vsel vm0, v8, v47  }
0x12e: {  	v50 =	vld [tilespmem:$0xBA0];
	vm1 =	veq.f32 v41, v33;
	vm0 =	vlt.s32 v8, v49  }
0x12f: {  	v51 =	vnsel vm1, $0x1000000, v12;
	v8 =	vsel vm0, v8, v49  }
0x130: {  	vm1 =	veq.f32 v40, v33;
	v12 =	vld [tilespmem:$0xBB0];
	vm0 =	vlt.s32 v8, v51  }
0x131: {  	v52 =	vnsel vm1, $0x1000000, v48;
	v8 =	vsel vm0, v8, v51  }
0x132: {  	v53 =	vld [tilespmem:$0xBC0];
	vm1 =	veq.f32 v39, v33;
	vm0 =	vlt.s32 v8, v52  }
0x133: {  	v54 =	vnsel vm1, $0x1000000, v50;
	v8 =	vsel vm0, v8, v52  }
0x134: {  	v55 =	vld [tilespmem:$0xBD0];
	vm1 =	veq.f32 v38, v33;
	vm0 =	vlt.s32 v8, v54  }
0x135: {  	v56 =	vnsel vm1, $0x1000000, v12;
	v8 =	vsel vm0, v8, v54  }
0x136: {  	vm1 =	veq.f32 v37, v33;
	v12 =	vld [tilespmem:$0xBE0];
	vm0 =	vlt.s32 v8, v56  }
0x137: {  	v57 =	vnsel vm1, $0x1000000, v53;
	v8 =	vsel vm0, v8, v56  }
0x138: {  	v58 =	vld [tilespmem:$0xBF0];
	vm1 =	veq.f32 v36, v33;
	vm0 =	vlt.s32 v8, v57  }
0x139: {  	v59 =	vnsel vm1, $0x1000000, v55;
	v8 =	vsel vm0, v8, v57  }
0x13a: {  	vm1 =	veq.f32 v35, v33;
	vm0 =	vlt.s32 v8, v59  }
0x13b: {  	v60 =	vnsel vm1, $0x1000000, v12;
	v8 =	vsel vm0, v8, v59  }
0x13c: {  	vm1 =	veq.f32 v34, v33;
	vm0 =	vlt.s32 v8, v60  }
0x13d: {  	v61 =	vnsel vm1, $0x1000000, v58;
	v8 =	vsel vm0, v8, v60  }
0x13e: {  	vm0 =	vlt.s32 v8, v61  }
0x13f: {  	v8 =	vsel vm0, v8, v61  }
0x140: {  	v9 =	vperm.xlane v8, v3;
	_ =	sdelay $0x1  }
0x141: {  	vm0 =	vlt.s32 v8, v9  }
0x142: {  	v8 =	vsel vm0, v8, v9  }
0x143: {  	v9 =	vperm.xlane v8, v4;
	_ =	sdelay $0x1  }
0x144: {  	vm0 =	vlt.s32 v8, v9  }
0x145: {  	v8 =	vsel vm0, v8, v9  }
0x146: {  	v9 =	vperm.xlane v8, v5;
	_ =	sdelay $0x1  }
0x147: {  	vm0 =	vlt.s32 v8, v9  }
0x148: {  	v8 =	vsel vm0, v8, v9  }
0x149: {  	v9 =	vperm.xlane v8, v6;
	_ =	sdelay $0x1  }
0x14a: {  	vm0 =	vlt.s32 v8, v9  }
0x14b: {  	v8 =	vsel vm0, v8, v9  }
0x14c: {  	(v2sf) =	vpush v8, $0x0;
	_ =	sdelay $0xe  }
0x14d: {  	s1 =	spop (v2sf)  }
0x14e: {  	s10 =	sshra.s32 s1, $0x1F  }
0x14f: {  	s13 =	sshrl.u32 s10, $0x17  }
0x150: {  	s4 =	sadd.s32 s13, s1  }
0x151: {  	s14 =	rddreg [dreg:$0x18];
	s13 =	sshra.s32 s4, $0x9;
	s9 =	sand.u32 $0xFFFFFE00, s4  }
0x152: {  	s4 =	sadd.s32 s14, s9;
	s14 =	sshll.u32 s13, $0x7  }
0x153: {  	s4 =	sand.u32 $0xFFFFF000, s4;
	s14 =	sand.u32 $0x380, s14  }
0x154: {  	s4 =	sor.u32 s14, s4  }
0x155: {  	s4 =	sshrl.u32 s4, $0x3  }
0x156: {  	s15 =	simm.s32 $0x1200;
	s4 =	sadd.s32 s23, s4  }
0x157: {  	[tilespmem:s15], [sflag:$0x2] =	stream.strided.gather [hbm4b:s4+s30], $0x200, s31, s30, $0x38;
	[tilespmem:$0x1880] =	vst v63  }
0x158: {  	v8 =	vld [tilespmem:$0x400]  }
0x159: {  	v9 =	vld [tilespmem:$0x410]  }
0x15a: {  	v10 =	vld [tilespmem:$0x420]  }
0x15b: {  	v11 =	vld [tilespmem:$0x430]  }
0x15c: {  	v12 =	vld [tilespmem:$0x440]  }
0x15d: {  	v50 =	vld [tilespmem:$0x450]  }
0x15e: {  	v51 =	vld [tilespmem:$0x460];
	v62 =	vmax.f32 v8, v9  }
0x15f: {  	v52 =	vld [tilespmem:$0x470];
	v34 =	vmax.f32 v62, v10  }
0x160: {  	v53 =	vld [tilespmem:$0x480];
	v34 =	vmax.f32 v34, v11  }
0x161: {  	v54 =	vld [tilespmem:$0x490];
	v34 =	vmax.f32 v34, v12  }
0x162: {  	v55 =	vld [tilespmem:$0x4A0];
	v34 =	vmax.f32 v34, v50  }
0x163: {  	v56 =	vld [tilespmem:$0x4B0];
	v34 =	vmax.f32 v34, v51  }
0x164: {  	v57 =	vld [tilespmem:$0x4C0];
	v34 =	vmax.f32 v34, v52  }
0x165: {  	v58 =	vld [tilespmem:$0x4D0];
	v34 =	vmax.f32 v34, v53  }
0x166: {  	v59 =	vld [tilespmem:$0x4E0];
	v34 =	vmax.f32 v34, v54  }
0x167: {  	v60 =	vld [tilespmem:$0x4F0];
	v34 =	vmax.f32 v34, v55  }
0x168: {  	v61 =	vld [tilespmem:$0x500];
	v34 =	vmax.f32 v34, v56  }
0x169: {  	v49 =	vld [tilespmem:$0x510];
	v34 =	vmax.f32 v34, v57  }
0x16a: {  	v48 =	vld [tilespmem:$0x520];
	v34 =	vmax.f32 v34, v58  }
0x16b: {  	v47 =	vld [tilespmem:$0x530];
	v34 =	vmax.f32 v34, v59  }
0x16c: {  	v46 =	vld [tilespmem:$0x540];
	v34 =	vmax.f32 v34, v60  }
0x16d: {  	v45 =	vld [tilespmem:$0x550];
	v34 =	vmax.f32 v34, v61  }
0x16e: {  	v44 =	vld [tilespmem:$0x560];
	v34 =	vmax.f32 v34, v49  }
0x16f: {  	v43 =	vld [tilespmem:$0x570];
	v34 =	vmax.f32 v34, v48  }
0x170: {  	v42 =	vld [tilespmem:$0x580];
	v34 =	vmax.f32 v34, v47  }
0x171: {  	v41 =	vld [tilespmem:$0x590];
	v34 =	vmax.f32 v34, v46  }
0x172: {  	v40 =	vld [tilespmem:$0x5A0];
	v34 =	vmax.f32 v34, v45  }
0x173: {  	v39 =	vld [tilespmem:$0x5B0];
	v34 =	vmax.f32 v34, v44  }
0x174: {  	v38 =	vld [tilespmem:$0x5C0];
	v34 =	vmax.f32 v34, v43  }
0x175: {  	v37 =	vld [tilespmem:$0x5D0];
	v34 =	vmax.f32 v34, v42  }
0x176: {  	v36 =	vld [tilespmem:$0x5E0];
	v34 =	vmax.f32 v34, v41  }
0x177: {  	v35 =	vld [tilespmem:$0x5F0];
	v34 =	vmax.f32 v34, v40  }
0x178: {  	v34 =	vmax.f32 v34, v39  }
0x179: {  	v34 =	vmax.f32 v34, v38  }
0x17a: {  	v34 =	vmax.f32 v34, v37  }
0x17b: {  	v34 =	vmax.f32 v34, v36  }
0x17c: {  	v34 =	vmax.f32 v34, v35  }
0x17d: {  	v62 =	vperm.xlane v34, v3;
	_ =	sdelay $0x1  }
0x17e: {  	v34 =	vmax.f32 v34, v62  }
0x17f: {  	v62 =	vperm.xlane v34, v4;
	_ =	sdelay $0x1  }
0x180: {  	v34 =	vmax.f32 v34, v62  }
0x181: {  	v62 =	vperm.xlane v34, v5;
	_ =	sdelay $0x1  }
0x182: {  	v34 =	vmax.f32 v34, v62;
	v62 =	vld [tilespmem:$0xC00]  }
0x183: {  	v63 =	vperm.xlane v34, v6;
	_ =	sdelay $0x1  }
0x184: {  	v34 =	vmax.f32 v34, v63;
	v63 =	vld [tilespmem:$0xC10]  }
0x185: {  	v34 =	vbroadcast v34, $0x0  }
0x186: {  	[tilespmem:$0x1FFA0] =	vst v13;
	v13 =	vld [tilespmem:$0xC20];
	vm0 =	vlt.s32 v62, $0x1000000  }
0x187: {  	vm1 =	veq.f32 v8, v34;
	v8 =	vnsel vm0, $0x1000000, v62  }
0x188: {  	v62 =	vld [tilespmem:$0xC30];
	v8 =	vnsel vm1, $0x1000000, v8  }
0x189: {  	vm0 =	vlt.s32 v8, v63  }
0x18a: {  	vm1 =	veq.f32 v9, v34;
	v63 =	vsel vm0, v8, v63;
	vm0 =	veq.f32 v10, v34;
	v10 =	vld [tilespmem:$0xC40]  }
0x18b: {  	v8 =	vsel vm1, v63, v8;
	v63 =	vnsel vm0, $0x1000000, v13  }
0x18c: {  	vm1 =	veq.f32 v11, v34;
	v11 =	vld [tilespmem:$0xC50];
	vm0 =	vlt.s32 v8, v63  }
0x18d: {  	v62 =	vnsel vm1, $0x1000000, v62;
	v8 =	vsel vm0, v8, v63  }
0x18e: {  	vm1 =	veq.f32 v12, v34;
	v12 =	vld [tilespmem:$0xC60];
	vm0 =	vlt.s32 v8, v62  }
0x18f: {  	v8 =	vsel vm0, v8, v62;
	v63 =	vnsel vm1, $0x1000000, v10  }
0x190: {  	vm1 =	veq.f32 v50, v34;
	v10 =	vld [tilespmem:$0xC70];
	vm0 =	vlt.s32 v8, v63  }
0x191: {  	v50 =	vnsel vm1, $0x1000000, v11;
	v8 =	vsel vm0, v8, v63  }
0x192: {  	v62 =	vld [tilespmem:$0xC80];
	vm1 =	veq.f32 v51, v34;
	vm0 =	vlt.s32 v8, v50  }
0x193: {  	v63 =	vnsel vm1, $0x1000000, v12;
	v8 =	vsel vm0, v8, v50  }
0x194: {  	vm1 =	veq.f32 v52, v34;
	v12 =	vld [tilespmem:$0xC90];
	vm0 =	vlt.s32 v8, v63  }
0x195: {  	v50 =	vnsel vm1, $0x1000000, v10;
	v8 =	vsel vm0, v8, v63  }
0x196: {  	v51 =	vld [tilespmem:$0xCA0];
	vm1 =	veq.f32 v53, v34;
	vm0 =	vlt.s32 v8, v50  }
0x197: {  	v52 =	vnsel vm1, $0x1000000, v62;
	v8 =	vsel vm0, v8, v50  }
0x198: {  	v53 =	vld [tilespmem:$0xCB0];
	vm1 =	veq.f32 v54, v34;
	vm0 =	vlt.s32 v8, v52  }
0x199: {  	v54 =	vnsel vm1, $0x1000000, v12;
	v8 =	vsel vm0, v8, v52  }
0x19a: {  	vm1 =	veq.f32 v55, v34;
	v12 =	vld [tilespmem:$0xCC0];
	vm0 =	vlt.s32 v8, v54  }
0x19b: {  	v55 =	vnsel vm1, $0x1000000, v51;
	v8 =	vsel vm0, v8, v54  }
0x19c: {  	vm1 =	veq.f32 v56, v34;
	v56 =	vld [tilespmem:$0xCD0];
	vm0 =	vlt.s32 v8, v55  }
0x19d: {  	v62 =	vnsel vm1, $0x1000000, v53;
	v8 =	vsel vm0, v8, v55  }
0x19e: {  	v63 =	vld [tilespmem:$0xCE0];
	vm1 =	veq.f32 v57, v34;
	vm0 =	vlt.s32 v8, v62  }
0x19f: {  	v50 =	vnsel vm1, $0x1000000, v12;
	v8 =	vsel vm0, v8, v62  }
0x1a0: {  	vm1 =	veq.f32 v58, v34;
	v12 =	vld [tilespmem:$0xCF0];
	vm0 =	vlt.s32 v8, v50  }
0x1a1: {  	v51 =	vnsel vm1, $0x1000000, v56;
	v8 =	vsel vm0, v8, v50  }
0x1a2: {  	v52 =	vld [tilespmem:$0xD00];
	vm1 =	veq.f32 v59, v34;
	vm0 =	vlt.s32 v8, v51  }
0x1a3: {  	v53 =	vnsel vm1, $0x1000000, v63;
	v8 =	vsel vm0, v8, v51  }
0x1a4: {  	v54 =	vld [tilespmem:$0xD10];
	vm1 =	veq.f32 v60, v34;
	vm0 =	vlt.s32 v8, v53  }
0x1a5: {  	v55 =	vnsel vm1, $0x1000000, v12;
	v8 =	vsel vm0, v8, v53  }
0x1a6: {  	vm1 =	veq.f32 v61, v34;
	v12 =	vld [tilespmem:$0xD20];
	vm0 =	vlt.s32 v8, v55  }
0x1a7: {  	v56 =	vnsel vm1, $0x1000000, v52;
	v8 =	vsel vm0, v8, v55  }
0x1a8: {  	v57 =	vld [tilespmem:$0xD30];
	vm1 =	veq.f32 v49, v34;
	vm0 =	vlt.s32 v8, v56  }
0x1a9: {  	v58 =	vnsel vm1, $0x1000000, v54;
	v8 =	vsel vm0, v8, v56  }
0x1aa: {  	v59 =	vld [tilespmem:$0xD40];
	vm1 =	veq.f32 v48, v34;
	vm0 =	vlt.s32 v8, v58  }
0x1ab: {  	v60 =	vnsel vm1, $0x1000000, v12;
	v8 =	vsel vm0, v8, v58  }
0x1ac: {  	vm1 =	veq.f32 v47, v34;
	v12 =	vld [tilespmem:$0xD50];
	vm0 =	vlt.s32 v8, v60  }
0x1ad: {  	v61 =	vnsel vm1, $0x1000000, v57;
	v8 =	vsel vm0, v8, v60  }
0x1ae: {  	v62 =	vld [tilespmem:$0xD60];
	vm1 =	veq.f32 v46, v34;
	vm0 =	vlt.s32 v8, v61  }
0x1af: {  	v63 =	vnsel vm1, $0x1000000, v59;
	v8 =	vsel vm0, v8, v61  }
0x1b0: {  	vm1 =	veq.f32 v45, v34;
	v45 =	vld [tilespmem:$0xD70];
	vm0 =	vlt.s32 v8, v63  }
0x1b1: {  	v46 =	vnsel vm1, $0x1000000, v12;
	v8 =	vsel vm0, v8, v63  }
0x1b2: {  	vm1 =	veq.f32 v44, v34;
	v12 =	vld [tilespmem:$0xD80];
	vm0 =	vlt.s32 v8, v46  }
0x1b3: {  	v47 =	vnsel vm1, $0x1000000, v62;
	v8 =	vsel vm0, v8, v46  }
0x1b4: {  	v48 =	vld [tilespmem:$0xD90];
	vm1 =	veq.f32 v43, v34;
	vm0 =	vlt.s32 v8, v47  }
0x1b5: {  	v49 =	vnsel vm1, $0x1000000, v45;
	v8 =	vsel vm0, v8, v47  }
0x1b6: {  	v50 =	vld [tilespmem:$0xDA0];
	vm1 =	veq.f32 v42, v34;
	vm0 =	vlt.s32 v8, v49  }
0x1b7: {  	v51 =	vnsel vm1, $0x1000000, v12;
	v8 =	vsel vm0, v8, v49  }
0x1b8: {  	vm1 =	veq.f32 v41, v34;
	v12 =	vld [tilespmem:$0xDB0];
	vm0 =	vlt.s32 v8, v51  }
0x1b9: {  	v52 =	vnsel vm1, $0x1000000, v48;
	v8 =	vsel vm0, v8, v51  }
0x1ba: {  	v53 =	vld [tilespmem:$0xDC0];
	vm1 =	veq.f32 v40, v34;
	vm0 =	vlt.s32 v8, v52  }
0x1bb: {  	v54 =	vnsel vm1, $0x1000000, v50;
	v8 =	vsel vm0, v8, v52  }
0x1bc: {  	v55 =	vld [tilespmem:$0xDD0];
	vm1 =	veq.f32 v39, v34;
	vm0 =	vlt.s32 v8, v54  }
0x1bd: {  	v56 =	vnsel vm1, $0x1000000, v12;
	v8 =	vsel vm0, v8, v54  }
0x1be: {  	vm1 =	veq.f32 v38, v34;
	v12 =	vld [tilespmem:$0xDE0];
	vm0 =	vlt.s32 v8, v56  }
0x1bf: {  	v57 =	vnsel vm1, $0x1000000, v53;
	v8 =	vsel vm0, v8, v56  }
0x1c0: {  	v58 =	vld [tilespmem:$0xDF0];
	vm1 =	veq.f32 v37, v34;
	vm0 =	vlt.s32 v8, v57  }
0x1c1: {  	v59 =	vnsel vm1, $0x1000000, v55;
	v8 =	vsel vm0, v8, v57  }
0x1c2: {  	vm1 =	veq.f32 v36, v34;
	vm0 =	vlt.s32 v8, v59  }
0x1c3: {  	v60 =	vnsel vm1, $0x1000000, v12;
	v8 =	vsel vm0, v8, v59  }
0x1c4: {  	vm1 =	veq.f32 v35, v34;
	vm0 =	vlt.s32 v8, v60  }
0x1c5: {  	v61 =	vnsel vm1, $0x1000000, v58;
	v8 =	vsel vm0, v8, v60  }
0x1c6: {  	vm0 =	vlt.s32 v8, v61  }
0x1c7: {  	v8 =	vsel vm0, v8, v61  }
0x1c8: {  	v9 =	vperm.xlane v8, v3;
	_ =	sdelay $0x1  }
0x1c9: {  	vm0 =	vlt.s32 v8, v9  }
0x1ca: {  	v8 =	vsel vm0, v8, v9  }
0x1cb: {  	v9 =	vperm.xlane v8, v4;
	_ =	sdelay $0x1  }
0x1cc: {  	vm0 =	vlt.s32 v8, v9  }
0x1cd: {  	v8 =	vsel vm0, v8, v9  }
0x1ce: {  	v9 =	vperm.xlane v8, v5;
	_ =	sdelay $0x1  }
0x1cf: {  	vm0 =	vlt.s32 v8, v9  }
0x1d0: {  	v8 =	vsel vm0, v8, v9  }
0x1d1: {  	v9 =	vperm.xlane v8, v6;
	_ =	sdelay $0x1  }
0x1d2: {  	vm0 =	vlt.s32 v8, v9  }
0x1d3: {  	v8 =	vsel vm0, v8, v9  }
0x1d4: {  	(v2sf) =	vpush v8, $0x0;
	_ =	sdelay $0xe  }
0x1d5: {  	s22 =	spop (v2sf)  }
0x1d6: {  	s29 =	sshra.s32 s22, $0x1F  }
0x1d7: {  	s16 =	sshrl.u32 s29, $0x17  }
0x1d8: {  	s4 =	sadd.s32 s16, s22  }
0x1d9: {  	s17 =	rddreg [dreg:$0x19];
	s14 =	sshra.s32 s4, $0x9;
	s21 =	sand.u32 $0xFFFFFE00, s4  }
0x1da: {  	s4 =	sadd.s32 s17, s21;
	s15 =	sshll.u32 s14, $0x7  }
0x1db: {  	s4 =	sand.u32 $0xFFFFF000, s4;
	s15 =	sand.u32 $0x380, s15  }
0x1dc: {  	s4 =	sor.u32 s15, s4  }
0x1dd: {  	s4 =	sshrl.u32 s4, $0x3  }
0x1de: {  	s18 =	simm.s32 $0x1400;
	s4 =	sadd.s32 s23, s4  }
0x1df: {  	[tilespmem:s18], [sflag:$0x3] =	stream.strided.gather [hbm4b:s4+s30], $0x200, s31, s30, $0x38;
	[tilespmem:$0x1880] =	vst v63  }
0x1e0: {  	v8 =	vld [tilespmem:$0x600]  }
0x1e1: {  	v9 =	vld [tilespmem:$0x610]  }
0x1e2: {  	v10 =	vld [tilespmem:$0x620]  }
0x1e3: {  	v11 =	vld [tilespmem:$0x630]  }
0x1e4: {  	v12 =	vld [tilespmem:$0x640]  }
0x1e5: {  	v13 =	vld [tilespmem:$0x650]  }
0x1e6: {  	v51 =	vld [tilespmem:$0x660];
	v62 =	vmax.f32 v8, v9  }
0x1e7: {  	v52 =	vld [tilespmem:$0x670];
	v35 =	vmax.f32 v62, v10  }
0x1e8: {  	v53 =	vld [tilespmem:$0x680];
	v35 =	vmax.f32 v35, v11  }
0x1e9: {  	v54 =	vld [tilespmem:$0x690];
	v35 =	vmax.f32 v35, v12  }
0x1ea: {  	v55 =	vld [tilespmem:$0x6A0];
	v35 =	vmax.f32 v35, v13  }
0x1eb: {  	v56 =	vld [tilespmem:$0x6B0];
	v35 =	vmax.f32 v35, v51  }
0x1ec: {  	v57 =	vld [tilespmem:$0x6C0];
	v35 =	vmax.f32 v35, v52  }
0x1ed: {  	v58 =	vld [tilespmem:$0x6D0];
	v35 =	vmax.f32 v35, v53  }
0x1ee: {  	v59 =	vld [tilespmem:$0x6E0];
	v35 =	vmax.f32 v35, v54  }
0x1ef: {  	v60 =	vld [tilespmem:$0x6F0];
	v35 =	vmax.f32 v35, v55  }
0x1f0: {  	v61 =	vld [tilespmem:$0x700];
	v35 =	vmax.f32 v35, v56  }
0x1f1: {  	v50 =	vld [tilespmem:$0x710];
	v35 =	vmax.f32 v35, v57  }
0x1f2: {  	v49 =	vld [tilespmem:$0x720];
	v35 =	vmax.f32 v35, v58  }
0x1f3: {  	v48 =	vld [tilespmem:$0x730];
	v35 =	vmax.f32 v35, v59  }
0x1f4: {  	v47 =	vld [tilespmem:$0x740];
	v35 =	vmax.f32 v35, v60  }
0x1f5: {  	v46 =	vld [tilespmem:$0x750];
	v35 =	vmax.f32 v35, v61  }
0x1f6: {  	v45 =	vld [tilespmem:$0x760];
	v35 =	vmax.f32 v35, v50  }
0x1f7: {  	v44 =	vld [tilespmem:$0x770];
	v35 =	vmax.f32 v35, v49  }
0x1f8: {  	v43 =	vld [tilespmem:$0x780];
	v35 =	vmax.f32 v35, v48  }
0x1f9: {  	v42 =	vld [tilespmem:$0x790];
	v35 =	vmax.f32 v35, v47  }
0x1fa: {  	v41 =	vld [tilespmem:$0x7A0];
	v35 =	vmax.f32 v35, v46  }
0x1fb: {  	v40 =	vld [tilespmem:$0x7B0];
	v35 =	vmax.f32 v35, v45  }
0x1fc: {  	v39 =	vld [tilespmem:$0x7C0];
	v35 =	vmax.f32 v35, v44  }
0x1fd: {  	v38 =	vld [tilespmem:$0x7D0];
	v35 =	vmax.f32 v35, v43  }
0x1fe: {  	v37 =	vld [tilespmem:$0x7E0];
	v35 =	vmax.f32 v35, v42  }
0x1ff: {  	v36 =	vld [tilespmem:$0x7F0];
	v35 =	vmax.f32 v35, v41  }
0x200: {  	v35 =	vmax.f32 v35, v40  }
0x201: {  	v35 =	vmax.f32 v35, v39  }
0x202: {  	v35 =	vmax.f32 v35, v38  }
0x203: {  	v35 =	vmax.f32 v35, v37  }
0x204: {  	v35 =	vmax.f32 v35, v36  }
0x205: {  	v62 =	vperm.xlane v35, v3;
	_ =	sdelay $0x1  }
0x206: {  	v35 =	vmax.f32 v35, v62  }
0x207: {  	v62 =	vperm.xlane v35, v4;
	_ =	sdelay $0x1  }
0x208: {  	v35 =	vmax.f32 v35, v62  }
0x209: {  	v62 =	vperm.xlane v35, v5;
	_ =	sdelay $0x1  }
0x20a: {  	v35 =	vmax.f32 v35, v62;
	v62 =	vld [tilespmem:$0xE00]  }
0x20b: {  	v63 =	vperm.xlane v35, v6;
	_ =	sdelay $0x1  }
0x20c: {  	v35 =	vmax.f32 v35, v63;
	v63 =	vld [tilespmem:$0xE10]  }
0x20d: {  	v35 =	vbroadcast v35, $0x0  }
0x20e: {  	[tilespmem:$0x1FF90] =	vst v14;
	v14 =	vld [tilespmem:$0xE20];
	vm0 =	vlt.s32 v62, $0x1000000  }
0x20f: {  	vm1 =	veq.f32 v8, v35;
	v8 =	vnsel vm0, $0x1000000, v62  }
0x210: {  	v62 =	vld [tilespmem:$0xE30];
	v8 =	vnsel vm1, $0x1000000, v8  }
0x211: {  	vm0 =	vlt.s32 v8, v63  }
0x212: {  	vm1 =	veq.f32 v9, v35;
	v63 =	vsel vm0, v8, v63;
	vm0 =	veq.f32 v10, v35;
	v10 =	vld [tilespmem:$0xE40]  }
0x213: {  	v8 =	vsel vm1, v63, v8;
	v63 =	vnsel vm0, $0x1000000, v14  }
0x214: {  	vm1 =	veq.f32 v11, v35;
	v11 =	vld [tilespmem:$0xE50];
	vm0 =	vlt.s32 v8, v63  }
0x215: {  	v62 =	vnsel vm1, $0x1000000, v62;
	v8 =	vsel vm0, v8, v63  }
0x216: {  	vm1 =	veq.f32 v12, v35;
	v12 =	vld [tilespmem:$0xE60];
	vm0 =	vlt.s32 v8, v62  }
0x217: {  	v8 =	vsel vm0, v8, v62;
	v63 =	vnsel vm1, $0x1000000, v10  }
0x218: {  	vm1 =	veq.f32 v13, v35;
	v10 =	vld [tilespmem:$0xE70];
	vm0 =	vlt.s32 v8, v63  }
0x219: {  	v62 =	vnsel vm1, $0x1000000, v11;
	v8 =	vsel vm0, v8, v63  }
0x21a: {  	vm1 =	veq.f32 v51, v35;
	v63 =	vld [tilespmem:$0xE80];
	vm0 =	vlt.s32 v8, v62  }
0x21b: {  	v51 =	vnsel vm1, $0x1000000, v12;
	v8 =	vsel vm0, v8, v62  }
0x21c: {  	vm1 =	veq.f32 v52, v35;
	v12 =	vld [tilespmem:$0xE90];
	vm0 =	vlt.s32 v8, v51  }
0x21d: {  	v52 =	vnsel vm1, $0x1000000, v10;
	v8 =	vsel vm0, v8, v51  }
0x21e: {  	v62 =	vld [tilespmem:$0xEA0];
	vm1 =	veq.f32 v53, v35;
	vm0 =	vlt.s32 v8, v52  }
0x21f: {  	v63 =	vnsel vm1, $0x1000000, v63;
	v8 =	vsel vm0, v8, v52  }
0x220: {  	v51 =	vld [tilespmem:$0xEB0];
	vm1 =	veq.f32 v54, v35;
	vm0 =	vlt.s32 v8, v63  }
0x221: {  	v52 =	vnsel vm1, $0x1000000, v12;
	v8 =	vsel vm0, v8, v63  }
0x222: {  	vm1 =	veq.f32 v55, v35;
	v12 =	vld [tilespmem:$0xEC0];
	vm0 =	vlt.s32 v8, v52  }
0x223: {  	v53 =	vnsel vm1, $0x1000000, v62;
	v8 =	vsel vm0, v8, v52  }
0x224: {  	v54 =	vld [tilespmem:$0xED0];
	vm1 =	veq.f32 v56, v35;
	vm0 =	vlt.s32 v8, v53  }
0x225: {  	v55 =	vnsel vm1, $0x1000000, v51;
	v8 =	vsel vm0, v8, v53  }
0x226: {  	v56 =	vld [tilespmem:$0xEE0];
	vm1 =	veq.f32 v57, v35;
	vm0 =	vlt.s32 v8, v55  }
0x227: {  	v57 =	vnsel vm1, $0x1000000, v12;
	v8 =	vsel vm0, v8, v55  }
0x228: {  	vm1 =	veq.f32 v58, v35;
	v12 =	vld [tilespmem:$0xEF0];
	vm0 =	vlt.s32 v8, v57  }
0x229: {  	v62 =	vnsel vm1, $0x1000000, v54;
	v8 =	vsel vm0, v8, v57  }
0x22a: {  	v63 =	vld [tilespmem:$0xF00];
	vm1 =	veq.f32 v59, v35;
	vm0 =	vlt.s32 v8, v62  }
0x22b: {  	v51 =	vnsel vm1, $0x1000000, v56;
	v8 =	vsel vm0, v8, v62  }
0x22c: {  	v52 =	vld [tilespmem:$0xF10];
	vm1 =	veq.f32 v60, v35;
	vm0 =	vlt.s32 v8, v51  }
0x22d: {  	v53 =	vnsel vm1, $0x1000000, v12;
	v8 =	vsel vm0, v8, v51  }
0x22e: {  	vm1 =	veq.f32 v61, v35;
	v12 =	vld [tilespmem:$0xF20];
	vm0 =	vlt.s32 v8, v53  }
0x22f: {  	v54 =	vnsel vm1, $0x1000000, v63;
	v8 =	vsel vm0, v8, v53  }
0x230: {  	v55 =	vld [tilespmem:$0xF30];
	vm1 =	veq.f32 v50, v35;
	vm0 =	vlt.s32 v8, v54  }
0x231: {  	v56 =	vnsel vm1, $0x1000000, v52;
	v8 =	vsel vm0, v8, v54  }
0x232: {  	v57 =	vld [tilespmem:$0xF40];
	vm1 =	veq.f32 v49, v35;
	vm0 =	vlt.s32 v8, v56  }
0x233: {  	v58 =	vnsel vm1, $0x1000000, v12;
	v8 =	vsel vm0, v8, v56  }
0x234: {  	vm1 =	veq.f32 v48, v35;
	v12 =	vld [tilespmem:$0xF50];
	vm0 =	vlt.s32 v8, v58  }
0x235: {  	v59 =	vnsel vm1, $0x1000000, v55;
	v8 =	vsel vm0, v8, v58  }
0x236: {  	v60 =	vld [tilespmem:$0xF60];
	vm1 =	veq.f32 v47, v35;
	vm0 =	vlt.s32 v8, v59  }
0x237: {  	v61 =	vnsel vm1, $0x1000000, v57;
	v8 =	vsel vm0, v8, v59  }
0x238: {  	v62 =	vld [tilespmem:$0xF70];
	vm1 =	veq.f32 v46, v35;
	vm0 =	vlt.s32 v8, v61  }
0x239: {  	v63 =	vnsel vm1, $0x1000000, v12;
	v8 =	vsel vm0, v8, v61  }
0x23a: {  	vm1 =	veq.f32 v45, v35;
	v12 =	vld [tilespmem:$0xF80];
	vm0 =	vlt.s32 v8, v63  }
0x23b: {  	v45 =	vnsel vm1, $0x1000000, v60;
	v8 =	vsel vm0, v8, v63  }
0x23c: {  	v46 =	vld [tilespmem:$0xF90];
	vm1 =	veq.f32 v44, v35;
	vm0 =	vlt.s32 v8, v45  }
0x23d: {  	v47 =	vnsel vm1, $0x1000000, v62;
	v8 =	vsel vm0, v8, v45  }
0x23e: {  	v48 =	vld [tilespmem:$0xFA0];
	vm1 =	veq.f32 v43, v35;
	vm0 =	vlt.s32 v8, v47  }
0x23f: {  	v49 =	vnsel vm1, $0x1000000, v12;
	v8 =	vsel vm0, v8, v47  }
0x240: {  	vm1 =	veq.f32 v42, v35;
	v12 =	vld [tilespmem:$0xFB0];
	vm0 =	vlt.s32 v8, v49  }
0x241: {  	v50 =	vnsel vm1, $0x1000000, v46;
	v8 =	vsel vm0, v8, v49  }
0x242: {  	v51 =	vld [tilespmem:$0xFC0];
	vm1 =	veq.f32 v41, v35;
	vm0 =	vlt.s32 v8, v50  }
0x243: {  	v52 =	vnsel vm1, $0x1000000, v48;
	v8 =	vsel vm0, v8, v50  }
0x244: {  	v53 =	vld [tilespmem:$0xFD0];
	vm1 =	veq.f32 v40, v35;
	vm0 =	vlt.s32 v8, v52  }
0x245: {  	v54 =	vnsel vm1, $0x1000000, v12;
	v8 =	vsel vm0, v8, v52  }
0x246: {  	vm1 =	veq.f32 v39, v35;
	v12 =	vld [tilespmem:$0xFE0];
	vm0 =	vlt.s32 v8, v54  }
0x247: {  	v55 =	vnsel vm1, $0x1000000, v51;
	v8 =	vsel vm0, v8, v54  }
0x248: {  	v56 =	vld [tilespmem:$0xFF0];
	vm1 =	veq.f32 v38, v35;
	vm0 =	vlt.s32 v8, v55  }
0x249: {  	v57 =	vnsel vm1, $0x1000000, v53;
	v8 =	vsel vm0, v8, v55  }
0x24a: {  	vm1 =	veq.f32 v37, v35;
	vm0 =	vlt.s32 v8, v57  }
0x24b: {  	v58 =	vnsel vm1, $0x1000000, v12;
	v8 =	vsel vm0, v8, v57  }
0x24c: {  	vm1 =	veq.f32 v36, v35;
	vm0 =	vlt.s32 v8, v58  }
0x24d: {  	v59 =	vnsel vm1, $0x1000000, v56;
	v8 =	vsel vm0, v8, v58  }
0x24e: {  	vm0 =	vlt.s32 v8, v59  }
0x24f: {  	v8 =	vsel vm0, v8, v59  }
0x250: {  	v9 =	vperm.xlane v8, v3;
	_ =	sdelay $0x1  }
0x251: {  	vm0 =	vlt.s32 v8, v9  }
0x252: {  	v8 =	vsel vm0, v8, v9  }
0x253: {  	v9 =	vperm.xlane v8, v4;
	_ =	sdelay $0x1  }
0x254: {  	vm0 =	vlt.s32 v8, v9  }
0x255: {  	v8 =	vsel vm0, v8, v9  }
0x256: {  	v9 =	vperm.xlane v8, v5;
	_ =	sdelay $0x1  }
0x257: {  	vm0 =	vlt.s32 v8, v9  }
0x258: {  	v8 =	vsel vm0, v8, v9  }
0x259: {  	v9 =	vperm.xlane v8, v6;
	_ =	sdelay $0x1  }
0x25a: {  	vm0 =	vlt.s32 v8, v9  }
0x25b: {  	v8 =	vsel vm0, v8, v9  }
0x25c: {  	(v2sf) =	vpush v8, $0x0;
	_ =	sdelay $0xe  }
0x25d: {  	s17 =	spop (v2sf)  }
0x25e: {  	s18 =	sshra.s32 s17, $0x1F  }
0x25f: {  	s19 =	sshrl.u32 s18, $0x17  }
0x260: {  	s4 =	sadd.s32 s19, s17  }
0x261: {  	s20 =	rddreg [dreg:$0x1a];
	s15 =	sshra.s32 s4, $0x9;
	s16 =	sand.u32 $0xFFFFFE00, s4  }
0x262: {  	s4 =	sadd.s32 s20, s16;
	s19 =	sshll.u32 s15, $0x7  }
0x263: {  	s4 =	sand.u32 $0xFFFFF000, s4;
	s19 =	sand.u32 $0x380, s19  }
0x264: {  	s4 =	sor.u32 s19, s4  }
0x265: {  	s4 =	sshrl.u32 s4, $0x3  }
0x266: {  	s24 =	simm.s32 $0x1600;
	s4 =	sadd.s32 s23, s4  }
0x267: {  	[tilespmem:s24], [sflag:$0x4] =	stream.strided.gather [hbm4b:s4+s30], $0x200, s31, s30, $0x38;
	[tilespmem:$0x1880] =	vst v63  }
0x268: {  	_ =	swait.ge [sflag:s5], $0x200  }
0x269: {  	[sflag:s5] =	ssyncset.done $0x0  }
0x26a: {  	s4 =	simm.s32 $0x1020;
	[sflag:s5] =	ssyncadd.s32 $0xFFFFFE00  }
0x26b: {  	v8 =	vld [tilespmem:s4+$0xFFFFFFE0]  }
0x26c: {  	s28 =	simm.s32 $0x20  }
0x26d: {  	s25 =	simm.s32 $0x0;
	v14 =	vor.u32 s28, v7;
	s20 =	ssub.s32 s2, s0;
	v60 =	vld [tilespmem:s4+$0xFFFFFFF0]  }
0x26e: {  	s26 =	simm.s32 $0x10;
	v62 =	vor.u32 s25, v7;
	v61 =	vimm.f32 $-Inf;
	v36 =	vmov s20;
	s24 =	simm.s32 $0x30  }
0x26f: {  	v63 =	vor.u32 s26, v7;
	vm1 =	vgt.s32 v62, v36;
	v12 =	vor.u32 s24, v7;
	v13 =	vld [tilespmem:s4+$0x0]  }
0x270: {  	vm3 =	vgt.s32 v14, v36;
	vm0 =	vgt.s32 v12, v36;
	vm2 =	veq.f32 v8, v32  }
0x271: {  	v38 =	vld [tilespmem:s4+$0x10];
	vm4 =	vlt.f32 v8, v32;
	v8 =	vmax.f32 v61, v8;
	vm1 =	vmand vm1, vm2  }
0x272: {  	vm15 =	veq.f32 v60, v32;
	vm2 =	vgt.s32 v63, v36;
	vm1 =	vmor vm4, vm1  }
0x273: {  	vm2 =	vmand vm2, vm15;
	v8 =	vsel vm1, v8, v61;
	vm1 =	vlt.f32 v60, v32  }
0x274: {  	vm1 =	vmor vm1, vm2;
	v9 =	vmax.f32 v8, v60;
	vm2 =	veq.f32 v13, v32  }
0x275: {  	s4 =	simm.s32 $0x1060;
	v39 =	vsel vm1, v9, v8;
	vm1 =	vlt.f32 v13, v32;
	vm2 =	vmand vm3, vm2  }
0x276: {  	s19 =	simm.s32 $0x40;
	s24 =	simm.s32 $0x80;
	v37 =	vld [tilespmem:s4+$0xFFFFFFE0];
	vm1 =	vmor vm1, vm2;
	v40 =	vmax.f32 v39, v13;
	vm2 =	veq.f32 v38, v32  }
.LBB2_3:
0x277: {  	p0 =	sne.s32 s24, $0x1C0;
	v8 =	vsel vm1, v40, v39;
	vm1 =	vlt.f32 v38, v32;
	vm0 =	vmand vm0, vm2  }
0x278: {  	s25 =	sadd.s32 $0x30, s19;
	v9 =	vld [tilespmem:s4+$0xFFFFFFF0];
	vm0 =	vmor vm1, vm0;
	v10 =	vmax.f32 v8, v38  }
0x279: {  	v11 =	vor.u32 s19, v7;
	s26 =	sadd.s32 $0x10, s19;
	s28 =	sadd.s32 $0x20, s19;
	s19 =	smov.u32 s24;
	v12 =	vor.u32 s25, v7;
	v8 =	vsel vm0, v10, v8  }
0x27a: {  	vm1 =	vgt.s32 v11, v36;
	v13 =	vor.u32 s28, v7;
	v10 =	vor.u32 s26, v7;
	v11 =	vld [tilespmem:s4+$0x0]  }
0x27b: {  	vm3 =	vgt.s32 v13, v36;
	vm0 =	vgt.s32 v12, v36;
	vm2 =	veq.f32 v37, v32  }
0x27c: {  	vm4 =	vlt.f32 v37, v32;
	vm1 =	vmand vm1, vm2;
	vm2 =	vgt.s32 v10, v36;
	v38 =	vld [tilespmem:s4+$0x10]  }
.Ltmp0:
0x27d: {  	v10 =	vmax.f32 v8, v37;
	vm1 =	vmor vm4, vm1;
	vm4 =	veq.f32 v9, v32;
	(pc) =	sbr.rel @p0 .LBB2_3-.Ltmp0, $4  }
0x27e: {  	v8 =	vsel vm1, v10, v8;
	vm1 =	vlt.f32 v9, v32;
	vm2 =	vmand vm2, vm4  }
0x27f: {  	vm1 =	vmor vm1, vm2;
	v9 =	vmax.f32 v8, v9;
	vm2 =	veq.f32 v11, v32  }
0x280: {  	s4 =	sadd.s32 $0x40, s4;
	v39 =	vsel vm1, v9, v8;
	vm1 =	vlt.f32 v11, v32;
	vm2 =	vmand vm3, vm2  }
0x281: {  	s24 =	sadd.s32 $0x40, s24;
	v37 =	vld [tilespmem:s4+$0xFFFFFFE0];
	vm1 =	vmor vm1, vm2;
	v40 =	vmax.f32 v39, v11;
	vm2 =	veq.f32 v38, v32  }
0x282: {  	vm10 =	vlt.f32 v38, v32;
	vm0 =	vmand vm0, vm2  }
0x283: {  	v8 =	vsel vm1, v40, v39;
	v9 =	vld [tilespmem:s4+$0xFFFFFFF0];
	s24 =	sadd.s32 $0x30, s19;
	v11 =	vor.u32 s19, v7;
	vm0 =	vmor vm10, vm0  }
0x284: {  	s25 =	sadd.s32 $0x10, s19;
	s28 =	sadd.s32 $0x20, s19;
	v10 =	vmax.f32 v8, v38;
	v12 =	vor.u32 s24, v7;
	vm11 =	vgt.s32 v11, v36  }
0x285: {  	v56 =	vld [tilespmem:s4+$0x0];
	v55 =	vor.u32 s25, v7;
	v13 =	vor.u32 s28, v7;
	v8 =	vsel vm0, v10, v8  }
0x286: {  	vm13 =	vgt.s32 v13, v36;
	vm3 =	vgt.s32 v12, v36;
	vm12 =	veq.f32 v37, v32  }
0x287: {  	v57 =	vld [tilespmem:s4+$0x10];
	vm14 =	vgt.s32 v55, v36;
	vm4 =	vlt.f32 v37, v32;
	vm0 =	vmand vm11, vm12  }
0x288: {  	v12 =	vmax.f32 v8, v37;
	vm15 =	veq.f32 v9, v32;
	vm0 =	vmor vm4, vm0  }
0x289: {  	vm8 =	vlt.f32 v9, v32;
	vm1 =	vmand vm14, vm15;
	v8 =	vsel vm0, v12, v8  }
0x28a: {  	vm9 =	veq.f32 v56, v32;
	vm0 =	vmor vm8, vm1;
	v9 =	vmax.f32 v8, v9  }
0x28b: {  	vm10 =	vlt.f32 v56, v32;
	vm1 =	vmand vm13, vm9;
	v8 =	vsel vm0, v9, v8  }
0x28c: {  	vm11 =	veq.f32 v57, v32;
	vm0 =	vmor vm10, vm1;
	v9 =	vmax.f32 v8, v56  }
0x28d: {  	vm12 =	vlt.f32 v57, v32;
	vm1 =	vmand vm3, vm11;
	v8 =	vsel vm0, v9, v8  }
0x28e: {  	vm0 =	vmor vm12, vm1;
	v9 =	vmax.f32 v8, v57  }
0x28f: {  	v8 =	vsel vm0, v9, v8  }
0x290: {  	v9 =	vperm.xlane v8, v0;
	_ =	sdelay $0x1  }
0x291: {  	v8 =	vmax.f32 v8, v9  }
0x292: {  	v9 =	vperm.xlane v8, v1;
	_ =	sdelay $0x1  }
0x293: {  	v8 =	vmax.f32 v8, v9  }
0x294: {  	v9 =	vperm.xlane v8, v2;
	_ =	sdelay $0x1  }
0x295: {  	s4 =	simm.s32 $0x1020;
	v8 =	vmax.f32 v8, v9  }
0x296: {  	v58 =	vld [tilespmem:s4+$0x10];
	v9 =	vperm.xlane v8, v6  }
0x297: {  	v59 =	vld [tilespmem:s4+$0x0]  }
0x298: {  	v13 =	vld [tilespmem:s4+$0xFFFFFFF0];
	v8 =	vmax.f32 v8, v9  }
0x299: {  	s26 =	simm.s32 $0x30;
	s28 =	simm.s32 $0x10;
	v37 =	vbroadcast v8, $0x0;
	v8 =	vld [tilespmem:s4+$0xFFFFFFE0]  }
0x29a: {  	v60 =	vimm.s32 $0x1000000;
	s25 =	simm.s32 $0x20;
	v43 =	vor.u32 s26, v7;
	v61 =	vor.u32 s28, v7  }
0x29b: {  	s24 =	simm.s32 $0x0;
	v14 =	vor.u32 s25, v7;
	vm14 =	vgt.s32 v61, v36;
	vm4 =	vgt.s32 v43, v36  }
0x29c: {  	vm6 =	vlt.f32 v58, v32;
	v12 =	vor.u32 s24, v7;
	vm8 =	vlt.f32 v59, v32  }
0x29d: {  	vm9 =	veq.f32 v58, v32;
	vm13 =	vgt.s32 v12, v36;
	vm11 =	veq.f32 v13, v32  }
0x29e: {  	vm3 =	vgt.s32 v14, v36;
	vm2 =	vmand vm14, vm11;
	vm7 =	veq.f32 v8, v32  }
0x29f: {  	vm14 =	veq.f32 v59, v32;
	vm10 =	vlt.f32 v8, v32;
	vm1 =	vmand vm13, vm7  }
0x2a0: {  	vm12 =	vlt.f32 v13, v32;
	vm15 =	veq.f32 v8, v37;
	vm1 =	vmor vm10, vm1  }
0x2a1: {  	vm5 =	veq.f32 v59, v37;
	vm0 =	veq.f32 v58, v37;
	vm1 =	vmand vm15, vm1  }
0x2a2: {  	vm7 =	veq.f32 v13, v37;
	vm13 =	vmor vm12, vm2;
	v8 =	vnsel vm1, $0x1000000, v12  }
0x2a3: {  	vm2 =	vmand vm3, vm14;
	vm1 =	vmand vm7, vm13;
	vm15 =	vlt.s32 v60, v8  }
0x2a4: {  	vm12 =	vmor vm8, vm2;
	v62 =	vnsel vm1, $0x1000000, v61;
	v8 =	vsel vm15, v60, v8  }
0x2a5: {  	s4 =	simm.s32 $0x1060;
	vm14 =	vmand vm4, vm9;
	vm1 =	vmand vm5, vm12;
	vm13 =	vlt.s32 v8, v62  }
0x2a6: {  	v40 =	vld [tilespmem:s4+$0x10];
	v63 =	vnsel vm1, $0x1000000, v14;
	vm15 =	vmor vm6, vm14;
	v8 =	vsel vm13, v8, v62  }
0x2a7: {  	s19 =	simm.s32 $0x40;
	v38 =	vld [tilespmem:s4+$0x0];
	vm0 =	vmand vm0, vm15;
	vm2 =	vlt.s32 v8, v63  }
0x2a8: {  	v39 =	vor.u32 s19, v7;
	s26 =	simm.s32 $0x70;
	s25 =	simm.s32 $0x60;
	s24 =	simm.s32 $0x80;
	v41 =	vld [tilespmem:s4+$0xFFFFFFE0];
	v43 =	vnsel vm0, $0x1000000, v43;
	v42 =	vsel vm2, v8, v63  }
.LBB2_5:
0x2a9: {  	p0 =	sne.s32 s24, $0x1C0;
	s28 =	sadd.s32 $0x10, s19;
	v8 =	vld [tilespmem:s4+$0xFFFFFFF0];
	v9 =	vor.u32 s25, v7;
	v10 =	vor.u32 s26, v7;
	vm0 =	vlt.s32 v42, v43;
	s19 =	smov.u32 s24  }
0x2aa: {  	vm4 =	vgt.s32 v39, v36;
	v11 =	vor.u32 s28, v7;
	v12 =	vsel vm0, v42, v43  }
0x2ab: {  	vm6 =	vgt.s32 v9, v36;
	vm2 =	vgt.s32 v10, v36;
	vm5 =	vgt.s32 v11, v36  }
0x2ac: {  	vm1 =	vlt.f32 v40, v32;
	vm0 =	veq.f32 v40, v37;
	vm3 =	veq.f32 v38, v37  }
0x2ad: {  	vm9 =	veq.f32 v40, v32;
	vm8 =	vlt.f32 v38, v32;
	vm7 =	veq.f32 v41, v32  }
0x2ae: {  	vm10 =	vlt.f32 v41, v32;
	vm4 =	vmand vm4, vm7;
	vm7 =	veq.f32 v8, v37  }
0x2af: {  	vm11 =	veq.f32 v8, v32;
	vm4 =	vmor vm10, vm4;
	vm10 =	veq.f32 v41, v37  }
0x2b0: {  	vm5 =	vmand vm5, vm11;
	vm4 =	vmand vm10, vm4;
	vm10 =	vlt.f32 v8, v32  }
0x2b1: {  	v8 =	vnsel vm4, $0x1000000, v39;
	vm4 =	vmor vm10, vm5;
	vm5 =	veq.f32 v38, v32  }
0x2b2: {  	vm10 =	vlt.s32 v12, v8;
	vm4 =	vmand vm7, vm4;
	vm5 =	vmand vm6, vm5  }
.Ltmp1:
0x2b3: {  	v8 =	vsel vm10, v12, v8;
	v11 =	vnsel vm4, $0x1000000, v11;
	vm4 =	vmor vm8, vm5;
	(pc) =	sbr.rel @p0 .LBB2_5-.Ltmp1, $4  }
0x2b4: {  	s4 =	sadd.s32 $0x40, s4;
	vm2 =	vmand vm2, vm9;
	vm5 =	vlt.s32 v8, v11;
	vm3 =	vmand vm3, vm4  }
0x2b5: {  	vm1 =	vmor vm1, vm2;
	v40 =	vld [tilespmem:s4+$0x10];
	v8 =	vsel vm5, v8, v11;
	v9 =	vnsel vm3, $0x1000000, v9  }
0x2b6: {  	vm0 =	vmand vm0, vm1;
	v38 =	vld [tilespmem:s4+$0x0];
	vm2 =	vlt.s32 v8, v9  }
0x2b7: {  	s24 =	sadd.s32 $0x40, s24;
	s25 =	sadd.s32 $0x20, s19;
	s26 =	sadd.s32 $0x30, s19;
	v43 =	vnsel vm0, $0x1000000, v10;
	v39 =	vor.u32 s19, v7;
	v41 =	vld [tilespmem:s4+$0xFFFFFFE0];
	v42 =	vsel vm2, v8, v9  }
0x2b8: {  	s19 =	sadd.s32 $0x10, s19;
	v9 =	vor.u32 s25, v7;
	v10 =	vor.u32 s26, v7;
	vm0 =	vlt.s32 v42, v43  }
0x2b9: {  	v8 =	vld [tilespmem:s4+$0xFFFFFFF0];
	vm1 =	vgt.s32 v39, v36;
	v11 =	vor.u32 s19, v7;
	v12 =	vsel vm0, v42, v43  }
0x2ba: {  	vm2 =	vgt.s32 v9, v36;
	vm3 =	vgt.s32 v10, v36;
	vm0 =	vgt.s32 v11, v36  }
0x2bb: {  	vm5 =	vlt.f32 v40, v32;
	vm6 =	veq.f32 v40, v37;
	vm9 =	veq.f32 v40, v32  }
0x2bc: {  	vm4 =	veq.f32 v38, v37;
	vm8 =	vlt.f32 v38, v32;
	vm7 =	veq.f32 v41, v32  }
0x2bd: {  	vm10 =	vlt.f32 v41, v32;
	vm15 =	veq.f32 v41, v37;
	vm1 =	vmand vm1, vm7  }
0x2be: {  	vm14 =	veq.f32 v8, v37;
	vm11 =	veq.f32 v8, v32;
	vm1 =	vmor vm10, vm1  }
0x2bf: {  	vm12 =	vlt.f32 v8, v32;
	vm0 =	vmand vm0, vm11;
	vm1 =	vmand vm15, vm1  }
0x2c0: {  	vm0 =	vmor vm12, vm0;
	v8 =	vnsel vm1, $0x1000000, v39;
	vm1 =	veq.f32 v38, v32  }
0x2c1: {  	vm0 =	vmand vm14, vm0;
	vm13 =	vlt.s32 v12, v8;
	vm1 =	vmand vm2, vm1  }
0x2c2: {  	v11 =	vnsel vm0, $0x1000000, v11;
	v8 =	vsel vm13, v12, v8;
	vm0 =	vmor vm8, vm1  }
0x2c3: {  	vm2 =	vmand vm3, vm9;
	vm1 =	vlt.s32 v8, v11;
	vm0 =	vmand vm4, vm0  }
0x2c4: {  	v8 =	vsel vm1, v8, v11;
	v9 =	vnsel vm0, $0x1000000, v9;
	vm0 =	vmor vm5, vm2  }
0x2c5: {  	vm1 =	vlt.s32 v8, v9;
	vm0 =	vmand vm6, vm0  }
0x2c6: {  	v8 =	vsel vm1, v8, v9;
	v57 =	vnsel vm0, $0x1000000, v10  }
0x2c7: {  	vm0 =	vlt.s32 v8, v57  }
0x2c8: {  	v8 =	vsel vm0, v8, v57  }
0x2c9: {  	v9 =	vperm.xlane v8, v0;
	_ =	sdelay $0x1  }
0x2ca: {  	vm0 =	vlt.s32 v8, v9  }
0x2cb: {  	v8 =	vsel vm0, v8, v9  }
0x2cc: {  	v9 =	vperm.xlane v8, v1;
	_ =	sdelay $0x1  }
0x2cd: {  	vm0 =	vlt.s32 v8, v9  }
0x2ce: {  	v8 =	vsel vm0, v8, v9  }
0x2cf: {  	v9 =	vperm.xlane v8, v2;
	_ =	sdelay $0x1  }
0x2d0: {  	vm0 =	vlt.s32 v8, v9  }
0x2d1: {  	v8 =	vsel vm0, v8, v9  }
0x2d2: {  	v9 =	vperm.xlane v8, v6;
	_ =	sdelay $0x1  }
0x2d3: {  	vm0 =	vlt.s32 v8, v9  }
0x2d4: {  	v8 =	vsel vm0, v8, v9  }
0x2d5: {  	(v2sf) =	vpush v8, $0x0;
	_ =	sdelay $0x6  }
0x2d6: {  	s3 =	sshrl.u32 s3, $0x13  }
0x2d7: {  	s2 =	sadd.s32 s3, s2  }
0x2d8: {  	s2 =	sshra.s32 s2, $0xD  }
0x2d9: {  	s28 =	sshrl.u32 s12, $0x1C;
	s2 =	sshll.u32 s2, $0x4  }
0x2da: {  	s3 =	sadd.s32 s28, s12;
	v8 =	vld [tilespmem:s2+$0x0]  }
0x2db: {  	s3 =	sand.u32 $0xFFFFFFF0, s3;
	v58 =	vld [tilespmem:s2+$0x800]  }
0x2dc: {  	s3 =	ssub.s32 s12, s3  }
0x2dd: {  	v59 =	vmov s3  }
0x2de: {  	vm0 =	veq.s32 v59, v7;
	s4 =	spop (v2sf)  }
0x2df: {  	v8 =	vsel vm0, v37, v8;
	s0 =	sadd.s32 s0, s4  }
0x2e0: {  	[tilespmem:s2+$0x0] =	vst v8;
	v8 =	vsel vm0, s0, v58  }
0x2e1: {  	[tilespmem:s2+$0x800] =	vst v8  }
0x2e2: {  	_ =	swait.ge [sflag:s6], $0x200  }
0x2e3: {  	[sflag:s6] =	ssyncset.done $0x0  }
0x2e4: {  	s2 =	simm.s32 $0x1220;
	[sflag:s6] =	ssyncadd.s32 $0xFFFFFE00  }
0x2e5: {  	v8 =	vld [tilespmem:s2+$0xFFFFFFE0]  }
0x2e6: {  	s19 =	sshll.u32 s13, $0x9  }
0x2e7: {  	s24 =	simm.s32 $0x0;
	v61 =	vimm.f32 $-Inf;
	s26 =	simm.s32 $0x10;
	s0 =	ssub.s32 s1, s19;
	v60 =	vld [tilespmem:s2+$0xFFFFFFF0]  }
0x2e8: {  	s25 =	simm.s32 $0x30;
	v62 =	vor.u32 s24, v7;
	s28 =	simm.s32 $0x20;
	v63 =	vor.u32 s26, v7;
	v36 =	vmov s0  }
0x2e9: {  	v14 =	vor.u32 s28, v7;
	v12 =	vor.u32 s25, v7;
	vm1 =	vgt.s32 v62, v36;
	v13 =	vld [tilespmem:s2+$0x0]  }
0x2ea: {  	vm3 =	vgt.s32 v14, v36;
	vm0 =	vgt.s32 v12, v36;
	vm2 =	veq.f32 v8, v33  }
0x2eb: {  	v38 =	vld [tilespmem:s2+$0x10];
	vm14 =	vlt.f32 v8, v33;
	v8 =	vmax.f32 v61, v8;
	vm1 =	vmand vm1, vm2  }
0x2ec: {  	vm15 =	veq.f32 v60, v33;
	vm2 =	vgt.s32 v63, v36;
	vm1 =	vmor vm14, vm1  }
0x2ed: {  	vm2 =	vmand vm2, vm15;
	v8 =	vsel vm1, v8, v61;
	vm1 =	vlt.f32 v60, v33  }
0x2ee: {  	vm1 =	vmor vm1, vm2;
	v9 =	vmax.f32 v8, v60;
	vm2 =	veq.f32 v13, v33  }
0x2ef: {  	s2 =	simm.s32 $0x1260;
	v39 =	vsel vm1, v9, v8;
	vm1 =	vlt.f32 v13, v33;
	vm2 =	vmand vm3, vm2  }
0x2f0: {  	s3 =	simm.s32 $0x40;
	s4 =	simm.s32 $0x80;
	v37 =	vld [tilespmem:s2+$0xFFFFFFE0];
	vm1 =	vmor vm1, vm2;
	v40 =	vmax.f32 v39, v13;
	vm2 =	veq.f32 v38, v33  }
.LBB2_7:
0x2f1: {  	p0 =	sne.s32 s4, $0x1C0;
	v8 =	vsel vm1, v40, v39;
	vm1 =	vlt.f32 v38, v33;
	vm0 =	vmand vm0, vm2  }
0x2f2: {  	s19 =	sadd.s32 $0x30, s3;
	v9 =	vld [tilespmem:s2+$0xFFFFFFF0];
	vm0 =	vmor vm1, vm0;
	v10 =	vmax.f32 v8, v38  }
0x2f3: {  	v11 =	vor.u32 s3, v7;
	s24 =	sadd.s32 $0x10, s3;
	s25 =	sadd.s32 $0x20, s3;
	s3 =	smov.u32 s4;
	v12 =	vor.u32 s19, v7;
	v8 =	vsel vm0, v10, v8  }
0x2f4: {  	vm1 =	vgt.s32 v11, v36;
	v13 =	vor.u32 s25, v7;
	v10 =	vor.u32 s24, v7;
	v11 =	vld [tilespmem:s2+$0x0]  }
0x2f5: {  	vm3 =	vgt.s32 v13, v36;
	vm0 =	vgt.s32 v12, v36;
	vm2 =	veq.f32 v37, v33  }
0x2f6: {  	vm4 =	vlt.f32 v37, v33;
	vm1 =	vmand vm1, vm2;
	vm2 =	vgt.s32 v10, v36;
	v38 =	vld [tilespmem:s2+$0x10]  }
.Ltmp2:
0x2f7: {  	v10 =	vmax.f32 v8, v37;
	vm1 =	vmor vm4, vm1;
	vm4 =	veq.f32 v9, v33;
	(pc) =	sbr.rel @p0 .LBB2_7-.Ltmp2, $4  }
0x2f8: {  	v8 =	vsel vm1, v10, v8;
	vm1 =	vlt.f32 v9, v33;
	vm2 =	vmand vm2, vm4  }
0x2f9: {  	vm1 =	vmor vm1, vm2;
	v9 =	vmax.f32 v8, v9;
	vm2 =	veq.f32 v11, v33  }
0x2fa: {  	s2 =	sadd.s32 $0x40, s2;
	v39 =	vsel vm1, v9, v8;
	vm1 =	vlt.f32 v11, v33;
	vm2 =	vmand vm3, vm2  }
0x2fb: {  	s4 =	sadd.s32 $0x40, s4;
	v37 =	vld [tilespmem:s2+$0xFFFFFFE0];
	vm1 =	vmor vm1, vm2;
	v40 =	vmax.f32 v39, v11;
	vm2 =	veq.f32 v38, v33  }
0x2fc: {  	vm10 =	vlt.f32 v38, v33;
	vm0 =	vmand vm0, vm2  }
0x2fd: {  	v8 =	vsel vm1, v40, v39;
	v9 =	vld [tilespmem:s2+$0xFFFFFFF0];
	s4 =	sadd.s32 $0x30, s3;
	v11 =	vor.u32 s3, v7;
	vm0 =	vmor vm10, vm0  }
0x2fe: {  	s19 =	sadd.s32 $0x10, s3;
	s28 =	sadd.s32 $0x20, s3;
	v10 =	vmax.f32 v8, v38;
	v12 =	vor.u32 s4, v7;
	vm11 =	vgt.s32 v11, v36  }
0x2ff: {  	v56 =	vld [tilespmem:s2+$0x0];
	v55 =	vor.u32 s19, v7;
	v13 =	vor.u32 s28, v7;
	v8 =	vsel vm0, v10, v8  }
0x300: {  	vm13 =	vgt.s32 v13, v36;
	vm3 =	vgt.s32 v12, v36;
	vm12 =	veq.f32 v37, v33  }
0x301: {  	v57 =	vld [tilespmem:s2+$0x10];
	vm14 =	vgt.s32 v55, v36;
	vm4 =	vlt.f32 v37, v33;
	vm0 =	vmand vm11, vm12  }
0x302: {  	v12 =	vmax.f32 v8, v37;
	vm15 =	veq.f32 v9, v33;
	vm0 =	vmor vm4, vm0  }
0x303: {  	vm8 =	vlt.f32 v9, v33;
	vm1 =	vmand vm14, vm15;
	v8 =	vsel vm0, v12, v8  }
0x304: {  	vm9 =	veq.f32 v56, v33;
	vm0 =	vmor vm8, vm1;
	v9 =	vmax.f32 v8, v9  }
0x305: {  	vm10 =	vlt.f32 v56, v33;
	vm1 =	vmand vm13, vm9;
	v8 =	vsel vm0, v9, v8  }
0x306: {  	vm11 =	veq.f32 v57, v33;
	vm0 =	vmor vm10, vm1;
	v9 =	vmax.f32 v8, v56  }
0x307: {  	vm12 =	vlt.f32 v57, v33;
	vm1 =	vmand vm3, vm11;
	v8 =	vsel vm0, v9, v8  }
0x308: {  	vm0 =	vmor vm12, vm1;
	v9 =	vmax.f32 v8, v57  }
0x309: {  	v8 =	vsel vm0, v9, v8  }
0x30a: {  	v9 =	vperm.xlane v8, v0;
	_ =	sdelay $0x1  }
0x30b: {  	v8 =	vmax.f32 v8, v9  }
0x30c: {  	v9 =	vperm.xlane v8, v1;
	_ =	sdelay $0x1  }
0x30d: {  	v8 =	vmax.f32 v8, v9  }
0x30e: {  	v9 =	vperm.xlane v8, v2;
	_ =	sdelay $0x1  }
0x30f: {  	s19 =	simm.s32 $0x1220;
	v8 =	vmax.f32 v8, v9  }
0x310: {  	v58 =	vld [tilespmem:s19+$0x10];
	v9 =	vperm.xlane v8, v6  }
0x311: {  	v59 =	vld [tilespmem:s19+$0x0]  }
0x312: {  	v13 =	vld [tilespmem:s19+$0xFFFFFFF0];
	v8 =	vmax.f32 v8, v9  }
0x313: {  	s26 =	simm.s32 $0x30;
	s28 =	simm.s32 $0x10;
	v37 =	vbroadcast v8, $0x0;
	v8 =	vld [tilespmem:s19+$0xFFFFFFE0]  }
0x314: {  	s25 =	simm.s32 $0x20;
	v60 =	vimm.s32 $0x1000000;
	v43 =	vor.u32 s26, v7;
	v61 =	vor.u32 s28, v7  }
0x315: {  	s24 =	simm.s32 $0x0;
	v14 =	vor.u32 s25, v7;
	vm14 =	vgt.s32 v61, v36;
	vm4 =	vgt.s32 v43, v36  }
0x316: {  	v12 =	vor.u32 s24, v7;
	vm6 =	vlt.f32 v58, v33;
	vm8 =	vlt.f32 v59, v33  }
0x317: {  	vm9 =	veq.f32 v58, v33;
	vm13 =	vgt.s32 v12, v36;
	vm11 =	veq.f32 v13, v33  }
0x318: {  	vm3 =	vgt.s32 v14, v36;
	vm2 =	vmand vm14, vm11;
	vm7 =	veq.f32 v8, v33  }
0x319: {  	vm14 =	veq.f32 v59, v33;
	vm10 =	vlt.f32 v8, v33;
	vm1 =	vmand vm13, vm7  }
0x31a: {  	vm12 =	vlt.f32 v13, v33;
	vm15 =	veq.f32 v8, v37;
	vm1 =	vmor vm10, vm1  }
0x31b: {  	vm5 =	veq.f32 v59, v37;
	vm0 =	veq.f32 v58, v37;
	vm1 =	vmand vm15, vm1  }
0x31c: {  	vm7 =	veq.f32 v13, v37;
	vm13 =	vmor vm12, vm2;
	v8 =	vnsel vm1, $0x1000000, v12  }
0x31d: {  	vm2 =	vmand vm3, vm14;
	vm1 =	vmand vm7, vm13;
	vm15 =	vlt.s32 v60, v8  }
0x31e: {  	vm12 =	vmor vm8, vm2;
	v62 =	vnsel vm1, $0x1000000, v61;
	v8 =	vsel vm15, v60, v8  }
0x31f: {  	s2 =	simm.s32 $0x1260;
	vm14 =	vmand vm4, vm9;
	vm1 =	vmand vm5, vm12;
	vm13 =	vlt.s32 v8, v62  }
0x320: {  	v40 =	vld [tilespmem:s2+$0x10];
	v63 =	vnsel vm1, $0x1000000, v14;
	vm15 =	vmor vm6, vm14;
	v8 =	vsel vm13, v8, v62  }
0x321: {  	s3 =	simm.s32 $0x40;
	v38 =	vld [tilespmem:s2+$0x0];
	vm0 =	vmand vm0, vm15;
	vm2 =	vlt.s32 v8, v63  }
0x322: {  	v41 =	vld [tilespmem:s2+$0xFFFFFFE0];
	v39 =	vor.u32 s3, v7;
	s4 =	simm.s32 $0x80;
	s24 =	simm.s32 $0x70;
	s19 =	simm.s32 $0x60;
	v43 =	vnsel vm0, $0x1000000, v43;
	v42 =	vsel vm2, v8, v63  }
.LBB2_9:
0x323: {  	p0 =	sne.s32 s4, $0x1C0;
	s25 =	sadd.s32 $0x10, s3;
	v8 =	vld [tilespmem:s2+$0xFFFFFFF0];
	v9 =	vor.u32 s19, v7;
	v10 =	vor.u32 s24, v7;
	vm0 =	vlt.s32 v42, v43;
	s3 =	smov.u32 s4  }
0x324: {  	vm4 =	vgt.s32 v39, v36;
	v11 =	vor.u32 s25, v7;
	v12 =	vsel vm0, v42, v43  }
0x325: {  	vm6 =	vgt.s32 v9, v36;
	vm2 =	vgt.s32 v10, v36;
	vm5 =	vgt.s32 v11, v36  }
0x326: {  	vm1 =	vlt.f32 v40, v33;
	vm0 =	veq.f32 v40, v37;
	vm3 =	veq.f32 v38, v37  }
0x327: {  	vm9 =	veq.f32 v40, v33;
	vm8 =	vlt.f32 v38, v33;
	vm7 =	veq.f32 v41, v33  }
0x328: {  	vm10 =	vlt.f32 v41, v33;
	vm4 =	vmand vm4, vm7;
	vm7 =	veq.f32 v8, v37  }
0x329: {  	vm11 =	veq.f32 v8, v33;
	vm4 =	vmor vm10, vm4;
	vm10 =	veq.f32 v41, v37  }
0x32a: {  	vm5 =	vmand vm5, vm11;
	vm4 =	vmand vm10, vm4;
	vm10 =	vlt.f32 v8, v33  }
0x32b: {  	v8 =	vnsel vm4, $0x1000000, v39;
	vm4 =	vmor vm10, vm5;
	vm5 =	veq.f32 v38, v33  }
0x32c: {  	vm10 =	vlt.s32 v12, v8;
	vm4 =	vmand vm7, vm4;
	vm5 =	vmand vm6, vm5  }
.Ltmp3:
0x32d: {  	v8 =	vsel vm10, v12, v8;
	v11 =	vnsel vm4, $0x1000000, v11;
	vm4 =	vmor vm8, vm5;
	(pc) =	sbr.rel @p0 .LBB2_9-.Ltmp3, $4  }
0x32e: {  	s2 =	sadd.s32 $0x40, s2;
	vm2 =	vmand vm2, vm9;
	vm5 =	vlt.s32 v8, v11;
	vm3 =	vmand vm3, vm4  }
0x32f: {  	vm1 =	vmor vm1, vm2;
	v40 =	vld [tilespmem:s2+$0x10];
	v8 =	vsel vm5, v8, v11;
	v9 =	vnsel vm3, $0x1000000, v9  }
0x330: {  	vm0 =	vmand vm0, vm1;
	v38 =	vld [tilespmem:s2+$0x0];
	vm2 =	vlt.s32 v8, v9  }
0x331: {  	s4 =	sadd.s32 $0x40, s4;
	s19 =	sadd.s32 $0x20, s3;
	s24 =	sadd.s32 $0x30, s3;
	v43 =	vnsel vm0, $0x1000000, v10;
	v39 =	vor.u32 s3, v7;
	v41 =	vld [tilespmem:s2+$0xFFFFFFE0];
	v42 =	vsel vm2, v8, v9  }
0x332: {  	s3 =	sadd.s32 $0x10, s3;
	v9 =	vor.u32 s19, v7;
	v10 =	vor.u32 s24, v7;
	vm0 =	vlt.s32 v42, v43  }
0x333: {  	v8 =	vld [tilespmem:s2+$0xFFFFFFF0];
	vm1 =	vgt.s32 v39, v36;
	v11 =	vor.u32 s3, v7;
	v12 =	vsel vm0, v42, v43  }
0x334: {  	vm2 =	vgt.s32 v9, v36;
	vm3 =	vgt.s32 v10, v36;
	vm0 =	vgt.s32 v11, v36  }
0x335: {  	vm5 =	vlt.f32 v40, v33;
	vm6 =	veq.f32 v40, v37;
	vm9 =	veq.f32 v40, v33  }
0x336: {  	vm4 =	veq.f32 v38, v37;
	vm8 =	vlt.f32 v38, v33;
	vm7 =	veq.f32 v41, v33  }
0x337: {  	vm10 =	vlt.f32 v41, v33;
	vm15 =	veq.f32 v41, v37;
	vm1 =	vmand vm1, vm7  }
0x338: {  	vm14 =	veq.f32 v8, v37;
	vm11 =	veq.f32 v8, v33;
	vm1 =	vmor vm10, vm1  }
0x339: {  	vm12 =	vlt.f32 v8, v33;
	vm0 =	vmand vm0, vm11;
	vm1 =	vmand vm15, vm1  }
0x33a: {  	vm0 =	vmor vm12, vm0;
	v8 =	vnsel vm1, $0x1000000, v39;
	vm1 =	veq.f32 v38, v33  }
0x33b: {  	vm0 =	vmand vm14, vm0;
	vm13 =	vlt.s32 v12, v8;
	vm1 =	vmand vm2, vm1  }
0x33c: {  	v11 =	vnsel vm0, $0x1000000, v11;
	v8 =	vsel vm13, v12, v8;
	vm0 =	vmor vm8, vm1  }
0x33d: {  	vm2 =	vmand vm3, vm9;
	vm1 =	vlt.s32 v8, v11;
	vm0 =	vmand vm4, vm0  }
0x33e: {  	v8 =	vsel vm1, v8, v11;
	v9 =	vnsel vm0, $0x1000000, v9;
	vm0 =	vmor vm5, vm2  }
0x33f: {  	vm1 =	vlt.s32 v8, v9;
	vm0 =	vmand vm6, vm0  }
0x340: {  	v8 =	vsel vm1, v8, v9;
	v57 =	vnsel vm0, $0x1000000, v10  }
0x341: {  	vm0 =	vlt.s32 v8, v57  }
0x342: {  	v8 =	vsel vm0, v8, v57  }
0x343: {  	v9 =	vperm.xlane v8, v0;
	_ =	sdelay $0x1  }
0x344: {  	vm0 =	vlt.s32 v8, v9  }
0x345: {  	v8 =	vsel vm0, v8, v9  }
0x346: {  	v9 =	vperm.xlane v8, v1;
	_ =	sdelay $0x1  }
0x347: {  	vm0 =	vlt.s32 v8, v9  }
0x348: {  	v8 =	vsel vm0, v8, v9  }
0x349: {  	v9 =	vperm.xlane v8, v2;
	_ =	sdelay $0x1  }
0x34a: {  	vm0 =	vlt.s32 v8, v9  }
0x34b: {  	v8 =	vsel vm0, v8, v9  }
0x34c: {  	v9 =	vperm.xlane v8, v6;
	_ =	sdelay $0x1  }
0x34d: {  	vm0 =	vlt.s32 v8, v9  }
0x34e: {  	v8 =	vsel vm0, v8, v9  }
0x34f: {  	(v2sf) =	vpush v8, $0x0;
	_ =	sdelay $0x6  }
0x350: {  	s3 =	sshrl.u32 s10, $0x13  }
0x351: {  	s1 =	sadd.s32 s3, s1  }
0x352: {  	s1 =	sshra.s32 s1, $0xD  }
0x353: {  	s4 =	sshrl.u32 s13, $0x1C;
	s1 =	sshll.u32 s1, $0x4  }
0x354: {  	s2 =	sadd.s32 s4, s13;
	v8 =	vld [tilespmem:s1+$0x200]  }
0x355: {  	s2 =	sand.u32 $0xFFFFFFF0, s2;
	v58 =	vld [tilespmem:s1+$0xA00]  }
0x356: {  	s2 =	ssub.s32 s13, s2  }
0x357: {  	v59 =	vmov s2  }
0x358: {  	vm0 =	veq.s32 v59, v7;
	s10 =	spop (v2sf)  }
0x359: {  	v8 =	vsel vm0, v37, v8;
	s2 =	sadd.s32 s9, s10  }
0x35a: {  	[tilespmem:s1+$0x200] =	vst v8;
	v8 =	vsel vm0, s2, v58  }
0x35b: {  	[tilespmem:s1+$0xA00] =	vst v8  }
0x35c: {  	_ =	swait.ge [sflag:s7], $0x200  }
0x35d: {  	[sflag:s7] =	ssyncset.done $0x0  }
0x35e: {  	s19 =	simm.s32 $0x1420;
	[sflag:s7] =	ssyncadd.s32 $0xFFFFFE00  }
0x35f: {  	v8 =	vld [tilespmem:s19+$0xFFFFFFE0]  }
0x360: {  	s24 =	sshll.u32 s14, $0x9  }
0x361: {  	s25 =	simm.s32 $0x0;
	v61 =	vimm.f32 $-Inf;
	s26 =	simm.s32 $0x10;
	s1 =	ssub.s32 s22, s24;
	v60 =	vld [tilespmem:s19+$0xFFFFFFF0]  }
0x362: {  	s28 =	simm.s32 $0x20;
	s4 =	simm.s32 $0x30;
	v62 =	vor.u32 s25, v7;
	v63 =	vor.u32 s26, v7;
	v36 =	vmov s1  }
0x363: {  	v14 =	vor.u32 s28, v7;
	v12 =	vor.u32 s4, v7;
	vm1 =	vgt.s32 v62, v36;
	v13 =	vld [tilespmem:s19+$0x0]  }
0x364: {  	vm3 =	vgt.s32 v14, v36;
	vm0 =	vgt.s32 v12, v36;
	vm2 =	veq.f32 v8, v34  }
0x365: {  	v38 =	vld [tilespmem:s19+$0x10];
	vm14 =	vlt.f32 v8, v34;
	v8 =	vmax.f32 v61, v8;
	vm1 =	vmand vm1, vm2  }
0x366: {  	vm15 =	veq.f32 v60, v34;
	vm2 =	vgt.s32 v63, v36;
	vm1 =	vmor vm14, vm1  }
0x367: {  	vm2 =	vmand vm2, vm15;
	v8 =	vsel vm1, v8, v61;
	vm1 =	vlt.f32 v60, v34  }
0x368: {  	vm1 =	vmor vm1, vm2;
	v9 =	vmax.f32 v8, v60;
	vm2 =	veq.f32 v13, v34  }
0x369: {  	s2 =	simm.s32 $0x1460;
	v39 =	vsel vm1, v9, v8;
	vm1 =	vlt.f32 v13, v34;
	vm2 =	vmand vm3, vm2  }
0x36a: {  	s3 =	simm.s32 $0x40;
	s4 =	simm.s32 $0x80;
	v37 =	vld [tilespmem:s2+$0xFFFFFFE0];
	vm1 =	vmor vm1, vm2;
	v40 =	vmax.f32 v39, v13;
	vm2 =	veq.f32 v38, v34  }
.LBB2_11:
0x36b: {  	p0 =	sne.s32 s4, $0x1C0;
	v8 =	vsel vm1, v40, v39;
	vm1 =	vlt.f32 v38, v34;
	vm0 =	vmand vm0, vm2  }
0x36c: {  	s9 =	sadd.s32 $0x30, s3;
	v9 =	vld [tilespmem:s2+$0xFFFFFFF0];
	vm0 =	vmor vm1, vm0;
	v10 =	vmax.f32 v8, v38  }
0x36d: {  	v11 =	vor.u32 s3, v7;
	s10 =	sadd.s32 $0x10, s3;
	s19 =	sadd.s32 $0x20, s3;
	s3 =	smov.u32 s4;
	v12 =	vor.u32 s9, v7;
	v8 =	vsel vm0, v10, v8  }
0x36e: {  	vm1 =	vgt.s32 v11, v36;
	v13 =	vor.u32 s19, v7;
	v10 =	vor.u32 s10, v7;
	v11 =	vld [tilespmem:s2+$0x0]  }
0x36f: {  	vm3 =	vgt.s32 v13, v36;
	vm0 =	vgt.s32 v12, v36;
	vm2 =	veq.f32 v37, v34  }
0x370: {  	vm4 =	vlt.f32 v37, v34;
	vm1 =	vmand vm1, vm2;
	vm2 =	vgt.s32 v10, v36;
	v38 =	vld [tilespmem:s2+$0x10]  }
.Ltmp4:
0x371: {  	v10 =	vmax.f32 v8, v37;
	vm1 =	vmor vm4, vm1;
	vm4 =	veq.f32 v9, v34;
	(pc) =	sbr.rel @p0 .LBB2_11-.Ltmp4, $4  }
0x372: {  	v8 =	vsel vm1, v10, v8;
	vm1 =	vlt.f32 v9, v34;
	vm2 =	vmand vm2, vm4  }
0x373: {  	vm1 =	vmor vm1, vm2;
	v9 =	vmax.f32 v8, v9;
	vm2 =	veq.f32 v11, v34  }
0x374: {  	s2 =	sadd.s32 $0x40, s2;
	v39 =	vsel vm1, v9, v8;
	vm1 =	vlt.f32 v11, v34;
	vm2 =	vmand vm3, vm2  }
0x375: {  	s4 =	sadd.s32 $0x40, s4;
	v37 =	vld [tilespmem:s2+$0xFFFFFFE0];
	vm1 =	vmor vm1, vm2;
	v40 =	vmax.f32 v39, v11;
	vm2 =	veq.f32 v38, v34  }
0x376: {  	vm10 =	vlt.f32 v38, v34;
	vm0 =	vmand vm0, vm2  }
0x377: {  	v8 =	vsel vm1, v40, v39;
	v9 =	vld [tilespmem:s2+$0xFFFFFFF0];
	s4 =	sadd.s32 $0x30, s3;
	v11 =	vor.u32 s3, v7;
	vm0 =	vmor vm10, vm0  }
0x378: {  	s9 =	sadd.s32 $0x10, s3;
	s10 =	sadd.s32 $0x20, s3;
	v10 =	vmax.f32 v8, v38;
	v12 =	vor.u32 s4, v7;
	vm11 =	vgt.s32 v11, v36  }
0x379: {  	v56 =	vld [tilespmem:s2+$0x0];
	v55 =	vor.u32 s9, v7;
	v13 =	vor.u32 s10, v7;
	v8 =	vsel vm0, v10, v8  }
0x37a: {  	vm13 =	vgt.s32 v13, v36;
	vm3 =	vgt.s32 v12, v36;
	vm12 =	veq.f32 v37, v34  }
0x37b: {  	v57 =	vld [tilespmem:s2+$0x10];
	vm14 =	vgt.s32 v55, v36;
	vm4 =	vlt.f32 v37, v34;
	vm0 =	vmand vm11, vm12  }
0x37c: {  	v12 =	vmax.f32 v8, v37;
	vm15 =	veq.f32 v9, v34;
	vm0 =	vmor vm4, vm0  }
0x37d: {  	vm8 =	vlt.f32 v9, v34;
	vm1 =	vmand vm14, vm15;
	v8 =	vsel vm0, v12, v8  }
0x37e: {  	vm9 =	veq.f32 v56, v34;
	vm0 =	vmor vm8, vm1;
	v9 =	vmax.f32 v8, v9  }
0x37f: {  	vm10 =	vlt.f32 v56, v34;
	vm1 =	vmand vm13, vm9;
	v8 =	vsel vm0, v9, v8  }
0x380: {  	vm11 =	veq.f32 v57, v34;
	vm0 =	vmor vm10, vm1;
	v9 =	vmax.f32 v8, v56  }
0x381: {  	vm12 =	vlt.f32 v57, v34;
	vm1 =	vmand vm3, vm11;
	v8 =	vsel vm0, v9, v8  }
0x382: {  	vm0 =	vmor vm12, vm1;
	v9 =	vmax.f32 v8, v57  }
0x383: {  	v8 =	vsel vm0, v9, v8  }
0x384: {  	v9 =	vperm.xlane v8, v0;
	_ =	sdelay $0x1  }
0x385: {  	v8 =	vmax.f32 v8, v9  }
0x386: {  	v9 =	vperm.xlane v8, v1;
	_ =	sdelay $0x1  }
0x387: {  	v8 =	vmax.f32 v8, v9  }
0x388: {  	v9 =	vperm.xlane v8, v2;
	_ =	sdelay $0x1  }
0x389: {  	s19 =	simm.s32 $0x1420;
	v8 =	vmax.f32 v8, v9  }
0x38a: {  	v58 =	vld [tilespmem:s19+$0x10];
	v9 =	vperm.xlane v8, v6  }
0x38b: {  	v59 =	vld [tilespmem:s19+$0x0]  }
0x38c: {  	v13 =	vld [tilespmem:s19+$0xFFFFFFF0];
	v8 =	vmax.f32 v8, v9  }
0x38d: {  	s26 =	simm.s32 $0x30;
	s28 =	simm.s32 $0x10;
	v37 =	vbroadcast v8, $0x0;
	v8 =	vld [tilespmem:s19+$0xFFFFFFE0]  }
0x38e: {  	s25 =	simm.s32 $0x20;
	v60 =	vimm.s32 $0x1000000;
	v43 =	vor.u32 s26, v7;
	v61 =	vor.u32 s28, v7  }
0x38f: {  	s24 =	simm.s32 $0x0;
	v14 =	vor.u32 s25, v7;
	vm14 =	vgt.s32 v61, v36;
	vm4 =	vgt.s32 v43, v36  }
0x390: {  	vm6 =	vlt.f32 v58, v34;
	v12 =	vor.u32 s24, v7;
	vm8 =	vlt.f32 v59, v34  }
0x391: {  	vm9 =	veq.f32 v58, v34;
	vm13 =	vgt.s32 v12, v36;
	vm11 =	veq.f32 v13, v34  }
0x392: {  	vm3 =	vgt.s32 v14, v36;
	vm2 =	vmand vm14, vm11;
	vm7 =	veq.f32 v8, v34  }
0x393: {  	vm14 =	veq.f32 v59, v34;
	vm10 =	vlt.f32 v8, v34;
	vm1 =	vmand vm13, vm7  }
0x394: {  	vm12 =	vlt.f32 v13, v34;
	vm15 =	veq.f32 v8, v37;
	vm1 =	vmor vm10, vm1  }
0x395: {  	vm5 =	veq.f32 v59, v37;
	vm0 =	veq.f32 v58, v37;
	vm1 =	vmand vm15, vm1  }
0x396: {  	vm7 =	veq.f32 v13, v37;
	vm13 =	vmor vm12, vm2;
	v8 =	vnsel vm1, $0x1000000, v12  }
0x397: {  	vm2 =	vmand vm3, vm14;
	vm1 =	vmand vm7, vm13;
	vm15 =	vlt.s32 v60, v8  }
0x398: {  	vm12 =	vmor vm8, vm2;
	v62 =	vnsel vm1, $0x1000000, v61;
	v8 =	vsel vm15, v60, v8  }
0x399: {  	s2 =	simm.s32 $0x1460;
	vm14 =	vmand vm4, vm9;
	vm1 =	vmand vm5, vm12;
	vm13 =	vlt.s32 v8, v62  }
0x39a: {  	v40 =	vld [tilespmem:s2+$0x10];
	v63 =	vnsel vm1, $0x1000000, v14;
	vm15 =	vmor vm6, vm14;
	v8 =	vsel vm13, v8, v62  }
0x39b: {  	s3 =	simm.s32 $0x40;
	v38 =	vld [tilespmem:s2+$0x0];
	vm0 =	vmand vm0, vm15;
	vm2 =	vlt.s32 v8, v63  }
0x39c: {  	v41 =	vld [tilespmem:s2+$0xFFFFFFE0];
	v39 =	vor.u32 s3, v7;
	s9 =	simm.s32 $0x60;
	s10 =	simm.s32 $0x70;
	s4 =	simm.s32 $0x80;
	v43 =	vnsel vm0, $0x1000000, v43;
	v42 =	vsel vm2, v8, v63  }
.LBB2_13:
0x39d: {  	p0 =	sne.s32 s4, $0x1C0;
	s19 =	sadd.s32 $0x10, s3;
	v8 =	vld [tilespmem:s2+$0xFFFFFFF0];
	v9 =	vor.u32 s9, v7;
	v10 =	vor.u32 s10, v7;
	vm0 =	vlt.s32 v42, v43;
	s3 =	smov.u32 s4  }
0x39e: {  	vm4 =	vgt.s32 v39, v36;
	v11 =	vor.u32 s19, v7;
	v12 =	vsel vm0, v42, v43  }
0x39f: {  	vm6 =	vgt.s32 v9, v36;
	vm2 =	vgt.s32 v10, v36;
	vm5 =	vgt.s32 v11, v36  }
0x3a0: {  	vm1 =	vlt.f32 v40, v34;
	vm0 =	veq.f32 v40, v37;
	vm3 =	veq.f32 v38, v37  }
0x3a1: {  	vm9 =	veq.f32 v40, v34;
	vm8 =	vlt.f32 v38, v34;
	vm7 =	veq.f32 v41, v34  }
0x3a2: {  	vm10 =	vlt.f32 v41, v34;
	vm4 =	vmand vm4, vm7;
	vm7 =	veq.f32 v8, v37  }
0x3a3: {  	vm11 =	veq.f32 v8, v34;
	vm4 =	vmor vm10, vm4;
	vm10 =	veq.f32 v41, v37  }
0x3a4: {  	vm5 =	vmand vm5, vm11;
	vm4 =	vmand vm10, vm4;
	vm10 =	vlt.f32 v8, v34  }
0x3a5: {  	v8 =	vnsel vm4, $0x1000000, v39;
	vm4 =	vmor vm10, vm5;
	vm5 =	veq.f32 v38, v34  }
0x3a6: {  	vm10 =	vlt.s32 v12, v8;
	vm4 =	vmand vm7, vm4;
	vm5 =	vmand vm6, vm5  }
.Ltmp5:
0x3a7: {  	v8 =	vsel vm10, v12, v8;
	v11 =	vnsel vm4, $0x1000000, v11;
	vm4 =	vmor vm8, vm5;
	(pc) =	sbr.rel @p0 .LBB2_13-.Ltmp5, $4  }
0x3a8: {  	s2 =	sadd.s32 $0x40, s2;
	vm2 =	vmand vm2, vm9;
	vm5 =	vlt.s32 v8, v11;
	vm3 =	vmand vm3, vm4  }
0x3a9: {  	vm1 =	vmor vm1, vm2;
	v40 =	vld [tilespmem:s2+$0x10];
	v8 =	vsel vm5, v8, v11;
	v9 =	vnsel vm3, $0x1000000, v9  }
0x3aa: {  	vm0 =	vmand vm0, vm1;
	v38 =	vld [tilespmem:s2+$0x0];
	vm2 =	vlt.s32 v8, v9  }
0x3ab: {  	s4 =	sadd.s32 $0x40, s4;
	s9 =	sadd.s32 $0x20, s3;
	s10 =	sadd.s32 $0x30, s3;
	v43 =	vnsel vm0, $0x1000000, v10;
	v39 =	vor.u32 s3, v7;
	v41 =	vld [tilespmem:s2+$0xFFFFFFE0];
	v42 =	vsel vm2, v8, v9  }
0x3ac: {  	s3 =	sadd.s32 $0x10, s3;
	v9 =	vor.u32 s9, v7;
	v10 =	vor.u32 s10, v7;
	vm0 =	vlt.s32 v42, v43  }
0x3ad: {  	v8 =	vld [tilespmem:s2+$0xFFFFFFF0];
	vm1 =	vgt.s32 v39, v36;
	v11 =	vor.u32 s3, v7;
	v12 =	vsel vm0, v42, v43  }
0x3ae: {  	vm2 =	vgt.s32 v9, v36;
	vm3 =	vgt.s32 v10, v36;
	vm0 =	vgt.s32 v11, v36  }
0x3af: {  	vm5 =	vlt.f32 v40, v34;
	vm6 =	veq.f32 v40, v37;
	vm9 =	veq.f32 v40, v34  }
0x3b0: {  	vm4 =	veq.f32 v38, v37;
	vm8 =	vlt.f32 v38, v34;
	vm7 =	veq.f32 v41, v34  }
0x3b1: {  	vm10 =	vlt.f32 v41, v34;
	vm15 =	veq.f32 v41, v37;
	vm1 =	vmand vm1, vm7  }
0x3b2: {  	vm14 =	veq.f32 v8, v37;
	vm11 =	veq.f32 v8, v34;
	vm1 =	vmor vm10, vm1  }
0x3b3: {  	vm12 =	vlt.f32 v8, v34;
	vm0 =	vmand vm0, vm11;
	vm1 =	vmand vm15, vm1  }
0x3b4: {  	vm0 =	vmor vm12, vm0;
	v8 =	vnsel vm1, $0x1000000, v39;
	vm1 =	veq.f32 v38, v34  }
0x3b5: {  	vm0 =	vmand vm14, vm0;
	vm13 =	vlt.s32 v12, v8;
	vm1 =	vmand vm2, vm1  }
0x3b6: {  	v11 =	vnsel vm0, $0x1000000, v11;
	v8 =	vsel vm13, v12, v8;
	vm0 =	vmor vm8, vm1  }
0x3b7: {  	vm2 =	vmand vm3, vm9;
	vm1 =	vlt.s32 v8, v11;
	vm0 =	vmand vm4, vm0  }
0x3b8: {  	v8 =	vsel vm1, v8, v11;
	v9 =	vnsel vm0, $0x1000000, v9;
	vm0 =	vmor vm5, vm2  }
0x3b9: {  	vm1 =	vlt.s32 v8, v9;
	vm0 =	vmand vm6, vm0  }
0x3ba: {  	v8 =	vsel vm1, v8, v9;
	v57 =	vnsel vm0, $0x1000000, v10  }
0x3bb: {  	vm0 =	vlt.s32 v8, v57  }
0x3bc: {  	v8 =	vsel vm0, v8, v57  }
0x3bd: {  	v9 =	vperm.xlane v8, v0;
	_ =	sdelay $0x1  }
0x3be: {  	vm0 =	vlt.s32 v8, v9  }
0x3bf: {  	v8 =	vsel vm0, v8, v9  }
0x3c0: {  	v9 =	vperm.xlane v8, v1;
	_ =	sdelay $0x1  }
0x3c1: {  	vm0 =	vlt.s32 v8, v9  }
0x3c2: {  	v8 =	vsel vm0, v8, v9  }
0x3c3: {  	v9 =	vperm.xlane v8, v2;
	_ =	sdelay $0x1  }
0x3c4: {  	vm0 =	vlt.s32 v8, v9  }
0x3c5: {  	v8 =	vsel vm0, v8, v9  }
0x3c6: {  	v9 =	vperm.xlane v8, v6;
	_ =	sdelay $0x1  }
0x3c7: {  	vm0 =	vlt.s32 v8, v9  }
0x3c8: {  	v8 =	vsel vm0, v8, v9  }
0x3c9: {  	(v2sf) =	vpush v8, $0x0;
	_ =	sdelay $0x6  }
0x3ca: {  	s10 =	sshrl.u32 s29, $0x13  }
0x3cb: {  	s2 =	sadd.s32 s10, s22  }
0x3cc: {  	s2 =	sshra.s32 s2, $0xD  }
0x3cd: {  	s19 =	sshrl.u32 s14, $0x1C;
	s2 =	sshll.u32 s2, $0x4  }
0x3ce: {  	s3 =	sadd.s32 s19, s14;
	v8 =	vld [tilespmem:s2+$0x400]  }
0x3cf: {  	s3 =	sand.u32 $0xFFFFFFF0, s3;
	v58 =	vld [tilespmem:s2+$0xC00]  }
0x3d0: {  	s3 =	ssub.s32 s14, s3  }
0x3d1: {  	v59 =	vmov s3  }
0x3d2: {  	vm0 =	veq.s32 v59, v7;
	s22 =	spop (v2sf)  }
0x3d3: {  	v8 =	vsel vm0, v37, v8;
	s3 =	sadd.s32 s21, s22  }
0x3d4: {  	[tilespmem:s2+$0x400] =	vst v8;
	v8 =	vsel vm0, s3, v58  }
0x3d5: {  	[tilespmem:s2+$0xC00] =	vst v8  }
0x3d6: {  	_ =	swait.ge [sflag:s8], $0x200  }
0x3d7: {  	[sflag:s8] =	ssyncset.done $0x0  }
0x3d8: {  	s24 =	simm.s32 $0x1620;
	[sflag:s8] =	ssyncadd.s32 $0xFFFFFE00  }
0x3d9: {  	v8 =	vld [tilespmem:s24+$0xFFFFFFE0]  }
0x3da: {  	s25 =	sshll.u32 s15, $0x9  }
0x3db: {  	s4 =	simm.s32 $0x0;
	v61 =	vimm.f32 $-Inf;
	s28 =	simm.s32 $0x10;
	s2 =	ssub.s32 s17, s25;
	v60 =	vld [tilespmem:s24+$0xFFFFFFF0]  }
0x3dc: {  	s26 =	simm.s32 $0x30;
	s29 =	simm.s32 $0x20;
	v62 =	vor.u32 s4, v7;
	v63 =	vor.u32 s28, v7;
	v36 =	vmov s2  }
0x3dd: {  	v14 =	vor.u32 s29, v7;
	v12 =	vor.u32 s26, v7;
	vm1 =	vgt.s32 v62, v36;
	v13 =	vld [tilespmem:s24+$0x0]  }
0x3de: {  	vm3 =	vgt.s32 v14, v36;
	vm0 =	vgt.s32 v12, v36;
	vm2 =	veq.f32 v8, v35  }
0x3df: {  	v38 =	vld [tilespmem:s24+$0x10];
	vm14 =	vlt.f32 v8, v35;
	v8 =	vmax.f32 v61, v8;
	vm1 =	vmand vm1, vm2  }
0x3e0: {  	vm15 =	veq.f32 v60, v35;
	vm2 =	vgt.s32 v63, v36;
	vm1 =	vmor vm14, vm1  }
0x3e1: {  	vm2 =	vmand vm2, vm15;
	v8 =	vsel vm1, v8, v61;
	vm1 =	vlt.f32 v60, v35  }
0x3e2: {  	vm1 =	vmor vm1, vm2;
	v9 =	vmax.f32 v8, v60;
	vm2 =	veq.f32 v13, v35  }
0x3e3: {  	s3 =	simm.s32 $0x1660;
	v39 =	vsel vm1, v9, v8;
	vm1 =	vlt.f32 v13, v35;
	vm2 =	vmand vm3, vm2  }
0x3e4: {  	s9 =	simm.s32 $0x80;
	s4 =	simm.s32 $0x40;
	v37 =	vld [tilespmem:s3+$0xFFFFFFE0];
	vm1 =	vmor vm1, vm2;
	v40 =	vmax.f32 v39, v13;
	vm2 =	veq.f32 v38, v35  }
.LBB2_15:
0x3e5: {  	p0 =	sne.s32 s9, $0x1C0;
	v8 =	vsel vm1, v40, v39;
	vm1 =	vlt.f32 v38, v35;
	vm0 =	vmand vm0, vm2  }
0x3e6: {  	s10 =	sadd.s32 $0x30, s4;
	v9 =	vld [tilespmem:s3+$0xFFFFFFF0];
	vm0 =	vmor vm1, vm0;
	v10 =	vmax.f32 v8, v38  }
0x3e7: {  	v11 =	vor.u32 s4, v7;
	s19 =	sadd.s32 $0x10, s4;
	s21 =	sadd.s32 $0x20, s4;
	s4 =	smov.u32 s9;
	v12 =	vor.u32 s10, v7;
	v8 =	vsel vm0, v10, v8  }
0x3e8: {  	vm1 =	vgt.s32 v11, v36;
	v13 =	vor.u32 s21, v7;
	v10 =	vor.u32 s19, v7;
	v11 =	vld [tilespmem:s3+$0x0]  }
0x3e9: {  	vm3 =	vgt.s32 v13, v36;
	vm0 =	vgt.s32 v12, v36;
	vm2 =	veq.f32 v37, v35  }
0x3ea: {  	vm4 =	vlt.f32 v37, v35;
	vm1 =	vmand vm1, vm2;
	vm2 =	vgt.s32 v10, v36;
	v38 =	vld [tilespmem:s3+$0x10]  }
.Ltmp6:
0x3eb: {  	v10 =	vmax.f32 v8, v37;
	vm1 =	vmor vm4, vm1;
	vm4 =	veq.f32 v9, v35;
	(pc) =	sbr.rel @p0 .LBB2_15-.Ltmp6, $4  }
0x3ec: {  	v8 =	vsel vm1, v10, v8;
	vm1 =	vlt.f32 v9, v35;
	vm2 =	vmand vm2, vm4  }
0x3ed: {  	vm1 =	vmor vm1, vm2;
	v9 =	vmax.f32 v8, v9;
	vm2 =	veq.f32 v11, v35  }
0x3ee: {  	s3 =	sadd.s32 $0x40, s3;
	v39 =	vsel vm1, v9, v8;
	vm1 =	vlt.f32 v11, v35;
	vm2 =	vmand vm3, vm2  }
0x3ef: {  	s9 =	sadd.s32 $0x40, s9;
	v37 =	vld [tilespmem:s3+$0xFFFFFFE0];
	vm1 =	vmor vm1, vm2;
	v40 =	vmax.f32 v39, v11;
	vm2 =	veq.f32 v38, v35  }
0x3f0: {  	vm10 =	vlt.f32 v38, v35;
	vm0 =	vmand vm0, vm2  }
0x3f1: {  	v8 =	vsel vm1, v40, v39;
	v9 =	vld [tilespmem:s3+$0xFFFFFFF0];
	s9 =	sadd.s32 $0x30, s4;
	v11 =	vor.u32 s4, v7;
	vm0 =	vmor vm10, vm0  }
0x3f2: {  	s10 =	sadd.s32 $0x10, s4;
	s22 =	sadd.s32 $0x20, s4;
	v10 =	vmax.f32 v8, v38;
	v12 =	vor.u32 s9, v7;
	vm11 =	vgt.s32 v11, v36  }
0x3f3: {  	v56 =	vld [tilespmem:s3+$0x0];
	v55 =	vor.u32 s10, v7;
	v13 =	vor.u32 s22, v7;
	v8 =	vsel vm0, v10, v8  }
0x3f4: {  	vm13 =	vgt.s32 v13, v36;
	vm3 =	vgt.s32 v12, v36;
	vm12 =	veq.f32 v37, v35  }
0x3f5: {  	v57 =	vld [tilespmem:s3+$0x10];
	vm14 =	vgt.s32 v55, v36;
	vm4 =	vlt.f32 v37, v35;
	vm0 =	vmand vm11, vm12  }
0x3f6: {  	v12 =	vmax.f32 v8, v37;
	vm15 =	veq.f32 v9, v35;
	vm0 =	vmor vm4, vm0  }
0x3f7: {  	vm8 =	vlt.f32 v9, v35;
	vm1 =	vmand vm14, vm15;
	v8 =	vsel vm0, v12, v8  }
0x3f8: {  	vm9 =	veq.f32 v56, v35;
	vm0 =	vmor vm8, vm1;
	v9 =	vmax.f32 v8, v9  }
0x3f9: {  	vm10 =	vlt.f32 v56, v35;
	vm1 =	vmand vm13, vm9;
	v8 =	vsel vm0, v9, v8  }
0x3fa: {  	vm11 =	veq.f32 v57, v35;
	vm0 =	vmor vm10, vm1;
	v9 =	vmax.f32 v8, v56  }
0x3fb: {  	vm12 =	vlt.f32 v57, v35;
	vm1 =	vmand vm3, vm11;
	v8 =	vsel vm0, v9, v8  }
0x3fc: {  	vm0 =	vmor vm12, vm1;
	v9 =	vmax.f32 v8, v57  }
0x3fd: {  	v8 =	vsel vm0, v9, v8  }
0x3fe: {  	v9 =	vperm.xlane v8, v0;
	_ =	sdelay $0x1  }
0x3ff: {  	v8 =	vmax.f32 v8, v9  }
0x400: {  	v9 =	vperm.xlane v8, v1;
	_ =	sdelay $0x1  }
0x401: {  	v8 =	vmax.f32 v8, v9  }
0x402: {  	v9 =	vperm.xlane v8, v2;
	_ =	sdelay $0x1  }
0x403: {  	s24 =	simm.s32 $0x1620;
	v8 =	vmax.f32 v8, v9  }
0x404: {  	v58 =	vld [tilespmem:s24+$0x10];
	v9 =	vperm.xlane v8, v6  }
0x405: {  	v59 =	vld [tilespmem:s24+$0x0]  }
0x406: {  	v13 =	vld [tilespmem:s24+$0xFFFFFFF0];
	v8 =	vmax.f32 v8, v9  }
0x407: {  	s28 =	simm.s32 $0x30;
	s29 =	simm.s32 $0x10;
	v37 =	vbroadcast v8, $0x0;
	v8 =	vld [tilespmem:s24+$0xFFFFFFE0]  }
0x408: {  	s26 =	simm.s32 $0x20;
	v60 =	vimm.s32 $0x1000000;
	v43 =	vor.u32 s28, v7;
	v61 =	vor.u32 s29, v7  }
0x409: {  	s25 =	simm.s32 $0x0;
	v14 =	vor.u32 s26, v7;
	vm14 =	vgt.s32 v61, v36;
	vm4 =	vgt.s32 v43, v36  }
0x40a: {  	vm6 =	vlt.f32 v58, v35;
	v12 =	vor.u32 s25, v7;
	vm8 =	vlt.f32 v59, v35  }
0x40b: {  	vm9 =	veq.f32 v58, v35;
	vm13 =	vgt.s32 v12, v36;
	vm11 =	veq.f32 v13, v35  }
0x40c: {  	vm3 =	vgt.s32 v14, v36;
	vm2 =	vmand vm14, vm11;
	vm7 =	veq.f32 v8, v35  }
0x40d: {  	vm14 =	veq.f32 v59, v35;
	vm10 =	vlt.f32 v8, v35;
	vm1 =	vmand vm13, vm7  }
0x40e: {  	vm12 =	vlt.f32 v13, v35;
	vm15 =	veq.f32 v8, v37;
	vm1 =	vmor vm10, vm1  }
0x40f: {  	vm5 =	veq.f32 v59, v37;
	vm0 =	veq.f32 v58, v37;
	vm1 =	vmand vm15, vm1  }
0x410: {  	vm7 =	veq.f32 v13, v37;
	vm13 =	vmor vm12, vm2;
	v8 =	vnsel vm1, $0x1000000, v12  }
0x411: {  	vm2 =	vmand vm3, vm14;
	vm1 =	vmand vm7, vm13;
	vm15 =	vlt.s32 v60, v8  }
0x412: {  	vm12 =	vmor vm8, vm2;
	v62 =	vnsel vm1, $0x1000000, v61;
	v8 =	vsel vm15, v60, v8  }
0x413: {  	s3 =	simm.s32 $0x1660;
	vm14 =	vmand vm4, vm9;
	vm1 =	vmand vm5, vm12;
	vm13 =	vlt.s32 v8, v62  }
0x414: {  	v40 =	vld [tilespmem:s3+$0x10];
	v63 =	vnsel vm1, $0x1000000, v14;
	vm15 =	vmor vm6, vm14;
	v8 =	vsel vm13, v8, v62  }
0x415: {  	s4 =	simm.s32 $0x40;
	v38 =	vld [tilespmem:s3+$0x0];
	vm0 =	vmand vm0, vm15;
	vm2 =	vlt.s32 v8, v63  }
0x416: {  	s19 =	simm.s32 $0x70;
	v41 =	vld [tilespmem:s3+$0xFFFFFFE0];
	v39 =	vor.u32 s4, v7;
	s10 =	simm.s32 $0x60;
	s9 =	simm.s32 $0x80;
	v43 =	vnsel vm0, $0x1000000, v43;
	v42 =	vsel vm2, v8, v63  }
.LBB2_17:
0x417: {  	p0 =	sne.s32 s9, $0x1C0;
	s21 =	sadd.s32 $0x10, s4;
	v8 =	vld [tilespmem:s3+$0xFFFFFFF0];
	v9 =	vor.u32 s10, v7;
	v10 =	vor.u32 s19, v7;
	vm0 =	vlt.s32 v42, v43;
	s4 =	smov.u32 s9  }
0x418: {  	vm4 =	vgt.s32 v39, v36;
	v11 =	vor.u32 s21, v7;
	v12 =	vsel vm0, v42, v43  }
0x419: {  	vm6 =	vgt.s32 v9, v36;
	vm2 =	vgt.s32 v10, v36;
	vm5 =	vgt.s32 v11, v36  }
0x41a: {  	vm1 =	vlt.f32 v40, v35;
	vm0 =	veq.f32 v40, v37;
	vm3 =	veq.f32 v38, v37  }
0x41b: {  	vm9 =	veq.f32 v40, v35;
	vm8 =	vlt.f32 v38, v35;
	vm7 =	veq.f32 v41, v35  }
0x41c: {  	vm10 =	vlt.f32 v41, v35;
	vm4 =	vmand vm4, vm7;
	vm7 =	veq.f32 v8, v37  }
0x41d: {  	vm11 =	veq.f32 v8, v35;
	vm4 =	vmor vm10, vm4;
	vm10 =	veq.f32 v41, v37  }
0x41e: {  	vm5 =	vmand vm5, vm11;
	vm4 =	vmand vm10, vm4;
	vm10 =	vlt.f32 v8, v35  }
0x41f: {  	v8 =	vnsel vm4, $0x1000000, v39;
	vm4 =	vmor vm10, vm5;
	vm5 =	veq.f32 v38, v35  }
0x420: {  	vm10 =	vlt.s32 v12, v8;
	vm4 =	vmand vm7, vm4;
	vm5 =	vmand vm6, vm5  }
.Ltmp7:
0x421: {  	v8 =	vsel vm10, v12, v8;
	v11 =	vnsel vm4, $0x1000000, v11;
	vm4 =	vmor vm8, vm5;
	(pc) =	sbr.rel @p0 .LBB2_17-.Ltmp7, $4  }
0x422: {  	s3 =	sadd.s32 $0x40, s3;
	vm2 =	vmand vm2, vm9;
	vm5 =	vlt.s32 v8, v11;
	vm3 =	vmand vm3, vm4  }
0x423: {  	vm1 =	vmor vm1, vm2;
	v40 =	vld [tilespmem:s3+$0x10];
	v8 =	vsel vm5, v8, v11;
	v9 =	vnsel vm3, $0x1000000, v9  }
0x424: {  	vm0 =	vmand vm0, vm1;
	v38 =	vld [tilespmem:s3+$0x0];
	vm2 =	vlt.s32 v8, v9  }
0x425: {  	s9 =	sadd.s32 $0x40, s9;
	s10 =	sadd.s32 $0x20, s4;
	s19 =	sadd.s32 $0x30, s4;
	v43 =	vnsel vm0, $0x1000000, v10;
	v39 =	vor.u32 s4, v7;
	v41 =	vld [tilespmem:s3+$0xFFFFFFE0];
	v42 =	vsel vm2, v8, v9  }
0x426: {  	s4 =	sadd.s32 $0x10, s4;
	v9 =	vor.u32 s10, v7;
	v10 =	vor.u32 s19, v7;
	vm0 =	vlt.s32 v42, v43  }
0x427: {  	v8 =	vld [tilespmem:s3+$0xFFFFFFF0];
	vm1 =	vgt.s32 v39, v36;
	v11 =	vor.u32 s4, v7;
	v12 =	vsel vm0, v42, v43  }
0x428: {  	vm2 =	vgt.s32 v9, v36;
	vm3 =	vgt.s32 v10, v36;
	vm15 =	vgt.s32 v11, v36  }
0x429: {  	vm5 =	vlt.f32 v40, v35;
	vm6 =	veq.f32 v40, v37;
	vm9 =	veq.f32 v40, v35  }
0x42a: {  	vm4 =	veq.f32 v38, v37;
	vm8 =	vlt.f32 v38, v35;
	vm7 =	veq.f32 v41, v35  }
0x42b: {  	vm14 =	veq.f32 v38, v35;
	vm10 =	vlt.f32 v41, v35;
	vm1 =	vmand vm1, vm7  }
0x42c: {  	vm12 =	veq.f32 v41, v37;
	vm11 =	veq.f32 v8, v35;
	vm1 =	vmor vm10, vm1  }
0x42d: {  	vm13 =	vlt.f32 v8, v35;
	vm0 =	vmand vm15, vm11;
	vm1 =	vmand vm12, vm1  }
0x42e: {  	vm7 =	veq.f32 v8, v37;
	vm0 =	vmor vm13, vm0;
	v8 =	vnsel vm1, $0x1000000, v39  }
0x42f: {  	vm0 =	vmand vm7, vm0;
	vm1 =	vmand vm2, vm14;
	vm15 =	vlt.s32 v12, v8  }
0x430: {  	v11 =	vnsel vm0, $0x1000000, v11;
	vm8 =	vmor vm8, vm1;
	v8 =	vsel vm15, v12, v8  }
0x431: {  	vm11 =	vmand vm3, vm9;
	vm0 =	vmand vm4, vm8;
	vm10 =	vlt.s32 v8, v11  }
0x432: {  	vm12 =	vmor vm5, vm11;
	v9 =	vnsel vm0, $0x1000000, v9;
	v8 =	vsel vm10, v8, v11  }
0x433: {  	vm0 =	vmand vm6, vm12;
	vm1 =	vlt.s32 v8, v9  }
0x434: {  	v8 =	vsel vm1, v8, v9;
	v9 =	vnsel vm0, $0x1000000, v10  }
0x435: {  	vm0 =	vlt.s32 v8, v9  }
0x436: {  	v8 =	vsel vm0, v8, v9  }
0x437: {  	v9 =	vperm.xlane v8, v0;
	_ =	sdelay $0x1  }
0x438: {  	vm0 =	vlt.s32 v8, v9  }
0x439: {  	v8 =	vsel vm0, v8, v9  }
0x43a: {  	v9 =	vperm.xlane v8, v1;
	_ =	sdelay $0x1  }
0x43b: {  	vm0 =	vlt.s32 v8, v9  }
0x43c: {  	v8 =	vsel vm0, v8, v9  }
0x43d: {  	v9 =	vperm.xlane v8, v2;
	_ =	sdelay $0x1  }
0x43e: {  	vm0 =	vlt.s32 v8, v9  }
0x43f: {  	v8 =	vsel vm0, v8, v9  }
0x440: {  	v9 =	vperm.xlane v8, v6;
	_ =	sdelay $0x1  }
0x441: {  	vm0 =	vlt.s32 v8, v9  }
0x442: {  	v8 =	vsel vm0, v8, v9  }
0x443: {  	(v2sf) =	vpush v8, $0x0;
	_ =	sdelay $0x6  }
0x444: {  	s9 =	sshrl.u32 s18, $0x13  }
0x445: {  	s10 =	sadd.s32 $0xFFFFFFF0, s11;
	s3 =	sadd.s32 s9, s17;
	v8 =	vmov s11  }
0x446: {  	s9 =	scvt.s32.f32 s20;
	s3 =	sshra.s32 s3, $0xD;
	vm13 =	veq.s32 v8, v7;
	v8 =	vmov s10  }
0x447: {  	s19 =	sshrl.u32 s15, $0x1C;
	v14 =	vld [tilespmem:$0x1FF90];
	s3 =	sshll.u32 s3, $0x4;
	vm14 =	veq.s32 v8, v7  }
0x448: {  	v29 =	vsel vm13, s9, v29;
	v8 =	vld [tilespmem:s3+$0x600];
	v28 =	vsel vm14, s9, v28;
	s9 =	sadd.s32 s19, s15  }
0x449: {  	v9 =	vld [tilespmem:s3+$0xE00];
	s22 =	sand.u32 $0xFFFFFFF0, s9  }
0x44a: {  	s21 =	scvt.s32.f32 s1;
	v13 =	vld [tilespmem:$0x1FFA0];
	s1 =	ssub.s32 s15, s22  }
0x44b: {  	s18 =	scvt.s32.f32 s12;
	v11 =	vld [tilespmem:$0x1FFC0];
	v10 =	vmov s1  }
0x44c: {  	s0 =	scvt.s32.f32 s0;
	v12 =	vld [tilespmem:$0x1FFB0];
	vm15 =	veq.s32 v10, v7;
	s25 =	spop (v2sf)  }
0x44d: {  	s20 =	scvt.s32.f32 s13;
	v31 =	vsel vm13, v32, v31;
	v27 =	vsel vm13, s18, v27;
	v10 =	vld [tilespmem:$0x1FFD0];
	v8 =	vsel vm15, v37, v8;
	s26 =	sadd.s32 s16, s25  }
0x44e: {  	s24 =	scvt.s32.f32 s14;
	s28 =	scvt.s32.f32 s2;
	s11 =	sadd.s32 $0x1, s11;
	v25 =	vsel vm13, v33, v25;
	v23 =	vsel vm13, s0, v23;
	[tilespmem:s3+$0x600] =	vst v8;
	v8 =	vld [tilespmem:$0x1FFF0];
	v9 =	vsel vm15, s26, v9  }
0x44f: {  	p0 =	sne.s32 s11, $0x14;
	v21 =	vsel vm13, s20, v21;
	v19 =	vsel vm13, v34, v19;
	v17 =	vsel vm13, s21, v17;
	[tilespmem:s3+$0xE00] =	vst v9;
	v9 =	vld [tilespmem:$0x1FFE0]  }
.Ltmp8:
0x450: {  	v15 =	vsel vm13, s24, v15;
	v13 =	vsel vm13, v35, v13;
	v11 =	vsel vm13, s28, v11;
	(pc) =	sbr.rel @p0 .LBB2_2-.Ltmp8, $4  }
0x451: {  	v30 =	vsel vm14, v32, v30;
	v26 =	vsel vm14, s18, v26;
	v24 =	vsel vm14, v33, v24  }
0x452: {  	s29 =	scvt.s32.f32 s15;
	v22 =	vsel vm14, s0, v22;
	v20 =	vsel vm14, s20, v20;
	v18 =	vsel vm14, v34, v18  }
0x453: {  	v16 =	vsel vm14, s21, v16;
	v14 =	vsel vm14, s24, v14;
	v12 =	vsel vm14, v35, v12  }
0x454: {  	v10 =	vsel vm14, s28, v10;
	v8 =	vsel vm14, s29, v8;
	v9 =	vsel vm13, s29, v9  }
0x455: {  	[tilespmem:$0x1800] =	vst v31;
	s19 =	simm.s32 $0x0  }
0x456: {  	[tilespmem:$0x1810] =	vst v30;
	s0 =	rddreg [dreg:$0xb];
	s2 =	simm.s32 $0x1800;
	s1 =	simm.s32 $0x5  }
0x457: {  	[hbm4b:s0+s19] =	stream.linear.scatter [tilespmem:s2], [sflag:$0x5], $0x80, $0x38;
	[tilespmem:$0x1880] =	vst v63  }
0x458: {  	_ =	swait.ge [sflag:s1], $0x80  }
0x459: {  	[sflag:s1] =	ssyncset.done $0x0  }
0x45a: {  	[sflag:s1] =	ssyncadd.s32 $0xFFFFFF80  }
0x45b: {  	[tilespmem:$0x1800] =	vst v29  }
0x45c: {  	s14 =	rddreg [dreg:$0xc];
	[tilespmem:$0x1810] =	vst v28  }
0x45d: {  	[hbm4b:s14+s19] =	stream.linear.scatter [tilespmem:s2], [sflag:$0x5], $0x80, $0x38;
	[tilespmem:$0x1880] =	vst v63  }
0x45e: {  	_ =	swait.ge [sflag:s1], $0x80  }
0x45f: {  	[sflag:s1] =	ssyncset.done $0x0  }
0x460: {  	[sflag:s1] =	ssyncadd.s32 $0xFFFFFF80  }
0x461: {  	[tilespmem:$0x1800] =	vst v27  }
0x462: {  	s15 =	rddreg [dreg:$0xd];
	[tilespmem:$0x1810] =	vst v26  }
0x463: {  	[hbm4b:s15+s19] =	stream.linear.scatter [tilespmem:s2], [sflag:$0x5], $0x80, $0x38;
	[tilespmem:$0x1880] =	vst v63  }
0x464: {  	_ =	swait.ge [sflag:s1], $0x80  }
0x465: {  	[sflag:s1] =	ssyncset.done $0x0  }
0x466: {  	[sflag:s1] =	ssyncadd.s32 $0xFFFFFF80  }
0x467: {  	[tilespmem:$0x1800] =	vst v25  }
0x468: {  	s16 =	rddreg [dreg:$0xe];
	[tilespmem:$0x1810] =	vst v24  }
0x469: {  	[hbm4b:s16+s19] =	stream.linear.scatter [tilespmem:s2], [sflag:$0x5], $0x80, $0x38;
	[tilespmem:$0x1880] =	vst v63  }
0x46a: {  	_ =	swait.ge [sflag:s1], $0x80  }
0x46b: {  	[sflag:s1] =	ssyncset.done $0x0  }
0x46c: {  	[sflag:s1] =	ssyncadd.s32 $0xFFFFFF80  }
0x46d: {  	[tilespmem:$0x1800] =	vst v23  }
0x46e: {  	s17 =	rddreg [dreg:$0xf];
	[tilespmem:$0x1810] =	vst v22  }
0x46f: {  	[hbm4b:s17+s19] =	stream.linear.scatter [tilespmem:s2], [sflag:$0x5], $0x80, $0x38;
	[tilespmem:$0x1880] =	vst v63  }
0x470: {  	_ =	swait.ge [sflag:s1], $0x80  }
0x471: {  	[sflag:s1] =	ssyncset.done $0x0  }
0x472: {  	[sflag:s1] =	ssyncadd.s32 $0xFFFFFF80  }
0x473: {  	[tilespmem:$0x1800] =	vst v21  }
0x474: {  	s18 =	rddreg [dreg:$0x10];
	[tilespmem:$0x1810] =	vst v20  }
0x475: {  	[hbm4b:s18+s19] =	stream.linear.scatter [tilespmem:s2], [sflag:$0x5], $0x80, $0x38;
	[tilespmem:$0x1880] =	vst v63  }
0x476: {  	_ =	swait.ge [sflag:s1], $0x80  }
0x477: {  	[sflag:s1] =	ssyncset.done $0x0  }
0x478: {  	[sflag:s1] =	ssyncadd.s32 $0xFFFFFF80  }
0x479: {  	[tilespmem:$0x1800] =	vst v19  }
0x47a: {  	s20 =	rddreg [dreg:$0x11];
	[tilespmem:$0x1810] =	vst v18  }
0x47b: {  	[hbm4b:s20+s19] =	stream.linear.scatter [tilespmem:s2], [sflag:$0x5], $0x80, $0x38;
	[tilespmem:$0x1880] =	vst v63  }
0x47c: {  	_ =	swait.ge [sflag:s1], $0x80  }
0x47d: {  	[sflag:s1] =	ssyncset.done $0x0  }
0x47e: {  	[sflag:s1] =	ssyncadd.s32 $0xFFFFFF80  }
0x47f: {  	[tilespmem:$0x1800] =	vst v17  }
0x480: {  	s21 =	rddreg [dreg:$0x12];
	[tilespmem:$0x1810] =	vst v16  }
0x481: {  	[hbm4b:s21+s19] =	stream.linear.scatter [tilespmem:s2], [sflag:$0x5], $0x80, $0x38;
	[tilespmem:$0x1880] =	vst v63  }
0x482: {  	_ =	swait.ge [sflag:s1], $0x80  }
0x483: {  	[sflag:s1] =	ssyncset.done $0x0  }
0x484: {  	[sflag:s1] =	ssyncadd.s32 $0xFFFFFF80  }
0x485: {  	[tilespmem:$0x1800] =	vst v15  }
0x486: {  	s22 =	rddreg [dreg:$0x13];
	[tilespmem:$0x1810] =	vst v14  }
0x487: {  	[hbm4b:s22+s19] =	stream.linear.scatter [tilespmem:s2], [sflag:$0x5], $0x80, $0x38;
	[tilespmem:$0x1880] =	vst v63  }
0x488: {  	_ =	swait.ge [sflag:s1], $0x80  }
0x489: {  	[sflag:s1] =	ssyncset.done $0x0  }
0x48a: {  	[sflag:s1] =	ssyncadd.s32 $0xFFFFFF80  }
0x48b: {  	[tilespmem:$0x1800] =	vst v13  }
0x48c: {  	s24 =	rddreg [dreg:$0x14];
	[tilespmem:$0x1810] =	vst v12  }
0x48d: {  	[hbm4b:s24+s19] =	stream.linear.scatter [tilespmem:s2], [sflag:$0x5], $0x80, $0x38;
	[tilespmem:$0x1880] =	vst v63  }
0x48e: {  	_ =	swait.ge [sflag:s1], $0x80  }
0x48f: {  	[sflag:s1] =	ssyncset.done $0x0  }
0x490: {  	[sflag:s1] =	ssyncadd.s32 $0xFFFFFF80  }
0x491: {  	[tilespmem:$0x1800] =	vst v11  }
0x492: {  	s25 =	rddreg [dreg:$0x15];
	[tilespmem:$0x1810] =	vst v10  }
0x493: {  	[hbm4b:s25+s19] =	stream.linear.scatter [tilespmem:s2], [sflag:$0x5], $0x80, $0x38;
	[tilespmem:$0x1880] =	vst v63  }
0x494: {  	_ =	swait.ge [sflag:s1], $0x80  }
0x495: {  	[sflag:s1] =	ssyncset.done $0x0  }
0x496: {  	[sflag:s1] =	ssyncadd.s32 $0xFFFFFF80  }
0x497: {  	[tilespmem:$0x1800] =	vst v9  }
0x498: {  	s26 =	rddreg [dreg:$0x16];
	[tilespmem:$0x1810] =	vst v8  }
0x499: {  	[hbm4b:s26+s19] =	stream.linear.scatter [tilespmem:s2], [sflag:$0x5], $0x80, $0x38;
	[tilespmem:$0x1880] =	vst v63  }
0x49a: {  	_ =	swait.ge [sflag:s1], $0x80  }
0x49b: {  	s28 =	rddreg [dreg:$0x1c]  }
0x49c: {  	s29 =	rddreg [dreg:$0x1b];
	s2 =	sadd.s32 $0x1, s28  }
0x49d: {  	p0 =	sne.s32 s2, s29  }
.Ltmp9:
0x49e: {  	_ = 	snop;
	(pc) =	sbr.rel @p0 .LBB2_1-.Ltmp9, $3  }
0x49f: {  	_ =	sdelay $0x1  }
0x4a0: {  	[sflag:s1] =	ssyncset.done $0x0  }
0x4a1: {  	[sflag:s1] =	ssyncadd.s32 $0xFFFFFF80  }
0x4a2: {  	_ =	sfence.sel $0x180000  }
0x4a3: {  	[bflag:$0x0] =	sbarrier.arrive $0xFFFF  }
0x4a4: {  	_ =	strace $0x90000047  }
0x4a5: {  	s0 =	stileid.u32;
	[bflag:$0x2] =	sbarrier.arrive $0xFFFF  }
0x4a6: {  	p0 =	sne.s32 s0, $0x0;
	s0 =	rddreg [dreg:$0x2]  }
0x4a7: {  	s0 =	sadd.s32 @!p0 $0x100000, s0  }
0x4a8: {  	[sflag:s0] =	ssyncadd.tile.s32 @!p0 $0x1;
	_ =	shalt  }
.Lfunc_end2:
_tile_overlayer_lowered:
.L_overlay_start_2:
0x4a9: {  	(tag) =	ssettag $0x2  }
0x4aa: {  	s0 =	rddreg [dreg:$0x0];
	s2 =	stileid.u32  }
0x4ab: {  	s1 =	rddreg [dreg:$0x1];
	p0 =	sne.s32 s2, $0x0  }
0x4ac: {  	s3 =	rddreg [dreg:$0x2];
	[bflag:$0x3] =	sbarrier.arrive $0xFFFF;
	s2 =	simm.s32 @!p0 $0x1C05  }
0x4ad: {  	[timem:s3], [sflag:s2] =	dma.local @!p0 [hbm:s0], s1  }
0x4ae: {  	s0 =	simm.s32 @!p0 $0x5  }
0x4af: {  	_ =	swait.ge @!p0 [sflag:s0], s1  }
0x4b0: {  	s1 =	ssub.s32 @!p0 $0x0, s1;
	[sflag:s0] =	ssyncset.done @!p0 $0x0  }
0x4b1: {  	[sflag:s0] =	ssyncadd.s32 @!p0 s1  }
0x4b2: {  	[bflag:$0x3] =	sbarrier.arrive $0xFFFF  }
0x4b3: {  	_ =	shalt  }

</sc_bundles>
